<compile_context>
chip_gen: v7x
topology: tpu7x:2x2x1
jax: 0.10.2.dev20260603
libtpu: 0.0.44.dev20260713+nightly
codegen_flags: <defaults>
</compile_context>

<pallas_src>
import functools
import math

import jax
import jax.numpy as jnp
from jax import lax
from jax.experimental import pallas as pl
from jax.experimental.pallas import tpu as pltpu
from jax.experimental.pallas import tpu_sc as plsc

B = 8
KTHETA = 24
KR = 4
IN = 128
ATT = 512
EPS = 1e-6
FOV = math.pi / 2.0
RS = 10.0
NSEG = B * KR * KTHETA
N = 320000

N_PAD = 327680
R_PAD = N_PAD // 128
PT_BLK = 4096
ROW_BLK = PT_BLK // 128
GRID1 = N_PAD // PT_BLK

NSPLIT = 2
PTS_SPLIT = N_PAD // NSPLIT
RS_SPLIT = PTS_SPLIT // 128
BLKS_SPLIT = PTS_SPLIT // PT_BLK

NW = 32
PTS_PER_W = PTS_SPLIT // NW
CHUNK = 1024
SUB = 128
NSUB = CHUNK // SUB
NCHUNK = PTS_PER_W // CHUNK


def _bin_count(v, edges_ref, n_edges):
    cnt = jnp.zeros(v.shape, jnp.int32)
    for k in range(n_edges):
        cnt = cnt + (edges_ref[k, 0] < v).astype(jnp.int32)
    return cnt


def _k1_body(ofs_blk, pc_ref, eth_ref, feat_ref, x_ref, y_ref, b_ref,
             p_ref, flat_ref, g_ref):
    pid = pl.program_id(0) + ofs_blk
    pc = pc_ref[0, 0]
    f = feat_ref[...]
    frow = pid * PT_BLK + lax.broadcasted_iota(jnp.int32, (PT_BLK, 1), 0)
    p = jnp.exp(jnp.log(jnp.abs(f) + EPS) * pc)
    p_ref[...] = jnp.where(frow < N, p, 0.0)

    x = x_ref[...]
    y = y_ref[...]
    theta = jnp.clip(jnp.arctan2(y, x), -FOV, FOV)
    sec = jnp.clip(_bin_count(theta, eth_ref, KTHETA + 1) - 1, 0, KTHETA - 1)
    r = jnp.maximum(jnp.sqrt(x * x + y * y), EPS)
    rc = ((r > 2.5).astype(jnp.int32) + (r > 5.0).astype(jnp.int32)
          + (r > 7.5).astype(jnp.int32) + (r > 10.0).astype(jnp.int32))
    ring = jnp.minimum(rc, KR - 1)
    grow = pid * ROW_BLK + lax.broadcasted_iota(jnp.int32, (ROW_BLK, 128), 0)
    valid = grow < (N // 128)
    flat = b_ref[...] * (KR * KTHETA) + ring * KTHETA + sec
    flat_ref[...] = jnp.where(valid, flat, 0)
    g_ref[0, :, :] = jnp.where(valid, x, 0.0)
    g_ref[1, :, :] = jnp.where(valid, y, 0.0)
    g_ref[2, :, :] = jnp.where(valid, r, 0.0)
    g_ref[3, :, :] = jnp.where(valid, 1.0, 0.0)


def _stage1(feat, x, y, batch, pc, eth, split):
    ofs_blk = split * BLKS_SPLIT
    ofs_row = split * (RS_SPLIT // ROW_BLK)
    return pl.pallas_call(
        functools.partial(_k1_body, ofs_blk),
        grid=(BLKS_SPLIT,),
        in_specs=[
            pl.BlockSpec(memory_space=pltpu.SMEM),
            pl.BlockSpec(memory_space=pltpu.SMEM),
            pl.BlockSpec((PT_BLK, 128),
                         lambda i: (jnp.minimum(i + ofs_blk, N // PT_BLK), 0)),
            pl.BlockSpec((ROW_BLK, 128),
                         lambda i: (jnp.minimum(i + ofs_row, N // 128 // ROW_BLK), 0)),
            pl.BlockSpec((ROW_BLK, 128),
                         lambda i: (jnp.minimum(i + ofs_row, N // 128 // ROW_BLK), 0)),
            pl.BlockSpec((ROW_BLK, 128),
                         lambda i: (jnp.minimum(i + ofs_row, N // 128 // ROW_BLK), 0)),
        ],
        out_specs=[
            pl.BlockSpec((PT_BLK, 128), lambda i: (i, 0)),
            pl.BlockSpec((ROW_BLK, 128), lambda i: (i, 0)),
            pl.BlockSpec((4, ROW_BLK, 128), lambda i: (0, i, 0)),
        ],
        out_shape=[
            jax.ShapeDtypeStruct((PTS_SPLIT, 128), jnp.float32),
            jax.ShapeDtypeStruct((RS_SPLIT, 128), jnp.int32),
            jax.ShapeDtypeStruct((4, RS_SPLIT, 128), jnp.float32),
        ],
    )(pc, eth, feat, x, y, batch)


NBUF = 4


def _sc_body(p_hbm, flat_hbm, g_hbm, zp_hbm, zg_hbm,
             accp_out, accg_out,
             idx_v, g_v, pbuf,
             accp_s, gx_s, gy_s, gr_s, gn_s,
             sem_gs, *sems):
    sem_pg = sems[:NBUF]
    sem_ps = sems[NBUF:]
    c = lax.axis_index("c")
    s = lax.axis_index("s")
    wid = s * 2 + c

    @pl.when(s == 0)
    def _():
        pltpu.sync_copy(zp_hbm, accp_s)
        pltpu.sync_copy(zg_hbm, gx_s)
        pltpu.sync_copy(zg_hbm, gy_s)
        pltpu.sync_copy(zg_hbm, gr_s)
        pltpu.sync_copy(zg_hbm, gn_s)

    plsc.subcore_barrier()

    base = wid * PTS_PER_W
    frow = wid * (PTS_PER_W // SUB)

    def chunk_body(ci, carry):
        cb = base + ci * CHUNK
        pltpu.sync_copy(flat_hbm.at[pl.ds(frow + ci * NSUB, NSUB)], idx_v)
        pltpu.sync_copy(g_hbm.at[:, pl.ds(frow + ci * NSUB, NSUB)], g_v)
        for jj in range(NSUB):
            idx = idx_v.at[jj]
            pltpu.async_copy(g_v.at[0, jj], gx_s.at[idx], sem_gs, add=True)
            pltpu.async_copy(g_v.at[1, jj], gy_s.at[idx], sem_gs, add=True)
            pltpu.async_copy(g_v.at[2, jj], gr_s.at[idx], sem_gs, add=True)
            pltpu.async_copy(g_v.at[3, jj], gn_s.at[idx], sem_gs, add=True)
        LAG = NBUF - 1
        gd = {}
        sd = {}
        for t in range(NSUB + LAG):
            if t < NSUB:
                b = t % NBUF
                if t >= NBUF:
                    sd[t - NBUF].wait()
                gd[t] = pltpu.async_copy(
                    p_hbm.at[pl.ds(cb + t * SUB, SUB)], pbuf.at[b], sem_pg[b])
            if t >= LAG:
                u = t - LAG
                gd[u].wait()
                sd[u] = pltpu.async_copy(pbuf.at[u % NBUF],
                                         accp_s.at[idx_v.at[u]],
                                         sem_ps[u % NBUF], add=True)
        for u in range(NSUB - NBUF, NSUB):
            sd[u].wait()
        pltpu.make_async_copy(g_hbm.at[:, pl.ds(0, NSUB)], g_v, sem_gs).wait()
        return carry

    lax.fori_loop(0, NCHUNK, chunk_body, 0)

    plsc.subcore_barrier()

    rows = pl.multiple_of(s * 48, 8)
    pltpu.sync_copy(accp_s.at[pl.ds(rows, 48)],
                    accp_out.at[c, pl.ds(rows, 48)])

    @pl.when(s == 0)
    def _():
        pltpu.sync_copy(gx_s, accg_out.at[c, 0])
        pltpu.sync_copy(gy_s, accg_out.at[c, 1])
        pltpu.sync_copy(gr_s, accg_out.at[c, 2])
        pltpu.sync_copy(gn_s, accg_out.at[c, 3])


def _stage2(p, flat2, g2, zp, zg):
    mesh = plsc.VectorSubcoreMesh(core_axis_name="c", subcore_axis_name="s")
    run = functools.partial(
        pl.kernel,
        out_type=[
            jax.ShapeDtypeStruct((2, NSEG, 128), jnp.float32),
            jax.ShapeDtypeStruct((2, 4, NSEG), jnp.float32),
        ],
        mesh=mesh,
        scratch_types=[
            pltpu.VMEM((NSUB, SUB), jnp.int32),
            pltpu.VMEM((4, NSUB, SUB), jnp.float32),
            pltpu.VMEM((NBUF, SUB, 128), jnp.float32),
            pltpu.VMEM_SHARED((NSEG, 128), jnp.float32),
            pltpu.VMEM_SHARED((NSEG,), jnp.float32),
            pltpu.VMEM_SHARED((NSEG,), jnp.float32),
            pltpu.VMEM_SHARED((NSEG,), jnp.float32),
            pltpu.VMEM_SHARED((NSEG,), jnp.float32),
        ] + [pltpu.SemaphoreType.DMA] * (1 + 2 * NBUF),
    )(_sc_body)
    return run(p, flat2, g2, zp, zg)


def _ln(xv, gv, bv):
    m = jnp.mean(xv, axis=-1, keepdims=True)
    v = jnp.mean((xv - m) ** 2, axis=-1, keepdims=True)
    return (xv - m) / jnp.sqrt(v + 1e-5) * gv + bv


def _k3_body(ipc_ref, ap0, ap1, ag0, ag1, w1, b1r, g1, be1, angr, wang, bangr,
             ringr, wring, bringr, wxy, bxyr, gor, bor, out):
    accp = ap0[0] + ap0[1] + ap1[0] + ap1[1]
    g = ag0[0] + ag0[1] + ag1[0] + ag1[1]
    cc = jnp.maximum(g[:, 3:4], 1.0)
    pooled = jnp.maximum(accp / cc, 0.0)
    ipc = ipc_ref[0, 0]
    pooled = jnp.where(pooled > 0.0, jnp.exp(jnp.log(pooled) * ipc), 0.0)

    h = jnp.dot(pooled, w1[...], preferred_element_type=jnp.float32) + b1r[...]
    h = _ln(h, g1[...], be1[...])
    tok = h * 0.5 * (1.0 + lax.erf(h * 0.7071067811865476))

    pe = jnp.dot(angr[...], wang[...], preferred_element_type=jnp.float32)
    pe = pe + bangr[...]
    tok = tok + jnp.broadcast_to(pe[None], (32, KTHETA, ATT)).reshape(NSEG, ATT)

    rpe = jnp.dot(ringr[...], wring[...], preferred_element_type=jnp.float32)
    rpe = rpe + bringr[...]
    tok = tok + jnp.broadcast_to(rpe[None, :, None, :],
                                 (B, KR, KTHETA, ATT)).reshape(NSEG, ATT)

    inv_rs = 1.0 / RS
    mx = g[:, 0:1] / cc
    my = g[:, 1:2] / cc
    mr = g[:, 2:3] / cc
    lc = jnp.log(1.0 + cc) * 0.1
    tok = (tok + (mx * inv_rs) * wxy[0:1, :] + (my * inv_rs) * wxy[1:2, :]
           + (mr * inv_rs) * wxy[2:3, :] + lc * wxy[3:4, :] + bxyr[...])

    out[...] = _ln(tok, gor[...], bor[...])


def _stage3(ipc, ap0, ap1, ag0, ag1, w1, b1, ln1_g, ln1_b, ang, wang, bang,
            ringn, wring, bring, wxy, bxy, lnog, lnob):
    specs = [pl.BlockSpec(memory_space=pltpu.SMEM)]
    specs += [pl.BlockSpec(memory_space=pltpu.VMEM) for _ in range(18)]
    return pl.pallas_call(
        _k3_body,
        in_specs=specs,
        out_specs=pl.BlockSpec(memory_space=pltpu.VMEM),
        out_shape=jax.ShapeDtypeStruct((NSEG, ATT), jnp.float32),
    )(ipc, ap0, ap1, ag0, ag1, w1, b1, ln1_g, ln1_b, ang, wang, bang,
      ringn, wring, bring, wxy, bxy, lnog, lnob)


def kernel(feat, xyz, batch, W1, b1, ln1_g, ln1_b, p, Wang, bang,
           Wring, bring, Wxy, bxy, lnog, lnob):
    featp = feat
    xp = xyz[:, 0].reshape(N // 128, 128)
    yp = xyz[:, 1].reshape(N // 128, 128)
    bp = batch.astype(jnp.int32).reshape(N // 128, 128)

    pcv = jnp.maximum(p, 1.0)
    pc = pcv.reshape(1, 1)
    ipc = (1.0 / pcv).reshape(1, 1)
    eth = jnp.linspace(-FOV, FOV, KTHETA + 1,
                       dtype=jnp.float32).reshape(KTHETA + 1, 1)

    zp = jnp.zeros((NSEG, 128), jnp.float32)
    zg = jnp.zeros((NSEG,), jnp.float32)

    accps = []
    accgs = []
    for split in range(NSPLIT):
        pw, flat, g = _stage1(featp, xp, yp, bp, pc, eth, split)
        a_p, a_g = _stage2(pw, flat, g, zp, zg)
        accps.append(a_p)
        accgs.append(a_g.transpose(0, 2, 1))

    edges_theta = jnp.linspace(-FOV, FOV, KTHETA + 1, dtype=jnp.float32)
    centers_theta = 0.5 * (edges_theta[:-1] + edges_theta[1:])
    ang = jnp.stack([jnp.sin(centers_theta), jnp.cos(centers_theta)], axis=-1)
    edges_r = jnp.linspace(0.0, RS, KR + 1, dtype=jnp.float32)
    centers_r = 0.5 * (edges_r[:-1] + edges_r[1:])
    ringn = (centers_r / RS).reshape(KR, 1)

    tokens = _stage3(
        ipc, accps[0], accps[1], accgs[0], accgs[1],
        W1, b1.reshape(1, ATT), ln1_g.reshape(1, ATT),
        ln1_b.reshape(1, ATT), ang, Wang, bang.reshape(1, ATT), ringn,
        Wring, bring.reshape(1, ATT), Wxy, bxy.reshape(1, ATT),
        lnog.reshape(1, ATT), lnob.reshape(1, ATT))
    return tokens.reshape(B, KR * KTHETA, ATT)

# --- scband reference (transcript-rebuilt; emitter-appended) ---
"""Pipeline reference for scband-mink-net-tokenizer-79259326480815 (READ-ONLY COPY).

The authoritative reference and input builder live on the scoring server;
editing this copy changes nothing except your own understanding.
"""

import jax, jax.numpy as jnp
import numpy as np
import math

B = 8; Ktheta = 24; Kr = 4; IN = 128; ATT = 512
EPS = 1e-6; FOV = math.pi / 2.0; RS = 10.0; GAMMA = 8.0
NSEG = B * Kr * Ktheta
N = 320000


def layernorm(x, g, b, eps=1e-5):
    m = jnp.mean(x, axis=-1, keepdims=True)
    v = jnp.mean((x - m) ** 2, axis=-1, keepdims=True)
    return (x - m) / jnp.sqrt(v + eps) * g + b


def setup_inputs(seed: int = 0) -> dict:
    key = jax.random.key(seed)
    ks = jax.random.split(key, 10)
    feat = jax.random.normal(ks[0], (N, IN), jnp.float32)
    xyz = jax.random.normal(ks[1], (N, 3), jnp.float32)
    batch = jnp.sort(jax.random.randint(ks[2], (N,), 0, B))
    W1 = jax.random.normal(ks[3], (IN, ATT), jnp.float32) * 0.05
    b1 = jnp.zeros((ATT,), jnp.float32)
    ln1_g = jnp.ones((ATT,), jnp.float32)
    ln1_b = jnp.zeros((ATT,), jnp.float32)
    p = jnp.ones((1,), jnp.float32) * 3.0
    Wang = jax.random.normal(ks[4], (2, ATT), jnp.float32) * 0.05
    bang = jnp.zeros((ATT,), jnp.float32)
    Wring = jax.random.normal(ks[5], (1, ATT), jnp.float32) * 0.05
    bring = jnp.zeros((ATT,), jnp.float32)
    Wxy = jax.random.normal(ks[6], (4, ATT), jnp.float32) * 0.05
    bxy = jnp.zeros((ATT,), jnp.float32)
    lnog = jnp.ones((ATT,), jnp.float32)
    lnob = jnp.zeros((ATT,), jnp.float32)
    return {"feat": feat, "xyz": xyz, "batch": batch, "W1": W1, "b1": b1,
            "ln1_g": ln1_g, "ln1_b": ln1_b, "p": p, "Wang": Wang, "bang": bang,
            "Wring": Wring, "bring": bring, "Wxy": Wxy, "bxy": bxy,
            "lnog": lnog, "lnob": lnob}


def reference(feat, xyz, batch, W1, b1, ln1_g, ln1_b, p, Wang, bang, Wring, bring, Wxy, bxy, lnog, lnob):
    edges_theta = jnp.linspace(-FOV, FOV, Ktheta + 1)
    theta = jnp.arctan2(xyz[:, 1], xyz[:, 0])
    theta = jnp.clip(theta, -FOV, FOV)
    sec = jnp.clip(jnp.searchsorted(edges_theta, theta, side='left') - 1, 0, Ktheta - 1)
    r = jnp.maximum(jnp.linalg.norm(xyz[:, :2], axis=-1, keepdims=True), EPS)
    edges_r = jnp.linspace(0.0, RS, Kr + 1)
    ring = jnp.clip(jnp.searchsorted(edges_r, r[:, 0], side='left') - 1, 0, Kr - 1)
    flat = batch * (Kr * Ktheta) + ring * Ktheta + sec
    # GeM pooling
    pc = jnp.maximum(p, 1.0)
    x_mag_p = jnp.power(jnp.abs(feat) + EPS, pc)
    pooled = jax.ops.segment_sum(x_mag_p, flat, num_segments=NSEG)
    counts = jax.ops.segment_sum(jnp.ones_like(r), flat, num_segments=NSEG)
    pooled = pooled / jnp.maximum(counts, 1.0)
    pooled = jnp.power(jnp.maximum(pooled, 0.0), 1.0 / pc)
    # geometric sums
    xy = xyz[:, :2]
    inv_r = 1.0 / (r + EPS)
    exp_neg = jnp.exp(-GAMMA * r)
    sum_xy = jax.ops.segment_sum(xy, flat, num_segments=NSEG)
    sum_r = jax.ops.segment_sum(r, flat, num_segments=NSEG)
    sum_inv_r = jax.ops.segment_sum(inv_r, flat, num_segments=NSEG)
    sum_exp_neg = jax.ops.segment_sum(exp_neg, flat, num_segments=NSEG)
    pooled = pooled.reshape(B, Kr, Ktheta, IN)
    counts = counts.reshape(B, Kr, Ktheta, 1)
    sum_xy = sum_xy.reshape(B, Kr, Ktheta, 2)
    sum_r = sum_r.reshape(B, Kr, Ktheta, 1)
    # proj: Linear -> LayerNorm -> GELU
    h = pooled.reshape(-1, IN) @ W1 + b1
    h = layernorm(h, ln1_g, ln1_b)
    tokens = jax.nn.gelu(h, approximate=False).reshape(B, Kr, Ktheta, ATT)
    # angle PE
    centers_theta = 0.5 * (edges_theta[:-1] + edges_theta[1:])
    ang = jnp.stack([jnp.sin(centers_theta), jnp.cos(centers_theta)], axis=-1)
    tokens = tokens + (ang @ Wang + bang).reshape(1, 1, Ktheta, ATT)
    # ring PE
    centers_r = 0.5 * (edges_r[:-1] + edges_r[1:])
    ring_norm = (centers_r / RS).reshape(1, Kr, 1, 1)
    ring_pe = ring_norm @ Wring + bring
    tokens = tokens + ring_pe
    # cartesian PE
    cc = jnp.maximum(counts, 1.0)
    mean_xy = sum_xy / cc
    mean_r = sum_r / cc
    logcnt = jnp.log1p(cc) / 10.0
    feat_xy = jnp.concatenate([mean_xy / RS, mean_r / RS, logcnt], axis=-1)
    tokens = tokens + (feat_xy @ Wxy + bxy)
    tokens = layernorm(tokens, lnog, lnob)
    return tokens.reshape(B, Kr * Ktheta, ATT)

if __name__ == "__main__":
    import jax
    _d = setup_inputs()
    print(jax.jit(kernel)(*tuple(_d.values())))

</pallas_src>

<mosaic_0001>
#map = affine_map<(d0, d1) -> (0, 0)>
#map1 = affine_map<(d0, d1) -> (0, 0, 0)>
#map2 = affine_map<(d0, d1) -> (0)>
module attributes {stable_mosaic.version = 14 : i64} {
  func.func @_sc_body(%arg0: i32, %arg1: i32, %arg2: memref<163840x128xf32, #tpu.memory_space<hbm>>, %arg3: memref<1280x128xi32, #tpu.memory_space<hbm>>, %arg4: memref<4x1280x128xf32, #tpu.memory_space<hbm>>, %arg5: memref<768x128xf32, #tpu.memory_space<hbm>>, %arg6: memref<768xf32, #tpu.memory_space<hbm>>, %arg7: memref<2x768x128xf32, #tpu.memory_space<hbm>>, %arg8: memref<2x4x768xf32, #tpu.memory_space<hbm>>, %arg9: memref<8x128xi32, #tpu.memory_space<vmem>>, %arg10: memref<4x8x128xf32, #tpu.memory_space<vmem>>, %arg11: memref<4x128x128xf32, #tpu.memory_space<vmem>>, %arg12: memref<768x128xf32, #tpu.memory_space<vmem_shared>>, %arg13: memref<768xf32, #tpu.memory_space<vmem_shared>>, %arg14: memref<768xf32, #tpu.memory_space<vmem_shared>>, %arg15: memref<768xf32, #tpu.memory_space<vmem_shared>>, %arg16: memref<768xf32, #tpu.memory_space<vmem_shared>>, %arg17: memref<!tpu.dma_semaphore, #tpu.memory_space<semaphore_mem>>, %arg18: memref<!tpu.dma_semaphore, #tpu.memory_space<semaphore_mem>>, %arg19: memref<!tpu.dma_semaphore, #tpu.memory_space<semaphore_mem>>, %arg20: memref<!tpu.dma_semaphore, #tpu.memory_space<semaphore_mem>>, %arg21: memref<!tpu.dma_semaphore, #tpu.memory_space<semaphore_mem>>, %arg22: memref<!tpu.dma_semaphore, #tpu.memory_space<semaphore_mem>>, %arg23: memref<!tpu.dma_semaphore, #tpu.memory_space<semaphore_mem>>, %arg24: memref<!tpu.dma_semaphore, #tpu.memory_space<semaphore_mem>>, %arg25: memref<!tpu.dma_semaphore, #tpu.memory_space<semaphore_mem>>) attributes {dimension_semantics = [#tpu.dimension_semantics<core_parallel>, #tpu.dimension_semantics<subcore_parallel>], iteration_bounds = array<i64: 2, 16>, scalar_prefetch = 0 : i64, scratch_operands = 17 : i64, tpu.core_type = #tpu.core_type<sc_vector_subcore>, window_params = [{transform_indices = #map}, {transform_indices = #map}, {transform_indices = #map1}, {transform_indices = #map}, {transform_indices = #map2}, {transform_indices = #map1}, {transform_indices = #map1}]} {
    %mul3A = arith.constant 2 : i32
    %mul3A_0 = arith.muli %arg1, %mul3A : i32
    %add3A = arith.addi %mul3A_0, %arg0 : i32
    %eq3A = arith.constant 0 : i32
    %eq3A_1 = arith.cmpi eq, %arg1, %eq3A : i32
    %convert_element_type3A = arith.extui %eq3A_1 : i1 to i32
    %cond3A = arith.constant 0 : i32
    %cond3A_2 = arith.cmpi ne, %convert_element_type3A, %cond3A : i32
    scf.if %cond3A_2 {
      "tpu.region"() ({
        %run_scoped3A = tpu.sem_alloc : memref<!tpu.dma_semaphore, #tpu.memory_space<semaphore_mem>>
        tpu.enqueue_dma source(%arg5 : memref<768x128xf32, #tpu.memory_space<hbm>>) target(%arg12 : memref<768x128xf32, #tpu.memory_space<vmem_shared>>) target_semaphore(%run_scoped3A : memref<!tpu.dma_semaphore, #tpu.memory_space<semaphore_mem>>)
        tpu.wait_dma2 semaphore(%run_scoped3A : memref<!tpu.dma_semaphore, #tpu.memory_space<semaphore_mem>>) src(%arg5 : memref<768x128xf32, #tpu.memory_space<hbm>>) dst(%arg12 : memref<768x128xf32, #tpu.memory_space<vmem_shared>>)
        tpu.yield
      }) : () -> ()
      "tpu.region"() ({
        %run_scoped3A = tpu.sem_alloc : memref<!tpu.dma_semaphore, #tpu.memory_space<semaphore_mem>>
        tpu.enqueue_dma source(%arg6 : memref<768xf32, #tpu.memory_space<hbm>>) target(%arg13 : memref<768xf32, #tpu.memory_space<vmem_shared>>) target_semaphore(%run_scoped3A : memref<!tpu.dma_semaphore, #tpu.memory_space<semaphore_mem>>)
        tpu.wait_dma2 semaphore(%run_scoped3A : memref<!tpu.dma_semaphore, #tpu.memory_space<semaphore_mem>>) src(%arg6 : memref<768xf32, #tpu.memory_space<hbm>>) dst(%arg13 : memref<768xf32, #tpu.memory_space<vmem_shared>>)
        tpu.yield
      }) : () -> ()
      "tpu.region"() ({
        %run_scoped3A = tpu.sem_alloc : memref<!tpu.dma_semaphore, #tpu.memory_space<semaphore_mem>>
        tpu.enqueue_dma source(%arg6 : memref<768xf32, #tpu.memory_space<hbm>>) target(%arg14 : memref<768xf32, #tpu.memory_space<vmem_shared>>) target_semaphore(%run_scoped3A : memref<!tpu.dma_semaphore, #tpu.memory_space<semaphore_mem>>)
        tpu.wait_dma2 semaphore(%run_scoped3A : memref<!tpu.dma_semaphore, #tpu.memory_space<semaphore_mem>>) src(%arg6 : memref<768xf32, #tpu.memory_space<hbm>>) dst(%arg14 : memref<768xf32, #tpu.memory_space<vmem_shared>>)
        tpu.yield
      }) : () -> ()
      "tpu.region"() ({
        %run_scoped3A = tpu.sem_alloc : memref<!tpu.dma_semaphore, #tpu.memory_space<semaphore_mem>>
        tpu.enqueue_dma source(%arg6 : memref<768xf32, #tpu.memory_space<hbm>>) target(%arg15 : memref<768xf32, #tpu.memory_space<vmem_shared>>) target_semaphore(%run_scoped3A : memref<!tpu.dma_semaphore, #tpu.memory_space<semaphore_mem>>)
        tpu.wait_dma2 semaphore(%run_scoped3A : memref<!tpu.dma_semaphore, #tpu.memory_space<semaphore_mem>>) src(%arg6 : memref<768xf32, #tpu.memory_space<hbm>>) dst(%arg15 : memref<768xf32, #tpu.memory_space<vmem_shared>>)
        tpu.yield
      }) : () -> ()
      "tpu.region"() ({
        %run_scoped3A = tpu.sem_alloc : memref<!tpu.dma_semaphore, #tpu.memory_space<semaphore_mem>>
        tpu.enqueue_dma source(%arg6 : memref<768xf32, #tpu.memory_space<hbm>>) target(%arg16 : memref<768xf32, #tpu.memory_space<vmem_shared>>) target_semaphore(%run_scoped3A : memref<!tpu.dma_semaphore, #tpu.memory_space<semaphore_mem>>)
        tpu.wait_dma2 semaphore(%run_scoped3A : memref<!tpu.dma_semaphore, #tpu.memory_space<semaphore_mem>>) src(%arg6 : memref<768xf32, #tpu.memory_space<hbm>>) dst(%arg16 : memref<768xf32, #tpu.memory_space<vmem_shared>>)
        tpu.yield
      }) : () -> ()
    } else {
    }
    %barrier3A = arith.constant 0 : index
    tpu.barrier barrier_id(%barrier3A)
    %mul3A_3 = arith.constant 5120 : i32
    %mul3A_4 = arith.muli %add3A, %mul3A_3 : i32
    %mul3A_5 = arith.constant 40 : i32
    %mul3A_6 = arith.muli %add3A, %mul3A_5 : i32
    %scan3A = arith.constant 0 : i32
    %scan3A_7 = arith.constant 0 : i32
    %scan3A_8 = arith.constant 5 : i32
    %scan3A_9 = arith.addi %scan3A_7, %scan3A_8 : i32
    %scan3A_10 = arith.constant 1 : i32
    scf.for %scan3A_20 = %scan3A_7 to %scan3A_9 step %scan3A_10  : i32 {
      %mul3A_21 = arith.constant 1024 : i32
      %mul3A_22 = arith.muli %scan3A_20, %mul3A_21 : i32
      %add3A_23 = arith.addi %mul3A_4, %mul3A_22 : i32
      %mul3A_24 = arith.constant 8 : i32
      %mul3A_25 = arith.muli %scan3A_20, %mul3A_24 : i32
      %add3A_26 = arith.addi %mul3A_6, %mul3A_25 : i32
      "tpu.region"() ({
        %run_scoped3A = tpu.sem_alloc : memref<!tpu.dma_semaphore, #tpu.memory_space<semaphore_mem>>
        %dma_start3A_804 = arith.constant 0 : i32
        %dma_start3A_805 = tpu.memref_slice %arg3[%add3A_26, %dma_start3A_804] : memref<1280x128xi32, #tpu.memory_space<hbm>> -> memref<8x128xi32, #tpu.memory_space<hbm>>
        %dma_start3A_806 = arith.constant 0 : i32
        %dma_start3A_807 = tpu.memref_slice %arg3[%add3A_26, %dma_start3A_806] : memref<1280x128xi32, #tpu.memory_space<hbm>> -> memref<8x128xi32, #tpu.memory_space<hbm>>
        tpu.enqueue_dma source(%dma_start3A_807 : memref<8x128xi32, #tpu.memory_space<hbm>>) target(%arg9 : memref<8x128xi32, #tpu.memory_space<vmem>>) target_semaphore(%run_scoped3A : memref<!tpu.dma_semaphore, #tpu.memory_space<semaphore_mem>>)
        %dma_wait3A_808 = arith.constant 0 : i32
        %dma_wait3A_809 = tpu.memref_slice %arg3[%add3A_26, %dma_wait3A_808] : memref<1280x128xi32, #tpu.memory_space<hbm>> -> memref<8x128xi32, #tpu.memory_space<hbm>>
        %dma_wait3A_810 = arith.constant 0 : i32
        %dma_wait3A_811 = tpu.memref_slice %arg3[%add3A_26, %dma_wait3A_810] : memref<1280x128xi32, #tpu.memory_space<hbm>> -> memref<8x128xi32, #tpu.memory_space<hbm>>
        tpu.wait_dma2 semaphore(%run_scoped3A : memref<!tpu.dma_semaphore, #tpu.memory_space<semaphore_mem>>) src(%dma_wait3A_811 : memref<8x128xi32, #tpu.memory_space<hbm>>) dst(%arg9 : memref<8x128xi32, #tpu.memory_space<vmem>>)
        tpu.yield
      }) : () -> ()
      %mul3A_27 = arith.constant 8 : i32
      %mul3A_28 = arith.muli %scan3A_20, %mul3A_27 : i32
      %add3A_29 = arith.addi %mul3A_6, %mul3A_28 : i32
      "tpu.region"() ({
        %run_scoped3A = tpu.sem_alloc : memref<!tpu.dma_semaphore, #tpu.memory_space<semaphore_mem>>
        %dma_start3A_804 = arith.constant 0 : i32
        %dma_start3A_805 = arith.constant 0 : i32
        %dma_start3A_806 = tpu.memref_slice %arg4[%dma_start3A_804, %add3A_29, %dma_start3A_805] : memref<4x1280x128xf32, #tpu.memory_space<hbm>> -> memref<4x8x128xf32, #tpu.memory_space<hbm>>
        %dma_start3A_807 = arith.constant 0 : i32
        %dma_start3A_808 = arith.constant 0 : i32
        %dma_start3A_809 = tpu.memref_slice %arg4[%dma_start3A_807, %add3A_29, %dma_start3A_808] : memref<4x1280x128xf32, #tpu.memory_space<hbm>> -> memref<4x8x128xf32, #tpu.memory_space<hbm>>
        tpu.enqueue_dma source(%dma_start3A_809 : memref<4x8x128xf32, #tpu.memory_space<hbm>>) target(%arg10 : memref<4x8x128xf32, #tpu.memory_space<vmem>>) target_semaphore(%run_scoped3A : memref<!tpu.dma_semaphore, #tpu.memory_space<semaphore_mem>>)
        %dma_wait3A_810 = arith.constant 0 : i32
        %dma_wait3A_811 = arith.constant 0 : i32
        %dma_wait3A_812 = tpu.memref_slice %arg4[%dma_wait3A_810, %add3A_29, %dma_wait3A_811] : memref<4x1280x128xf32, #tpu.memory_space<hbm>> -> memref<4x8x128xf32, #tpu.memory_space<hbm>>
        %dma_wait3A_813 = arith.constant 0 : i32
        %dma_wait3A_814 = arith.constant 0 : i32
        %dma_wait3A_815 = tpu.memref_slice %arg4[%dma_wait3A_813, %add3A_29, %dma_wait3A_814] : memref<4x1280x128xf32, #tpu.memory_space<hbm>> -> memref<4x8x128xf32, #tpu.memory_space<hbm>>
        tpu.wait_dma2 semaphore(%run_scoped3A : memref<!tpu.dma_semaphore, #tpu.memory_space<semaphore_mem>>) src(%dma_wait3A_815 : memref<4x8x128xf32, #tpu.memory_space<hbm>>) dst(%arg10 : memref<4x8x128xf32, #tpu.memory_space<vmem>>)
        tpu.yield
      }) : () -> ()
      %dma_start3A = arith.constant 0 : i32
      %dma_start3A_30 = arith.constant 0 : i32
      %dma_start3A_31 = arith.constant 0 : i32
      %dma_start3A_32 = arith.constant 0 : i32
      %dma_start3A_33 = tpu.memref_slice %arg10[%dma_start3A, %dma_start3A_30, %dma_start3A_32] : memref<4x8x128xf32, #tpu.memory_space<vmem>> -> memref<1x1x128xf32, #tpu.memory_space<vmem>>
      %dma_start3A_34 = tpu.memref_squeeze %dma_start3A_33 : memref<1x1x128xf32, #tpu.memory_space<vmem>> -> memref<128xf32, #tpu.memory_space<vmem>>
      %dma_start3A_35 = arith.constant 0 : i32
      %dma_start3A_36 = tpu.memref_slice %arg9[%dma_start3A_31, %dma_start3A_35] : memref<8x128xi32, #tpu.memory_space<vmem>> -> memref<1x128xi32, #tpu.memory_space<vmem>>
      %dma_start3A_37 = tpu.memref_squeeze %dma_start3A_36 : memref<1x128xi32, #tpu.memory_space<vmem>> -> memref<128xi32, #tpu.memory_space<vmem>>
      %dma_start3A_38 = arith.constant 0 : i32
      %dma_start3A_39 = tpu.memref_slice %arg13[%dma_start3A_38] : memref<768xf32, #tpu.memory_space<vmem_shared>> -> memref<768xf32, #tpu.memory_space<vmem_shared>>
      tpu.enqueue_indirect_dma source(%dma_start3A_34 : memref<128xf32, #tpu.memory_space<vmem>>) target(%dma_start3A_39 : memref<768xf32, #tpu.memory_space<vmem_shared>>) offsets(%dma_start3A_37 : memref<128xi32, #tpu.memory_space<vmem>>) semaphore(%arg17 : memref<!tpu.dma_semaphore, #tpu.memory_space<semaphore_mem>>) {add = true}
      %dma_start3A_40 = arith.constant 1 : i32
      %dma_start3A_41 = arith.constant 0 : i32
      %dma_start3A_42 = arith.constant 0 : i32
      %dma_start3A_43 = arith.constant 0 : i32
      %dma_start3A_44 = tpu.memref_slice %arg10[%dma_start3A_40, %dma_start3A_41, %dma_start3A_43] : memref<4x8x128xf32, #tpu.memory_space<vmem>> -> memref<1x1x128xf32, #tpu.memory_space<vmem>>
      %dma_start3A_45 = tpu.memref_squeeze %dma_start3A_44 : memref<1x1x128xf32, #tpu.memory_space<vmem>> -> memref<128xf32, #tpu.memory_space<vmem>>
      %dma_start3A_46 = arith.constant 0 : i32
      %dma_start3A_47 = tpu.memref_slice %arg9[%dma_start3A_42, %dma_start3A_46] : memref<8x128xi32, #tpu.memory_space<vmem>> -> memref<1x128xi32, #tpu.memory_space<vmem>>
      %dma_start3A_48 = tpu.memref_squeeze %dma_start3A_47 : memref<1x128xi32, #tpu.memory_space<vmem>> -> memref<128xi32, #tpu.memory_space<vmem>>
      %dma_start3A_49 = arith.constant 0 : i32
      %dma_start3A_50 = tpu.memref_slice %arg14[%dma_start3A_49] : memref<768xf32, #tpu.memory_space<vmem_shared>> -> memref<768xf32, #tpu.memory_space<vmem_shared>>
      tpu.enqueue_indirect_dma source(%dma_start3A_45 : memref<128xf32, #tpu.memory_space<vmem>>) target(%dma_start3A_50 : memref<768xf32, #tpu.memory_space<vmem_shared>>) offsets(%dma_start3A_48 : memref<128xi32, #tpu.memory_space<vmem>>) semaphore(%arg17 : memref<!tpu.dma_semaphore, #tpu.memory_space<semaphore_mem>>) {add = true}
      %dma_start3A_51 = arith.constant 2 : i32
      %dma_start3A_52 = arith.constant 0 : i32
      %dma_start3A_53 = arith.constant 0 : i32
      %dma_start3A_54 = arith.constant 0 : i32
      %dma_start3A_55 = tpu.memref_slice %arg10[%dma_start3A_51, %dma_start3A_52, %dma_start3A_54] : memref<4x8x128xf32, #tpu.memory_space<vmem>> -> memref<1x1x128xf32, #tpu.memory_space<vmem>>
      %dma_start3A_56 = tpu.memref_squeeze %dma_start3A_55 : memref<1x1x128xf32, #tpu.memory_space<vmem>> -> memref<128xf32, #tpu.memory_space<vmem>>
      %dma_start3A_57 = arith.constant 0 : i32
      %dma_start3A_58 = tpu.memref_slice %arg9[%dma_start3A_53, %dma_start3A_57] : memref<8x128xi32, #tpu.memory_space<vmem>> -> memref<1x128xi32, #tpu.memory_space<vmem>>
      %dma_start3A_59 = tpu.memref_squeeze %dma_start3A_58 : memref<1x128xi32, #tpu.memory_space<vmem>> -> memref<128xi32, #tpu.memory_space<vmem>>
      %dma_start3A_60 = arith.constant 0 : i32
      %dma_start3A_61 = tpu.memref_slice %arg15[%dma_start3A_60] : memref<768xf32, #tpu.memory_space<vmem_shared>> -> memref<768xf32, #tpu.memory_space<vmem_shared>>
      tpu.enqueue_indirect_dma source(%dma_start3A_56 : memref<128xf32, #tpu.memory_space<vmem>>) target(%dma_start3A_61 : memref<768xf32, #tpu.memory_space<vmem_shared>>) offsets(%dma_start3A_59 : memref<128xi32, #tpu.memory_space<vmem>>) semaphore(%arg17 : memref<!tpu.dma_semaphore, #tpu.memory_space<semaphore_mem>>) {add = true}
      %dma_start3A_62 = arith.constant 3 : i32
      %dma_start3A_63 = arith.constant 0 : i32
      %dma_start3A_64 = arith.constant 0 : i32
      %dma_start3A_65 = arith.constant 0 : i32
      %dma_start3A_66 = tpu.memref_slice %arg10[%dma_start3A_62, %dma_start3A_63, %dma_start3A_65] : memref<4x8x128xf32, #tpu.memory_space<vmem>> -> memref<1x1x128xf32, #tpu.memory_space<vmem>>
      %dma_start3A_67 = tpu.memref_squeeze %dma_start3A_66 : memref<1x1x128xf32, #tpu.memory_space<vmem>> -> memref<128xf32, #tpu.memory_space<vmem>>
      %dma_start3A_68 = arith.constant 0 : i32
      %dma_start3A_69 = tpu.memref_slice %arg9[%dma_start3A_64, %dma_start3A_68] : memref<8x128xi32, #tpu.memory_space<vmem>> -> memref<1x128xi32, #tpu.memory_space<vmem>>
      %dma_start3A_70 = tpu.memref_squeeze %dma_start3A_69 : memref<1x128xi32, #tpu.memory_space<vmem>> -> memref<128xi32, #tpu.memory_space<vmem>>
      %dma_start3A_71 = arith.constant 0 : i32
      %dma_start3A_72 = tpu.memref_slice %arg16[%dma_start3A_71] : memref<768xf32, #tpu.memory_space<vmem_shared>> -> memref<768xf32, #tpu.memory_space<vmem_shared>>
      tpu.enqueue_indirect_dma source(%dma_start3A_67 : memref<128xf32, #tpu.memory_space<vmem>>) target(%dma_start3A_72 : memref<768xf32, #tpu.memory_space<vmem_shared>>) offsets(%dma_start3A_70 : memref<128xi32, #tpu.memory_space<vmem>>) semaphore(%arg17 : memref<!tpu.dma_semaphore, #tpu.memory_space<semaphore_mem>>) {add = true}
      %dma_start3A_73 = arith.constant 0 : i32
      %dma_start3A_74 = arith.constant 1 : i32
      %dma_start3A_75 = arith.constant 1 : i32
      %dma_start3A_76 = arith.constant 0 : i32
      %dma_start3A_77 = tpu.memref_slice %arg10[%dma_start3A_73, %dma_start3A_74, %dma_start3A_76] : memref<4x8x128xf32, #tpu.memory_space<vmem>> -> memref<1x1x128xf32, #tpu.memory_space<vmem>>
      %dma_start3A_78 = tpu.memref_squeeze %dma_start3A_77 : memref<1x1x128xf32, #tpu.memory_space<vmem>> -> memref<128xf32, #tpu.memory_space<vmem>>
      %dma_start3A_79 = arith.constant 0 : i32
      %dma_start3A_80 = tpu.memref_slice %arg9[%dma_start3A_75, %dma_start3A_79] : memref<8x128xi32, #tpu.memory_space<vmem>> -> memref<1x128xi32, #tpu.memory_space<vmem>>
      %dma_start3A_81 = tpu.memref_squeeze %dma_start3A_80 : memref<1x128xi32, #tpu.memory_space<vmem>> -> memref<128xi32, #tpu.memory_space<vmem>>
      %dma_start3A_82 = arith.constant 0 : i32
      %dma_start3A_83 = tpu.memref_slice %arg13[%dma_start3A_82] : memref<768xf32, #tpu.memory_space<vmem_shared>> -> memref<768xf32, #tpu.memory_space<vmem_shared>>
      tpu.enqueue_indirect_dma source(%dma_start3A_78 : memref<128xf32, #tpu.memory_space<vmem>>) target(%dma_start3A_83 : memref<768xf32, #tpu.memory_space<vmem_shared>>) offsets(%dma_start3A_81 : memref<128xi32, #tpu.memory_space<vmem>>) semaphore(%arg17 : memref<!tpu.dma_semaphore, #tpu.memory_space<semaphore_mem>>) {add = true}
      %dma_start3A_84 = arith.constant 1 : i32
      %dma_start3A_85 = arith.constant 1 : i32
      %dma_start3A_86 = arith.constant 1 : i32
      %dma_start3A_87 = arith.constant 0 : i32
      %dma_start3A_88 = tpu.memref_slice %arg10[%dma_start3A_84, %dma_start3A_85, %dma_start3A_87] : memref<4x8x128xf32, #tpu.memory_space<vmem>> -> memref<1x1x128xf32, #tpu.memory_space<vmem>>
      %dma_start3A_89 = tpu.memref_squeeze %dma_start3A_88 : memref<1x1x128xf32, #tpu.memory_space<vmem>> -> memref<128xf32, #tpu.memory_space<vmem>>
      %dma_start3A_90 = arith.constant 0 : i32
      %dma_start3A_91 = tpu.memref_slice %arg9[%dma_start3A_86, %dma_start3A_90] : memref<8x128xi32, #tpu.memory_space<vmem>> -> memref<1x128xi32, #tpu.memory_space<vmem>>
      %dma_start3A_92 = tpu.memref_squeeze %dma_start3A_91 : memref<1x128xi32, #tpu.memory_space<vmem>> -> memref<128xi32, #tpu.memory_space<vmem>>
      %dma_start3A_93 = arith.constant 0 : i32
      %dma_start3A_94 = tpu.memref_slice %arg14[%dma_start3A_93] : memref<768xf32, #tpu.memory_space<vmem_shared>> -> memref<768xf32, #tpu.memory_space<vmem_shared>>
      tpu.enqueue_indirect_dma source(%dma_start3A_89 : memref<128xf32, #tpu.memory_space<vmem>>) target(%dma_start3A_94 : memref<768xf32, #tpu.memory_space<vmem_shared>>) offsets(%dma_start3A_92 : memref<128xi32, #tpu.memory_space<vmem>>) semaphore(%arg17 : memref<!tpu.dma_semaphore, #tpu.memory_space<semaphore_mem>>) {add = true}
      %dma_start3A_95 = arith.constant 2 : i32
      %dma_start3A_96 = arith.constant 1 : i32
      %dma_start3A_97 = arith.constant 1 : i32
      %dma_start3A_98 = arith.constant 0 : i32
      %dma_start3A_99 = tpu.memref_slice %arg10[%dma_start3A_95, %dma_start3A_96, %dma_start3A_98] : memref<4x8x128xf32, #tpu.memory_space<vmem>> -> memref<1x1x128xf32, #tpu.memory_space<vmem>>
      %dma_start3A_100 = tpu.memref_squeeze %dma_start3A_99 : memref<1x1x128xf32, #tpu.memory_space<vmem>> -> memref<128xf32, #tpu.memory_space<vmem>>
      %dma_start3A_101 = arith.constant 0 : i32
      %dma_start3A_102 = tpu.memref_slice %arg9[%dma_start3A_97, %dma_start3A_101] : memref<8x128xi32, #tpu.memory_space<vmem>> -> memref<1x128xi32, #tpu.memory_space<vmem>>
      %dma_start3A_103 = tpu.memref_squeeze %dma_start3A_102 : memref<1x128xi32, #tpu.memory_space<vmem>> -> memref<128xi32, #tpu.memory_space<vmem>>
      %dma_start3A_104 = arith.constant 0 : i32
      %dma_start3A_105 = tpu.memref_slice %arg15[%dma_start3A_104] : memref<768xf32, #tpu.memory_space<vmem_shared>> -> memref<768xf32, #tpu.memory_space<vmem_shared>>
      tpu.enqueue_indirect_dma source(%dma_start3A_100 : memref<128xf32, #tpu.memory_space<vmem>>) target(%dma_start3A_105 : memref<768xf32, #tpu.memory_space<vmem_shared>>) offsets(%dma_start3A_103 : memref<128xi32, #tpu.memory_space<vmem>>) semaphore(%arg17 : memref<!tpu.dma_semaphore, #tpu.memory_space<semaphore_mem>>) {add = true}
      %dma_start3A_106 = arith.constant 3 : i32
      %dma_start3A_107 = arith.constant 1 : i32
      %dma_start3A_108 = arith.constant 1 : i32
      %dma_start3A_109 = arith.constant 0 : i32
      %dma_start3A_110 = tpu.memref_slice %arg10[%dma_start3A_106, %dma_start3A_107, %dma_start3A_109] : memref<4x8x128xf32, #tpu.memory_space<vmem>> -> memref<1x1x128xf32, #tpu.memory_space<vmem>>
      %dma_start3A_111 = tpu.memref_squeeze %dma_start3A_110 : memref<1x1x128xf32, #tpu.memory_space<vmem>> -> memref<128xf32, #tpu.memory_space<vmem>>
      %dma_start3A_112 = arith.constant 0 : i32
      %dma_start3A_113 = tpu.memref_slice %arg9[%dma_start3A_108, %dma_start3A_112] : memref<8x128xi32, #tpu.memory_space<vmem>> -> memref<1x128xi32, #tpu.memory_space<vmem>>
      %dma_start3A_114 = tpu.memref_squeeze %dma_start3A_113 : memref<1x128xi32, #tpu.memory_space<vmem>> -> memref<128xi32, #tpu.memory_space<vmem>>
      %dma_start3A_115 = arith.constant 0 : i32
      %dma_start3A_116 = tpu.memref_slice %arg16[%dma_start3A_115] : memref<768xf32, #tpu.memory_space<vmem_shared>> -> memref<768xf32, #tpu.memory_space<vmem_shared>>
      tpu.enqueue_indirect_dma source(%dma_start3A_111 : memref<128xf32, #tpu.memory_space<vmem>>) target(%dma_start3A_116 : memref<768xf32, #tpu.memory_space<vmem_shared>>) offsets(%dma_start3A_114 : memref<128xi32, #tpu.memory_space<vmem>>) semaphore(%arg17 : memref<!tpu.dma_semaphore, #tpu.memory_space<semaphore_mem>>) {add = true}
      %dma_start3A_117 = arith.constant 0 : i32
      %dma_start3A_118 = arith.constant 2 : i32
      %dma_start3A_119 = arith.constant 2 : i32
      %dma_start3A_120 = arith.constant 0 : i32
      %dma_start3A_121 = tpu.memref_slice %arg10[%dma_start3A_117, %dma_start3A_118, %dma_start3A_120] : memref<4x8x128xf32, #tpu.memory_space<vmem>> -> memref<1x1x128xf32, #tpu.memory_space<vmem>>
      %dma_start3A_122 = tpu.memref_squeeze %dma_start3A_121 : memref<1x1x128xf32, #tpu.memory_space<vmem>> -> memref<128xf32, #tpu.memory_space<vmem>>
      %dma_start3A_123 = arith.constant 0 : i32
      %dma_start3A_124 = tpu.memref_slice %arg9[%dma_start3A_119, %dma_start3A_123] : memref<8x128xi32, #tpu.memory_space<vmem>> -> memref<1x128xi32, #tpu.memory_space<vmem>>
      %dma_start3A_125 = tpu.memref_squeeze %dma_start3A_124 : memref<1x128xi32, #tpu.memory_space<vmem>> -> memref<128xi32, #tpu.memory_space<vmem>>
      %dma_start3A_126 = arith.constant 0 : i32
      %dma_start3A_127 = tpu.memref_slice %arg13[%dma_start3A_126] : memref<768xf32, #tpu.memory_space<vmem_shared>> -> memref<768xf32, #tpu.memory_space<vmem_shared>>
      tpu.enqueue_indirect_dma source(%dma_start3A_122 : memref<128xf32, #tpu.memory_space<vmem>>) target(%dma_start3A_127 : memref<768xf32, #tpu.memory_space<vmem_shared>>) offsets(%dma_start3A_125 : memref<128xi32, #tpu.memory_space<vmem>>) semaphore(%arg17 : memref<!tpu.dma_semaphore, #tpu.memory_space<semaphore_mem>>) {add = true}
      %dma_start3A_128 = arith.constant 1 : i32
      %dma_start3A_129 = arith.constant 2 : i32
      %dma_start3A_130 = arith.constant 2 : i32
      %dma_start3A_131 = arith.constant 0 : i32
      %dma_start3A_132 = tpu.memref_slice %arg10[%dma_start3A_128, %dma_start3A_129, %dma_start3A_131] : memref<4x8x128xf32, #tpu.memory_space<vmem>> -> memref<1x1x128xf32, #tpu.memory_space<vmem>>
      %dma_start3A_133 = tpu.memref_squeeze %dma_start3A_132 : memref<1x1x128xf32, #tpu.memory_space<vmem>> -> memref<128xf32, #tpu.memory_space<vmem>>
      %dma_start3A_134 = arith.constant 0 : i32
      %dma_start3A_135 = tpu.memref_slice %arg9[%dma_start3A_130, %dma_start3A_134] : memref<8x128xi32, #tpu.memory_space<vmem>> -> memref<1x128xi32, #tpu.memory_space<vmem>>
      %dma_start3A_136 = tpu.memref_squeeze %dma_start3A_135 : memref<1x128xi32, #tpu.memory_space<vmem>> -> memref<128xi32, #tpu.memory_space<vmem>>
      %dma_start3A_137 = arith.constant 0 : i32
      %dma_start3A_138 = tpu.memref_slice %arg14[%dma_start3A_137] : memref<768xf32, #tpu.memory_space<vmem_shared>> -> memref<768xf32, #tpu.memory_space<vmem_shared>>
      tpu.enqueue_indirect_dma source(%dma_start3A_133 : memref<128xf32, #tpu.memory_space<vmem>>) target(%dma_start3A_138 : memref<768xf32, #tpu.memory_space<vmem_shared>>) offsets(%dma_start3A_136 : memref<128xi32, #tpu.memory_space<vmem>>) semaphore(%arg17 : memref<!tpu.dma_semaphore, #tpu.memory_space<semaphore_mem>>) {add = true}
      %dma_start3A_139 = arith.constant 2 : i32
      %dma_start3A_140 = arith.constant 2 : i32
      %dma_start3A_141 = arith.constant 2 : i32
      %dma_start3A_142 = arith.constant 0 : i32
      %dma_start3A_143 = tpu.memref_slice %arg10[%dma_start3A_139, %dma_start3A_140, %dma_start3A_142] : memref<4x8x128xf32, #tpu.memory_space<vmem>> -> memref<1x1x128xf32, #tpu.memory_space<vmem>>
      %dma_start3A_144 = tpu.memref_squeeze %dma_start3A_143 : memref<1x1x128xf32, #tpu.memory_space<vmem>> -> memref<128xf32, #tpu.memory_space<vmem>>
      %dma_start3A_145 = arith.constant 0 : i32
      %dma_start3A_146 = tpu.memref_slice %arg9[%dma_start3A_141, %dma_start3A_145] : memref<8x128xi32, #tpu.memory_space<vmem>> -> memref<1x128xi32, #tpu.memory_space<vmem>>
      %dma_start3A_147 = tpu.memref_squeeze %dma_start3A_146 : memref<1x128xi32, #tpu.memory_space<vmem>> -> memref<128xi32, #tpu.memory_space<vmem>>
      %dma_start3A_148 = arith.constant 0 : i32
      %dma_start3A_149 = tpu.memref_slice %arg15[%dma_start3A_148] : memref<768xf32, #tpu.memory_space<vmem_shared>> -> memref<768xf32, #tpu.memory_space<vmem_shared>>
      tpu.enqueue_indirect_dma source(%dma_start3A_144 : memref<128xf32, #tpu.memory_space<vmem>>) target(%dma_start3A_149 : memref<768xf32, #tpu.memory_space<vmem_shared>>) offsets(%dma_start3A_147 : memref<128xi32, #tpu.memory_space<vmem>>) semaphore(%arg17 : memref<!tpu.dma_semaphore, #tpu.memory_space<semaphore_mem>>) {add = true}
      %dma_start3A_150 = arith.constant 3 : i32
      %dma_start3A_151 = arith.constant 2 : i32
      %dma_start3A_152 = arith.constant 2 : i32
      %dma_start3A_153 = arith.constant 0 : i32
      %dma_start3A_154 = tpu.memref_slice %arg10[%dma_start3A_150, %dma_start3A_151, %dma_start3A_153] : memref<4x8x128xf32, #tpu.memory_space<vmem>> -> memref<1x1x128xf32, #tpu.memory_space<vmem>>
      %dma_start3A_155 = tpu.memref_squeeze %dma_start3A_154 : memref<1x1x128xf32, #tpu.memory_space<vmem>> -> memref<128xf32, #tpu.memory_space<vmem>>
      %dma_start3A_156 = arith.constant 0 : i32
      %dma_start3A_157 = tpu.memref_slice %arg9[%dma_start3A_152, %dma_start3A_156] : memref<8x128xi32, #tpu.memory_space<vmem>> -> memref<1x128xi32, #tpu.memory_space<vmem>>
      %dma_start3A_158 = tpu.memref_squeeze %dma_start3A_157 : memref<1x128xi32, #tpu.memory_space<vmem>> -> memref<128xi32, #tpu.memory_space<vmem>>
      %dma_start3A_159 = arith.constant 0 : i32
      %dma_start3A_160 = tpu.memref_slice %arg16[%dma_start3A_159] : memref<768xf32, #tpu.memory_space<vmem_shared>> -> memref<768xf32, #tpu.memory_space<vmem_shared>>
      tpu.enqueue_indirect_dma source(%dma_start3A_155 : memref<128xf32, #tpu.memory_space<vmem>>) target(%dma_start3A_160 : memref<768xf32, #tpu.memory_space<vmem_shared>>) offsets(%dma_start3A_158 : memref<128xi32, #tpu.memory_space<vmem>>) semaphore(%arg17 : memref<!tpu.dma_semaphore, #tpu.memory_space<semaphore_mem>>) {add = true}
      %dma_start3A_161 = arith.constant 0 : i32
      %dma_start3A_162 = arith.constant 3 : i32
      %dma_start3A_163 = arith.constant 3 : i32
      %dma_start3A_164 = arith.constant 0 : i32
      %dma_start3A_165 = tpu.memref_slice %arg10[%dma_start3A_161, %dma_start3A_162, %dma_start3A_164] : memref<4x8x128xf32, #tpu.memory_space<vmem>> -> memref<1x1x128xf32, #tpu.memory_space<vmem>>
      %dma_start3A_166 = tpu.memref_squeeze %dma_start3A_165 : memref<1x1x128xf32, #tpu.memory_space<vmem>> -> memref<128xf32, #tpu.memory_space<vmem>>
      %dma_start3A_167 = arith.constant 0 : i32
      %dma_start3A_168 = tpu.memref_slice %arg9[%dma_start3A_163, %dma_start3A_167] : memref<8x128xi32, #tpu.memory_space<vmem>> -> memref<1x128xi32, #tpu.memory_space<vmem>>
      %dma_start3A_169 = tpu.memref_squeeze %dma_start3A_168 : memref<1x128xi32, #tpu.memory_space<vmem>> -> memref<128xi32, #tpu.memory_space<vmem>>
      %dma_start3A_170 = arith.constant 0 : i32
      %dma_start3A_171 = tpu.memref_slice %arg13[%dma_start3A_170] : memref<768xf32, #tpu.memory_space<vmem_shared>> -> memref<768xf32, #tpu.memory_space<vmem_shared>>
      tpu.enqueue_indirect_dma source(%dma_start3A_166 : memref<128xf32, #tpu.memory_space<vmem>>) target(%dma_start3A_171 : memref<768xf32, #tpu.memory_space<vmem_shared>>) offsets(%dma_start3A_169 : memref<128xi32, #tpu.memory_space<vmem>>) semaphore(%arg17 : memref<!tpu.dma_semaphore, #tpu.memory_space<semaphore_mem>>) {add = true}
      %dma_start3A_172 = arith.constant 1 : i32
      %dma_start3A_173 = arith.constant 3 : i32
      %dma_start3A_174 = arith.constant 3 : i32
      %dma_start3A_175 = arith.constant 0 : i32
      %dma_start3A_176 = tpu.memref_slice %arg10[%dma_start3A_172, %dma_start3A_173, %dma_start3A_175] : memref<4x8x128xf32, #tpu.memory_space<vmem>> -> memref<1x1x128xf32, #tpu.memory_space<vmem>>
      %dma_start3A_177 = tpu.memref_squeeze %dma_start3A_176 : memref<1x1x128xf32, #tpu.memory_space<vmem>> -> memref<128xf32, #tpu.memory_space<vmem>>
      %dma_start3A_178 = arith.constant 0 : i32
      %dma_start3A_179 = tpu.memref_slice %arg9[%dma_start3A_174, %dma_start3A_178] : memref<8x128xi32, #tpu.memory_space<vmem>> -> memref<1x128xi32, #tpu.memory_space<vmem>>
      %dma_start3A_180 = tpu.memref_squeeze %dma_start3A_179 : memref<1x128xi32, #tpu.memory_space<vmem>> -> memref<128xi32, #tpu.memory_space<vmem>>
      %dma_start3A_181 = arith.constant 0 : i32
      %dma_start3A_182 = tpu.memref_slice %arg14[%dma_start3A_181] : memref<768xf32, #tpu.memory_space<vmem_shared>> -> memref<768xf32, #tpu.memory_space<vmem_shared>>
      tpu.enqueue_indirect_dma source(%dma_start3A_177 : memref<128xf32, #tpu.memory_space<vmem>>) target(%dma_start3A_182 : memref<768xf32, #tpu.memory_space<vmem_shared>>) offsets(%dma_start3A_180 : memref<128xi32, #tpu.memory_space<vmem>>) semaphore(%arg17 : memref<!tpu.dma_semaphore, #tpu.memory_space<semaphore_mem>>) {add = true}
      %dma_start3A_183 = arith.constant 2 : i32
      %dma_start3A_184 = arith.constant 3 : i32
      %dma_start3A_185 = arith.constant 3 : i32
      %dma_start3A_186 = arith.constant 0 : i32
      %dma_start3A_187 = tpu.memref_slice %arg10[%dma_start3A_183, %dma_start3A_184, %dma_start3A_186] : memref<4x8x128xf32, #tpu.memory_space<vmem>> -> memref<1x1x128xf32, #tpu.memory_space<vmem>>
      %dma_start3A_188 = tpu.memref_squeeze %dma_start3A_187 : memref<1x1x128xf32, #tpu.memory_space<vmem>> -> memref<128xf32, #tpu.memory_space<vmem>>
      %dma_start3A_189 = arith.constant 0 : i32
      %dma_start3A_190 = tpu.memref_slice %arg9[%dma_start3A_185, %dma_start3A_189] : memref<8x128xi32, #tpu.memory_space<vmem>> -> memref<1x128xi32, #tpu.memory_space<vmem>>
      %dma_start3A_191 = tpu.memref_squeeze %dma_start3A_190 : memref<1x128xi32, #tpu.memory_space<vmem>> -> memref<128xi32, #tpu.memory_space<vmem>>
      %dma_start3A_192 = arith.constant 0 : i32
      %dma_start3A_193 = tpu.memref_slice %arg15[%dma_start3A_192] : memref<768xf32, #tpu.memory_space<vmem_shared>> -> memref<768xf32, #tpu.memory_space<vmem_shared>>
      tpu.enqueue_indirect_dma source(%dma_start3A_188 : memref<128xf32, #tpu.memory_space<vmem>>) target(%dma_start3A_193 : memref<768xf32, #tpu.memory_space<vmem_shared>>) offsets(%dma_start3A_191 : memref<128xi32, #tpu.memory_space<vmem>>) semaphore(%arg17 : memref<!tpu.dma_semaphore, #tpu.memory_space<semaphore_mem>>) {add = true}
      %dma_start3A_194 = arith.constant 3 : i32
      %dma_start3A_195 = arith.constant 3 : i32
      %dma_start3A_196 = arith.constant 3 : i32
      %dma_start3A_197 = arith.constant 0 : i32
      %dma_start3A_198 = tpu.memref_slice %arg10[%dma_start3A_194, %dma_start3A_195, %dma_start3A_197] : memref<4x8x128xf32, #tpu.memory_space<vmem>> -> memref<1x1x128xf32, #tpu.memory_space<vmem>>
      %dma_start3A_199 = tpu.memref_squeeze %dma_start3A_198 : memref<1x1x128xf32, #tpu.memory_space<vmem>> -> memref<128xf32, #tpu.memory_space<vmem>>
      %dma_start3A_200 = arith.constant 0 : i32
      %dma_start3A_201 = tpu.memref_slice %arg9[%dma_start3A_196, %dma_start3A_200] : memref<8x128xi32, #tpu.memory_space<vmem>> -> memref<1x128xi32, #tpu.memory_space<vmem>>
      %dma_start3A_202 = tpu.memref_squeeze %dma_start3A_201 : memref<1x128xi32, #tpu.memory_space<vmem>> -> memref<128xi32, #tpu.memory_space<vmem>>
      %dma_start3A_203 = arith.constant 0 : i32
      %dma_start3A_204 = tpu.memref_slice %arg16[%dma_start3A_203] : memref<768xf32, #tpu.memory_space<vmem_shared>> -> memref<768xf32, #tpu.memory_space<vmem_shared>>
      tpu.enqueue_indirect_dma source(%dma_start3A_199 : memref<128xf32, #tpu.memory_space<vmem>>) target(%dma_start3A_204 : memref<768xf32, #tpu.memory_space<vmem_shared>>) offsets(%dma_start3A_202 : memref<128xi32, #tpu.memory_space<vmem>>) semaphore(%arg17 : memref<!tpu.dma_semaphore, #tpu.memory_space<semaphore_mem>>) {add = true}
      %dma_start3A_205 = arith.constant 0 : i32
      %dma_start3A_206 = arith.constant 4 : i32
      %dma_start3A_207 = arith.constant 4 : i32
      %dma_start3A_208 = arith.constant 0 : i32
      %dma_start3A_209 = tpu.memref_slice %arg10[%dma_start3A_205, %dma_start3A_206, %dma_start3A_208] : memref<4x8x128xf32, #tpu.memory_space<vmem>> -> memref<1x1x128xf32, #tpu.memory_space<vmem>>
      %dma_start3A_210 = tpu.memref_squeeze %dma_start3A_209 : memref<1x1x128xf32, #tpu.memory_space<vmem>> -> memref<128xf32, #tpu.memory_space<vmem>>
      %dma_start3A_211 = arith.constant 0 : i32
      %dma_start3A_212 = tpu.memref_slice %arg9[%dma_start3A_207, %dma_start3A_211] : memref<8x128xi32, #tpu.memory_space<vmem>> -> memref<1x128xi32, #tpu.memory_space<vmem>>
      %dma_start3A_213 = tpu.memref_squeeze %dma_start3A_212 : memref<1x128xi32, #tpu.memory_space<vmem>> -> memref<128xi32, #tpu.memory_space<vmem>>
      %dma_start3A_214 = arith.constant 0 : i32
      %dma_start3A_215 = tpu.memref_slice %arg13[%dma_start3A_214] : memref<768xf32, #tpu.memory_space<vmem_shared>> -> memref<768xf32, #tpu.memory_space<vmem_shared>>
      tpu.enqueue_indirect_dma source(%dma_start3A_210 : memref<128xf32, #tpu.memory_space<vmem>>) target(%dma_start3A_215 : memref<768xf32, #tpu.memory_space<vmem_shared>>) offsets(%dma_start3A_213 : memref<128xi32, #tpu.memory_space<vmem>>) semaphore(%arg17 : memref<!tpu.dma_semaphore, #tpu.memory_space<semaphore_mem>>) {add = true}
      %dma_start3A_216 = arith.constant 1 : i32
      %dma_start3A_217 = arith.constant 4 : i32
      %dma_start3A_218 = arith.constant 4 : i32
      %dma_start3A_219 = arith.constant 0 : i32
      %dma_start3A_220 = tpu.memref_slice %arg10[%dma_start3A_216, %dma_start3A_217, %dma_start3A_219] : memref<4x8x128xf32, #tpu.memory_space<vmem>> -> memref<1x1x128xf32, #tpu.memory_space<vmem>>
      %dma_start3A_221 = tpu.memref_squeeze %dma_start3A_220 : memref<1x1x128xf32, #tpu.memory_space<vmem>> -> memref<128xf32, #tpu.memory_space<vmem>>
      %dma_start3A_222 = arith.constant 0 : i32
      %dma_start3A_223 = tpu.memref_slice %arg9[%dma_start3A_218, %dma_start3A_222] : memref<8x128xi32, #tpu.memory_space<vmem>> -> memref<1x128xi32, #tpu.memory_space<vmem>>
      %dma_start3A_224 = tpu.memref_squeeze %dma_start3A_223 : memref<1x128xi32, #tpu.memory_space<vmem>> -> memref<128xi32, #tpu.memory_space<vmem>>
      %dma_start3A_225 = arith.constant 0 : i32
      %dma_start3A_226 = tpu.memref_slice %arg14[%dma_start3A_225] : memref<768xf32, #tpu.memory_space<vmem_shared>> -> memref<768xf32, #tpu.memory_space<vmem_shared>>
      tpu.enqueue_indirect_dma source(%dma_start3A_221 : memref<128xf32, #tpu.memory_space<vmem>>) target(%dma_start3A_226 : memref<768xf32, #tpu.memory_space<vmem_shared>>) offsets(%dma_start3A_224 : memref<128xi32, #tpu.memory_space<vmem>>) semaphore(%arg17 : memref<!tpu.dma_semaphore, #tpu.memory_space<semaphore_mem>>) {add = true}
      %dma_start3A_227 = arith.constant 2 : i32
      %dma_start3A_228 = arith.constant 4 : i32
      %dma_start3A_229 = arith.constant 4 : i32
      %dma_start3A_230 = arith.constant 0 : i32
      %dma_start3A_231 = tpu.memref_slice %arg10[%dma_start3A_227, %dma_start3A_228, %dma_start3A_230] : memref<4x8x128xf32, #tpu.memory_space<vmem>> -> memref<1x1x128xf32, #tpu.memory_space<vmem>>
      %dma_start3A_232 = tpu.memref_squeeze %dma_start3A_231 : memref<1x1x128xf32, #tpu.memory_space<vmem>> -> memref<128xf32, #tpu.memory_space<vmem>>
      %dma_start3A_233 = arith.constant 0 : i32
      %dma_start3A_234 = tpu.memref_slice %arg9[%dma_start3A_229, %dma_start3A_233] : memref<8x128xi32, #tpu.memory_space<vmem>> -> memref<1x128xi32, #tpu.memory_space<vmem>>
      %dma_start3A_235 = tpu.memref_squeeze %dma_start3A_234 : memref<1x128xi32, #tpu.memory_space<vmem>> -> memref<128xi32, #tpu.memory_space<vmem>>
      %dma_start3A_236 = arith.constant 0 : i32
      %dma_start3A_237 = tpu.memref_slice %arg15[%dma_start3A_236] : memref<768xf32, #tpu.memory_space<vmem_shared>> -> memref<768xf32, #tpu.memory_space<vmem_shared>>
      tpu.enqueue_indirect_dma source(%dma_start3A_232 : memref<128xf32, #tpu.memory_space<vmem>>) target(%dma_start3A_237 : memref<768xf32, #tpu.memory_space<vmem_shared>>) offsets(%dma_start3A_235 : memref<128xi32, #tpu.memory_space<vmem>>) semaphore(%arg17 : memref<!tpu.dma_semaphore, #tpu.memory_space<semaphore_mem>>) {add = true}
      %dma_start3A_238 = arith.constant 3 : i32
      %dma_start3A_239 = arith.constant 4 : i32
      %dma_start3A_240 = arith.constant 4 : i32
      %dma_start3A_241 = arith.constant 0 : i32
      %dma_start3A_242 = tpu.memref_slice %arg10[%dma_start3A_238, %dma_start3A_239, %dma_start3A_241] : memref<4x8x128xf32, #tpu.memory_space<vmem>> -> memref<1x1x128xf32, #tpu.memory_space<vmem>>
      %dma_start3A_243 = tpu.memref_squeeze %dma_start3A_242 : memref<1x1x128xf32, #tpu.memory_space<vmem>> -> memref<128xf32, #tpu.memory_space<vmem>>
      %dma_start3A_244 = arith.constant 0 : i32
      %dma_start3A_245 = tpu.memref_slice %arg9[%dma_start3A_240, %dma_start3A_244] : memref<8x128xi32, #tpu.memory_space<vmem>> -> memref<1x128xi32, #tpu.memory_space<vmem>>
      %dma_start3A_246 = tpu.memref_squeeze %dma_start3A_245 : memref<1x128xi32, #tpu.memory_space<vmem>> -> memref<128xi32, #tpu.memory_space<vmem>>
      %dma_start3A_247 = arith.constant 0 : i32
      %dma_start3A_248 = tpu.memref_slice %arg16[%dma_start3A_247] : memref<768xf32, #tpu.memory_space<vmem_shared>> -> memref<768xf32, #tpu.memory_space<vmem_shared>>
      tpu.enqueue_indirect_dma source(%dma_start3A_243 : memref<128xf32, #tpu.memory_space<vmem>>) target(%dma_start3A_248 : memref<768xf32, #tpu.memory_space<vmem_shared>>) offsets(%dma_start3A_246 : memref<128xi32, #tpu.memory_space<vmem>>) semaphore(%arg17 : memref<!tpu.dma_semaphore, #tpu.memory_space<semaphore_mem>>) {add = true}
      %dma_start3A_249 = arith.constant 0 : i32
      %dma_start3A_250 = arith.constant 5 : i32
      %dma_start3A_251 = arith.constant 5 : i32
      %dma_start3A_252 = arith.constant 0 : i32
      %dma_start3A_253 = tpu.memref_slice %arg10[%dma_start3A_249, %dma_start3A_250, %dma_start3A_252] : memref<4x8x128xf32, #tpu.memory_space<vmem>> -> memref<1x1x128xf32, #tpu.memory_space<vmem>>
      %dma_start3A_254 = tpu.memref_squeeze %dma_start3A_253 : memref<1x1x128xf32, #tpu.memory_space<vmem>> -> memref<128xf32, #tpu.memory_space<vmem>>
      %dma_start3A_255 = arith.constant 0 : i32
      %dma_start3A_256 = tpu.memref_slice %arg9[%dma_start3A_251, %dma_start3A_255] : memref<8x128xi32, #tpu.memory_space<vmem>> -> memref<1x128xi32, #tpu.memory_space<vmem>>
      %dma_start3A_257 = tpu.memref_squeeze %dma_start3A_256 : memref<1x128xi32, #tpu.memory_space<vmem>> -> memref<128xi32, #tpu.memory_space<vmem>>
      %dma_start3A_258 = arith.constant 0 : i32
      %dma_start3A_259 = tpu.memref_slice %arg13[%dma_start3A_258] : memref<768xf32, #tpu.memory_space<vmem_shared>> -> memref<768xf32, #tpu.memory_space<vmem_shared>>
      tpu.enqueue_indirect_dma source(%dma_start3A_254 : memref<128xf32, #tpu.memory_space<vmem>>) target(%dma_start3A_259 : memref<768xf32, #tpu.memory_space<vmem_shared>>) offsets(%dma_start3A_257 : memref<128xi32, #tpu.memory_space<vmem>>) semaphore(%arg17 : memref<!tpu.dma_semaphore, #tpu.memory_space<semaphore_mem>>) {add = true}
      %dma_start3A_260 = arith.constant 1 : i32
      %dma_start3A_261 = arith.constant 5 : i32
      %dma_start3A_262 = arith.constant 5 : i32
      %dma_start3A_263 = arith.constant 0 : i32
      %dma_start3A_264 = tpu.memref_slice %arg10[%dma_start3A_260, %dma_start3A_261, %dma_start3A_263] : memref<4x8x128xf32, #tpu.memory_space<vmem>> -> memref<1x1x128xf32, #tpu.memory_space<vmem>>
      %dma_start3A_265 = tpu.memref_squeeze %dma_start3A_264 : memref<1x1x128xf32, #tpu.memory_space<vmem>> -> memref<128xf32, #tpu.memory_space<vmem>>
      %dma_start3A_266 = arith.constant 0 : i32
      %dma_start3A_267 = tpu.memref_slice %arg9[%dma_start3A_262, %dma_start3A_266] : memref<8x128xi32, #tpu.memory_space<vmem>> -> memref<1x128xi32, #tpu.memory_space<vmem>>
      %dma_start3A_268 = tpu.memref_squeeze %dma_start3A_267 : memref<1x128xi32, #tpu.memory_space<vmem>> -> memref<128xi32, #tpu.memory_space<vmem>>
      %dma_start3A_269 = arith.constant 0 : i32
      %dma_start3A_270 = tpu.memref_slice %arg14[%dma_start3A_269] : memref<768xf32, #tpu.memory_space<vmem_shared>> -> memref<768xf32, #tpu.memory_space<vmem_shared>>
      tpu.enqueue_indirect_dma source(%dma_start3A_265 : memref<128xf32, #tpu.memory_space<vmem>>) target(%dma_start3A_270 : memref<768xf32, #tpu.memory_space<vmem_shared>>) offsets(%dma_start3A_268 : memref<128xi32, #tpu.memory_space<vmem>>) semaphore(%arg17 : memref<!tpu.dma_semaphore, #tpu.memory_space<semaphore_mem>>) {add = true}
      %dma_start3A_271 = arith.constant 2 : i32
      %dma_start3A_272 = arith.constant 5 : i32
      %dma_start3A_273 = arith.constant 5 : i32
      %dma_start3A_274 = arith.constant 0 : i32
      %dma_start3A_275 = tpu.memref_slice %arg10[%dma_start3A_271, %dma_start3A_272, %dma_start3A_274] : memref<4x8x128xf32, #tpu.memory_space<vmem>> -> memref<1x1x128xf32, #tpu.memory_space<vmem>>
      %dma_start3A_276 = tpu.memref_squeeze %dma_start3A_275 : memref<1x1x128xf32, #tpu.memory_space<vmem>> -> memref<128xf32, #tpu.memory_space<vmem>>
      %dma_start3A_277 = arith.constant 0 : i32
      %dma_start3A_278 = tpu.memref_slice %arg9[%dma_start3A_273, %dma_start3A_277] : memref<8x128xi32, #tpu.memory_space<vmem>> -> memref<1x128xi32, #tpu.memory_space<vmem>>
      %dma_start3A_279 = tpu.memref_squeeze %dma_start3A_278 : memref<1x128xi32, #tpu.memory_space<vmem>> -> memref<128xi32, #tpu.memory_space<vmem>>
      %dma_start3A_280 = arith.constant 0 : i32
      %dma_start3A_281 = tpu.memref_slice %arg15[%dma_start3A_280] : memref<768xf32, #tpu.memory_space<vmem_shared>> -> memref<768xf32, #tpu.memory_space<vmem_shared>>
      tpu.enqueue_indirect_dma source(%dma_start3A_276 : memref<128xf32, #tpu.memory_space<vmem>>) target(%dma_start3A_281 : memref<768xf32, #tpu.memory_space<vmem_shared>>) offsets(%dma_start3A_279 : memref<128xi32, #tpu.memory_space<vmem>>) semaphore(%arg17 : memref<!tpu.dma_semaphore, #tpu.memory_space<semaphore_mem>>) {add = true}
      %dma_start3A_282 = arith.constant 3 : i32
      %dma_start3A_283 = arith.constant 5 : i32
      %dma_start3A_284 = arith.constant 5 : i32
      %dma_start3A_285 = arith.constant 0 : i32
      %dma_start3A_286 = tpu.memref_slice %arg10[%dma_start3A_282, %dma_start3A_283, %dma_start3A_285] : memref<4x8x128xf32, #tpu.memory_space<vmem>> -> memref<1x1x128xf32, #tpu.memory_space<vmem>>
      %dma_start3A_287 = tpu.memref_squeeze %dma_start3A_286 : memref<1x1x128xf32, #tpu.memory_space<vmem>> -> memref<128xf32, #tpu.memory_space<vmem>>
      %dma_start3A_288 = arith.constant 0 : i32
      %dma_start3A_289 = tpu.memref_slice %arg9[%dma_start3A_284, %dma_start3A_288] : memref<8x128xi32, #tpu.memory_space<vmem>> -> memref<1x128xi32, #tpu.memory_space<vmem>>
      %dma_start3A_290 = tpu.memref_squeeze %dma_start3A_289 : memref<1x128xi32, #tpu.memory_space<vmem>> -> memref<128xi32, #tpu.memory_space<vmem>>
      %dma_start3A_291 = arith.constant 0 : i32
      %dma_start3A_292 = tpu.memref_slice %arg16[%dma_start3A_291] : memref<768xf32, #tpu.memory_space<vmem_shared>> -> memref<768xf32, #tpu.memory_space<vmem_shared>>
      tpu.enqueue_indirect_dma source(%dma_start3A_287 : memref<128xf32, #tpu.memory_space<vmem>>) target(%dma_start3A_292 : memref<768xf32, #tpu.memory_space<vmem_shared>>) offsets(%dma_start3A_290 : memref<128xi32, #tpu.memory_space<vmem>>) semaphore(%arg17 : memref<!tpu.dma_semaphore, #tpu.memory_space<semaphore_mem>>) {add = true}
      %dma_start3A_293 = arith.constant 0 : i32
      %dma_start3A_294 = arith.constant 6 : i32
      %dma_start3A_295 = arith.constant 6 : i32
      %dma_start3A_296 = arith.constant 0 : i32
      %dma_start3A_297 = tpu.memref_slice %arg10[%dma_start3A_293, %dma_start3A_294, %dma_start3A_296] : memref<4x8x128xf32, #tpu.memory_space<vmem>> -> memref<1x1x128xf32, #tpu.memory_space<vmem>>
      %dma_start3A_298 = tpu.memref_squeeze %dma_start3A_297 : memref<1x1x128xf32, #tpu.memory_space<vmem>> -> memref<128xf32, #tpu.memory_space<vmem>>
      %dma_start3A_299 = arith.constant 0 : i32
      %dma_start3A_300 = tpu.memref_slice %arg9[%dma_start3A_295, %dma_start3A_299] : memref<8x128xi32, #tpu.memory_space<vmem>> -> memref<1x128xi32, #tpu.memory_space<vmem>>
      %dma_start3A_301 = tpu.memref_squeeze %dma_start3A_300 : memref<1x128xi32, #tpu.memory_space<vmem>> -> memref<128xi32, #tpu.memory_space<vmem>>
      %dma_start3A_302 = arith.constant 0 : i32
      %dma_start3A_303 = tpu.memref_slice %arg13[%dma_start3A_302] : memref<768xf32, #tpu.memory_space<vmem_shared>> -> memref<768xf32, #tpu.memory_space<vmem_shared>>
      tpu.enqueue_indirect_dma source(%dma_start3A_298 : memref<128xf32, #tpu.memory_space<vmem>>) target(%dma_start3A_303 : memref<768xf32, #tpu.memory_space<vmem_shared>>) offsets(%dma_start3A_301 : memref<128xi32, #tpu.memory_space<vmem>>) semaphore(%arg17 : memref<!tpu.dma_semaphore, #tpu.memory_space<semaphore_mem>>) {add = true}
      %dma_start3A_304 = arith.constant 1 : i32
      %dma_start3A_305 = arith.constant 6 : i32
      %dma_start3A_306 = arith.constant 6 : i32
      %dma_start3A_307 = arith.constant 0 : i32
      %dma_start3A_308 = tpu.memref_slice %arg10[%dma_start3A_304, %dma_start3A_305, %dma_start3A_307] : memref<4x8x128xf32, #tpu.memory_space<vmem>> -> memref<1x1x128xf32, #tpu.memory_space<vmem>>
      %dma_start3A_309 = tpu.memref_squeeze %dma_start3A_308 : memref<1x1x128xf32, #tpu.memory_space<vmem>> -> memref<128xf32, #tpu.memory_space<vmem>>
      %dma_start3A_310 = arith.constant 0 : i32
      %dma_start3A_311 = tpu.memref_slice %arg9[%dma_start3A_306, %dma_start3A_310] : memref<8x128xi32, #tpu.memory_space<vmem>> -> memref<1x128xi32, #tpu.memory_space<vmem>>
      %dma_start3A_312 = tpu.memref_squeeze %dma_start3A_311 : memref<1x128xi32, #tpu.memory_space<vmem>> -> memref<128xi32, #tpu.memory_space<vmem>>
      %dma_start3A_313 = arith.constant 0 : i32
      %dma_start3A_314 = tpu.memref_slice %arg14[%dma_start3A_313] : memref<768xf32, #tpu.memory_space<vmem_shared>> -> memref<768xf32, #tpu.memory_space<vmem_shared>>
      tpu.enqueue_indirect_dma source(%dma_start3A_309 : memref<128xf32, #tpu.memory_space<vmem>>) target(%dma_start3A_314 : memref<768xf32, #tpu.memory_space<vmem_shared>>) offsets(%dma_start3A_312 : memref<128xi32, #tpu.memory_space<vmem>>) semaphore(%arg17 : memref<!tpu.dma_semaphore, #tpu.memory_space<semaphore_mem>>) {add = true}
      %dma_start3A_315 = arith.constant 2 : i32
      %dma_start3A_316 = arith.constant 6 : i32
      %dma_start3A_317 = arith.constant 6 : i32
      %dma_start3A_318 = arith.constant 0 : i32
      %dma_start3A_319 = tpu.memref_slice %arg10[%dma_start3A_315, %dma_start3A_316, %dma_start3A_318] : memref<4x8x128xf32, #tpu.memory_space<vmem>> -> memref<1x1x128xf32, #tpu.memory_space<vmem>>
      %dma_start3A_320 = tpu.memref_squeeze %dma_start3A_319 : memref<1x1x128xf32, #tpu.memory_space<vmem>> -> memref<128xf32, #tpu.memory_space<vmem>>
      %dma_start3A_321 = arith.constant 0 : i32
      %dma_start3A_322 = tpu.memref_slice %arg9[%dma_start3A_317, %dma_start3A_321] : memref<8x128xi32, #tpu.memory_space<vmem>> -> memref<1x128xi32, #tpu.memory_space<vmem>>
      %dma_start3A_323 = tpu.memref_squeeze %dma_start3A_322 : memref<1x128xi32, #tpu.memory_space<vmem>> -> memref<128xi32, #tpu.memory_space<vmem>>
      %dma_start3A_324 = arith.constant 0 : i32
      %dma_start3A_325 = tpu.memref_slice %arg15[%dma_start3A_324] : memref<768xf32, #tpu.memory_space<vmem_shared>> -> memref<768xf32, #tpu.memory_space<vmem_shared>>
      tpu.enqueue_indirect_dma source(%dma_start3A_320 : memref<128xf32, #tpu.memory_space<vmem>>) target(%dma_start3A_325 : memref<768xf32, #tpu.memory_space<vmem_shared>>) offsets(%dma_start3A_323 : memref<128xi32, #tpu.memory_space<vmem>>) semaphore(%arg17 : memref<!tpu.dma_semaphore, #tpu.memory_space<semaphore_mem>>) {add = true}
      %dma_start3A_326 = arith.constant 3 : i32
      %dma_start3A_327 = arith.constant 6 : i32
      %dma_start3A_328 = arith.constant 6 : i32
      %dma_start3A_329 = arith.constant 0 : i32
      %dma_start3A_330 = tpu.memref_slice %arg10[%dma_start3A_326, %dma_start3A_327, %dma_start3A_329] : memref<4x8x128xf32, #tpu.memory_space<vmem>> -> memref<1x1x128xf32, #tpu.memory_space<vmem>>
      %dma_start3A_331 = tpu.memref_squeeze %dma_start3A_330 : memref<1x1x128xf32, #tpu.memory_space<vmem>> -> memref<128xf32, #tpu.memory_space<vmem>>
      %dma_start3A_332 = arith.constant 0 : i32
      %dma_start3A_333 = tpu.memref_slice %arg9[%dma_start3A_328, %dma_start3A_332] : memref<8x128xi32, #tpu.memory_space<vmem>> -> memref<1x128xi32, #tpu.memory_space<vmem>>
      %dma_start3A_334 = tpu.memref_squeeze %dma_start3A_333 : memref<1x128xi32, #tpu.memory_space<vmem>> -> memref<128xi32, #tpu.memory_space<vmem>>
      %dma_start3A_335 = arith.constant 0 : i32
      %dma_start3A_336 = tpu.memref_slice %arg16[%dma_start3A_335] : memref<768xf32, #tpu.memory_space<vmem_shared>> -> memref<768xf32, #tpu.memory_space<vmem_shared>>
      tpu.enqueue_indirect_dma source(%dma_start3A_331 : memref<128xf32, #tpu.memory_space<vmem>>) target(%dma_start3A_336 : memref<768xf32, #tpu.memory_space<vmem_shared>>) offsets(%dma_start3A_334 : memref<128xi32, #tpu.memory_space<vmem>>) semaphore(%arg17 : memref<!tpu.dma_semaphore, #tpu.memory_space<semaphore_mem>>) {add = true}
      %dma_start3A_337 = arith.constant 0 : i32
      %dma_start3A_338 = arith.constant 7 : i32
      %dma_start3A_339 = arith.constant 7 : i32
      %dma_start3A_340 = arith.constant 0 : i32
      %dma_start3A_341 = tpu.memref_slice %arg10[%dma_start3A_337, %dma_start3A_338, %dma_start3A_340] : memref<4x8x128xf32, #tpu.memory_space<vmem>> -> memref<1x1x128xf32, #tpu.memory_space<vmem>>
      %dma_start3A_342 = tpu.memref_squeeze %dma_start3A_341 : memref<1x1x128xf32, #tpu.memory_space<vmem>> -> memref<128xf32, #tpu.memory_space<vmem>>
      %dma_start3A_343 = arith.constant 0 : i32
      %dma_start3A_344 = tpu.memref_slice %arg9[%dma_start3A_339, %dma_start3A_343] : memref<8x128xi32, #tpu.memory_space<vmem>> -> memref<1x128xi32, #tpu.memory_space<vmem>>
      %dma_start3A_345 = tpu.memref_squeeze %dma_start3A_344 : memref<1x128xi32, #tpu.memory_space<vmem>> -> memref<128xi32, #tpu.memory_space<vmem>>
      %dma_start3A_346 = arith.constant 0 : i32
      %dma_start3A_347 = tpu.memref_slice %arg13[%dma_start3A_346] : memref<768xf32, #tpu.memory_space<vmem_shared>> -> memref<768xf32, #tpu.memory_space<vmem_shared>>
      tpu.enqueue_indirect_dma source(%dma_start3A_342 : memref<128xf32, #tpu.memory_space<vmem>>) target(%dma_start3A_347 : memref<768xf32, #tpu.memory_space<vmem_shared>>) offsets(%dma_start3A_345 : memref<128xi32, #tpu.memory_space<vmem>>) semaphore(%arg17 : memref<!tpu.dma_semaphore, #tpu.memory_space<semaphore_mem>>) {add = true}
      %dma_start3A_348 = arith.constant 1 : i32
      %dma_start3A_349 = arith.constant 7 : i32
      %dma_start3A_350 = arith.constant 7 : i32
      %dma_start3A_351 = arith.constant 0 : i32
      %dma_start3A_352 = tpu.memref_slice %arg10[%dma_start3A_348, %dma_start3A_349, %dma_start3A_351] : memref<4x8x128xf32, #tpu.memory_space<vmem>> -> memref<1x1x128xf32, #tpu.memory_space<vmem>>
      %dma_start3A_353 = tpu.memref_squeeze %dma_start3A_352 : memref<1x1x128xf32, #tpu.memory_space<vmem>> -> memref<128xf32, #tpu.memory_space<vmem>>
      %dma_start3A_354 = arith.constant 0 : i32
      %dma_start3A_355 = tpu.memref_slice %arg9[%dma_start3A_350, %dma_start3A_354] : memref<8x128xi32, #tpu.memory_space<vmem>> -> memref<1x128xi32, #tpu.memory_space<vmem>>
      %dma_start3A_356 = tpu.memref_squeeze %dma_start3A_355 : memref<1x128xi32, #tpu.memory_space<vmem>> -> memref<128xi32, #tpu.memory_space<vmem>>
      %dma_start3A_357 = arith.constant 0 : i32
      %dma_start3A_358 = tpu.memref_slice %arg14[%dma_start3A_357] : memref<768xf32, #tpu.memory_space<vmem_shared>> -> memref<768xf32, #tpu.memory_space<vmem_shared>>
      tpu.enqueue_indirect_dma source(%dma_start3A_353 : memref<128xf32, #tpu.memory_space<vmem>>) target(%dma_start3A_358 : memref<768xf32, #tpu.memory_space<vmem_shared>>) offsets(%dma_start3A_356 : memref<128xi32, #tpu.memory_space<vmem>>) semaphore(%arg17 : memref<!tpu.dma_semaphore, #tpu.memory_space<semaphore_mem>>) {add = true}
      %dma_start3A_359 = arith.constant 2 : i32
      %dma_start3A_360 = arith.constant 7 : i32
      %dma_start3A_361 = arith.constant 7 : i32
      %dma_start3A_362 = arith.constant 0 : i32
      %dma_start3A_363 = tpu.memref_slice %arg10[%dma_start3A_359, %dma_start3A_360, %dma_start3A_362] : memref<4x8x128xf32, #tpu.memory_space<vmem>> -> memref<1x1x128xf32, #tpu.memory_space<vmem>>
      %dma_start3A_364 = tpu.memref_squeeze %dma_start3A_363 : memref<1x1x128xf32, #tpu.memory_space<vmem>> -> memref<128xf32, #tpu.memory_space<vmem>>
      %dma_start3A_365 = arith.constant 0 : i32
      %dma_start3A_366 = tpu.memref_slice %arg9[%dma_start3A_361, %dma_start3A_365] : memref<8x128xi32, #tpu.memory_space<vmem>> -> memref<1x128xi32, #tpu.memory_space<vmem>>
      %dma_start3A_367 = tpu.memref_squeeze %dma_start3A_366 : memref<1x128xi32, #tpu.memory_space<vmem>> -> memref<128xi32, #tpu.memory_space<vmem>>
      %dma_start3A_368 = arith.constant 0 : i32
      %dma_start3A_369 = tpu.memref_slice %arg15[%dma_start3A_368] : memref<768xf32, #tpu.memory_space<vmem_shared>> -> memref<768xf32, #tpu.memory_space<vmem_shared>>
      tpu.enqueue_indirect_dma source(%dma_start3A_364 : memref<128xf32, #tpu.memory_space<vmem>>) target(%dma_start3A_369 : memref<768xf32, #tpu.memory_space<vmem_shared>>) offsets(%dma_start3A_367 : memref<128xi32, #tpu.memory_space<vmem>>) semaphore(%arg17 : memref<!tpu.dma_semaphore, #tpu.memory_space<semaphore_mem>>) {add = true}
      %dma_start3A_370 = arith.constant 3 : i32
      %dma_start3A_371 = arith.constant 7 : i32
      %dma_start3A_372 = arith.constant 7 : i32
      %dma_start3A_373 = arith.constant 0 : i32
      %dma_start3A_374 = tpu.memref_slice %arg10[%dma_start3A_370, %dma_start3A_371, %dma_start3A_373] : memref<4x8x128xf32, #tpu.memory_space<vmem>> -> memref<1x1x128xf32, #tpu.memory_space<vmem>>
      %dma_start3A_375 = tpu.memref_squeeze %dma_start3A_374 : memref<1x1x128xf32, #tpu.memory_space<vmem>> -> memref<128xf32, #tpu.memory_space<vmem>>
      %dma_start3A_376 = arith.constant 0 : i32
      %dma_start3A_377 = tpu.memref_slice %arg9[%dma_start3A_372, %dma_start3A_376] : memref<8x128xi32, #tpu.memory_space<vmem>> -> memref<1x128xi32, #tpu.memory_space<vmem>>
      %dma_start3A_378 = tpu.memref_squeeze %dma_start3A_377 : memref<1x128xi32, #tpu.memory_space<vmem>> -> memref<128xi32, #tpu.memory_space<vmem>>
      %dma_start3A_379 = arith.constant 0 : i32
      %dma_start3A_380 = tpu.memref_slice %arg16[%dma_start3A_379] : memref<768xf32, #tpu.memory_space<vmem_shared>> -> memref<768xf32, #tpu.memory_space<vmem_shared>>
      tpu.enqueue_indirect_dma source(%dma_start3A_375 : memref<128xf32, #tpu.memory_space<vmem>>) target(%dma_start3A_380 : memref<768xf32, #tpu.memory_space<vmem_shared>>) offsets(%dma_start3A_378 : memref<128xi32, #tpu.memory_space<vmem>>) semaphore(%arg17 : memref<!tpu.dma_semaphore, #tpu.memory_space<semaphore_mem>>) {add = true}
      %add3A_381 = arith.constant 0 : i32
      %add3A_382 = arith.addi %add3A_23, %add3A_381 : i32
      %dma_start3A_383 = arith.constant 0 : i32
      %dma_start3A_384 = arith.constant 0 : i32
      %dma_start3A_385 = arith.constant 0 : i32
      %dma_start3A_386 = tpu.memref_slice %arg11[%dma_start3A_383, %dma_start3A_384, %dma_start3A_385] : memref<4x128x128xf32, #tpu.memory_space<vmem>> -> memref<1x128x128xf32, #tpu.memory_space<vmem>>
      %dma_start3A_387 = tpu.memref_squeeze %dma_start3A_386 : memref<1x128x128xf32, #tpu.memory_space<vmem>> -> memref<128x128xf32, #tpu.memory_space<vmem>>
      %dma_start3A_388 = arith.constant 0 : i32
      %dma_start3A_389 = tpu.memref_slice %arg2[%add3A_382, %dma_start3A_388] : memref<163840x128xf32, #tpu.memory_space<hbm>> -> memref<128x128xf32, #tpu.memory_space<hbm>>
      %dma_start3A_390 = arith.constant 0 : i32
      %dma_start3A_391 = arith.constant 0 : i32
      %dma_start3A_392 = tpu.memref_slice %arg11[%dma_start3A_383, %dma_start3A_390, %dma_start3A_391] : memref<4x128x128xf32, #tpu.memory_space<vmem>> -> memref<1x128x128xf32, #tpu.memory_space<vmem>>
      %dma_start3A_393 = tpu.memref_squeeze %dma_start3A_392 : memref<1x128x128xf32, #tpu.memory_space<vmem>> -> memref<128x128xf32, #tpu.memory_space<vmem>>
      %dma_start3A_394 = arith.constant 0 : i32
      %dma_start3A_395 = tpu.memref_slice %arg2[%add3A_382, %dma_start3A_394] : memref<163840x128xf32, #tpu.memory_space<hbm>> -> memref<128x128xf32, #tpu.memory_space<hbm>>
      tpu.enqueue_dma source(%dma_start3A_395 : memref<128x128xf32, #tpu.memory_space<hbm>>) target(%dma_start3A_393 : memref<128x128xf32, #tpu.memory_space<vmem>>) target_semaphore(%arg18 : memref<!tpu.dma_semaphore, #tpu.memory_space<semaphore_mem>>)
      %add3A_396 = arith.constant 128 : i32
      %add3A_397 = arith.addi %add3A_23, %add3A_396 : i32
      %dma_start3A_398 = arith.constant 1 : i32
      %dma_start3A_399 = arith.constant 0 : i32
      %dma_start3A_400 = arith.constant 0 : i32
      %dma_start3A_401 = tpu.memref_slice %arg11[%dma_start3A_398, %dma_start3A_399, %dma_start3A_400] : memref<4x128x128xf32, #tpu.memory_space<vmem>> -> memref<1x128x128xf32, #tpu.memory_space<vmem>>
      %dma_start3A_402 = tpu.memref_squeeze %dma_start3A_401 : memref<1x128x128xf32, #tpu.memory_space<vmem>> -> memref<128x128xf32, #tpu.memory_space<vmem>>
      %dma_start3A_403 = arith.constant 0 : i32
      %dma_start3A_404 = tpu.memref_slice %arg2[%add3A_397, %dma_start3A_403] : memref<163840x128xf32, #tpu.memory_space<hbm>> -> memref<128x128xf32, #tpu.memory_space<hbm>>
      %dma_start3A_405 = arith.constant 0 : i32
      %dma_start3A_406 = arith.constant 0 : i32
      %dma_start3A_407 = tpu.memref_slice %arg11[%dma_start3A_398, %dma_start3A_405, %dma_start3A_406] : memref<4x128x128xf32, #tpu.memory_space<vmem>> -> memref<1x128x128xf32, #tpu.memory_space<vmem>>
      %dma_start3A_408 = tpu.memref_squeeze %dma_start3A_407 : memref<1x128x128xf32, #tpu.memory_space<vmem>> -> memref<128x128xf32, #tpu.memory_space<vmem>>
      %dma_start3A_409 = arith.constant 0 : i32
      %dma_start3A_410 = tpu.memref_slice %arg2[%add3A_397, %dma_start3A_409] : memref<163840x128xf32, #tpu.memory_space<hbm>> -> memref<128x128xf32, #tpu.memory_space<hbm>>
      tpu.enqueue_dma source(%dma_start3A_410 : memref<128x128xf32, #tpu.memory_space<hbm>>) target(%dma_start3A_408 : memref<128x128xf32, #tpu.memory_space<vmem>>) target_semaphore(%arg19 : memref<!tpu.dma_semaphore, #tpu.memory_space<semaphore_mem>>)
      %add3A_411 = arith.constant 256 : i32
      %add3A_412 = arith.addi %add3A_23, %add3A_411 : i32
      %dma_start3A_413 = arith.constant 2 : i32
      %dma_start3A_414 = arith.constant 0 : i32
      %dma_start3A_415 = arith.constant 0 : i32
      %dma_start3A_416 = tpu.memref_slice %arg11[%dma_start3A_413, %dma_start3A_414, %dma_start3A_415] : memref<4x128x128xf32, #tpu.memory_space<vmem>> -> memref<1x128x128xf32, #tpu.memory_space<vmem>>
      %dma_start3A_417 = tpu.memref_squeeze %dma_start3A_416 : memref<1x128x128xf32, #tpu.memory_space<vmem>> -> memref<128x128xf32, #tpu.memory_space<vmem>>
      %dma_start3A_418 = arith.constant 0 : i32
      %dma_start3A_419 = tpu.memref_slice %arg2[%add3A_412, %dma_start3A_418] : memref<163840x128xf32, #tpu.memory_space<hbm>> -> memref<128x128xf32, #tpu.memory_space<hbm>>
      %dma_start3A_420 = arith.constant 0 : i32
      %dma_start3A_421 = arith.constant 0 : i32
      %dma_start3A_422 = tpu.memref_slice %arg11[%dma_start3A_413, %dma_start3A_420, %dma_start3A_421] : memref<4x128x128xf32, #tpu.memory_space<vmem>> -> memref<1x128x128xf32, #tpu.memory_space<vmem>>
      %dma_start3A_423 = tpu.memref_squeeze %dma_start3A_422 : memref<1x128x128xf32, #tpu.memory_space<vmem>> -> memref<128x128xf32, #tpu.memory_space<vmem>>
      %dma_start3A_424 = arith.constant 0 : i32
      %dma_start3A_425 = tpu.memref_slice %arg2[%add3A_412, %dma_start3A_424] : memref<163840x128xf32, #tpu.memory_space<hbm>> -> memref<128x128xf32, #tpu.memory_space<hbm>>
      tpu.enqueue_dma source(%dma_start3A_425 : memref<128x128xf32, #tpu.memory_space<hbm>>) target(%dma_start3A_423 : memref<128x128xf32, #tpu.memory_space<vmem>>) target_semaphore(%arg20 : memref<!tpu.dma_semaphore, #tpu.memory_space<semaphore_mem>>)
      %add3A_426 = arith.constant 384 : i32
      %add3A_427 = arith.addi %add3A_23, %add3A_426 : i32
      %dma_start3A_428 = arith.constant 3 : i32
      %dma_start3A_429 = arith.constant 0 : i32
      %dma_start3A_430 = arith.constant 0 : i32
      %dma_start3A_431 = tpu.memref_slice %arg11[%dma_start3A_428, %dma_start3A_429, %dma_start3A_430] : memref<4x128x128xf32, #tpu.memory_space<vmem>> -> memref<1x128x128xf32, #tpu.memory_space<vmem>>
      %dma_start3A_432 = tpu.memref_squeeze %dma_start3A_431 : memref<1x128x128xf32, #tpu.memory_space<vmem>> -> memref<128x128xf32, #tpu.memory_space<vmem>>
      %dma_start3A_433 = arith.constant 0 : i32
      %dma_start3A_434 = tpu.memref_slice %arg2[%add3A_427, %dma_start3A_433] : memref<163840x128xf32, #tpu.memory_space<hbm>> -> memref<128x128xf32, #tpu.memory_space<hbm>>
      %dma_start3A_435 = arith.constant 0 : i32
      %dma_start3A_436 = arith.constant 0 : i32
      %dma_start3A_437 = tpu.memref_slice %arg11[%dma_start3A_428, %dma_start3A_435, %dma_start3A_436] : memref<4x128x128xf32, #tpu.memory_space<vmem>> -> memref<1x128x128xf32, #tpu.memory_space<vmem>>
      %dma_start3A_438 = tpu.memref_squeeze %dma_start3A_437 : memref<1x128x128xf32, #tpu.memory_space<vmem>> -> memref<128x128xf32, #tpu.memory_space<vmem>>
      %dma_start3A_439 = arith.constant 0 : i32
      %dma_start3A_440 = tpu.memref_slice %arg2[%add3A_427, %dma_start3A_439] : memref<163840x128xf32, #tpu.memory_space<hbm>> -> memref<128x128xf32, #tpu.memory_space<hbm>>
      tpu.enqueue_dma source(%dma_start3A_440 : memref<128x128xf32, #tpu.memory_space<hbm>>) target(%dma_start3A_438 : memref<128x128xf32, #tpu.memory_space<vmem>>) target_semaphore(%arg21 : memref<!tpu.dma_semaphore, #tpu.memory_space<semaphore_mem>>)
      %dma_wait3A = arith.constant 0 : i32
      %dma_wait3A_441 = arith.constant 0 : i32
      %dma_wait3A_442 = arith.constant 0 : i32
      %dma_wait3A_443 = tpu.memref_slice %arg11[%dma_wait3A, %dma_wait3A_441, %dma_wait3A_442] : memref<4x128x128xf32, #tpu.memory_space<vmem>> -> memref<1x128x128xf32, #tpu.memory_space<vmem>>
      %dma_wait3A_444 = tpu.memref_squeeze %dma_wait3A_443 : memref<1x128x128xf32, #tpu.memory_space<vmem>> -> memref<128x128xf32, #tpu.memory_space<vmem>>
      %dma_wait3A_445 = arith.constant 0 : i32
      %dma_wait3A_446 = tpu.memref_slice %arg2[%add3A_382, %dma_wait3A_445] : memref<163840x128xf32, #tpu.memory_space<hbm>> -> memref<128x128xf32, #tpu.memory_space<hbm>>
      %dma_wait3A_447 = arith.constant 0 : i32
      %dma_wait3A_448 = arith.constant 0 : i32
      %dma_wait3A_449 = tpu.memref_slice %arg11[%dma_wait3A, %dma_wait3A_447, %dma_wait3A_448] : memref<4x128x128xf32, #tpu.memory_space<vmem>> -> memref<1x128x128xf32, #tpu.memory_space<vmem>>
      %dma_wait3A_450 = tpu.memref_squeeze %dma_wait3A_449 : memref<1x128x128xf32, #tpu.memory_space<vmem>> -> memref<128x128xf32, #tpu.memory_space<vmem>>
      %dma_wait3A_451 = arith.constant 0 : i32
      %dma_wait3A_452 = tpu.memref_slice %arg2[%add3A_382, %dma_wait3A_451] : memref<163840x128xf32, #tpu.memory_space<hbm>> -> memref<128x128xf32, #tpu.memory_space<hbm>>
      tpu.wait_dma2 semaphore(%arg18 : memref<!tpu.dma_semaphore, #tpu.memory_space<semaphore_mem>>) src(%dma_wait3A_452 : memref<128x128xf32, #tpu.memory_space<hbm>>) dst(%dma_wait3A_450 : memref<128x128xf32, #tpu.memory_space<vmem>>)
      %dma_start3A_453 = arith.constant 0 : i32
      %dma_start3A_454 = arith.constant 0 : i32
      %dma_start3A_455 = arith.constant 0 : i32
      %dma_start3A_456 = arith.constant 0 : i32
      %dma_start3A_457 = tpu.memref_slice %arg11[%dma_start3A_453, %dma_start3A_455, %dma_start3A_456] : memref<4x128x128xf32, #tpu.memory_space<vmem>> -> memref<1x128x128xf32, #tpu.memory_space<vmem>>
      %dma_start3A_458 = tpu.memref_squeeze %dma_start3A_457 : memref<1x128x128xf32, #tpu.memory_space<vmem>> -> memref<128x128xf32, #tpu.memory_space<vmem>>
      %dma_start3A_459 = arith.constant 0 : i32
      %dma_start3A_460 = tpu.memref_slice %arg9[%dma_start3A_454, %dma_start3A_459] : memref<8x128xi32, #tpu.memory_space<vmem>> -> memref<1x128xi32, #tpu.memory_space<vmem>>
      %dma_start3A_461 = tpu.memref_squeeze %dma_start3A_460 : memref<1x128xi32, #tpu.memory_space<vmem>> -> memref<128xi32, #tpu.memory_space<vmem>>
      %dma_start3A_462 = arith.constant 0 : i32
      %dma_start3A_463 = arith.constant 0 : i32
      %dma_start3A_464 = tpu.memref_slice %arg12[%dma_start3A_462, %dma_start3A_463] : memref<768x128xf32, #tpu.memory_space<vmem_shared>> -> memref<768x128xf32, #tpu.memory_space<vmem_shared>>
      tpu.enqueue_indirect_dma source(%dma_start3A_458 : memref<128x128xf32, #tpu.memory_space<vmem>>) target(%dma_start3A_464 : memref<768x128xf32, #tpu.memory_space<vmem_shared>>) offsets(%dma_start3A_461 : memref<128xi32, #tpu.memory_space<vmem>>) semaphore(%arg22 : memref<!tpu.dma_semaphore, #tpu.memory_space<semaphore_mem>>) {add = true}
      %dma_wait3A_465 = arith.constant 0 : i32
      %dma_wait3A_466 = arith.constant 0 : i32
      %dma_wait3A_467 = arith.constant 0 : i32
      %dma_wait3A_468 = arith.constant 0 : i32
      %dma_wait3A_469 = tpu.memref_slice %arg11[%dma_wait3A_465, %dma_wait3A_467, %dma_wait3A_468] : memref<4x128x128xf32, #tpu.memory_space<vmem>> -> memref<1x128x128xf32, #tpu.memory_space<vmem>>
      %dma_wait3A_470 = tpu.memref_squeeze %dma_wait3A_469 : memref<1x128x128xf32, #tpu.memory_space<vmem>> -> memref<128x128xf32, #tpu.memory_space<vmem>>
      %dma_wait3A_471 = arith.constant 0 : i32
      %dma_wait3A_472 = tpu.memref_slice %arg9[%dma_wait3A_466, %dma_wait3A_471] : memref<8x128xi32, #tpu.memory_space<vmem>> -> memref<1x128xi32, #tpu.memory_space<vmem>>
      %dma_wait3A_473 = tpu.memref_squeeze %dma_wait3A_472 : memref<1x128xi32, #tpu.memory_space<vmem>> -> memref<128xi32, #tpu.memory_space<vmem>>
      %dma_wait3A_474 = arith.constant 0 : i32
      %dma_wait3A_475 = arith.constant 0 : i32
      %dma_wait3A_476 = tpu.memref_slice %arg12[%dma_wait3A_474, %dma_wait3A_475] : memref<768x128xf32, #tpu.memory_space<vmem_shared>> -> memref<768x128xf32, #tpu.memory_space<vmem_shared>>
      tpu.wait_indirect_dma semaphore(%arg22 : memref<!tpu.dma_semaphore, #tpu.memory_space<semaphore_mem>>) src(%dma_wait3A_470 : memref<128x128xf32, #tpu.memory_space<vmem>>) dst(%dma_wait3A_476 : memref<768x128xf32, #tpu.memory_space<vmem_shared>>)
      %add3A_477 = arith.constant 512 : i32
      %add3A_478 = arith.addi %add3A_23, %add3A_477 : i32
      %dma_start3A_479 = arith.constant 0 : i32
      %dma_start3A_480 = arith.constant 0 : i32
      %dma_start3A_481 = arith.constant 0 : i32
      %dma_start3A_482 = tpu.memref_slice %arg11[%dma_start3A_479, %dma_start3A_480, %dma_start3A_481] : memref<4x128x128xf32, #tpu.memory_space<vmem>> -> memref<1x128x128xf32, #tpu.memory_space<vmem>>
      %dma_start3A_483 = tpu.memref_squeeze %dma_start3A_482 : memref<1x128x128xf32, #tpu.memory_space<vmem>> -> memref<128x128xf32, #tpu.memory_space<vmem>>
      %dma_start3A_484 = arith.constant 0 : i32
      %dma_start3A_485 = tpu.memref_slice %arg2[%add3A_478, %dma_start3A_484] : memref<163840x128xf32, #tpu.memory_space<hbm>> -> memref<128x128xf32, #tpu.memory_space<hbm>>
      %dma_start3A_486 = arith.constant 0 : i32
      %dma_start3A_487 = arith.constant 0 : i32
      %dma_start3A_488 = tpu.memref_slice %arg11[%dma_start3A_479, %dma_start3A_486, %dma_start3A_487] : memref<4x128x128xf32, #tpu.memory_space<vmem>> -> memref<1x128x128xf32, #tpu.memory_space<vmem>>
      %dma_start3A_489 = tpu.memref_squeeze %dma_start3A_488 : memref<1x128x128xf32, #tpu.memory_space<vmem>> -> memref<128x128xf32, #tpu.memory_space<vmem>>
      %dma_start3A_490 = arith.constant 0 : i32
      %dma_start3A_491 = tpu.memref_slice %arg2[%add3A_478, %dma_start3A_490] : memref<163840x128xf32, #tpu.memory_space<hbm>> -> memref<128x128xf32, #tpu.memory_space<hbm>>
      tpu.enqueue_dma source(%dma_start3A_491 : memref<128x128xf32, #tpu.memory_space<hbm>>) target(%dma_start3A_489 : memref<128x128xf32, #tpu.memory_space<vmem>>) target_semaphore(%arg18 : memref<!tpu.dma_semaphore, #tpu.memory_space<semaphore_mem>>)
      %dma_wait3A_492 = arith.constant 1 : i32
      %dma_wait3A_493 = arith.constant 0 : i32
      %dma_wait3A_494 = arith.constant 0 : i32
      %dma_wait3A_495 = tpu.memref_slice %arg11[%dma_wait3A_492, %dma_wait3A_493, %dma_wait3A_494] : memref<4x128x128xf32, #tpu.memory_space<vmem>> -> memref<1x128x128xf32, #tpu.memory_space<vmem>>
      %dma_wait3A_496 = tpu.memref_squeeze %dma_wait3A_495 : memref<1x128x128xf32, #tpu.memory_space<vmem>> -> memref<128x128xf32, #tpu.memory_space<vmem>>
      %dma_wait3A_497 = arith.constant 0 : i32
      %dma_wait3A_498 = tpu.memref_slice %arg2[%add3A_397, %dma_wait3A_497] : memref<163840x128xf32, #tpu.memory_space<hbm>> -> memref<128x128xf32, #tpu.memory_space<hbm>>
      %dma_wait3A_499 = arith.constant 0 : i32
      %dma_wait3A_500 = arith.constant 0 : i32
      %dma_wait3A_501 = tpu.memref_slice %arg11[%dma_wait3A_492, %dma_wait3A_499, %dma_wait3A_500] : memref<4x128x128xf32, #tpu.memory_space<vmem>> -> memref<1x128x128xf32, #tpu.memory_space<vmem>>
      %dma_wait3A_502 = tpu.memref_squeeze %dma_wait3A_501 : memref<1x128x128xf32, #tpu.memory_space<vmem>> -> memref<128x128xf32, #tpu.memory_space<vmem>>
      %dma_wait3A_503 = arith.constant 0 : i32
      %dma_wait3A_504 = tpu.memref_slice %arg2[%add3A_397, %dma_wait3A_503] : memref<163840x128xf32, #tpu.memory_space<hbm>> -> memref<128x128xf32, #tpu.memory_space<hbm>>
      tpu.wait_dma2 semaphore(%arg19 : memref<!tpu.dma_semaphore, #tpu.memory_space<semaphore_mem>>) src(%dma_wait3A_504 : memref<128x128xf32, #tpu.memory_space<hbm>>) dst(%dma_wait3A_502 : memref<128x128xf32, #tpu.memory_space<vmem>>)
      %dma_start3A_505 = arith.constant 1 : i32
      %dma_start3A_506 = arith.constant 1 : i32
      %dma_start3A_507 = arith.constant 0 : i32
      %dma_start3A_508 = arith.constant 0 : i32
      %dma_start3A_509 = tpu.memref_slice %arg11[%dma_start3A_505, %dma_start3A_507, %dma_start3A_508] : memref<4x128x128xf32, #tpu.memory_space<vmem>> -> memref<1x128x128xf32, #tpu.memory_space<vmem>>
      %dma_start3A_510 = tpu.memref_squeeze %dma_start3A_509 : memref<1x128x128xf32, #tpu.memory_space<vmem>> -> memref<128x128xf32, #tpu.memory_space<vmem>>
      %dma_start3A_511 = arith.constant 0 : i32
      %dma_start3A_512 = tpu.memref_slice %arg9[%dma_start3A_506, %dma_start3A_511] : memref<8x128xi32, #tpu.memory_space<vmem>> -> memref<1x128xi32, #tpu.memory_space<vmem>>
      %dma_start3A_513 = tpu.memref_squeeze %dma_start3A_512 : memref<1x128xi32, #tpu.memory_space<vmem>> -> memref<128xi32, #tpu.memory_space<vmem>>
      %dma_start3A_514 = arith.constant 0 : i32
      %dma_start3A_515 = arith.constant 0 : i32
      %dma_start3A_516 = tpu.memref_slice %arg12[%dma_start3A_514, %dma_start3A_515] : memref<768x128xf32, #tpu.memory_space<vmem_shared>> -> memref<768x128xf32, #tpu.memory_space<vmem_shared>>
      tpu.enqueue_indirect_dma source(%dma_start3A_510 : memref<128x128xf32, #tpu.memory_space<vmem>>) target(%dma_start3A_516 : memref<768x128xf32, #tpu.memory_space<vmem_shared>>) offsets(%dma_start3A_513 : memref<128xi32, #tpu.memory_space<vmem>>) semaphore(%arg23 : memref<!tpu.dma_semaphore, #tpu.memory_space<semaphore_mem>>) {add = true}
      %dma_wait3A_517 = arith.constant 1 : i32
      %dma_wait3A_518 = arith.constant 1 : i32
      %dma_wait3A_519 = arith.constant 0 : i32
      %dma_wait3A_520 = arith.constant 0 : i32
      %dma_wait3A_521 = tpu.memref_slice %arg11[%dma_wait3A_517, %dma_wait3A_519, %dma_wait3A_520] : memref<4x128x128xf32, #tpu.memory_space<vmem>> -> memref<1x128x128xf32, #tpu.memory_space<vmem>>
      %dma_wait3A_522 = tpu.memref_squeeze %dma_wait3A_521 : memref<1x128x128xf32, #tpu.memory_space<vmem>> -> memref<128x128xf32, #tpu.memory_space<vmem>>
      %dma_wait3A_523 = arith.constant 0 : i32
      %dma_wait3A_524 = tpu.memref_slice %arg9[%dma_wait3A_518, %dma_wait3A_523] : memref<8x128xi32, #tpu.memory_space<vmem>> -> memref<1x128xi32, #tpu.memory_space<vmem>>
      %dma_wait3A_525 = tpu.memref_squeeze %dma_wait3A_524 : memref<1x128xi32, #tpu.memory_space<vmem>> -> memref<128xi32, #tpu.memory_space<vmem>>
      %dma_wait3A_526 = arith.constant 0 : i32
      %dma_wait3A_527 = arith.constant 0 : i32
      %dma_wait3A_528 = tpu.memref_slice %arg12[%dma_wait3A_526, %dma_wait3A_527] : memref<768x128xf32, #tpu.memory_space<vmem_shared>> -> memref<768x128xf32, #tpu.memory_space<vmem_shared>>
      tpu.wait_indirect_dma semaphore(%arg23 : memref<!tpu.dma_semaphore, #tpu.memory_space<semaphore_mem>>) src(%dma_wait3A_522 : memref<128x128xf32, #tpu.memory_space<vmem>>) dst(%dma_wait3A_528 : memref<768x128xf32, #tpu.memory_space<vmem_shared>>)
      %add3A_529 = arith.constant 640 : i32
      %add3A_530 = arith.addi %add3A_23, %add3A_529 : i32
      %dma_start3A_531 = arith.constant 1 : i32
      %dma_start3A_532 = arith.constant 0 : i32
      %dma_start3A_533 = arith.constant 0 : i32
      %dma_start3A_534 = tpu.memref_slice %arg11[%dma_start3A_531, %dma_start3A_532, %dma_start3A_533] : memref<4x128x128xf32, #tpu.memory_space<vmem>> -> memref<1x128x128xf32, #tpu.memory_space<vmem>>
      %dma_start3A_535 = tpu.memref_squeeze %dma_start3A_534 : memref<1x128x128xf32, #tpu.memory_space<vmem>> -> memref<128x128xf32, #tpu.memory_space<vmem>>
      %dma_start3A_536 = arith.constant 0 : i32
      %dma_start3A_537 = tpu.memref_slice %arg2[%add3A_530, %dma_start3A_536] : memref<163840x128xf32, #tpu.memory_space<hbm>> -> memref<128x128xf32, #tpu.memory_space<hbm>>
      %dma_start3A_538 = arith.constant 0 : i32
      %dma_start3A_539 = arith.constant 0 : i32
      %dma_start3A_540 = tpu.memref_slice %arg11[%dma_start3A_531, %dma_start3A_538, %dma_start3A_539] : memref<4x128x128xf32, #tpu.memory_space<vmem>> -> memref<1x128x128xf32, #tpu.memory_space<vmem>>
      %dma_start3A_541 = tpu.memref_squeeze %dma_start3A_540 : memref<1x128x128xf32, #tpu.memory_space<vmem>> -> memref<128x128xf32, #tpu.memory_space<vmem>>
      %dma_start3A_542 = arith.constant 0 : i32
      %dma_start3A_543 = tpu.memref_slice %arg2[%add3A_530, %dma_start3A_542] : memref<163840x128xf32, #tpu.memory_space<hbm>> -> memref<128x128xf32, #tpu.memory_space<hbm>>
      tpu.enqueue_dma source(%dma_start3A_543 : memref<128x128xf32, #tpu.memory_space<hbm>>) target(%dma_start3A_541 : memref<128x128xf32, #tpu.memory_space<vmem>>) target_semaphore(%arg19 : memref<!tpu.dma_semaphore, #tpu.memory_space<semaphore_mem>>)
      %dma_wait3A_544 = arith.constant 2 : i32
      %dma_wait3A_545 = arith.constant 0 : i32
      %dma_wait3A_546 = arith.constant 0 : i32
      %dma_wait3A_547 = tpu.memref_slice %arg11[%dma_wait3A_544, %dma_wait3A_545, %dma_wait3A_546] : memref<4x128x128xf32, #tpu.memory_space<vmem>> -> memref<1x128x128xf32, #tpu.memory_space<vmem>>
      %dma_wait3A_548 = tpu.memref_squeeze %dma_wait3A_547 : memref<1x128x128xf32, #tpu.memory_space<vmem>> -> memref<128x128xf32, #tpu.memory_space<vmem>>
      %dma_wait3A_549 = arith.constant 0 : i32
      %dma_wait3A_550 = tpu.memref_slice %arg2[%add3A_412, %dma_wait3A_549] : memref<163840x128xf32, #tpu.memory_space<hbm>> -> memref<128x128xf32, #tpu.memory_space<hbm>>
      %dma_wait3A_551 = arith.constant 0 : i32
      %dma_wait3A_552 = arith.constant 0 : i32
      %dma_wait3A_553 = tpu.memref_slice %arg11[%dma_wait3A_544, %dma_wait3A_551, %dma_wait3A_552] : memref<4x128x128xf32, #tpu.memory_space<vmem>> -> memref<1x128x128xf32, #tpu.memory_space<vmem>>
      %dma_wait3A_554 = tpu.memref_squeeze %dma_wait3A_553 : memref<1x128x128xf32, #tpu.memory_space<vmem>> -> memref<128x128xf32, #tpu.memory_space<vmem>>
      %dma_wait3A_555 = arith.constant 0 : i32
      %dma_wait3A_556 = tpu.memref_slice %arg2[%add3A_412, %dma_wait3A_555] : memref<163840x128xf32, #tpu.memory_space<hbm>> -> memref<128x128xf32, #tpu.memory_space<hbm>>
      tpu.wait_dma2 semaphore(%arg20 : memref<!tpu.dma_semaphore, #tpu.memory_space<semaphore_mem>>) src(%dma_wait3A_556 : memref<128x128xf32, #tpu.memory_space<hbm>>) dst(%dma_wait3A_554 : memref<128x128xf32, #tpu.memory_space<vmem>>)
      %dma_start3A_557 = arith.constant 2 : i32
      %dma_start3A_558 = arith.constant 2 : i32
      %dma_start3A_559 = arith.constant 0 : i32
      %dma_start3A_560 = arith.constant 0 : i32
      %dma_start3A_561 = tpu.memref_slice %arg11[%dma_start3A_557, %dma_start3A_559, %dma_start3A_560] : memref<4x128x128xf32, #tpu.memory_space<vmem>> -> memref<1x128x128xf32, #tpu.memory_space<vmem>>
      %dma_start3A_562 = tpu.memref_squeeze %dma_start3A_561 : memref<1x128x128xf32, #tpu.memory_space<vmem>> -> memref<128x128xf32, #tpu.memory_space<vmem>>
      %dma_start3A_563 = arith.constant 0 : i32
      %dma_start3A_564 = tpu.memref_slice %arg9[%dma_start3A_558, %dma_start3A_563] : memref<8x128xi32, #tpu.memory_space<vmem>> -> memref<1x128xi32, #tpu.memory_space<vmem>>
      %dma_start3A_565 = tpu.memref_squeeze %dma_start3A_564 : memref<1x128xi32, #tpu.memory_space<vmem>> -> memref<128xi32, #tpu.memory_space<vmem>>
      %dma_start3A_566 = arith.constant 0 : i32
      %dma_start3A_567 = arith.constant 0 : i32
      %dma_start3A_568 = tpu.memref_slice %arg12[%dma_start3A_566, %dma_start3A_567] : memref<768x128xf32, #tpu.memory_space<vmem_shared>> -> memref<768x128xf32, #tpu.memory_space<vmem_shared>>
      tpu.enqueue_indirect_dma source(%dma_start3A_562 : memref<128x128xf32, #tpu.memory_space<vmem>>) target(%dma_start3A_568 : memref<768x128xf32, #tpu.memory_space<vmem_shared>>) offsets(%dma_start3A_565 : memref<128xi32, #tpu.memory_space<vmem>>) semaphore(%arg24 : memref<!tpu.dma_semaphore, #tpu.memory_space<semaphore_mem>>) {add = true}
      %dma_wait3A_569 = arith.constant 2 : i32
      %dma_wait3A_570 = arith.constant 2 : i32
      %dma_wait3A_571 = arith.constant 0 : i32
      %dma_wait3A_572 = arith.constant 0 : i32
      %dma_wait3A_573 = tpu.memref_slice %arg11[%dma_wait3A_569, %dma_wait3A_571, %dma_wait3A_572] : memref<4x128x128xf32, #tpu.memory_space<vmem>> -> memref<1x128x128xf32, #tpu.memory_space<vmem>>
      %dma_wait3A_574 = tpu.memref_squeeze %dma_wait3A_573 : memref<1x128x128xf32, #tpu.memory_space<vmem>> -> memref<128x128xf32, #tpu.memory_space<vmem>>
      %dma_wait3A_575 = arith.constant 0 : i32
      %dma_wait3A_576 = tpu.memref_slice %arg9[%dma_wait3A_570, %dma_wait3A_575] : memref<8x128xi32, #tpu.memory_space<vmem>> -> memref<1x128xi32, #tpu.memory_space<vmem>>
      %dma_wait3A_577 = tpu.memref_squeeze %dma_wait3A_576 : memref<1x128xi32, #tpu.memory_space<vmem>> -> memref<128xi32, #tpu.memory_space<vmem>>
      %dma_wait3A_578 = arith.constant 0 : i32
      %dma_wait3A_579 = arith.constant 0 : i32
      %dma_wait3A_580 = tpu.memref_slice %arg12[%dma_wait3A_578, %dma_wait3A_579] : memref<768x128xf32, #tpu.memory_space<vmem_shared>> -> memref<768x128xf32, #tpu.memory_space<vmem_shared>>
      tpu.wait_indirect_dma semaphore(%arg24 : memref<!tpu.dma_semaphore, #tpu.memory_space<semaphore_mem>>) src(%dma_wait3A_574 : memref<128x128xf32, #tpu.memory_space<vmem>>) dst(%dma_wait3A_580 : memref<768x128xf32, #tpu.memory_space<vmem_shared>>)
      %add3A_581 = arith.constant 768 : i32
      %add3A_582 = arith.addi %add3A_23, %add3A_581 : i32
      %dma_start3A_583 = arith.constant 2 : i32
      %dma_start3A_584 = arith.constant 0 : i32
      %dma_start3A_585 = arith.constant 0 : i32
      %dma_start3A_586 = tpu.memref_slice %arg11[%dma_start3A_583, %dma_start3A_584, %dma_start3A_585] : memref<4x128x128xf32, #tpu.memory_space<vmem>> -> memref<1x128x128xf32, #tpu.memory_space<vmem>>
      %dma_start3A_587 = tpu.memref_squeeze %dma_start3A_586 : memref<1x128x128xf32, #tpu.memory_space<vmem>> -> memref<128x128xf32, #tpu.memory_space<vmem>>
      %dma_start3A_588 = arith.constant 0 : i32
      %dma_start3A_589 = tpu.memref_slice %arg2[%add3A_582, %dma_start3A_588] : memref<163840x128xf32, #tpu.memory_space<hbm>> -> memref<128x128xf32, #tpu.memory_space<hbm>>
      %dma_start3A_590 = arith.constant 0 : i32
      %dma_start3A_591 = arith.constant 0 : i32
      %dma_start3A_592 = tpu.memref_slice %arg11[%dma_start3A_583, %dma_start3A_590, %dma_start3A_591] : memref<4x128x128xf32, #tpu.memory_space<vmem>> -> memref<1x128x128xf32, #tpu.memory_space<vmem>>
      %dma_start3A_593 = tpu.memref_squeeze %dma_start3A_592 : memref<1x128x128xf32, #tpu.memory_space<vmem>> -> memref<128x128xf32, #tpu.memory_space<vmem>>
      %dma_start3A_594 = arith.constant 0 : i32
      %dma_start3A_595 = tpu.memref_slice %arg2[%add3A_582, %dma_start3A_594] : memref<163840x128xf32, #tpu.memory_space<hbm>> -> memref<128x128xf32, #tpu.memory_space<hbm>>
      tpu.enqueue_dma source(%dma_start3A_595 : memref<128x128xf32, #tpu.memory_space<hbm>>) target(%dma_start3A_593 : memref<128x128xf32, #tpu.memory_space<vmem>>) target_semaphore(%arg20 : memref<!tpu.dma_semaphore, #tpu.memory_space<semaphore_mem>>)
      %dma_wait3A_596 = arith.constant 3 : i32
      %dma_wait3A_597 = arith.constant 0 : i32
      %dma_wait3A_598 = arith.constant 0 : i32
      %dma_wait3A_599 = tpu.memref_slice %arg11[%dma_wait3A_596, %dma_wait3A_597, %dma_wait3A_598] : memref<4x128x128xf32, #tpu.memory_space<vmem>> -> memref<1x128x128xf32, #tpu.memory_space<vmem>>
      %dma_wait3A_600 = tpu.memref_squeeze %dma_wait3A_599 : memref<1x128x128xf32, #tpu.memory_space<vmem>> -> memref<128x128xf32, #tpu.memory_space<vmem>>
      %dma_wait3A_601 = arith.constant 0 : i32
      %dma_wait3A_602 = tpu.memref_slice %arg2[%add3A_427, %dma_wait3A_601] : memref<163840x128xf32, #tpu.memory_space<hbm>> -> memref<128x128xf32, #tpu.memory_space<hbm>>
      %dma_wait3A_603 = arith.constant 0 : i32
      %dma_wait3A_604 = arith.constant 0 : i32
      %dma_wait3A_605 = tpu.memref_slice %arg11[%dma_wait3A_596, %dma_wait3A_603, %dma_wait3A_604] : memref<4x128x128xf32, #tpu.memory_space<vmem>> -> memref<1x128x128xf32, #tpu.memory_space<vmem>>
      %dma_wait3A_606 = tpu.memref_squeeze %dma_wait3A_605 : memref<1x128x128xf32, #tpu.memory_space<vmem>> -> memref<128x128xf32, #tpu.memory_space<vmem>>
      %dma_wait3A_607 = arith.constant 0 : i32
      %dma_wait3A_608 = tpu.memref_slice %arg2[%add3A_427, %dma_wait3A_607] : memref<163840x128xf32, #tpu.memory_space<hbm>> -> memref<128x128xf32, #tpu.memory_space<hbm>>
      tpu.wait_dma2 semaphore(%arg21 : memref<!tpu.dma_semaphore, #tpu.memory_space<semaphore_mem>>) src(%dma_wait3A_608 : memref<128x128xf32, #tpu.memory_space<hbm>>) dst(%dma_wait3A_606 : memref<128x128xf32, #tpu.memory_space<vmem>>)
      %dma_start3A_609 = arith.constant 3 : i32
      %dma_start3A_610 = arith.constant 3 : i32
      %dma_start3A_611 = arith.constant 0 : i32
      %dma_start3A_612 = arith.constant 0 : i32
      %dma_start3A_613 = tpu.memref_slice %arg11[%dma_start3A_609, %dma_start3A_611, %dma_start3A_612] : memref<4x128x128xf32, #tpu.memory_space<vmem>> -> memref<1x128x128xf32, #tpu.memory_space<vmem>>
      %dma_start3A_614 = tpu.memref_squeeze %dma_start3A_613 : memref<1x128x128xf32, #tpu.memory_space<vmem>> -> memref<128x128xf32, #tpu.memory_space<vmem>>
      %dma_start3A_615 = arith.constant 0 : i32
      %dma_start3A_616 = tpu.memref_slice %arg9[%dma_start3A_610, %dma_start3A_615] : memref<8x128xi32, #tpu.memory_space<vmem>> -> memref<1x128xi32, #tpu.memory_space<vmem>>
      %dma_start3A_617 = tpu.memref_squeeze %dma_start3A_616 : memref<1x128xi32, #tpu.memory_space<vmem>> -> memref<128xi32, #tpu.memory_space<vmem>>
      %dma_start3A_618 = arith.constant 0 : i32
      %dma_start3A_619 = arith.constant 0 : i32
      %dma_start3A_620 = tpu.memref_slice %arg12[%dma_start3A_618, %dma_start3A_619] : memref<768x128xf32, #tpu.memory_space<vmem_shared>> -> memref<768x128xf32, #tpu.memory_space<vmem_shared>>
      tpu.enqueue_indirect_dma source(%dma_start3A_614 : memref<128x128xf32, #tpu.memory_space<vmem>>) target(%dma_start3A_620 : memref<768x128xf32, #tpu.memory_space<vmem_shared>>) offsets(%dma_start3A_617 : memref<128xi32, #tpu.memory_space<vmem>>) semaphore(%arg25 : memref<!tpu.dma_semaphore, #tpu.memory_space<semaphore_mem>>) {add = true}
      %dma_wait3A_621 = arith.constant 3 : i32
      %dma_wait3A_622 = arith.constant 3 : i32
      %dma_wait3A_623 = arith.constant 0 : i32
      %dma_wait3A_624 = arith.constant 0 : i32
      %dma_wait3A_625 = tpu.memref_slice %arg11[%dma_wait3A_621, %dma_wait3A_623, %dma_wait3A_624] : memref<4x128x128xf32, #tpu.memory_space<vmem>> -> memref<1x128x128xf32, #tpu.memory_space<vmem>>
      %dma_wait3A_626 = tpu.memref_squeeze %dma_wait3A_625 : memref<1x128x128xf32, #tpu.memory_space<vmem>> -> memref<128x128xf32, #tpu.memory_space<vmem>>
      %dma_wait3A_627 = arith.constant 0 : i32
      %dma_wait3A_628 = tpu.memref_slice %arg9[%dma_wait3A_622, %dma_wait3A_627] : memref<8x128xi32, #tpu.memory_space<vmem>> -> memref<1x128xi32, #tpu.memory_space<vmem>>
      %dma_wait3A_629 = tpu.memref_squeeze %dma_wait3A_628 : memref<1x128xi32, #tpu.memory_space<vmem>> -> memref<128xi32, #tpu.memory_space<vmem>>
      %dma_wait3A_630 = arith.constant 0 : i32
      %dma_wait3A_631 = arith.constant 0 : i32
      %dma_wait3A_632 = tpu.memref_slice %arg12[%dma_wait3A_630, %dma_wait3A_631] : memref<768x128xf32, #tpu.memory_space<vmem_shared>> -> memref<768x128xf32, #tpu.memory_space<vmem_shared>>
      tpu.wait_indirect_dma semaphore(%arg25 : memref<!tpu.dma_semaphore, #tpu.memory_space<semaphore_mem>>) src(%dma_wait3A_626 : memref<128x128xf32, #tpu.memory_space<vmem>>) dst(%dma_wait3A_632 : memref<768x128xf32, #tpu.memory_space<vmem_shared>>)
      %add3A_633 = arith.constant 896 : i32
      %add3A_634 = arith.addi %add3A_23, %add3A_633 : i32
      %dma_start3A_635 = arith.constant 3 : i32
      %dma_start3A_636 = arith.constant 0 : i32
      %dma_start3A_637 = arith.constant 0 : i32
      %dma_start3A_638 = tpu.memref_slice %arg11[%dma_start3A_635, %dma_start3A_636, %dma_start3A_637] : memref<4x128x128xf32, #tpu.memory_space<vmem>> -> memref<1x128x128xf32, #tpu.memory_space<vmem>>
      %dma_start3A_639 = tpu.memref_squeeze %dma_start3A_638 : memref<1x128x128xf32, #tpu.memory_space<vmem>> -> memref<128x128xf32, #tpu.memory_space<vmem>>
      %dma_start3A_640 = arith.constant 0 : i32
      %dma_start3A_641 = tpu.memref_slice %arg2[%add3A_634, %dma_start3A_640] : memref<163840x128xf32, #tpu.memory_space<hbm>> -> memref<128x128xf32, #tpu.memory_space<hbm>>
      %dma_start3A_642 = arith.constant 0 : i32
      %dma_start3A_643 = arith.constant 0 : i32
      %dma_start3A_644 = tpu.memref_slice %arg11[%dma_start3A_635, %dma_start3A_642, %dma_start3A_643] : memref<4x128x128xf32, #tpu.memory_space<vmem>> -> memref<1x128x128xf32, #tpu.memory_space<vmem>>
      %dma_start3A_645 = tpu.memref_squeeze %dma_start3A_644 : memref<1x128x128xf32, #tpu.memory_space<vmem>> -> memref<128x128xf32, #tpu.memory_space<vmem>>
      %dma_start3A_646 = arith.constant 0 : i32
      %dma_start3A_647 = tpu.memref_slice %arg2[%add3A_634, %dma_start3A_646] : memref<163840x128xf32, #tpu.memory_space<hbm>> -> memref<128x128xf32, #tpu.memory_space<hbm>>
      tpu.enqueue_dma source(%dma_start3A_647 : memref<128x128xf32, #tpu.memory_space<hbm>>) target(%dma_start3A_645 : memref<128x128xf32, #tpu.memory_space<vmem>>) target_semaphore(%arg21 : memref<!tpu.dma_semaphore, #tpu.memory_space<semaphore_mem>>)
      %dma_wait3A_648 = arith.constant 0 : i32
      %dma_wait3A_649 = arith.constant 0 : i32
      %dma_wait3A_650 = arith.constant 0 : i32
      %dma_wait3A_651 = tpu.memref_slice %arg11[%dma_wait3A_648, %dma_wait3A_649, %dma_wait3A_650] : memref<4x128x128xf32, #tpu.memory_space<vmem>> -> memref<1x128x128xf32, #tpu.memory_space<vmem>>
      %dma_wait3A_652 = tpu.memref_squeeze %dma_wait3A_651 : memref<1x128x128xf32, #tpu.memory_space<vmem>> -> memref<128x128xf32, #tpu.memory_space<vmem>>
      %dma_wait3A_653 = arith.constant 0 : i32
      %dma_wait3A_654 = tpu.memref_slice %arg2[%add3A_478, %dma_wait3A_653] : memref<163840x128xf32, #tpu.memory_space<hbm>> -> memref<128x128xf32, #tpu.memory_space<hbm>>
      %dma_wait3A_655 = arith.constant 0 : i32
      %dma_wait3A_656 = arith.constant 0 : i32
      %dma_wait3A_657 = tpu.memref_slice %arg11[%dma_wait3A_648, %dma_wait3A_655, %dma_wait3A_656] : memref<4x128x128xf32, #tpu.memory_space<vmem>> -> memref<1x128x128xf32, #tpu.memory_space<vmem>>
      %dma_wait3A_658 = tpu.memref_squeeze %dma_wait3A_657 : memref<1x128x128xf32, #tpu.memory_space<vmem>> -> memref<128x128xf32, #tpu.memory_space<vmem>>
      %dma_wait3A_659 = arith.constant 0 : i32
      %dma_wait3A_660 = tpu.memref_slice %arg2[%add3A_478, %dma_wait3A_659] : memref<163840x128xf32, #tpu.memory_space<hbm>> -> memref<128x128xf32, #tpu.memory_space<hbm>>
      tpu.wait_dma2 semaphore(%arg18 : memref<!tpu.dma_semaphore, #tpu.memory_space<semaphore_mem>>) src(%dma_wait3A_660 : memref<128x128xf32, #tpu.memory_space<hbm>>) dst(%dma_wait3A_658 : memref<128x128xf32, #tpu.memory_space<vmem>>)
      %dma_start3A_661 = arith.constant 0 : i32
      %dma_start3A_662 = arith.constant 4 : i32
      %dma_start3A_663 = arith.constant 0 : i32
      %dma_start3A_664 = arith.constant 0 : i32
      %dma_start3A_665 = tpu.memref_slice %arg11[%dma_start3A_661, %dma_start3A_663, %dma_start3A_664] : memref<4x128x128xf32, #tpu.memory_space<vmem>> -> memref<1x128x128xf32, #tpu.memory_space<vmem>>
      %dma_start3A_666 = tpu.memref_squeeze %dma_start3A_665 : memref<1x128x128xf32, #tpu.memory_space<vmem>> -> memref<128x128xf32, #tpu.memory_space<vmem>>
      %dma_start3A_667 = arith.constant 0 : i32
      %dma_start3A_668 = tpu.memref_slice %arg9[%dma_start3A_662, %dma_start3A_667] : memref<8x128xi32, #tpu.memory_space<vmem>> -> memref<1x128xi32, #tpu.memory_space<vmem>>
      %dma_start3A_669 = tpu.memref_squeeze %dma_start3A_668 : memref<1x128xi32, #tpu.memory_space<vmem>> -> memref<128xi32, #tpu.memory_space<vmem>>
      %dma_start3A_670 = arith.constant 0 : i32
      %dma_start3A_671 = arith.constant 0 : i32
      %dma_start3A_672 = tpu.memref_slice %arg12[%dma_start3A_670, %dma_start3A_671] : memref<768x128xf32, #tpu.memory_space<vmem_shared>> -> memref<768x128xf32, #tpu.memory_space<vmem_shared>>
      tpu.enqueue_indirect_dma source(%dma_start3A_666 : memref<128x128xf32, #tpu.memory_space<vmem>>) target(%dma_start3A_672 : memref<768x128xf32, #tpu.memory_space<vmem_shared>>) offsets(%dma_start3A_669 : memref<128xi32, #tpu.memory_space<vmem>>) semaphore(%arg22 : memref<!tpu.dma_semaphore, #tpu.memory_space<semaphore_mem>>) {add = true}
      %dma_wait3A_673 = arith.constant 1 : i32
      %dma_wait3A_674 = arith.constant 0 : i32
      %dma_wait3A_675 = arith.constant 0 : i32
      %dma_wait3A_676 = tpu.memref_slice %arg11[%dma_wait3A_673, %dma_wait3A_674, %dma_wait3A_675] : memref<4x128x128xf32, #tpu.memory_space<vmem>> -> memref<1x128x128xf32, #tpu.memory_space<vmem>>
      %dma_wait3A_677 = tpu.memref_squeeze %dma_wait3A_676 : memref<1x128x128xf32, #tpu.memory_space<vmem>> -> memref<128x128xf32, #tpu.memory_space<vmem>>
      %dma_wait3A_678 = arith.constant 0 : i32
      %dma_wait3A_679 = tpu.memref_slice %arg2[%add3A_530, %dma_wait3A_678] : memref<163840x128xf32, #tpu.memory_space<hbm>> -> memref<128x128xf32, #tpu.memory_space<hbm>>
      %dma_wait3A_680 = arith.constant 0 : i32
      %dma_wait3A_681 = arith.constant 0 : i32
      %dma_wait3A_682 = tpu.memref_slice %arg11[%dma_wait3A_673, %dma_wait3A_680, %dma_wait3A_681] : memref<4x128x128xf32, #tpu.memory_space<vmem>> -> memref<1x128x128xf32, #tpu.memory_space<vmem>>
      %dma_wait3A_683 = tpu.memref_squeeze %dma_wait3A_682 : memref<1x128x128xf32, #tpu.memory_space<vmem>> -> memref<128x128xf32, #tpu.memory_space<vmem>>
      %dma_wait3A_684 = arith.constant 0 : i32
      %dma_wait3A_685 = tpu.memref_slice %arg2[%add3A_530, %dma_wait3A_684] : memref<163840x128xf32, #tpu.memory_space<hbm>> -> memref<128x128xf32, #tpu.memory_space<hbm>>
      tpu.wait_dma2 semaphore(%arg19 : memref<!tpu.dma_semaphore, #tpu.memory_space<semaphore_mem>>) src(%dma_wait3A_685 : memref<128x128xf32, #tpu.memory_space<hbm>>) dst(%dma_wait3A_683 : memref<128x128xf32, #tpu.memory_space<vmem>>)
      %dma_start3A_686 = arith.constant 1 : i32
      %dma_start3A_687 = arith.constant 5 : i32
      %dma_start3A_688 = arith.constant 0 : i32
      %dma_start3A_689 = arith.constant 0 : i32
      %dma_start3A_690 = tpu.memref_slice %arg11[%dma_start3A_686, %dma_start3A_688, %dma_start3A_689] : memref<4x128x128xf32, #tpu.memory_space<vmem>> -> memref<1x128x128xf32, #tpu.memory_space<vmem>>
      %dma_start3A_691 = tpu.memref_squeeze %dma_start3A_690 : memref<1x128x128xf32, #tpu.memory_space<vmem>> -> memref<128x128xf32, #tpu.memory_space<vmem>>
      %dma_start3A_692 = arith.constant 0 : i32
      %dma_start3A_693 = tpu.memref_slice %arg9[%dma_start3A_687, %dma_start3A_692] : memref<8x128xi32, #tpu.memory_space<vmem>> -> memref<1x128xi32, #tpu.memory_space<vmem>>
      %dma_start3A_694 = tpu.memref_squeeze %dma_start3A_693 : memref<1x128xi32, #tpu.memory_space<vmem>> -> memref<128xi32, #tpu.memory_space<vmem>>
      %dma_start3A_695 = arith.constant 0 : i32
      %dma_start3A_696 = arith.constant 0 : i32
      %dma_start3A_697 = tpu.memref_slice %arg12[%dma_start3A_695, %dma_start3A_696] : memref<768x128xf32, #tpu.memory_space<vmem_shared>> -> memref<768x128xf32, #tpu.memory_space<vmem_shared>>
      tpu.enqueue_indirect_dma source(%dma_start3A_691 : memref<128x128xf32, #tpu.memory_space<vmem>>) target(%dma_start3A_697 : memref<768x128xf32, #tpu.memory_space<vmem_shared>>) offsets(%dma_start3A_694 : memref<128xi32, #tpu.memory_space<vmem>>) semaphore(%arg23 : memref<!tpu.dma_semaphore, #tpu.memory_space<semaphore_mem>>) {add = true}
      %dma_wait3A_698 = arith.constant 2 : i32
      %dma_wait3A_699 = arith.constant 0 : i32
      %dma_wait3A_700 = arith.constant 0 : i32
      %dma_wait3A_701 = tpu.memref_slice %arg11[%dma_wait3A_698, %dma_wait3A_699, %dma_wait3A_700] : memref<4x128x128xf32, #tpu.memory_space<vmem>> -> memref<1x128x128xf32, #tpu.memory_space<vmem>>
      %dma_wait3A_702 = tpu.memref_squeeze %dma_wait3A_701 : memref<1x128x128xf32, #tpu.memory_space<vmem>> -> memref<128x128xf32, #tpu.memory_space<vmem>>
      %dma_wait3A_703 = arith.constant 0 : i32
      %dma_wait3A_704 = tpu.memref_slice %arg2[%add3A_582, %dma_wait3A_703] : memref<163840x128xf32, #tpu.memory_space<hbm>> -> memref<128x128xf32, #tpu.memory_space<hbm>>
      %dma_wait3A_705 = arith.constant 0 : i32
      %dma_wait3A_706 = arith.constant 0 : i32
      %dma_wait3A_707 = tpu.memref_slice %arg11[%dma_wait3A_698, %dma_wait3A_705, %dma_wait3A_706] : memref<4x128x128xf32, #tpu.memory_space<vmem>> -> memref<1x128x128xf32, #tpu.memory_space<vmem>>
      %dma_wait3A_708 = tpu.memref_squeeze %dma_wait3A_707 : memref<1x128x128xf32, #tpu.memory_space<vmem>> -> memref<128x128xf32, #tpu.memory_space<vmem>>
      %dma_wait3A_709 = arith.constant 0 : i32
      %dma_wait3A_710 = tpu.memref_slice %arg2[%add3A_582, %dma_wait3A_709] : memref<163840x128xf32, #tpu.memory_space<hbm>> -> memref<128x128xf32, #tpu.memory_space<hbm>>
      tpu.wait_dma2 semaphore(%arg20 : memref<!tpu.dma_semaphore, #tpu.memory_space<semaphore_mem>>) src(%dma_wait3A_710 : memref<128x128xf32, #tpu.memory_space<hbm>>) dst(%dma_wait3A_708 : memref<128x128xf32, #tpu.memory_space<vmem>>)
      %dma_start3A_711 = arith.constant 2 : i32
      %dma_start3A_712 = arith.constant 6 : i32
      %dma_start3A_713 = arith.constant 0 : i32
      %dma_start3A_714 = arith.constant 0 : i32
      %dma_start3A_715 = tpu.memref_slice %arg11[%dma_start3A_711, %dma_start3A_713, %dma_start3A_714] : memref<4x128x128xf32, #tpu.memory_space<vmem>> -> memref<1x128x128xf32, #tpu.memory_space<vmem>>
      %dma_start3A_716 = tpu.memref_squeeze %dma_start3A_715 : memref<1x128x128xf32, #tpu.memory_space<vmem>> -> memref<128x128xf32, #tpu.memory_space<vmem>>
      %dma_start3A_717 = arith.constant 0 : i32
      %dma_start3A_718 = tpu.memref_slice %arg9[%dma_start3A_712, %dma_start3A_717] : memref<8x128xi32, #tpu.memory_space<vmem>> -> memref<1x128xi32, #tpu.memory_space<vmem>>
      %dma_start3A_719 = tpu.memref_squeeze %dma_start3A_718 : memref<1x128xi32, #tpu.memory_space<vmem>> -> memref<128xi32, #tpu.memory_space<vmem>>
      %dma_start3A_720 = arith.constant 0 : i32
      %dma_start3A_721 = arith.constant 0 : i32
      %dma_start3A_722 = tpu.memref_slice %arg12[%dma_start3A_720, %dma_start3A_721] : memref<768x128xf32, #tpu.memory_space<vmem_shared>> -> memref<768x128xf32, #tpu.memory_space<vmem_shared>>
      tpu.enqueue_indirect_dma source(%dma_start3A_716 : memref<128x128xf32, #tpu.memory_space<vmem>>) target(%dma_start3A_722 : memref<768x128xf32, #tpu.memory_space<vmem_shared>>) offsets(%dma_start3A_719 : memref<128xi32, #tpu.memory_space<vmem>>) semaphore(%arg24 : memref<!tpu.dma_semaphore, #tpu.memory_space<semaphore_mem>>) {add = true}
      %dma_wait3A_723 = arith.constant 3 : i32
      %dma_wait3A_724 = arith.constant 0 : i32
      %dma_wait3A_725 = arith.constant 0 : i32
      %dma_wait3A_726 = tpu.memref_slice %arg11[%dma_wait3A_723, %dma_wait3A_724, %dma_wait3A_725] : memref<4x128x128xf32, #tpu.memory_space<vmem>> -> memref<1x128x128xf32, #tpu.memory_space<vmem>>
      %dma_wait3A_727 = tpu.memref_squeeze %dma_wait3A_726 : memref<1x128x128xf32, #tpu.memory_space<vmem>> -> memref<128x128xf32, #tpu.memory_space<vmem>>
      %dma_wait3A_728 = arith.constant 0 : i32
      %dma_wait3A_729 = tpu.memref_slice %arg2[%add3A_634, %dma_wait3A_728] : memref<163840x128xf32, #tpu.memory_space<hbm>> -> memref<128x128xf32, #tpu.memory_space<hbm>>
      %dma_wait3A_730 = arith.constant 0 : i32
      %dma_wait3A_731 = arith.constant 0 : i32
      %dma_wait3A_732 = tpu.memref_slice %arg11[%dma_wait3A_723, %dma_wait3A_730, %dma_wait3A_731] : memref<4x128x128xf32, #tpu.memory_space<vmem>> -> memref<1x128x128xf32, #tpu.memory_space<vmem>>
      %dma_wait3A_733 = tpu.memref_squeeze %dma_wait3A_732 : memref<1x128x128xf32, #tpu.memory_space<vmem>> -> memref<128x128xf32, #tpu.memory_space<vmem>>
      %dma_wait3A_734 = arith.constant 0 : i32
      %dma_wait3A_735 = tpu.memref_slice %arg2[%add3A_634, %dma_wait3A_734] : memref<163840x128xf32, #tpu.memory_space<hbm>> -> memref<128x128xf32, #tpu.memory_space<hbm>>
      tpu.wait_dma2 semaphore(%arg21 : memref<!tpu.dma_semaphore, #tpu.memory_space<semaphore_mem>>) src(%dma_wait3A_735 : memref<128x128xf32, #tpu.memory_space<hbm>>) dst(%dma_wait3A_733 : memref<128x128xf32, #tpu.memory_space<vmem>>)
      %dma_start3A_736 = arith.constant 3 : i32
      %dma_start3A_737 = arith.constant 7 : i32
      %dma_start3A_738 = arith.constant 0 : i32
      %dma_start3A_739 = arith.constant 0 : i32
      %dma_start3A_740 = tpu.memref_slice %arg11[%dma_start3A_736, %dma_start3A_738, %dma_start3A_739] : memref<4x128x128xf32, #tpu.memory_space<vmem>> -> memref<1x128x128xf32, #tpu.memory_space<vmem>>
      %dma_start3A_741 = tpu.memref_squeeze %dma_start3A_740 : memref<1x128x128xf32, #tpu.memory_space<vmem>> -> memref<128x128xf32, #tpu.memory_space<vmem>>
      %dma_start3A_742 = arith.constant 0 : i32
      %dma_start3A_743 = tpu.memref_slice %arg9[%dma_start3A_737, %dma_start3A_742] : memref<8x128xi32, #tpu.memory_space<vmem>> -> memref<1x128xi32, #tpu.memory_space<vmem>>
      %dma_start3A_744 = tpu.memref_squeeze %dma_start3A_743 : memref<1x128xi32, #tpu.memory_space<vmem>> -> memref<128xi32, #tpu.memory_space<vmem>>
      %dma_start3A_745 = arith.constant 0 : i32
      %dma_start3A_746 = arith.constant 0 : i32
      %dma_start3A_747 = tpu.memref_slice %arg12[%dma_start3A_745, %dma_start3A_746] : memref<768x128xf32, #tpu.memory_space<vmem_shared>> -> memref<768x128xf32, #tpu.memory_space<vmem_shared>>
      tpu.enqueue_indirect_dma source(%dma_start3A_741 : memref<128x128xf32, #tpu.memory_space<vmem>>) target(%dma_start3A_747 : memref<768x128xf32, #tpu.memory_space<vmem_shared>>) offsets(%dma_start3A_744 : memref<128xi32, #tpu.memory_space<vmem>>) semaphore(%arg25 : memref<!tpu.dma_semaphore, #tpu.memory_space<semaphore_mem>>) {add = true}
      %dma_wait3A_748 = arith.constant 0 : i32
      %dma_wait3A_749 = arith.constant 4 : i32
      %dma_wait3A_750 = arith.constant 0 : i32
      %dma_wait3A_751 = arith.constant 0 : i32
      %dma_wait3A_752 = tpu.memref_slice %arg11[%dma_wait3A_748, %dma_wait3A_750, %dma_wait3A_751] : memref<4x128x128xf32, #tpu.memory_space<vmem>> -> memref<1x128x128xf32, #tpu.memory_space<vmem>>
      %dma_wait3A_753 = tpu.memref_squeeze %dma_wait3A_752 : memref<1x128x128xf32, #tpu.memory_space<vmem>> -> memref<128x128xf32, #tpu.memory_space<vmem>>
      %dma_wait3A_754 = arith.constant 0 : i32
      %dma_wait3A_755 = tpu.memref_slice %arg9[%dma_wait3A_749, %dma_wait3A_754] : memref<8x128xi32, #tpu.memory_space<vmem>> -> memref<1x128xi32, #tpu.memory_space<vmem>>
      %dma_wait3A_756 = tpu.memref_squeeze %dma_wait3A_755 : memref<1x128xi32, #tpu.memory_space<vmem>> -> memref<128xi32, #tpu.memory_space<vmem>>
      %dma_wait3A_757 = arith.constant 0 : i32
      %dma_wait3A_758 = arith.constant 0 : i32
      %dma_wait3A_759 = tpu.memref_slice %arg12[%dma_wait3A_757, %dma_wait3A_758] : memref<768x128xf32, #tpu.memory_space<vmem_shared>> -> memref<768x128xf32, #tpu.memory_space<vmem_shared>>
      tpu.wait_indirect_dma semaphore(%arg22 : memref<!tpu.dma_semaphore, #tpu.memory_space<semaphore_mem>>) src(%dma_wait3A_753 : memref<128x128xf32, #tpu.memory_space<vmem>>) dst(%dma_wait3A_759 : memref<768x128xf32, #tpu.memory_space<vmem_shared>>)
      %dma_wait3A_760 = arith.constant 1 : i32
      %dma_wait3A_761 = arith.constant 5 : i32
      %dma_wait3A_762 = arith.constant 0 : i32
      %dma_wait3A_763 = arith.constant 0 : i32
      %dma_wait3A_764 = tpu.memref_slice %arg11[%dma_wait3A_760, %dma_wait3A_762, %dma_wait3A_763] : memref<4x128x128xf32, #tpu.memory_space<vmem>> -> memref<1x128x128xf32, #tpu.memory_space<vmem>>
      %dma_wait3A_765 = tpu.memref_squeeze %dma_wait3A_764 : memref<1x128x128xf32, #tpu.memory_space<vmem>> -> memref<128x128xf32, #tpu.memory_space<vmem>>
      %dma_wait3A_766 = arith.constant 0 : i32
      %dma_wait3A_767 = tpu.memref_slice %arg9[%dma_wait3A_761, %dma_wait3A_766] : memref<8x128xi32, #tpu.memory_space<vmem>> -> memref<1x128xi32, #tpu.memory_space<vmem>>
      %dma_wait3A_768 = tpu.memref_squeeze %dma_wait3A_767 : memref<1x128xi32, #tpu.memory_space<vmem>> -> memref<128xi32, #tpu.memory_space<vmem>>
      %dma_wait3A_769 = arith.constant 0 : i32
      %dma_wait3A_770 = arith.constant 0 : i32
      %dma_wait3A_771 = tpu.memref_slice %arg12[%dma_wait3A_769, %dma_wait3A_770] : memref<768x128xf32, #tpu.memory_space<vmem_shared>> -> memref<768x128xf32, #tpu.memory_space<vmem_shared>>
      tpu.wait_indirect_dma semaphore(%arg23 : memref<!tpu.dma_semaphore, #tpu.memory_space<semaphore_mem>>) src(%dma_wait3A_765 : memref<128x128xf32, #tpu.memory_space<vmem>>) dst(%dma_wait3A_771 : memref<768x128xf32, #tpu.memory_space<vmem_shared>>)
      %dma_wait3A_772 = arith.constant 2 : i32
      %dma_wait3A_773 = arith.constant 6 : i32
      %dma_wait3A_774 = arith.constant 0 : i32
      %dma_wait3A_775 = arith.constant 0 : i32
      %dma_wait3A_776 = tpu.memref_slice %arg11[%dma_wait3A_772, %dma_wait3A_774, %dma_wait3A_775] : memref<4x128x128xf32, #tpu.memory_space<vmem>> -> memref<1x128x128xf32, #tpu.memory_space<vmem>>
      %dma_wait3A_777 = tpu.memref_squeeze %dma_wait3A_776 : memref<1x128x128xf32, #tpu.memory_space<vmem>> -> memref<128x128xf32, #tpu.memory_space<vmem>>
      %dma_wait3A_778 = arith.constant 0 : i32
      %dma_wait3A_779 = tpu.memref_slice %arg9[%dma_wait3A_773, %dma_wait3A_778] : memref<8x128xi32, #tpu.memory_space<vmem>> -> memref<1x128xi32, #tpu.memory_space<vmem>>
      %dma_wait3A_780 = tpu.memref_squeeze %dma_wait3A_779 : memref<1x128xi32, #tpu.memory_space<vmem>> -> memref<128xi32, #tpu.memory_space<vmem>>
      %dma_wait3A_781 = arith.constant 0 : i32
      %dma_wait3A_782 = arith.constant 0 : i32
      %dma_wait3A_783 = tpu.memref_slice %arg12[%dma_wait3A_781, %dma_wait3A_782] : memref<768x128xf32, #tpu.memory_space<vmem_shared>> -> memref<768x128xf32, #tpu.memory_space<vmem_shared>>
      tpu.wait_indirect_dma semaphore(%arg24 : memref<!tpu.dma_semaphore, #tpu.memory_space<semaphore_mem>>) src(%dma_wait3A_777 : memref<128x128xf32, #tpu.memory_space<vmem>>) dst(%dma_wait3A_783 : memref<768x128xf32, #tpu.memory_space<vmem_shared>>)
      %dma_wait3A_784 = arith.constant 3 : i32
      %dma_wait3A_785 = arith.constant 7 : i32
      %dma_wait3A_786 = arith.constant 0 : i32
      %dma_wait3A_787 = arith.constant 0 : i32
      %dma_wait3A_788 = tpu.memref_slice %arg11[%dma_wait3A_784, %dma_wait3A_786, %dma_wait3A_787] : memref<4x128x128xf32, #tpu.memory_space<vmem>> -> memref<1x128x128xf32, #tpu.memory_space<vmem>>
      %dma_wait3A_789 = tpu.memref_squeeze %dma_wait3A_788 : memref<1x128x128xf32, #tpu.memory_space<vmem>> -> memref<128x128xf32, #tpu.memory_space<vmem>>
      %dma_wait3A_790 = arith.constant 0 : i32
      %dma_wait3A_791 = tpu.memref_slice %arg9[%dma_wait3A_785, %dma_wait3A_790] : memref<8x128xi32, #tpu.memory_space<vmem>> -> memref<1x128xi32, #tpu.memory_space<vmem>>
      %dma_wait3A_792 = tpu.memref_squeeze %dma_wait3A_791 : memref<1x128xi32, #tpu.memory_space<vmem>> -> memref<128xi32, #tpu.memory_space<vmem>>
      %dma_wait3A_793 = arith.constant 0 : i32
      %dma_wait3A_794 = arith.constant 0 : i32
      %dma_wait3A_795 = tpu.memref_slice %arg12[%dma_wait3A_793, %dma_wait3A_794] : memref<768x128xf32, #tpu.memory_space<vmem_shared>> -> memref<768x128xf32, #tpu.memory_space<vmem_shared>>
      tpu.wait_indirect_dma semaphore(%arg25 : memref<!tpu.dma_semaphore, #tpu.memory_space<semaphore_mem>>) src(%dma_wait3A_789 : memref<128x128xf32, #tpu.memory_space<vmem>>) dst(%dma_wait3A_795 : memref<768x128xf32, #tpu.memory_space<vmem_shared>>)
      %dma_wait3A_796 = arith.constant 0 : i32
      %dma_wait3A_797 = arith.constant 0 : i32
      %dma_wait3A_798 = arith.constant 0 : i32
      %dma_wait3A_799 = tpu.memref_slice %arg4[%dma_wait3A_796, %dma_wait3A_797, %dma_wait3A_798] : memref<4x1280x128xf32, #tpu.memory_space<hbm>> -> memref<4x8x128xf32, #tpu.memory_space<hbm>>
      %dma_wait3A_800 = arith.constant 0 : i32
      %dma_wait3A_801 = arith.constant 0 : i32
      %dma_wait3A_802 = arith.constant 0 : i32
      %dma_wait3A_803 = tpu.memref_slice %arg4[%dma_wait3A_800, %dma_wait3A_801, %dma_wait3A_802] : memref<4x1280x128xf32, #tpu.memory_space<hbm>> -> memref<4x8x128xf32, #tpu.memory_space<hbm>>
      tpu.wait_dma2 semaphore(%arg17 : memref<!tpu.dma_semaphore, #tpu.memory_space<semaphore_mem>>) src(%dma_wait3A_803 : memref<4x8x128xf32, #tpu.memory_space<hbm>>) dst(%arg10 : memref<4x8x128xf32, #tpu.memory_space<vmem>>)
    }
    %scan3A_11 = arith.constant 5 : i32
    %barrier3A_12 = arith.constant 0 : index
    tpu.barrier barrier_id(%barrier3A_12)
    %mul3A_13 = arith.constant 48 : i32
    %mul3A_14 = arith.muli %arg1, %mul3A_13 : i32
    %multiple_of3A = tpu.assume_multiple %mul3A_14, 8 : i32
    "tpu.region"() ({
      %run_scoped3A = tpu.sem_alloc : memref<!tpu.dma_semaphore, #tpu.memory_space<semaphore_mem>>
      %dma_start3A = arith.constant 0 : i32
      %dma_start3A_20 = tpu.memref_slice %arg7[%arg0, %multiple_of3A, %dma_start3A] : memref<2x768x128xf32, #tpu.memory_space<hbm>> -> memref<1x48x128xf32, #tpu.memory_space<hbm>>
      %dma_start3A_21 = tpu.memref_squeeze %dma_start3A_20 : memref<1x48x128xf32, #tpu.memory_space<hbm>> -> memref<48x128xf32, #tpu.memory_space<hbm>>
      %dma_start3A_22 = arith.constant 0 : i32
      %dma_start3A_23 = tpu.memref_slice %arg12[%multiple_of3A, %dma_start3A_22] : memref<768x128xf32, #tpu.memory_space<vmem_shared>> -> memref<48x128xf32, #tpu.memory_space<vmem_shared>>
      tpu.enqueue_dma source(%dma_start3A_23 : memref<48x128xf32, #tpu.memory_space<vmem_shared>>) target(%dma_start3A_21 : memref<48x128xf32, #tpu.memory_space<hbm>>) target_semaphore(%run_scoped3A : memref<!tpu.dma_semaphore, #tpu.memory_space<semaphore_mem>>)
      %dma_wait3A = arith.constant 0 : i32
      %dma_wait3A_24 = tpu.memref_slice %arg7[%arg0, %multiple_of3A, %dma_wait3A] : memref<2x768x128xf32, #tpu.memory_space<hbm>> -> memref<1x48x128xf32, #tpu.memory_space<hbm>>
      %dma_wait3A_25 = tpu.memref_squeeze %dma_wait3A_24 : memref<1x48x128xf32, #tpu.memory_space<hbm>> -> memref<48x128xf32, #tpu.memory_space<hbm>>
      %dma_wait3A_26 = arith.constant 0 : i32
      %dma_wait3A_27 = tpu.memref_slice %arg12[%multiple_of3A, %dma_wait3A_26] : memref<768x128xf32, #tpu.memory_space<vmem_shared>> -> memref<48x128xf32, #tpu.memory_space<vmem_shared>>
      tpu.wait_dma2 semaphore(%run_scoped3A : memref<!tpu.dma_semaphore, #tpu.memory_space<semaphore_mem>>) src(%dma_wait3A_27 : memref<48x128xf32, #tpu.memory_space<vmem_shared>>) dst(%dma_wait3A_25 : memref<48x128xf32, #tpu.memory_space<hbm>>)
      tpu.yield
    }) : () -> ()
    %eq3A_15 = arith.constant 0 : i32
    %eq3A_16 = arith.cmpi eq, %arg1, %eq3A_15 : i32
    %convert_element_type3A_17 = arith.extui %eq3A_16 : i1 to i32
    %cond3A_18 = arith.constant 0 : i32
    %cond3A_19 = arith.cmpi ne, %convert_element_type3A_17, %cond3A_18 : i32
    scf.if %cond3A_19 {
      %run_scoped3A = arith.constant 0 : i32
      "tpu.region"() ({
        %run_scoped3A_23 = tpu.sem_alloc : memref<!tpu.dma_semaphore, #tpu.memory_space<semaphore_mem>>
        %dma_start3A = arith.constant 0 : i32
        %dma_start3A_24 = tpu.memref_slice %arg8[%arg0, %run_scoped3A, %dma_start3A] : memref<2x4x768xf32, #tpu.memory_space<hbm>> -> memref<1x1x768xf32, #tpu.memory_space<hbm>>
        %dma_start3A_25 = tpu.memref_squeeze %dma_start3A_24 : memref<1x1x768xf32, #tpu.memory_space<hbm>> -> memref<768xf32, #tpu.memory_space<hbm>>
        tpu.enqueue_dma source(%arg13 : memref<768xf32, #tpu.memory_space<vmem_shared>>) target(%dma_start3A_25 : memref<768xf32, #tpu.memory_space<hbm>>) target_semaphore(%run_scoped3A_23 : memref<!tpu.dma_semaphore, #tpu.memory_space<semaphore_mem>>)
        %dma_wait3A = arith.constant 0 : i32
        %dma_wait3A_26 = tpu.memref_slice %arg8[%arg0, %run_scoped3A, %dma_wait3A] : memref<2x4x768xf32, #tpu.memory_space<hbm>> -> memref<1x1x768xf32, #tpu.memory_space<hbm>>
        %dma_wait3A_27 = tpu.memref_squeeze %dma_wait3A_26 : memref<1x1x768xf32, #tpu.memory_space<hbm>> -> memref<768xf32, #tpu.memory_space<hbm>>
        tpu.wait_dma2 semaphore(%run_scoped3A_23 : memref<!tpu.dma_semaphore, #tpu.memory_space<semaphore_mem>>) src(%arg13 : memref<768xf32, #tpu.memory_space<vmem_shared>>) dst(%dma_wait3A_27 : memref<768xf32, #tpu.memory_space<hbm>>)
        tpu.yield
      }) : () -> ()
      %run_scoped3A_20 = arith.constant 1 : i32
      "tpu.region"() ({
        %run_scoped3A_23 = tpu.sem_alloc : memref<!tpu.dma_semaphore, #tpu.memory_space<semaphore_mem>>
        %dma_start3A = arith.constant 0 : i32
        %dma_start3A_24 = tpu.memref_slice %arg8[%arg0, %run_scoped3A_20, %dma_start3A] : memref<2x4x768xf32, #tpu.memory_space<hbm>> -> memref<1x1x768xf32, #tpu.memory_space<hbm>>
        %dma_start3A_25 = tpu.memref_squeeze %dma_start3A_24 : memref<1x1x768xf32, #tpu.memory_space<hbm>> -> memref<768xf32, #tpu.memory_space<hbm>>
        tpu.enqueue_dma source(%arg14 : memref<768xf32, #tpu.memory_space<vmem_shared>>) target(%dma_start3A_25 : memref<768xf32, #tpu.memory_space<hbm>>) target_semaphore(%run_scoped3A_23 : memref<!tpu.dma_semaphore, #tpu.memory_space<semaphore_mem>>)
        %dma_wait3A = arith.constant 0 : i32
        %dma_wait3A_26 = tpu.memref_slice %arg8[%arg0, %run_scoped3A_20, %dma_wait3A] : memref<2x4x768xf32, #tpu.memory_space<hbm>> -> memref<1x1x768xf32, #tpu.memory_space<hbm>>
        %dma_wait3A_27 = tpu.memref_squeeze %dma_wait3A_26 : memref<1x1x768xf32, #tpu.memory_space<hbm>> -> memref<768xf32, #tpu.memory_space<hbm>>
        tpu.wait_dma2 semaphore(%run_scoped3A_23 : memref<!tpu.dma_semaphore, #tpu.memory_space<semaphore_mem>>) src(%arg14 : memref<768xf32, #tpu.memory_space<vmem_shared>>) dst(%dma_wait3A_27 : memref<768xf32, #tpu.memory_space<hbm>>)
        tpu.yield
      }) : () -> ()
      %run_scoped3A_21 = arith.constant 2 : i32
      "tpu.region"() ({
        %run_scoped3A_23 = tpu.sem_alloc : memref<!tpu.dma_semaphore, #tpu.memory_space<semaphore_mem>>
        %dma_start3A = arith.constant 0 : i32
        %dma_start3A_24 = tpu.memref_slice %arg8[%arg0, %run_scoped3A_21, %dma_start3A] : memref<2x4x768xf32, #tpu.memory_space<hbm>> -> memref<1x1x768xf32, #tpu.memory_space<hbm>>
        %dma_start3A_25 = tpu.memref_squeeze %dma_start3A_24 : memref<1x1x768xf32, #tpu.memory_space<hbm>> -> memref<768xf32, #tpu.memory_space<hbm>>
        tpu.enqueue_dma source(%arg15 : memref<768xf32, #tpu.memory_space<vmem_shared>>) target(%dma_start3A_25 : memref<768xf32, #tpu.memory_space<hbm>>) target_semaphore(%run_scoped3A_23 : memref<!tpu.dma_semaphore, #tpu.memory_space<semaphore_mem>>)
        %dma_wait3A = arith.constant 0 : i32
        %dma_wait3A_26 = tpu.memref_slice %arg8[%arg0, %run_scoped3A_21, %dma_wait3A] : memref<2x4x768xf32, #tpu.memory_space<hbm>> -> memref<1x1x768xf32, #tpu.memory_space<hbm>>
        %dma_wait3A_27 = tpu.memref_squeeze %dma_wait3A_26 : memref<1x1x768xf32, #tpu.memory_space<hbm>> -> memref<768xf32, #tpu.memory_space<hbm>>
        tpu.wait_dma2 semaphore(%run_scoped3A_23 : memref<!tpu.dma_semaphore, #tpu.memory_space<semaphore_mem>>) src(%arg15 : memref<768xf32, #tpu.memory_space<vmem_shared>>) dst(%dma_wait3A_27 : memref<768xf32, #tpu.memory_space<hbm>>)
        tpu.yield
      }) : () -> ()
      %run_scoped3A_22 = arith.constant 3 : i32
      "tpu.region"() ({
        %run_scoped3A_23 = tpu.sem_alloc : memref<!tpu.dma_semaphore, #tpu.memory_space<semaphore_mem>>
        %dma_start3A = arith.constant 0 : i32
        %dma_start3A_24 = tpu.memref_slice %arg8[%arg0, %run_scoped3A_22, %dma_start3A] : memref<2x4x768xf32, #tpu.memory_space<hbm>> -> memref<1x1x768xf32, #tpu.memory_space<hbm>>
        %dma_start3A_25 = tpu.memref_squeeze %dma_start3A_24 : memref<1x1x768xf32, #tpu.memory_space<hbm>> -> memref<768xf32, #tpu.memory_space<hbm>>
        tpu.enqueue_dma source(%arg16 : memref<768xf32, #tpu.memory_space<vmem_shared>>) target(%dma_start3A_25 : memref<768xf32, #tpu.memory_space<hbm>>) target_semaphore(%run_scoped3A_23 : memref<!tpu.dma_semaphore, #tpu.memory_space<semaphore_mem>>)
        %dma_wait3A = arith.constant 0 : i32
        %dma_wait3A_26 = tpu.memref_slice %arg8[%arg0, %run_scoped3A_22, %dma_wait3A] : memref<2x4x768xf32, #tpu.memory_space<hbm>> -> memref<1x1x768xf32, #tpu.memory_space<hbm>>
        %dma_wait3A_27 = tpu.memref_squeeze %dma_wait3A_26 : memref<1x1x768xf32, #tpu.memory_space<hbm>> -> memref<768xf32, #tpu.memory_space<hbm>>
        tpu.wait_dma2 semaphore(%run_scoped3A_23 : memref<!tpu.dma_semaphore, #tpu.memory_space<semaphore_mem>>) src(%arg16 : memref<768xf32, #tpu.memory_space<vmem_shared>>) dst(%dma_wait3A_27 : memref<768xf32, #tpu.memory_space<hbm>>)
        tpu.yield
      }) : () -> ()
    } else {
    }
    return
  }
}

#map = affine_map<(d0, d1) -> (0, 0)>
#map1 = affine_map<(d0, d1) -> (0, 0, 0)>
#map2 = affine_map<(d0, d1) -> (0)>
module attributes {stable_mosaic.version = 14 : i64} {
  func.func @_sc_body(%arg0: i32, %arg1: i32, %arg2: memref<163840x128xf32, #tpu.memory_space<hbm>>, %arg3: memref<1280x128xi32, #tpu.memory_space<hbm>>, %arg4: memref<4x1280x128xf32, #tpu.memory_space<hbm>>, %arg5: memref<768x128xf32, #tpu.memory_space<hbm>>, %arg6: memref<768xf32, #tpu.memory_space<hbm>>, %arg7: memref<2x768x128xf32, #tpu.memory_space<hbm>>, %arg8: memref<2x4x768xf32, #tpu.memory_space<hbm>>, %arg9: memref<8x128xi32, #tpu.memory_space<vmem>>, %arg10: memref<4x8x128xf32, #tpu.memory_space<vmem>>, %arg11: memref<4x128x128xf32, #tpu.memory_space<vmem>>, %arg12: memref<768x128xf32, #tpu.memory_space<vmem_shared>>, %arg13: memref<768xf32, #tpu.memory_space<vmem_shared>>, %arg14: memref<768xf32, #tpu.memory_space<vmem_shared>>, %arg15: memref<768xf32, #tpu.memory_space<vmem_shared>>, %arg16: memref<768xf32, #tpu.memory_space<vmem_shared>>, %arg17: memref<!tpu.dma_semaphore, #tpu.memory_space<semaphore_mem>>, %arg18: memref<!tpu.dma_semaphore, #tpu.memory_space<semaphore_mem>>, %arg19: memref<!tpu.dma_semaphore, #tpu.memory_space<semaphore_mem>>, %arg20: memref<!tpu.dma_semaphore, #tpu.memory_space<semaphore_mem>>, %arg21: memref<!tpu.dma_semaphore, #tpu.memory_space<semaphore_mem>>, %arg22: memref<!tpu.dma_semaphore, #tpu.memory_space<semaphore_mem>>, %arg23: memref<!tpu.dma_semaphore, #tpu.memory_space<semaphore_mem>>, %arg24: memref<!tpu.dma_semaphore, #tpu.memory_space<semaphore_mem>>, %arg25: memref<!tpu.dma_semaphore, #tpu.memory_space<semaphore_mem>>) attributes {dimension_semantics = [#tpu.dimension_semantics<core_parallel>, #tpu.dimension_semantics<subcore_parallel>], iteration_bounds = array<i64: 2, 16>, scalar_prefetch = 0 : i64, scratch_operands = 17 : i64, tpu.core_type = #tpu.core_type<sc_vector_subcore>, window_params = [{transform_indices = #map}, {transform_indices = #map}, {transform_indices = #map1}, {transform_indices = #map}, {transform_indices = #map2}, {transform_indices = #map1}, {transform_indices = #map1}]} {
    %mul3A = arith.constant 2 : i32
    %mul3A_0 = arith.muli %arg1, %mul3A : i32
    %add3A = arith.addi %mul3A_0, %arg0 : i32
    %eq3A = arith.constant 0 : i32
    %eq3A_1 = arith.cmpi eq, %arg1, %eq3A : i32
    %convert_element_type3A = arith.extui %eq3A_1 : i1 to i32
    %cond3A = arith.constant 0 : i32
    %cond3A_2 = arith.cmpi ne, %convert_element_type3A, %cond3A : i32
    scf.if %cond3A_2 {
      "tpu.region"() ({
        %run_scoped3A = tpu.sem_alloc : memref<!tpu.dma_semaphore, #tpu.memory_space<semaphore_mem>>
        tpu.enqueue_dma source(%arg5 : memref<768x128xf32, #tpu.memory_space<hbm>>) target(%arg12 : memref<768x128xf32, #tpu.memory_space<vmem_shared>>) target_semaphore(%run_scoped3A : memref<!tpu.dma_semaphore, #tpu.memory_space<semaphore_mem>>)
        tpu.wait_dma2 semaphore(%run_scoped3A : memref<!tpu.dma_semaphore, #tpu.memory_space<semaphore_mem>>) src(%arg5 : memref<768x128xf32, #tpu.memory_space<hbm>>) dst(%arg12 : memref<768x128xf32, #tpu.memory_space<vmem_shared>>)
        tpu.yield
      }) : () -> ()
      "tpu.region"() ({
        %run_scoped3A = tpu.sem_alloc : memref<!tpu.dma_semaphore, #tpu.memory_space<semaphore_mem>>
        tpu.enqueue_dma source(%arg6 : memref<768xf32, #tpu.memory_space<hbm>>) target(%arg13 : memref<768xf32, #tpu.memory_space<vmem_shared>>) target_semaphore(%run_scoped3A : memref<!tpu.dma_semaphore, #tpu.memory_space<semaphore_mem>>)
        tpu.wait_dma2 semaphore(%run_scoped3A : memref<!tpu.dma_semaphore, #tpu.memory_space<semaphore_mem>>) src(%arg6 : memref<768xf32, #tpu.memory_space<hbm>>) dst(%arg13 : memref<768xf32, #tpu.memory_space<vmem_shared>>)
        tpu.yield
      }) : () -> ()
      "tpu.region"() ({
        %run_scoped3A = tpu.sem_alloc : memref<!tpu.dma_semaphore, #tpu.memory_space<semaphore_mem>>
        tpu.enqueue_dma source(%arg6 : memref<768xf32, #tpu.memory_space<hbm>>) target(%arg14 : memref<768xf32, #tpu.memory_space<vmem_shared>>) target_semaphore(%run_scoped3A : memref<!tpu.dma_semaphore, #tpu.memory_space<semaphore_mem>>)
        tpu.wait_dma2 semaphore(%run_scoped3A : memref<!tpu.dma_semaphore, #tpu.memory_space<semaphore_mem>>) src(%arg6 : memref<768xf32, #tpu.memory_space<hbm>>) dst(%arg14 : memref<768xf32, #tpu.memory_space<vmem_shared>>)
        tpu.yield
      }) : () -> ()
      "tpu.region"() ({
        %run_scoped3A = tpu.sem_alloc : memref<!tpu.dma_semaphore, #tpu.memory_space<semaphore_mem>>
        tpu.enqueue_dma source(%arg6 : memref<768xf32, #tpu.memory_space<hbm>>) target(%arg15 : memref<768xf32, #tpu.memory_space<vmem_shared>>) target_semaphore(%run_scoped3A : memref<!tpu.dma_semaphore, #tpu.memory_space<semaphore_mem>>)
        tpu.wait_dma2 semaphore(%run_scoped3A : memref<!tpu.dma_semaphore, #tpu.memory_space<semaphore_mem>>) src(%arg6 : memref<768xf32, #tpu.memory_space<hbm>>) dst(%arg15 : memref<768xf32, #tpu.memory_space<vmem_shared>>)
        tpu.yield
      }) : () -> ()
      "tpu.region"() ({
        %run_scoped3A = tpu.sem_alloc : memref<!tpu.dma_semaphore, #tpu.memory_space<semaphore_mem>>
        tpu.enqueue_dma source(%arg6 : memref<768xf32, #tpu.memory_space<hbm>>) target(%arg16 : memref<768xf32, #tpu.memory_space<vmem_shared>>) target_semaphore(%run_scoped3A : memref<!tpu.dma_semaphore, #tpu.memory_space<semaphore_mem>>)
        tpu.wait_dma2 semaphore(%run_scoped3A : memref<!tpu.dma_semaphore, #tpu.memory_space<semaphore_mem>>) src(%arg6 : memref<768xf32, #tpu.memory_space<hbm>>) dst(%arg16 : memref<768xf32, #tpu.memory_space<vmem_shared>>)
        tpu.yield
      }) : () -> ()
    } else {
    }
    %barrier3A = arith.constant 0 : index
    tpu.barrier barrier_id(%barrier3A)
    %mul3A_3 = arith.constant 5120 : i32
    %mul3A_4 = arith.muli %add3A, %mul3A_3 : i32
    %mul3A_5 = arith.constant 40 : i32
    %mul3A_6 = arith.muli %add3A, %mul3A_5 : i32
    %scan3A = arith.constant 0 : i32
    %scan3A_7 = arith.constant 0 : i32
    %scan3A_8 = arith.constant 5 : i32
    %scan3A_9 = arith.addi %scan3A_7, %scan3A_8 : i32
    %scan3A_10 = arith.constant 1 : i32
    scf.for %scan3A_20 = %scan3A_7 to %scan3A_9 step %scan3A_10  : i32 {
      %mul3A_21 = arith.constant 1024 : i32
      %mul3A_22 = arith.muli %scan3A_20, %mul3A_21 : i32
      %add3A_23 = arith.addi %mul3A_4, %mul3A_22 : i32
      %mul3A_24 = arith.constant 8 : i32
      %mul3A_25 = arith.muli %scan3A_20, %mul3A_24 : i32
      %add3A_26 = arith.addi %mul3A_6, %mul3A_25 : i32
      "tpu.region"() ({
        %run_scoped3A = tpu.sem_alloc : memref<!tpu.dma_semaphore, #tpu.memory_space<semaphore_mem>>
        %dma_start3A_804 = arith.constant 0 : i32
        %dma_start3A_805 = tpu.memref_slice %arg3[%add3A_26, %dma_start3A_804] : memref<1280x128xi32, #tpu.memory_space<hbm>> -> memref<8x128xi32, #tpu.memory_space<hbm>>
        %dma_start3A_806 = arith.constant 0 : i32
        %dma_start3A_807 = tpu.memref_slice %arg3[%add3A_26, %dma_start3A_806] : memref<1280x128xi32, #tpu.memory_space<hbm>> -> memref<8x128xi32, #tpu.memory_space<hbm>>
        tpu.enqueue_dma source(%dma_start3A_807 : memref<8x128xi32, #tpu.memory_space<hbm>>) target(%arg9 : memref<8x128xi32, #tpu.memory_space<vmem>>) target_semaphore(%run_scoped3A : memref<!tpu.dma_semaphore, #tpu.memory_space<semaphore_mem>>)
        %dma_wait3A_808 = arith.constant 0 : i32
        %dma_wait3A_809 = tpu.memref_slice %arg3[%add3A_26, %dma_wait3A_808] : memref<1280x128xi32, #tpu.memory_space<hbm>> -> memref<8x128xi32, #tpu.memory_space<hbm>>
        %dma_wait3A_810 = arith.constant 0 : i32
        %dma_wait3A_811 = tpu.memref_slice %arg3[%add3A_26, %dma_wait3A_810] : memref<1280x128xi32, #tpu.memory_space<hbm>> -> memref<8x128xi32, #tpu.memory_space<hbm>>
        tpu.wait_dma2 semaphore(%run_scoped3A : memref<!tpu.dma_semaphore, #tpu.memory_space<semaphore_mem>>) src(%dma_wait3A_811 : memref<8x128xi32, #tpu.memory_space<hbm>>) dst(%arg9 : memref<8x128xi32, #tpu.memory_space<vmem>>)
        tpu.yield
      }) : () -> ()
      %mul3A_27 = arith.constant 8 : i32
      %mul3A_28 = arith.muli %scan3A_20, %mul3A_27 : i32
      %add3A_29 = arith.addi %mul3A_6, %mul3A_28 : i32
      "tpu.region"() ({
        %run_scoped3A = tpu.sem_alloc : memref<!tpu.dma_semaphore, #tpu.memory_space<semaphore_mem>>
        %dma_start3A_804 = arith.constant 0 : i32
        %dma_start3A_805 = arith.constant 0 : i32
        %dma_start3A_806 = tpu.memref_slice %arg4[%dma_start3A_804, %add3A_29, %dma_start3A_805] : memref<4x1280x128xf32, #tpu.memory_space<hbm>> -> memref<4x8x128xf32, #tpu.memory_space<hbm>>
        %dma_start3A_807 = arith.constant 0 : i32
        %dma_start3A_808 = arith.constant 0 : i32
        %dma_start3A_809 = tpu.memref_slice %arg4[%dma_start3A_807, %add3A_29, %dma_start3A_808] : memref<4x1280x128xf32, #tpu.memory_space<hbm>> -> memref<4x8x128xf32, #tpu.memory_space<hbm>>
        tpu.enqueue_dma source(%dma_start3A_809 : memref<4x8x128xf32, #tpu.memory_space<hbm>>) target(%arg10 : memref<4x8x128xf32, #tpu.memory_space<vmem>>) target_semaphore(%run_scoped3A : memref<!tpu.dma_semaphore, #tpu.memory_space<semaphore_mem>>)
        %dma_wait3A_810 = arith.constant 0 : i32
        %dma_wait3A_811 = arith.constant 0 : i32
        %dma_wait3A_812 = tpu.memref_slice %arg4[%dma_wait3A_810, %add3A_29, %dma_wait3A_811] : memref<4x1280x128xf32, #tpu.memory_space<hbm>> -> memref<4x8x128xf32, #tpu.memory_space<hbm>>
        %dma_wait3A_813 = arith.constant 0 : i32
        %dma_wait3A_814 = arith.constant 0 : i32
        %dma_wait3A_815 = tpu.memref_slice %arg4[%dma_wait3A_813, %add3A_29, %dma_wait3A_814] : memref<4x1280x128xf32, #tpu.memory_space<hbm>> -> memref<4x8x128xf32, #tpu.memory_space<hbm>>
        tpu.wait_dma2 semaphore(%run_scoped3A : memref<!tpu.dma_semaphore, #tpu.memory_space<semaphore_mem>>) src(%dma_wait3A_815 : memref<4x8x128xf32, #tpu.memory_space<hbm>>) dst(%arg10 : memref<4x8x128xf32, #tpu.memory_space<vmem>>)
        tpu.yield
      }) : () -> ()
      %dma_start3A = arith.constant 0 : i32
      %dma_start3A_30 = arith.constant 0 : i32
      %dma_start3A_31 = arith.constant 0 : i32
      %dma_start3A_32 = arith.constant 0 : i32
      %dma_start3A_33 = tpu.memref_slice %arg10[%dma_start3A, %dma_start3A_30, %dma_start3A_32] : memref<4x8x128xf32, #tpu.memory_space<vmem>> -> memref<1x1x128xf32, #tpu.memory_space<vmem>>
      %dma_start3A_34 = tpu.memref_squeeze %dma_start3A_33 : memref<1x1x128xf32, #tpu.memory_space<vmem>> -> memref<128xf32, #tpu.memory_space<vmem>>
      %dma_start3A_35 = arith.constant 0 : i32
      %dma_start3A_36 = tpu.memref_slice %arg9[%dma_start3A_31, %dma_start3A_35] : memref<8x128xi32, #tpu.memory_space<vmem>> -> memref<1x128xi32, #tpu.memory_space<vmem>>
      %dma_start3A_37 = tpu.memref_squeeze %dma_start3A_36 : memref<1x128xi32, #tpu.memory_space<vmem>> -> memref<128xi32, #tpu.memory_space<vmem>>
      %dma_start3A_38 = arith.constant 0 : i32
      %dma_start3A_39 = tpu.memref_slice %arg13[%dma_start3A_38] : memref<768xf32, #tpu.memory_space<vmem_shared>> -> memref<768xf32, #tpu.memory_space<vmem_shared>>
      tpu.enqueue_indirect_dma source(%dma_start3A_34 : memref<128xf32, #tpu.memory_space<vmem>>) target(%dma_start3A_39 : memref<768xf32, #tpu.memory_space<vmem_shared>>) offsets(%dma_start3A_37 : memref<128xi32, #tpu.memory_space<vmem>>) semaphore(%arg17 : memref<!tpu.dma_semaphore, #tpu.memory_space<semaphore_mem>>) {add = true}
      %dma_start3A_40 = arith.constant 1 : i32
      %dma_start3A_41 = arith.constant 0 : i32
      %dma_start3A_42 = arith.constant 0 : i32
      %dma_start3A_43 = arith.constant 0 : i32
      %dma_start3A_44 = tpu.memref_slice %arg10[%dma_start3A_40, %dma_start3A_41, %dma_start3A_43] : memref<4x8x128xf32, #tpu.memory_space<vmem>> -> memref<1x1x128xf32, #tpu.memory_space<vmem>>
      %dma_start3A_45 = tpu.memref_squeeze %dma_start3A_44 : memref<1x1x128xf32, #tpu.memory_space<vmem>> -> memref<128xf32, #tpu.memory_space<vmem>>
      %dma_start3A_46 = arith.constant 0 : i32
      %dma_start3A_47 = tpu.memref_slice %arg9[%dma_start3A_42, %dma_start3A_46] : memref<8x128xi32, #tpu.memory_space<vmem>> -> memref<1x128xi32, #tpu.memory_space<vmem>>
      %dma_start3A_48 = tpu.memref_squeeze %dma_start3A_47 : memref<1x128xi32, #tpu.memory_space<vmem>> -> memref<128xi32, #tpu.memory_space<vmem>>
      %dma_start3A_49 = arith.constant 0 : i32
      %dma_start3A_50 = tpu.memref_slice %arg14[%dma_start3A_49] : memref<768xf32, #tpu.memory_space<vmem_shared>> -> memref<768xf32, #tpu.memory_space<vmem_shared>>
      tpu.enqueue_indirect_dma source(%dma_start3A_45 : memref<128xf32, #tpu.memory_space<vmem>>) target(%dma_start3A_50 : memref<768xf32, #tpu.memory_space<vmem_shared>>) offsets(%dma_start3A_48 : memref<128xi32, #tpu.memory_space<vmem>>) semaphore(%arg17 : memref<!tpu.dma_semaphore, #tpu.memory_space<semaphore_mem>>) {add = true}
      %dma_start3A_51 = arith.constant 2 : i32
      %dma_start3A_52 = arith.constant 0 : i32
      %dma_start3A_53 = arith.constant 0 : i32
      %dma_start3A_54 = arith.constant 0 : i32
      %dma_start3A_55 = tpu.memref_slice %arg10[%dma_start3A_51, %dma_start3A_52, %dma_start3A_54] : memref<4x8x128xf32, #tpu.memory_space<vmem>> -> memref<1x1x128xf32, #tpu.memory_space<vmem>>
      %dma_start3A_56 = tpu.memref_squeeze %dma_start3A_55 : memref<1x1x128xf32, #tpu.memory_space<vmem>> -> memref<128xf32, #tpu.memory_space<vmem>>
      %dma_start3A_57 = arith.constant 0 : i32
      %dma_start3A_58 = tpu.memref_slice %arg9[%dma_start3A_53, %dma_start3A_57] : memref<8x128xi32, #tpu.memory_space<vmem>> -> memref<1x128xi32, #tpu.memory_space<vmem>>
      %dma_start3A_59 = tpu.memref_squeeze %dma_start3A_58 : memref<1x128xi32, #tpu.memory_space<vmem>> -> memref<128xi32, #tpu.memory_space<vmem>>
      %dma_start3A_60 = arith.constant 0 : i32
      %dma_start3A_61 = tpu.memref_slice %arg15[%dma_start3A_60] : memref<768xf32, #tpu.memory_space<vmem_shared>> -> memref<768xf32, #tpu.memory_space<vmem_shared>>
      tpu.enqueue_indirect_dma source(%dma_start3A_56 : memref<128xf32, #tpu.memory_space<vmem>>) target(%dma_start3A_61 : memref<768xf32, #tpu.memory_space<vmem_shared>>) offsets(%dma_start3A_59 : memref<128xi32, #tpu.memory_space<vmem>>) semaphore(%arg17 : memref<!tpu.dma_semaphore, #tpu.memory_space<semaphore_mem>>) {add = true}
      %dma_start3A_62 = arith.constant 3 : i32
      %dma_start3A_63 = arith.constant 0 : i32
      %dma_start3A_64 = arith.constant 0 : i32
      %dma_start3A_65 = arith.constant 0 : i32
      %dma_start3A_66 = tpu.memref_slice %arg10[%dma_start3A_62, %dma_start3A_63, %dma_start3A_65] : memref<4x8x128xf32, #tpu.memory_space<vmem>> -> memref<1x1x128xf32, #tpu.memory_space<vmem>>
      %dma_start3A_67 = tpu.memref_squeeze %dma_start3A_66 : memref<1x1x128xf32, #tpu.memory_space<vmem>> -> memref<128xf32, #tpu.memory_space<vmem>>
      %dma_start3A_68 = arith.constant 0 : i32
      %dma_start3A_69 = tpu.memref_slice %arg9[%dma_start3A_64, %dma_start3A_68] : memref<8x128xi32, #tpu.memory_space<vmem>> -> memref<1x128xi32, #tpu.memory_space<vmem>>
      %dma_start3A_70 = tpu.memref_squeeze %dma_start3A_69 : memref<1x128xi32, #tpu.memory_space<vmem>> -> memref<128xi32, #tpu.memory_space<vmem>>
      %dma_start3A_71 = arith.constant 0 : i32
      %dma_start3A_72 = tpu.memref_slice %arg16[%dma_start3A_71] : memref<768xf32, #tpu.memory_space<vmem_shared>> -> memref<768xf32, #tpu.memory_space<vmem_shared>>
      tpu.enqueue_indirect_dma source(%dma_start3A_67 : memref<128xf32, #tpu.memory_space<vmem>>) target(%dma_start3A_72 : memref<768xf32, #tpu.memory_space<vmem_shared>>) offsets(%dma_start3A_70 : memref<128xi32, #tpu.memory_space<vmem>>) semaphore(%arg17 : memref<!tpu.dma_semaphore, #tpu.memory_space<semaphore_mem>>) {add = true}
      %dma_start3A_73 = arith.constant 0 : i32
      %dma_start3A_74 = arith.constant 1 : i32
      %dma_start3A_75 = arith.constant 1 : i32
      %dma_start3A_76 = arith.constant 0 : i32
      %dma_start3A_77 = tpu.memref_slice %arg10[%dma_start3A_73, %dma_start3A_74, %dma_start3A_76] : memref<4x8x128xf32, #tpu.memory_space<vmem>> -> memref<1x1x128xf32, #tpu.memory_space<vmem>>
      %dma_start3A_78 = tpu.memref_squeeze %dma_start3A_77 : memref<1x1x128xf32, #tpu.memory_space<vmem>> -> memref<128xf32, #tpu.memory_space<vmem>>
      %dma_start3A_79 = arith.constant 0 : i32
      %dma_start3A_80 = tpu.memref_slice %arg9[%dma_start3A_75, %dma_start3A_79] : memref<8x128xi32, #tpu.memory_space<vmem>> -> memref<1x128xi32, #tpu.memory_space<vmem>>
      %dma_start3A_81 = tpu.memref_squeeze %dma_start3A_80 : memref<1x128xi32, #tpu.memory_space<vmem>> -> memref<128xi32, #tpu.memory_space<vmem>>
      %dma_start3A_82 = arith.constant 0 : i32
      %dma_start3A_83 = tpu.memref_slice %arg13[%dma_start3A_82] : memref<768xf32, #tpu.memory_space<vmem_shared>> -> memref<768xf32, #tpu.memory_space<vmem_shared>>
      tpu.enqueue_indirect_dma source(%dma_start3A_78 : memref<128xf32, #tpu.memory_space<vmem>>) target(%dma_start3A_83 : memref<768xf32, #tpu.memory_space<vmem_shared>>) offsets(%dma_start3A_81 : memref<128xi32, #tpu.memory_space<vmem>>) semaphore(%arg17 : memref<!tpu.dma_semaphore, #tpu.memory_space<semaphore_mem>>) {add = true}
      %dma_start3A_84 = arith.constant 1 : i32
      %dma_start3A_85 = arith.constant 1 : i32
      %dma_start3A_86 = arith.constant 1 : i32
      %dma_start3A_87 = arith.constant 0 : i32
      %dma_start3A_88 = tpu.memref_slice %arg10[%dma_start3A_84, %dma_start3A_85, %dma_start3A_87] : memref<4x8x128xf32, #tpu.memory_space<vmem>> -> memref<1x1x128xf32, #tpu.memory_space<vmem>>
      %dma_start3A_89 = tpu.memref_squeeze %dma_start3A_88 : memref<1x1x128xf32, #tpu.memory_space<vmem>> -> memref<128xf32, #tpu.memory_space<vmem>>
      %dma_start3A_90 = arith.constant 0 : i32
      %dma_start3A_91 = tpu.memref_slice %arg9[%dma_start3A_86, %dma_start3A_90] : memref<8x128xi32, #tpu.memory_space<vmem>> -> memref<1x128xi32, #tpu.memory_space<vmem>>
      %dma_start3A_92 = tpu.memref_squeeze %dma_start3A_91 : memref<1x128xi32, #tpu.memory_space<vmem>> -> memref<128xi32, #tpu.memory_space<vmem>>
      %dma_start3A_93 = arith.constant 0 : i32
      %dma_start3A_94 = tpu.memref_slice %arg14[%dma_start3A_93] : memref<768xf32, #tpu.memory_space<vmem_shared>> -> memref<768xf32, #tpu.memory_space<vmem_shared>>
      tpu.enqueue_indirect_dma source(%dma_start3A_89 : memref<128xf32, #tpu.memory_space<vmem>>) target(%dma_start3A_94 : memref<768xf32, #tpu.memory_space<vmem_shared>>) offsets(%dma_start3A_92 : memref<128xi32, #tpu.memory_space<vmem>>) semaphore(%arg17 : memref<!tpu.dma_semaphore, #tpu.memory_space<semaphore_mem>>) {add = true}
      %dma_start3A_95 = arith.constant 2 : i32
      %dma_start3A_96 = arith.constant 1 : i32
      %dma_start3A_97 = arith.constant 1 : i32
      %dma_start3A_98 = arith.constant 0 : i32
      %dma_start3A_99 = tpu.memref_slice %arg10[%dma_start3A_95, %dma_start3A_96, %dma_start3A_98] : memref<4x8x128xf32, #tpu.memory_space<vmem>> -> memref<1x1x128xf32, #tpu.memory_space<vmem>>
      %dma_start3A_100 = tpu.memref_squeeze %dma_start3A_99 : memref<1x1x128xf32, #tpu.memory_space<vmem>> -> memref<128xf32, #tpu.memory_space<vmem>>
      %dma_start3A_101 = arith.constant 0 : i32
      %dma_start3A_102 = tpu.memref_slice %arg9[%dma_start3A_97, %dma_start3A_101] : memref<8x128xi32, #tpu.memory_space<vmem>> -> memref<1x128xi32, #tpu.memory_space<vmem>>
      %dma_start3A_103 = tpu.memref_squeeze %dma_start3A_102 : memref<1x128xi32, #tpu.memory_space<vmem>> -> memref<128xi32, #tpu.memory_space<vmem>>
      %dma_start3A_104 = arith.constant 0 : i32
      %dma_start3A_105 = tpu.memref_slice %arg15[%dma_start3A_104] : memref<768xf32, #tpu.memory_space<vmem_shared>> -> memref<768xf32, #tpu.memory_space<vmem_shared>>
      tpu.enqueue_indirect_dma source(%dma_start3A_100 : memref<128xf32, #tpu.memory_space<vmem>>) target(%dma_start3A_105 : memref<768xf32, #tpu.memory_space<vmem_shared>>) offsets(%dma_start3A_103 : memref<128xi32, #tpu.memory_space<vmem>>) semaphore(%arg17 : memref<!tpu.dma_semaphore, #tpu.memory_space<semaphore_mem>>) {add = true}
      %dma_start3A_106 = arith.constant 3 : i32
      %dma_start3A_107 = arith.constant 1 : i32
      %dma_start3A_108 = arith.constant 1 : i32
      %dma_start3A_109 = arith.constant 0 : i32
      %dma_start3A_110 = tpu.memref_slice %arg10[%dma_start3A_106, %dma_start3A_107, %dma_start3A_109] : memref<4x8x128xf32, #tpu.memory_space<vmem>> -> memref<1x1x128xf32, #tpu.memory_space<vmem>>
      %dma_start3A_111 = tpu.memref_squeeze %dma_start3A_110 : memref<1x1x128xf32, #tpu.memory_space<vmem>> -> memref<128xf32, #tpu.memory_space<vmem>>
      %dma_start3A_112 = arith.constant 0 : i32
      %dma_start3A_113 = tpu.memref_slice %arg9[%dma_start3A_108, %dma_start3A_112] : memref<8x128xi32, #tpu.memory_space<vmem>> -> memref<1x128xi32, #tpu.memory_space<vmem>>
      %dma_start3A_114 = tpu.memref_squeeze %dma_start3A_113 : memref<1x128xi32, #tpu.memory_space<vmem>> -> memref<128xi32, #tpu.memory_space<vmem>>
      %dma_start3A_115 = arith.constant 0 : i32
      %dma_start3A_116 = tpu.memref_slice %arg16[%dma_start3A_115] : memref<768xf32, #tpu.memory_space<vmem_shared>> -> memref<768xf32, #tpu.memory_space<vmem_shared>>
      tpu.enqueue_indirect_dma source(%dma_start3A_111 : memref<128xf32, #tpu.memory_space<vmem>>) target(%dma_start3A_116 : memref<768xf32, #tpu.memory_space<vmem_shared>>) offsets(%dma_start3A_114 : memref<128xi32, #tpu.memory_space<vmem>>) semaphore(%arg17 : memref<!tpu.dma_semaphore, #tpu.memory_space<semaphore_mem>>) {add = true}
      %dma_start3A_117 = arith.constant 0 : i32
      %dma_start3A_118 = arith.constant 2 : i32
      %dma_start3A_119 = arith.constant 2 : i32
      %dma_start3A_120 = arith.constant 0 : i32
      %dma_start3A_121 = tpu.memref_slice %arg10[%dma_start3A_117, %dma_start3A_118, %dma_start3A_120] : memref<4x8x128xf32, #tpu.memory_space<vmem>> -> memref<1x1x128xf32, #tpu.memory_space<vmem>>
      %dma_start3A_122 = tpu.memref_squeeze %dma_start3A_121 : memref<1x1x128xf32, #tpu.memory_space<vmem>> -> memref<128xf32, #tpu.memory_space<vmem>>
      %dma_start3A_123 = arith.constant 0 : i32
      %dma_start3A_124 = tpu.memref_slice %arg9[%dma_start3A_119, %dma_start3A_123] : memref<8x128xi32, #tpu.memory_space<vmem>> -> memref<1x128xi32, #tpu.memory_space<vmem>>
      %dma_start3A_125 = tpu.memref_squeeze %dma_start3A_124 : memref<1x128xi32, #tpu.memory_space<vmem>> -> memref<128xi32, #tpu.memory_space<vmem>>
      %dma_start3A_126 = arith.constant 0 : i32
      %dma_start3A_127 = tpu.memref_slice %arg13[%dma_start3A_126] : memref<768xf32, #tpu.memory_space<vmem_shared>> -> memref<768xf32, #tpu.memory_space<vmem_shared>>
      tpu.enqueue_indirect_dma source(%dma_start3A_122 : memref<128xf32, #tpu.memory_space<vmem>>) target(%dma_start3A_127 : memref<768xf32, #tpu.memory_space<vmem_shared>>) offsets(%dma_start3A_125 : memref<128xi32, #tpu.memory_space<vmem>>) semaphore(%arg17 : memref<!tpu.dma_semaphore, #tpu.memory_space<semaphore_mem>>) {add = true}
      %dma_start3A_128 = arith.constant 1 : i32
      %dma_start3A_129 = arith.constant 2 : i32
      %dma_start3A_130 = arith.constant 2 : i32
      %dma_start3A_131 = arith.constant 0 : i32
      %dma_start3A_132 = tpu.memref_slice %arg10[%dma_start3A_128, %dma_start3A_129, %dma_start3A_131] : memref<4x8x128xf32, #tpu.memory_space<vmem>> -> memref<1x1x128xf32, #tpu.memory_space<vmem>>
      %dma_start3A_133 = tpu.memref_squeeze %dma_start3A_132 : memref<1x1x128xf32, #tpu.memory_space<vmem>> -> memref<128xf32, #tpu.memory_space<vmem>>
      %dma_start3A_134 = arith.constant 0 : i32
      %dma_start3A_135 = tpu.memref_slice %arg9[%dma_start3A_130, %dma_start3A_134] : memref<8x128xi32, #tpu.memory_space<vmem>> -> memref<1x128xi32, #tpu.memory_space<vmem>>
      %dma_start3A_136 = tpu.memref_squeeze %dma_start3A_135 : memref<1x128xi32, #tpu.memory_space<vmem>> -> memref<128xi32, #tpu.memory_space<vmem>>
      %dma_start3A_137 = arith.constant 0 : i32
      %dma_start3A_138 = tpu.memref_slice %arg14[%dma_start3A_137] : memref<768xf32, #tpu.memory_space<vmem_shared>> -> memref<768xf32, #tpu.memory_space<vmem_shared>>
      tpu.enqueue_indirect_dma source(%dma_start3A_133 : memref<128xf32, #tpu.memory_space<vmem>>) target(%dma_start3A_138 : memref<768xf32, #tpu.memory_space<vmem_shared>>) offsets(%dma_start3A_136 : memref<128xi32, #tpu.memory_space<vmem>>) semaphore(%arg17 : memref<!tpu.dma_semaphore, #tpu.memory_space<semaphore_mem>>) {add = true}
      %dma_start3A_139 = arith.constant 2 : i32
      %dma_start3A_140 = arith.constant 2 : i32
      %dma_start3A_141 = arith.constant 2 : i32
      %dma_start3A_142 = arith.constant 0 : i32
      %dma_start3A_143 = tpu.memref_slice %arg10[%dma_start3A_139, %dma_start3A_140, %dma_start3A_142] : memref<4x8x128xf32, #tpu.memory_space<vmem>> -> memref<1x1x128xf32, #tpu.memory_space<vmem>>
      %dma_start3A_144 = tpu.memref_squeeze %dma_start3A_143 : memref<1x1x128xf32, #tpu.memory_space<vmem>> -> memref<128xf32, #tpu.memory_space<vmem>>
      %dma_start3A_145 = arith.constant 0 : i32
      %dma_start3A_146 = tpu.memref_slice %arg9[%dma_start3A_141, %dma_start3A_145] : memref<8x128xi32, #tpu.memory_space<vmem>> -> memref<1x128xi32, #tpu.memory_space<vmem>>
      %dma_start3A_147 = tpu.memref_squeeze %dma_start3A_146 : memref<1x128xi32, #tpu.memory_space<vmem>> -> memref<128xi32, #tpu.memory_space<vmem>>
      %dma_start3A_148 = arith.constant 0 : i32
      %dma_start3A_149 = tpu.memref_slice %arg15[%dma_start3A_148] : memref<768xf32, #tpu.memory_space<vmem_shared>> -> memref<768xf32, #tpu.memory_space<vmem_shared>>
      tpu.enqueue_indirect_dma source(%dma_start3A_144 : memref<128xf32, #tpu.memory_space<vmem>>) target(%dma_start3A_149 : memref<768xf32, #tpu.memory_space<vmem_shared>>) offsets(%dma_start3A_147 : memref<128xi32, #tpu.memory_space<vmem>>) semaphore(%arg17 : memref<!tpu.dma_semaphore, #tpu.memory_space<semaphore_mem>>) {add = true}
      %dma_start3A_150 = arith.constant 3 : i32
      %dma_start3A_151 = arith.constant 2 : i32
      %dma_start3A_152 = arith.constant 2 : i32
      %dma_start3A_153 = arith.constant 0 : i32
      %dma_start3A_154 = tpu.memref_slice %arg10[%dma_start3A_150, %dma_start3A_151, %dma_start3A_153] : memref<4x8x128xf32, #tpu.memory_space<vmem>> -> memref<1x1x128xf32, #tpu.memory_space<vmem>>
      %dma_start3A_155 = tpu.memref_squeeze %dma_start3A_154 : memref<1x1x128xf32, #tpu.memory_space<vmem>> -> memref<128xf32, #tpu.memory_space<vmem>>
      %dma_start3A_156 = arith.constant 0 : i32
      %dma_start3A_157 = tpu.memref_slice %arg9[%dma_start3A_152, %dma_start3A_156] : memref<8x128xi32, #tpu.memory_space<vmem>> -> memref<1x128xi32, #tpu.memory_space<vmem>>
      %dma_start3A_158 = tpu.memref_squeeze %dma_start3A_157 : memref<1x128xi32, #tpu.memory_space<vmem>> -> memref<128xi32, #tpu.memory_space<vmem>>
      %dma_start3A_159 = arith.constant 0 : i32
      %dma_start3A_160 = tpu.memref_slice %arg16[%dma_start3A_159] : memref<768xf32, #tpu.memory_space<vmem_shared>> -> memref<768xf32, #tpu.memory_space<vmem_shared>>
      tpu.enqueue_indirect_dma source(%dma_start3A_155 : memref<128xf32, #tpu.memory_space<vmem>>) target(%dma_start3A_160 : memref<768xf32, #tpu.memory_space<vmem_shared>>) offsets(%dma_start3A_158 : memref<128xi32, #tpu.memory_space<vmem>>) semaphore(%arg17 : memref<!tpu.dma_semaphore, #tpu.memory_space<semaphore_mem>>) {add = true}
      %dma_start3A_161 = arith.constant 0 : i32
      %dma_start3A_162 = arith.constant 3 : i32
      %dma_start3A_163 = arith.constant 3 : i32
      %dma_start3A_164 = arith.constant 0 : i32
      %dma_start3A_165 = tpu.memref_slice %arg10[%dma_start3A_161, %dma_start3A_162, %dma_start3A_164] : memref<4x8x128xf32, #tpu.memory_space<vmem>> -> memref<1x1x128xf32, #tpu.memory_space<vmem>>
      %dma_start3A_166 = tpu.memref_squeeze %dma_start3A_165 : memref<1x1x128xf32, #tpu.memory_space<vmem>> -> memref<128xf32, #tpu.memory_space<vmem>>
      %dma_start3A_167 = arith.constant 0 : i32
      %dma_start3A_168 = tpu.memref_slice %arg9[%dma_start3A_163, %dma_start3A_167] : memref<8x128xi32, #tpu.memory_space<vmem>> -> memref<1x128xi32, #tpu.memory_space<vmem>>
      %dma_start3A_169 = tpu.memref_squeeze %dma_start3A_168 : memref<1x128xi32, #tpu.memory_space<vmem>> -> memref<128xi32, #tpu.memory_space<vmem>>
      %dma_start3A_170 = arith.constant 0 : i32
      %dma_start3A_171 = tpu.memref_slice %arg13[%dma_start3A_170] : memref<768xf32, #tpu.memory_space<vmem_shared>> -> memref<768xf32, #tpu.memory_space<vmem_shared>>
      tpu.enqueue_indirect_dma source(%dma_start3A_166 : memref<128xf32, #tpu.memory_space<vmem>>) target(%dma_start3A_171 : memref<768xf32, #tpu.memory_space<vmem_shared>>) offsets(%dma_start3A_169 : memref<128xi32, #tpu.memory_space<vmem>>) semaphore(%arg17 : memref<!tpu.dma_semaphore, #tpu.memory_space<semaphore_mem>>) {add = true}
      %dma_start3A_172 = arith.constant 1 : i32
      %dma_start3A_173 = arith.constant 3 : i32
      %dma_start3A_174 = arith.constant 3 : i32
      %dma_start3A_175 = arith.constant 0 : i32
      %dma_start3A_176 = tpu.memref_slice %arg10[%dma_start3A_172, %dma_start3A_173, %dma_start3A_175] : memref<4x8x128xf32, #tpu.memory_space<vmem>> -> memref<1x1x128xf32, #tpu.memory_space<vmem>>
      %dma_start3A_177 = tpu.memref_squeeze %dma_start3A_176 : memref<1x1x128xf32, #tpu.memory_space<vmem>> -> memref<128xf32, #tpu.memory_space<vmem>>
      %dma_start3A_178 = arith.constant 0 : i32
      %dma_start3A_179 = tpu.memref_slice %arg9[%dma_start3A_174, %dma_start3A_178] : memref<8x128xi32, #tpu.memory_space<vmem>> -> memref<1x128xi32, #tpu.memory_space<vmem>>
      %dma_start3A_180 = tpu.memref_squeeze %dma_start3A_179 : memref<1x128xi32, #tpu.memory_space<vmem>> -> memref<128xi32, #tpu.memory_space<vmem>>
      %dma_start3A_181 = arith.constant 0 : i32
      %dma_start3A_182 = tpu.memref_slice %arg14[%dma_start3A_181] : memref<768xf32, #tpu.memory_space<vmem_shared>> -> memref<768xf32, #tpu.memory_space<vmem_shared>>
      tpu.enqueue_indirect_dma source(%dma_start3A_177 : memref<128xf32, #tpu.memory_space<vmem>>) target(%dma_start3A_182 : memref<768xf32, #tpu.memory_space<vmem_shared>>) offsets(%dma_start3A_180 : memref<128xi32, #tpu.memory_space<vmem>>) semaphore(%arg17 : memref<!tpu.dma_semaphore, #tpu.memory_space<semaphore_mem>>) {add = true}
      %dma_start3A_183 = arith.constant 2 : i32
      %dma_start3A_184 = arith.constant 3 : i32
      %dma_start3A_185 = arith.constant 3 : i32
      %dma_start3A_186 = arith.constant 0 : i32
      %dma_start3A_187 = tpu.memref_slice %arg10[%dma_start3A_183, %dma_start3A_184, %dma_start3A_186] : memref<4x8x128xf32, #tpu.memory_space<vmem>> -> memref<1x1x128xf32, #tpu.memory_space<vmem>>
      %dma_start3A_188 = tpu.memref_squeeze %dma_start3A_187 : memref<1x1x128xf32, #tpu.memory_space<vmem>> -> memref<128xf32, #tpu.memory_space<vmem>>
      %dma_start3A_189 = arith.constant 0 : i32
      %dma_start3A_190 = tpu.memref_slice %arg9[%dma_start3A_185, %dma_start3A_189] : memref<8x128xi32, #tpu.memory_space<vmem>> -> memref<1x128xi32, #tpu.memory_space<vmem>>
      %dma_start3A_191 = tpu.memref_squeeze %dma_start3A_190 : memref<1x128xi32, #tpu.memory_space<vmem>> -> memref<128xi32, #tpu.memory_space<vmem>>
      %dma_start3A_192 = arith.constant 0 : i32
      %dma_start3A_193 = tpu.memref_slice %arg15[%dma_start3A_192] : memref<768xf32, #tpu.memory_space<vmem_shared>> -> memref<768xf32, #tpu.memory_space<vmem_shared>>
      tpu.enqueue_indirect_dma source(%dma_start3A_188 : memref<128xf32, #tpu.memory_space<vmem>>) target(%dma_start3A_193 : memref<768xf32, #tpu.memory_space<vmem_shared>>) offsets(%dma_start3A_191 : memref<128xi32, #tpu.memory_space<vmem>>) semaphore(%arg17 : memref<!tpu.dma_semaphore, #tpu.memory_space<semaphore_mem>>) {add = true}
      %dma_start3A_194 = arith.constant 3 : i32
      %dma_start3A_195 = arith.constant 3 : i32
      %dma_start3A_196 = arith.constant 3 : i32
      %dma_start3A_197 = arith.constant 0 : i32
      %dma_start3A_198 = tpu.memref_slice %arg10[%dma_start3A_194, %dma_start3A_195, %dma_start3A_197] : memref<4x8x128xf32, #tpu.memory_space<vmem>> -> memref<1x1x128xf32, #tpu.memory_space<vmem>>
      %dma_start3A_199 = tpu.memref_squeeze %dma_start3A_198 : memref<1x1x128xf32, #tpu.memory_space<vmem>> -> memref<128xf32, #tpu.memory_space<vmem>>
      %dma_start3A_200 = arith.constant 0 : i32
      %dma_start3A_201 = tpu.memref_slice %arg9[%dma_start3A_196, %dma_start3A_200] : memref<8x128xi32, #tpu.memory_space<vmem>> -> memref<1x128xi32, #tpu.memory_space<vmem>>
      %dma_start3A_202 = tpu.memref_squeeze %dma_start3A_201 : memref<1x128xi32, #tpu.memory_space<vmem>> -> memref<128xi32, #tpu.memory_space<vmem>>
      %dma_start3A_203 = arith.constant 0 : i32
      %dma_start3A_204 = tpu.memref_slice %arg16[%dma_start3A_203] : memref<768xf32, #tpu.memory_space<vmem_shared>> -> memref<768xf32, #tpu.memory_space<vmem_shared>>
      tpu.enqueue_indirect_dma source(%dma_start3A_199 : memref<128xf32, #tpu.memory_space<vmem>>) target(%dma_start3A_204 : memref<768xf32, #tpu.memory_space<vmem_shared>>) offsets(%dma_start3A_202 : memref<128xi32, #tpu.memory_space<vmem>>) semaphore(%arg17 : memref<!tpu.dma_semaphore, #tpu.memory_space<semaphore_mem>>) {add = true}
      %dma_start3A_205 = arith.constant 0 : i32
      %dma_start3A_206 = arith.constant 4 : i32
      %dma_start3A_207 = arith.constant 4 : i32
      %dma_start3A_208 = arith.constant 0 : i32
      %dma_start3A_209 = tpu.memref_slice %arg10[%dma_start3A_205, %dma_start3A_206, %dma_start3A_208] : memref<4x8x128xf32, #tpu.memory_space<vmem>> -> memref<1x1x128xf32, #tpu.memory_space<vmem>>
      %dma_start3A_210 = tpu.memref_squeeze %dma_start3A_209 : memref<1x1x128xf32, #tpu.memory_space<vmem>> -> memref<128xf32, #tpu.memory_space<vmem>>
      %dma_start3A_211 = arith.constant 0 : i32
      %dma_start3A_212 = tpu.memref_slice %arg9[%dma_start3A_207, %dma_start3A_211] : memref<8x128xi32, #tpu.memory_space<vmem>> -> memref<1x128xi32, #tpu.memory_space<vmem>>
      %dma_start3A_213 = tpu.memref_squeeze %dma_start3A_212 : memref<1x128xi32, #tpu.memory_space<vmem>> -> memref<128xi32, #tpu.memory_space<vmem>>
      %dma_start3A_214 = arith.constant 0 : i32
      %dma_start3A_215 = tpu.memref_slice %arg13[%dma_start3A_214] : memref<768xf32, #tpu.memory_space<vmem_shared>> -> memref<768xf32, #tpu.memory_space<vmem_shared>>
      tpu.enqueue_indirect_dma source(%dma_start3A_210 : memref<128xf32, #tpu.memory_space<vmem>>) target(%dma_start3A_215 : memref<768xf32, #tpu.memory_space<vmem_shared>>) offsets(%dma_start3A_213 : memref<128xi32, #tpu.memory_space<vmem>>) semaphore(%arg17 : memref<!tpu.dma_semaphore, #tpu.memory_space<semaphore_mem>>) {add = true}
      %dma_start3A_216 = arith.constant 1 : i32
      %dma_start3A_217 = arith.constant 4 : i32
      %dma_start3A_218 = arith.constant 4 : i32
      %dma_start3A_219 = arith.constant 0 : i32
      %dma_start3A_220 = tpu.memref_slice %arg10[%dma_start3A_216, %dma_start3A_217, %dma_start3A_219] : memref<4x8x128xf32, #tpu.memory_space<vmem>> -> memref<1x1x128xf32, #tpu.memory_space<vmem>>
      %dma_start3A_221 = tpu.memref_squeeze %dma_start3A_220 : memref<1x1x128xf32, #tpu.memory_space<vmem>> -> memref<128xf32, #tpu.memory_space<vmem>>
      %dma_start3A_222 = arith.constant 0 : i32
      %dma_start3A_223 = tpu.memref_slice %arg9[%dma_start3A_218, %dma_start3A_222] : memref<8x128xi32, #tpu.memory_space<vmem>> -> memref<1x128xi32, #tpu.memory_space<vmem>>
      %dma_start3A_224 = tpu.memref_squeeze %dma_start3A_223 : memref<1x128xi32, #tpu.memory_space<vmem>> -> memref<128xi32, #tpu.memory_space<vmem>>
      %dma_start3A_225 = arith.constant 0 : i32
      %dma_start3A_226 = tpu.memref_slice %arg14[%dma_start3A_225] : memref<768xf32, #tpu.memory_space<vmem_shared>> -> memref<768xf32, #tpu.memory_space<vmem_shared>>
      tpu.enqueue_indirect_dma source(%dma_start3A_221 : memref<128xf32, #tpu.memory_space<vmem>>) target(%dma_start3A_226 : memref<768xf32, #tpu.memory_space<vmem_shared>>) offsets(%dma_start3A_224 : memref<128xi32, #tpu.memory_space<vmem>>) semaphore(%arg17 : memref<!tpu.dma_semaphore, #tpu.memory_space<semaphore_mem>>) {add = true}
      %dma_start3A_227 = arith.constant 2 : i32
      %dma_start3A_228 = arith.constant 4 : i32
      %dma_start3A_229 = arith.constant 4 : i32
      %dma_start3A_230 = arith.constant 0 : i32
      %dma_start3A_231 = tpu.memref_slice %arg10[%dma_start3A_227, %dma_start3A_228, %dma_start3A_230] : memref<4x8x128xf32, #tpu.memory_space<vmem>> -> memref<1x1x128xf32, #tpu.memory_space<vmem>>
      %dma_start3A_232 = tpu.memref_squeeze %dma_start3A_231 : memref<1x1x128xf32, #tpu.memory_space<vmem>> -> memref<128xf32, #tpu.memory_space<vmem>>
      %dma_start3A_233 = arith.constant 0 : i32
      %dma_start3A_234 = tpu.memref_slice %arg9[%dma_start3A_229, %dma_start3A_233] : memref<8x128xi32, #tpu.memory_space<vmem>> -> memref<1x128xi32, #tpu.memory_space<vmem>>
      %dma_start3A_235 = tpu.memref_squeeze %dma_start3A_234 : memref<1x128xi32, #tpu.memory_space<vmem>> -> memref<128xi32, #tpu.memory_space<vmem>>
      %dma_start3A_236 = arith.constant 0 : i32
      %dma_start3A_237 = tpu.memref_slice %arg15[%dma_start3A_236] : memref<768xf32, #tpu.memory_space<vmem_shared>> -> memref<768xf32, #tpu.memory_space<vmem_shared>>
      tpu.enqueue_indirect_dma source(%dma_start3A_232 : memref<128xf32, #tpu.memory_space<vmem>>) target(%dma_start3A_237 : memref<768xf32, #tpu.memory_space<vmem_shared>>) offsets(%dma_start3A_235 : memref<128xi32, #tpu.memory_space<vmem>>) semaphore(%arg17 : memref<!tpu.dma_semaphore, #tpu.memory_space<semaphore_mem>>) {add = true}
      %dma_start3A_238 = arith.constant 3 : i32
      %dma_start3A_239 = arith.constant 4 : i32
      %dma_start3A_240 = arith.constant 4 : i32
      %dma_start3A_241 = arith.constant 0 : i32
      %dma_start3A_242 = tpu.memref_slice %arg10[%dma_start3A_238, %dma_start3A_239, %dma_start3A_241] : memref<4x8x128xf32, #tpu.memory_space<vmem>> -> memref<1x1x128xf32, #tpu.memory_space<vmem>>
      %dma_start3A_243 = tpu.memref_squeeze %dma_start3A_242 : memref<1x1x128xf32, #tpu.memory_space<vmem>> -> memref<128xf32, #tpu.memory_space<vmem>>
      %dma_start3A_244 = arith.constant 0 : i32
      %dma_start3A_245 = tpu.memref_slice %arg9[%dma_start3A_240, %dma_start3A_244] : memref<8x128xi32, #tpu.memory_space<vmem>> -> memref<1x128xi32, #tpu.memory_space<vmem>>
      %dma_start3A_246 = tpu.memref_squeeze %dma_start3A_245 : memref<1x128xi32, #tpu.memory_space<vmem>> -> memref<128xi32, #tpu.memory_space<vmem>>
      %dma_start3A_247 = arith.constant 0 : i32
      %dma_start3A_248 = tpu.memref_slice %arg16[%dma_start3A_247] : memref<768xf32, #tpu.memory_space<vmem_shared>> -> memref<768xf32, #tpu.memory_space<vmem_shared>>
      tpu.enqueue_indirect_dma source(%dma_start3A_243 : memref<128xf32, #tpu.memory_space<vmem>>) target(%dma_start3A_248 : memref<768xf32, #tpu.memory_space<vmem_shared>>) offsets(%dma_start3A_246 : memref<128xi32, #tpu.memory_space<vmem>>) semaphore(%arg17 : memref<!tpu.dma_semaphore, #tpu.memory_space<semaphore_mem>>) {add = true}
      %dma_start3A_249 = arith.constant 0 : i32
      %dma_start3A_250 = arith.constant 5 : i32
      %dma_start3A_251 = arith.constant 5 : i32
      %dma_start3A_252 = arith.constant 0 : i32
      %dma_start3A_253 = tpu.memref_slice %arg10[%dma_start3A_249, %dma_start3A_250, %dma_start3A_252] : memref<4x8x128xf32, #tpu.memory_space<vmem>> -> memref<1x1x128xf32, #tpu.memory_space<vmem>>
      %dma_start3A_254 = tpu.memref_squeeze %dma_start3A_253 : memref<1x1x128xf32, #tpu.memory_space<vmem>> -> memref<128xf32, #tpu.memory_space<vmem>>
      %dma_start3A_255 = arith.constant 0 : i32
      %dma_start3A_256 = tpu.memref_slice %arg9[%dma_start3A_251, %dma_start3A_255] : memref<8x128xi32, #tpu.memory_space<vmem>> -> memref<1x128xi32, #tpu.memory_space<vmem>>
      %dma_start3A_257 = tpu.memref_squeeze %dma_start3A_256 : memref<1x128xi32, #tpu.memory_space<vmem>> -> memref<128xi32, #tpu.memory_space<vmem>>
      %dma_start3A_258 = arith.constant 0 : i32
      %dma_start3A_259 = tpu.memref_slice %arg13[%dma_start3A_258] : memref<768xf32, #tpu.memory_space<vmem_shared>> -> memref<768xf32, #tpu.memory_space<vmem_shared>>
      tpu.enqueue_indirect_dma source(%dma_start3A_254 : memref<128xf32, #tpu.memory_space<vmem>>) target(%dma_start3A_259 : memref<768xf32, #tpu.memory_space<vmem_shared>>) offsets(%dma_start3A_257 : memref<128xi32, #tpu.memory_space<vmem>>) semaphore(%arg17 : memref<!tpu.dma_semaphore, #tpu.memory_space<semaphore_mem>>) {add = true}
      %dma_start3A_260 = arith.constant 1 : i32
      %dma_start3A_261 = arith.constant 5 : i32
      %dma_start3A_262 = arith.constant 5 : i32
      %dma_start3A_263 = arith.constant 0 : i32
      %dma_start3A_264 = tpu.memref_slice %arg10[%dma_start3A_260, %dma_start3A_261, %dma_start3A_263] : memref<4x8x128xf32, #tpu.memory_space<vmem>> -> memref<1x1x128xf32, #tpu.memory_space<vmem>>
      %dma_start3A_265 = tpu.memref_squeeze %dma_start3A_264 : memref<1x1x128xf32, #tpu.memory_space<vmem>> -> memref<128xf32, #tpu.memory_space<vmem>>
      %dma_start3A_266 = arith.constant 0 : i32
      %dma_start3A_267 = tpu.memref_slice %arg9[%dma_start3A_262, %dma_start3A_266] : memref<8x128xi32, #tpu.memory_space<vmem>> -> memref<1x128xi32, #tpu.memory_space<vmem>>
      %dma_start3A_268 = tpu.memref_squeeze %dma_start3A_267 : memref<1x128xi32, #tpu.memory_space<vmem>> -> memref<128xi32, #tpu.memory_space<vmem>>
      %dma_start3A_269 = arith.constant 0 : i32
      %dma_start3A_270 = tpu.memref_slice %arg14[%dma_start3A_269] : memref<768xf32, #tpu.memory_space<vmem_shared>> -> memref<768xf32, #tpu.memory_space<vmem_shared>>
      tpu.enqueue_indirect_dma source(%dma_start3A_265 : memref<128xf32, #tpu.memory_space<vmem>>) target(%dma_start3A_270 : memref<768xf32, #tpu.memory_space<vmem_shared>>) offsets(%dma_start3A_268 : memref<128xi32, #tpu.memory_space<vmem>>) semaphore(%arg17 : memref<!tpu.dma_semaphore, #tpu.memory_space<semaphore_mem>>) {add = true}
      %dma_start3A_271 = arith.constant 2 : i32
      %dma_start3A_272 = arith.constant 5 : i32
      %dma_start3A_273 = arith.constant 5 : i32
      %dma_start3A_274 = arith.constant 0 : i32
      %dma_start3A_275 = tpu.memref_slice %arg10[%dma_start3A_271, %dma_start3A_272, %dma_start3A_274] : memref<4x8x128xf32, #tpu.memory_space<vmem>> -> memref<1x1x128xf32, #tpu.memory_space<vmem>>
      %dma_start3A_276 = tpu.memref_squeeze %dma_start3A_275 : memref<1x1x128xf32, #tpu.memory_space<vmem>> -> memref<128xf32, #tpu.memory_space<vmem>>
      %dma_start3A_277 = arith.constant 0 : i32
      %dma_start3A_278 = tpu.memref_slice %arg9[%dma_start3A_273, %dma_start3A_277] : memref<8x128xi32, #tpu.memory_space<vmem>> -> memref<1x128xi32, #tpu.memory_space<vmem>>
      %dma_start3A_279 = tpu.memref_squeeze %dma_start3A_278 : memref<1x128xi32, #tpu.memory_space<vmem>> -> memref<128xi32, #tpu.memory_space<vmem>>
      %dma_start3A_280 = arith.constant 0 : i32
      %dma_start3A_281 = tpu.memref_slice %arg15[%dma_start3A_280] : memref<768xf32, #tpu.memory_space<vmem_shared>> -> memref<768xf32, #tpu.memory_space<vmem_shared>>
      tpu.enqueue_indirect_dma source(%dma_start3A_276 : memref<128xf32, #tpu.memory_space<vmem>>) target(%dma_start3A_281 : memref<768xf32, #tpu.memory_space<vmem_shared>>) offsets(%dma_start3A_279 : memref<128xi32, #tpu.memory_space<vmem>>) semaphore(%arg17 : memref<!tpu.dma_semaphore, #tpu.memory_space<semaphore_mem>>) {add = true}
      %dma_start3A_282 = arith.constant 3 : i32
      %dma_start3A_283 = arith.constant 5 : i32
      %dma_start3A_284 = arith.constant 5 : i32
      %dma_start3A_285 = arith.constant 0 : i32
      %dma_start3A_286 = tpu.memref_slice %arg10[%dma_start3A_282, %dma_start3A_283, %dma_start3A_285] : memref<4x8x128xf32, #tpu.memory_space<vmem>> -> memref<1x1x128xf32, #tpu.memory_space<vmem>>
      %dma_start3A_287 = tpu.memref_squeeze %dma_start3A_286 : memref<1x1x128xf32, #tpu.memory_space<vmem>> -> memref<128xf32, #tpu.memory_space<vmem>>
      %dma_start3A_288 = arith.constant 0 : i32
      %dma_start3A_289 = tpu.memref_slice %arg9[%dma_start3A_284, %dma_start3A_288] : memref<8x128xi32, #tpu.memory_space<vmem>> -> memref<1x128xi32, #tpu.memory_space<vmem>>
      %dma_start3A_290 = tpu.memref_squeeze %dma_start3A_289 : memref<1x128xi32, #tpu.memory_space<vmem>> -> memref<128xi32, #tpu.memory_space<vmem>>
      %dma_start3A_291 = arith.constant 0 : i32
      %dma_start3A_292 = tpu.memref_slice %arg16[%dma_start3A_291] : memref<768xf32, #tpu.memory_space<vmem_shared>> -> memref<768xf32, #tpu.memory_space<vmem_shared>>
      tpu.enqueue_indirect_dma source(%dma_start3A_287 : memref<128xf32, #tpu.memory_space<vmem>>) target(%dma_start3A_292 : memref<768xf32, #tpu.memory_space<vmem_shared>>) offsets(%dma_start3A_290 : memref<128xi32, #tpu.memory_space<vmem>>) semaphore(%arg17 : memref<!tpu.dma_semaphore, #tpu.memory_space<semaphore_mem>>) {add = true}
      %dma_start3A_293 = arith.constant 0 : i32
      %dma_start3A_294 = arith.constant 6 : i32
      %dma_start3A_295 = arith.constant 6 : i32
      %dma_start3A_296 = arith.constant 0 : i32
      %dma_start3A_297 = tpu.memref_slice %arg10[%dma_start3A_293, %dma_start3A_294, %dma_start3A_296] : memref<4x8x128xf32, #tpu.memory_space<vmem>> -> memref<1x1x128xf32, #tpu.memory_space<vmem>>
      %dma_start3A_298 = tpu.memref_squeeze %dma_start3A_297 : memref<1x1x128xf32, #tpu.memory_space<vmem>> -> memref<128xf32, #tpu.memory_space<vmem>>
      %dma_start3A_299 = arith.constant 0 : i32
      %dma_start3A_300 = tpu.memref_slice %arg9[%dma_start3A_295, %dma_start3A_299] : memref<8x128xi32, #tpu.memory_space<vmem>> -> memref<1x128xi32, #tpu.memory_space<vmem>>
      %dma_start3A_301 = tpu.memref_squeeze %dma_start3A_300 : memref<1x128xi32, #tpu.memory_space<vmem>> -> memref<128xi32, #tpu.memory_space<vmem>>
      %dma_start3A_302 = arith.constant 0 : i32
      %dma_start3A_303 = tpu.memref_slice %arg13[%dma_start3A_302] : memref<768xf32, #tpu.memory_space<vmem_shared>> -> memref<768xf32, #tpu.memory_space<vmem_shared>>
      tpu.enqueue_indirect_dma source(%dma_start3A_298 : memref<128xf32, #tpu.memory_space<vmem>>) target(%dma_start3A_303 : memref<768xf32, #tpu.memory_space<vmem_shared>>) offsets(%dma_start3A_301 : memref<128xi32, #tpu.memory_space<vmem>>) semaphore(%arg17 : memref<!tpu.dma_semaphore, #tpu.memory_space<semaphore_mem>>) {add = true}
      %dma_start3A_304 = arith.constant 1 : i32
      %dma_start3A_305 = arith.constant 6 : i32
      %dma_start3A_306 = arith.constant 6 : i32
      %dma_start3A_307 = arith.constant 0 : i32
      %dma_start3A_308 = tpu.memref_slice %arg10[%dma_start3A_304, %dma_start3A_305, %dma_start3A_307] : memref<4x8x128xf32, #tpu.memory_space<vmem>> -> memref<1x1x128xf32, #tpu.memory_space<vmem>>
      %dma_start3A_309 = tpu.memref_squeeze %dma_start3A_308 : memref<1x1x128xf32, #tpu.memory_space<vmem>> -> memref<128xf32, #tpu.memory_space<vmem>>
      %dma_start3A_310 = arith.constant 0 : i32
      %dma_start3A_311 = tpu.memref_slice %arg9[%dma_start3A_306, %dma_start3A_310] : memref<8x128xi32, #tpu.memory_space<vmem>> -> memref<1x128xi32, #tpu.memory_space<vmem>>
      %dma_start3A_312 = tpu.memref_squeeze %dma_start3A_311 : memref<1x128xi32, #tpu.memory_space<vmem>> -> memref<128xi32, #tpu.memory_space<vmem>>
      %dma_start3A_313 = arith.constant 0 : i32
      %dma_start3A_314 = tpu.memref_slice %arg14[%dma_start3A_313] : memref<768xf32, #tpu.memory_space<vmem_shared>> -> memref<768xf32, #tpu.memory_space<vmem_shared>>
      tpu.enqueue_indirect_dma source(%dma_start3A_309 : memref<128xf32, #tpu.memory_space<vmem>>) target(%dma_start3A_314 : memref<768xf32, #tpu.memory_space<vmem_shared>>) offsets(%dma_start3A_312 : memref<128xi32, #tpu.memory_space<vmem>>) semaphore(%arg17 : memref<!tpu.dma_semaphore, #tpu.memory_space<semaphore_mem>>) {add = true}
      %dma_start3A_315 = arith.constant 2 : i32
      %dma_start3A_316 = arith.constant 6 : i32
      %dma_start3A_317 = arith.constant 6 : i32
      %dma_start3A_318 = arith.constant 0 : i32
      %dma_start3A_319 = tpu.memref_slice %arg10[%dma_start3A_315, %dma_start3A_316, %dma_start3A_318] : memref<4x8x128xf32, #tpu.memory_space<vmem>> -> memref<1x1x128xf32, #tpu.memory_space<vmem>>
      %dma_start3A_320 = tpu.memref_squeeze %dma_start3A_319 : memref<1x1x128xf32, #tpu.memory_space<vmem>> -> memref<128xf32, #tpu.memory_space<vmem>>
      %dma_start3A_321 = arith.constant 0 : i32
      %dma_start3A_322 = tpu.memref_slice %arg9[%dma_start3A_317, %dma_start3A_321] : memref<8x128xi32, #tpu.memory_space<vmem>> -> memref<1x128xi32, #tpu.memory_space<vmem>>
      %dma_start3A_323 = tpu.memref_squeeze %dma_start3A_322 : memref<1x128xi32, #tpu.memory_space<vmem>> -> memref<128xi32, #tpu.memory_space<vmem>>
      %dma_start3A_324 = arith.constant 0 : i32
      %dma_start3A_325 = tpu.memref_slice %arg15[%dma_start3A_324] : memref<768xf32, #tpu.memory_space<vmem_shared>> -> memref<768xf32, #tpu.memory_space<vmem_shared>>
      tpu.enqueue_indirect_dma source(%dma_start3A_320 : memref<128xf32, #tpu.memory_space<vmem>>) target(%dma_start3A_325 : memref<768xf32, #tpu.memory_space<vmem_shared>>) offsets(%dma_start3A_323 : memref<128xi32, #tpu.memory_space<vmem>>) semaphore(%arg17 : memref<!tpu.dma_semaphore, #tpu.memory_space<semaphore_mem>>) {add = true}
      %dma_start3A_326 = arith.constant 3 : i32
      %dma_start3A_327 = arith.constant 6 : i32
      %dma_start3A_328 = arith.constant 6 : i32
      %dma_start3A_329 = arith.constant 0 : i32
      %dma_start3A_330 = tpu.memref_slice %arg10[%dma_start3A_326, %dma_start3A_327, %dma_start3A_329] : memref<4x8x128xf32, #tpu.memory_space<vmem>> -> memref<1x1x128xf32, #tpu.memory_space<vmem>>
      %dma_start3A_331 = tpu.memref_squeeze %dma_start3A_330 : memref<1x1x128xf32, #tpu.memory_space<vmem>> -> memref<128xf32, #tpu.memory_space<vmem>>
      %dma_start3A_332 = arith.constant 0 : i32
      %dma_start3A_333 = tpu.memref_slice %arg9[%dma_start3A_328, %dma_start3A_332] : memref<8x128xi32, #tpu.memory_space<vmem>> -> memref<1x128xi32, #tpu.memory_space<vmem>>
      %dma_start3A_334 = tpu.memref_squeeze %dma_start3A_333 : memref<1x128xi32, #tpu.memory_space<vmem>> -> memref<128xi32, #tpu.memory_space<vmem>>
      %dma_start3A_335 = arith.constant 0 : i32
      %dma_start3A_336 = tpu.memref_slice %arg16[%dma_start3A_335] : memref<768xf32, #tpu.memory_space<vmem_shared>> -> memref<768xf32, #tpu.memory_space<vmem_shared>>
      tpu.enqueue_indirect_dma source(%dma_start3A_331 : memref<128xf32, #tpu.memory_space<vmem>>) target(%dma_start3A_336 : memref<768xf32, #tpu.memory_space<vmem_shared>>) offsets(%dma_start3A_334 : memref<128xi32, #tpu.memory_space<vmem>>) semaphore(%arg17 : memref<!tpu.dma_semaphore, #tpu.memory_space<semaphore_mem>>) {add = true}
      %dma_start3A_337 = arith.constant 0 : i32
      %dma_start3A_338 = arith.constant 7 : i32
      %dma_start3A_339 = arith.constant 7 : i32
      %dma_start3A_340 = arith.constant 0 : i32
      %dma_start3A_341 = tpu.memref_slice %arg10[%dma_start3A_337, %dma_start3A_338, %dma_start3A_340] : memref<4x8x128xf32, #tpu.memory_space<vmem>> -> memref<1x1x128xf32, #tpu.memory_space<vmem>>
      %dma_start3A_342 = tpu.memref_squeeze %dma_start3A_341 : memref<1x1x128xf32, #tpu.memory_space<vmem>> -> memref<128xf32, #tpu.memory_space<vmem>>
      %dma_start3A_343 = arith.constant 0 : i32
      %dma_start3A_344 = tpu.memref_slice %arg9[%dma_start3A_339, %dma_start3A_343] : memref<8x128xi32, #tpu.memory_space<vmem>> -> memref<1x128xi32, #tpu.memory_space<vmem>>
      %dma_start3A_345 = tpu.memref_squeeze %dma_start3A_344 : memref<1x128xi32, #tpu.memory_space<vmem>> -> memref<128xi32, #tpu.memory_space<vmem>>
      %dma_start3A_346 = arith.constant 0 : i32
      %dma_start3A_347 = tpu.memref_slice %arg13[%dma_start3A_346] : memref<768xf32, #tpu.memory_space<vmem_shared>> -> memref<768xf32, #tpu.memory_space<vmem_shared>>
      tpu.enqueue_indirect_dma source(%dma_start3A_342 : memref<128xf32, #tpu.memory_space<vmem>>) target(%dma_start3A_347 : memref<768xf32, #tpu.memory_space<vmem_shared>>) offsets(%dma_start3A_345 : memref<128xi32, #tpu.memory_space<vmem>>) semaphore(%arg17 : memref<!tpu.dma_semaphore, #tpu.memory_space<semaphore_mem>>) {add = true}
      %dma_start3A_348 = arith.constant 1 : i32
      %dma_start3A_349 = arith.constant 7 : i32
      %dma_start3A_350 = arith.constant 7 : i32
      %dma_start3A_351 = arith.constant 0 : i32
      %dma_start3A_352 = tpu.memref_slice %arg10[%dma_start3A_348, %dma_start3A_349, %dma_start3A_351] : memref<4x8x128xf32, #tpu.memory_space<vmem>> -> memref<1x1x128xf32, #tpu.memory_space<vmem>>
      %dma_start3A_353 = tpu.memref_squeeze %dma_start3A_352 : memref<1x1x128xf32, #tpu.memory_space<vmem>> -> memref<128xf32, #tpu.memory_space<vmem>>
      %dma_start3A_354 = arith.constant 0 : i32
      %dma_start3A_355 = tpu.memref_slice %arg9[%dma_start3A_350, %dma_start3A_354] : memref<8x128xi32, #tpu.memory_space<vmem>> -> memref<1x128xi32, #tpu.memory_space<vmem>>
      %dma_start3A_356 = tpu.memref_squeeze %dma_start3A_355 : memref<1x128xi32, #tpu.memory_space<vmem>> -> memref<128xi32, #tpu.memory_space<vmem>>
      %dma_start3A_357 = arith.constant 0 : i32
      %dma_start3A_358 = tpu.memref_slice %arg14[%dma_start3A_357] : memref<768xf32, #tpu.memory_space<vmem_shared>> -> memref<768xf32, #tpu.memory_space<vmem_shared>>
      tpu.enqueue_indirect_dma source(%dma_start3A_353 : memref<128xf32, #tpu.memory_space<vmem>>) target(%dma_start3A_358 : memref<768xf32, #tpu.memory_space<vmem_shared>>) offsets(%dma_start3A_356 : memref<128xi32, #tpu.memory_space<vmem>>) semaphore(%arg17 : memref<!tpu.dma_semaphore, #tpu.memory_space<semaphore_mem>>) {add = true}
      %dma_start3A_359 = arith.constant 2 : i32
      %dma_start3A_360 = arith.constant 7 : i32
      %dma_start3A_361 = arith.constant 7 : i32
      %dma_start3A_362 = arith.constant 0 : i32
      %dma_start3A_363 = tpu.memref_slice %arg10[%dma_start3A_359, %dma_start3A_360, %dma_start3A_362] : memref<4x8x128xf32, #tpu.memory_space<vmem>> -> memref<1x1x128xf32, #tpu.memory_space<vmem>>
      %dma_start3A_364 = tpu.memref_squeeze %dma_start3A_363 : memref<1x1x128xf32, #tpu.memory_space<vmem>> -> memref<128xf32, #tpu.memory_space<vmem>>
      %dma_start3A_365 = arith.constant 0 : i32
      %dma_start3A_366 = tpu.memref_slice %arg9[%dma_start3A_361, %dma_start3A_365] : memref<8x128xi32, #tpu.memory_space<vmem>> -> memref<1x128xi32, #tpu.memory_space<vmem>>
      %dma_start3A_367 = tpu.memref_squeeze %dma_start3A_366 : memref<1x128xi32, #tpu.memory_space<vmem>> -> memref<128xi32, #tpu.memory_space<vmem>>
      %dma_start3A_368 = arith.constant 0 : i32
      %dma_start3A_369 = tpu.memref_slice %arg15[%dma_start3A_368] : memref<768xf32, #tpu.memory_space<vmem_shared>> -> memref<768xf32, #tpu.memory_space<vmem_shared>>
      tpu.enqueue_indirect_dma source(%dma_start3A_364 : memref<128xf32, #tpu.memory_space<vmem>>) target(%dma_start3A_369 : memref<768xf32, #tpu.memory_space<vmem_shared>>) offsets(%dma_start3A_367 : memref<128xi32, #tpu.memory_space<vmem>>) semaphore(%arg17 : memref<!tpu.dma_semaphore, #tpu.memory_space<semaphore_mem>>) {add = true}
      %dma_start3A_370 = arith.constant 3 : i32
      %dma_start3A_371 = arith.constant 7 : i32
      %dma_start3A_372 = arith.constant 7 : i32
      %dma_start3A_373 = arith.constant 0 : i32
      %dma_start3A_374 = tpu.memref_slice %arg10[%dma_start3A_370, %dma_start3A_371, %dma_start3A_373] : memref<4x8x128xf32, #tpu.memory_space<vmem>> -> memref<1x1x128xf32, #tpu.memory_space<vmem>>
      %dma_start3A_375 = tpu.memref_squeeze %dma_start3A_374 : memref<1x1x128xf32, #tpu.memory_space<vmem>> -> memref<128xf32, #tpu.memory_space<vmem>>
      %dma_start3A_376 = arith.constant 0 : i32
      %dma_start3A_377 = tpu.memref_slice %arg9[%dma_start3A_372, %dma_start3A_376] : memref<8x128xi32, #tpu.memory_space<vmem>> -> memref<1x128xi32, #tpu.memory_space<vmem>>
      %dma_start3A_378 = tpu.memref_squeeze %dma_start3A_377 : memref<1x128xi32, #tpu.memory_space<vmem>> -> memref<128xi32, #tpu.memory_space<vmem>>
      %dma_start3A_379 = arith.constant 0 : i32
      %dma_start3A_380 = tpu.memref_slice %arg16[%dma_start3A_379] : memref<768xf32, #tpu.memory_space<vmem_shared>> -> memref<768xf32, #tpu.memory_space<vmem_shared>>
      tpu.enqueue_indirect_dma source(%dma_start3A_375 : memref<128xf32, #tpu.memory_space<vmem>>) target(%dma_start3A_380 : memref<768xf32, #tpu.memory_space<vmem_shared>>) offsets(%dma_start3A_378 : memref<128xi32, #tpu.memory_space<vmem>>) semaphore(%arg17 : memref<!tpu.dma_semaphore, #tpu.memory_space<semaphore_mem>>) {add = true}
      %add3A_381 = arith.constant 0 : i32
      %add3A_382 = arith.addi %add3A_23, %add3A_381 : i32
      %dma_start3A_383 = arith.constant 0 : i32
      %dma_start3A_384 = arith.constant 0 : i32
      %dma_start3A_385 = arith.constant 0 : i32
      %dma_start3A_386 = tpu.memref_slice %arg11[%dma_start3A_383, %dma_start3A_384, %dma_start3A_385] : memref<4x128x128xf32, #tpu.memory_space<vmem>> -> memref<1x128x128xf32, #tpu.memory_space<vmem>>
      %dma_start3A_387 = tpu.memref_squeeze %dma_start3A_386 : memref<1x128x128xf32, #tpu.memory_space<vmem>> -> memref<128x128xf32, #tpu.memory_space<vmem>>
      %dma_start3A_388 = arith.constant 0 : i32
      %dma_start3A_389 = tpu.memref_slice %arg2[%add3A_382, %dma_start3A_388] : memref<163840x128xf32, #tpu.memory_space<hbm>> -> memref<128x128xf32, #tpu.memory_space<hbm>>
      %dma_start3A_390 = arith.constant 0 : i32
      %dma_start3A_391 = arith.constant 0 : i32
      %dma_start3A_392 = tpu.memref_slice %arg11[%dma_start3A_383, %dma_start3A_390, %dma_start3A_391] : memref<4x128x128xf32, #tpu.memory_space<vmem>> -> memref<1x128x128xf32, #tpu.memory_space<vmem>>
      %dma_start3A_393 = tpu.memref_squeeze %dma_start3A_392 : memref<1x128x128xf32, #tpu.memory_space<vmem>> -> memref<128x128xf32, #tpu.memory_space<vmem>>
      %dma_start3A_394 = arith.constant 0 : i32
      %dma_start3A_395 = tpu.memref_slice %arg2[%add3A_382, %dma_start3A_394] : memref<163840x128xf32, #tpu.memory_space<hbm>> -> memref<128x128xf32, #tpu.memory_space<hbm>>
      tpu.enqueue_dma source(%dma_start3A_395 : memref<128x128xf32, #tpu.memory_space<hbm>>) target(%dma_start3A_393 : memref<128x128xf32, #tpu.memory_space<vmem>>) target_semaphore(%arg18 : memref<!tpu.dma_semaphore, #tpu.memory_space<semaphore_mem>>)
      %add3A_396 = arith.constant 128 : i32
      %add3A_397 = arith.addi %add3A_23, %add3A_396 : i32
      %dma_start3A_398 = arith.constant 1 : i32
      %dma_start3A_399 = arith.constant 0 : i32
      %dma_start3A_400 = arith.constant 0 : i32
      %dma_start3A_401 = tpu.memref_slice %arg11[%dma_start3A_398, %dma_start3A_399, %dma_start3A_400] : memref<4x128x128xf32, #tpu.memory_space<vmem>> -> memref<1x128x128xf32, #tpu.memory_space<vmem>>
      %dma_start3A_402 = tpu.memref_squeeze %dma_start3A_401 : memref<1x128x128xf32, #tpu.memory_space<vmem>> -> memref<128x128xf32, #tpu.memory_space<vmem>>
      %dma_start3A_403 = arith.constant 0 : i32
      %dma_start3A_404 = tpu.memref_slice %arg2[%add3A_397, %dma_start3A_403] : memref<163840x128xf32, #tpu.memory_space<hbm>> -> memref<128x128xf32, #tpu.memory_space<hbm>>
      %dma_start3A_405 = arith.constant 0 : i32
      %dma_start3A_406 = arith.constant 0 : i32
      %dma_start3A_407 = tpu.memref_slice %arg11[%dma_start3A_398, %dma_start3A_405, %dma_start3A_406] : memref<4x128x128xf32, #tpu.memory_space<vmem>> -> memref<1x128x128xf32, #tpu.memory_space<vmem>>
      %dma_start3A_408 = tpu.memref_squeeze %dma_start3A_407 : memref<1x128x128xf32, #tpu.memory_space<vmem>> -> memref<128x128xf32, #tpu.memory_space<vmem>>
      %dma_start3A_409 = arith.constant 0 : i32
      %dma_start3A_410 = tpu.memref_slice %arg2[%add3A_397, %dma_start3A_409] : memref<163840x128xf32, #tpu.memory_space<hbm>> -> memref<128x128xf32, #tpu.memory_space<hbm>>
      tpu.enqueue_dma source(%dma_start3A_410 : memref<128x128xf32, #tpu.memory_space<hbm>>) target(%dma_start3A_408 : memref<128x128xf32, #tpu.memory_space<vmem>>) target_semaphore(%arg19 : memref<!tpu.dma_semaphore, #tpu.memory_space<semaphore_mem>>)
      %add3A_411 = arith.constant 256 : i32
      %add3A_412 = arith.addi %add3A_23, %add3A_411 : i32
      %dma_start3A_413 = arith.constant 2 : i32
      %dma_start3A_414 = arith.constant 0 : i32
      %dma_start3A_415 = arith.constant 0 : i32
      %dma_start3A_416 = tpu.memref_slice %arg11[%dma_start3A_413, %dma_start3A_414, %dma_start3A_415] : memref<4x128x128xf32, #tpu.memory_space<vmem>> -> memref<1x128x128xf32, #tpu.memory_space<vmem>>
      %dma_start3A_417 = tpu.memref_squeeze %dma_start3A_416 : memref<1x128x128xf32, #tpu.memory_space<vmem>> -> memref<128x128xf32, #tpu.memory_space<vmem>>
      %dma_start3A_418 = arith.constant 0 : i32
      %dma_start3A_419 = tpu.memref_slice %arg2[%add3A_412, %dma_start3A_418] : memref<163840x128xf32, #tpu.memory_space<hbm>> -> memref<128x128xf32, #tpu.memory_space<hbm>>
      %dma_start3A_420 = arith.constant 0 : i32
      %dma_start3A_421 = arith.constant 0 : i32
      %dma_start3A_422 = tpu.memref_slice %arg11[%dma_start3A_413, %dma_start3A_420, %dma_start3A_421] : memref<4x128x128xf32, #tpu.memory_space<vmem>> -> memref<1x128x128xf32, #tpu.memory_space<vmem>>
      %dma_start3A_423 = tpu.memref_squeeze %dma_start3A_422 : memref<1x128x128xf32, #tpu.memory_space<vmem>> -> memref<128x128xf32, #tpu.memory_space<vmem>>
      %dma_start3A_424 = arith.constant 0 : i32
      %dma_start3A_425 = tpu.memref_slice %arg2[%add3A_412, %dma_start3A_424] : memref<163840x128xf32, #tpu.memory_space<hbm>> -> memref<128x128xf32, #tpu.memory_space<hbm>>
      tpu.enqueue_dma source(%dma_start3A_425 : memref<128x128xf32, #tpu.memory_space<hbm>>) target(%dma_start3A_423 : memref<128x128xf32, #tpu.memory_space<vmem>>) target_semaphore(%arg20 : memref<!tpu.dma_semaphore, #tpu.memory_space<semaphore_mem>>)
      %add3A_426 = arith.constant 384 : i32
      %add3A_427 = arith.addi %add3A_23, %add3A_426 : i32
      %dma_start3A_428 = arith.constant 3 : i32
      %dma_start3A_429 = arith.constant 0 : i32
      %dma_start3A_430 = arith.constant 0 : i32
      %dma_start3A_431 = tpu.memref_slice %arg11[%dma_start3A_428, %dma_start3A_429, %dma_start3A_430] : memref<4x128x128xf32, #tpu.memory_space<vmem>> -> memref<1x128x128xf32, #tpu.memory_space<vmem>>
      %dma_start3A_432 = tpu.memref_squeeze %dma_start3A_431 : memref<1x128x128xf32, #tpu.memory_space<vmem>> -> memref<128x128xf32, #tpu.memory_space<vmem>>
      %dma_start3A_433 = arith.constant 0 : i32
      %dma_start3A_434 = tpu.memref_slice %arg2[%add3A_427, %dma_start3A_433] : memref<163840x128xf32, #tpu.memory_space<hbm>> -> memref<128x128xf32, #tpu.memory_space<hbm>>
      %dma_start3A_435 = arith.constant 0 : i32
      %dma_start3A_436 = arith.constant 0 : i32
      %dma_start3A_437 = tpu.memref_slice %arg11[%dma_start3A_428, %dma_start3A_435, %dma_start3A_436] : memref<4x128x128xf32, #tpu.memory_space<vmem>> -> memref<1x128x128xf32, #tpu.memory_space<vmem>>
      %dma_start3A_438 = tpu.memref_squeeze %dma_start3A_437 : memref<1x128x128xf32, #tpu.memory_space<vmem>> -> memref<128x128xf32, #tpu.memory_space<vmem>>
      %dma_start3A_439 = arith.constant 0 : i32
      %dma_start3A_440 = tpu.memref_slice %arg2[%add3A_427, %dma_start3A_439] : memref<163840x128xf32, #tpu.memory_space<hbm>> -> memref<128x128xf32, #tpu.memory_space<hbm>>
      tpu.enqueue_dma source(%dma_start3A_440 : memref<128x128xf32, #tpu.memory_space<hbm>>) target(%dma_start3A_438 : memref<128x128xf32, #tpu.memory_space<vmem>>) target_semaphore(%arg21 : memref<!tpu.dma_semaphore, #tpu.memory_space<semaphore_mem>>)
      %dma_wait3A = arith.constant 0 : i32
      %dma_wait3A_441 = arith.constant 0 : i32
      %dma_wait3A_442 = arith.constant 0 : i32
      %dma_wait3A_443 = tpu.memref_slice %arg11[%dma_wait3A, %dma_wait3A_441, %dma_wait3A_442] : memref<4x128x128xf32, #tpu.memory_space<vmem>> -> memref<1x128x128xf32, #tpu.memory_space<vmem>>
      %dma_wait3A_444 = tpu.memref_squeeze %dma_wait3A_443 : memref<1x128x128xf32, #tpu.memory_space<vmem>> -> memref<128x128xf32, #tpu.memory_space<vmem>>
      %dma_wait3A_445 = arith.constant 0 : i32
      %dma_wait3A_446 = tpu.memref_slice %arg2[%add3A_382, %dma_wait3A_445] : memref<163840x128xf32, #tpu.memory_space<hbm>> -> memref<128x128xf32, #tpu.memory_space<hbm>>
      %dma_wait3A_447 = arith.constant 0 : i32
      %dma_wait3A_448 = arith.constant 0 : i32
      %dma_wait3A_449 = tpu.memref_slice %arg11[%dma_wait3A, %dma_wait3A_447, %dma_wait3A_448] : memref<4x128x128xf32, #tpu.memory_space<vmem>> -> memref<1x128x128xf32, #tpu.memory_space<vmem>>
      %dma_wait3A_450 = tpu.memref_squeeze %dma_wait3A_449 : memref<1x128x128xf32, #tpu.memory_space<vmem>> -> memref<128x128xf32, #tpu.memory_space<vmem>>
      %dma_wait3A_451 = arith.constant 0 : i32
      %dma_wait3A_452 = tpu.memref_slice %arg2[%add3A_382, %dma_wait3A_451] : memref<163840x128xf32, #tpu.memory_space<hbm>> -> memref<128x128xf32, #tpu.memory_space<hbm>>
      tpu.wait_dma2 semaphore(%arg18 : memref<!tpu.dma_semaphore, #tpu.memory_space<semaphore_mem>>) src(%dma_wait3A_452 : memref<128x128xf32, #tpu.memory_space<hbm>>) dst(%dma_wait3A_450 : memref<128x128xf32, #tpu.memory_space<vmem>>)
      %dma_start3A_453 = arith.constant 0 : i32
      %dma_start3A_454 = arith.constant 0 : i32
      %dma_start3A_455 = arith.constant 0 : i32
      %dma_start3A_456 = arith.constant 0 : i32
      %dma_start3A_457 = tpu.memref_slice %arg11[%dma_start3A_453, %dma_start3A_455, %dma_start3A_456] : memref<4x128x128xf32, #tpu.memory_space<vmem>> -> memref<1x128x128xf32, #tpu.memory_space<vmem>>
      %dma_start3A_458 = tpu.memref_squeeze %dma_start3A_457 : memref<1x128x128xf32, #tpu.memory_space<vmem>> -> memref<128x128xf32, #tpu.memory_space<vmem>>
      %dma_start3A_459 = arith.constant 0 : i32
      %dma_start3A_460 = tpu.memref_slice %arg9[%dma_start3A_454, %dma_start3A_459] : memref<8x128xi32, #tpu.memory_space<vmem>> -> memref<1x128xi32, #tpu.memory_space<vmem>>
      %dma_start3A_461 = tpu.memref_squeeze %dma_start3A_460 : memref<1x128xi32, #tpu.memory_space<vmem>> -> memref<128xi32, #tpu.memory_space<vmem>>
      %dma_start3A_462 = arith.constant 0 : i32
      %dma_start3A_463 = arith.constant 0 : i32
      %dma_start3A_464 = tpu.memref_slice %arg12[%dma_start3A_462, %dma_start3A_463] : memref<768x128xf32, #tpu.memory_space<vmem_shared>> -> memref<768x128xf32, #tpu.memory_space<vmem_shared>>
      tpu.enqueue_indirect_dma source(%dma_start3A_458 : memref<128x128xf32, #tpu.memory_space<vmem>>) target(%dma_start3A_464 : memref<768x128xf32, #tpu.memory_space<vmem_shared>>) offsets(%dma_start3A_461 : memref<128xi32, #tpu.memory_space<vmem>>) semaphore(%arg22 : memref<!tpu.dma_semaphore, #tpu.memory_space<semaphore_mem>>) {add = true}
      %dma_wait3A_465 = arith.constant 0 : i32
      %dma_wait3A_466 = arith.constant 0 : i32
      %dma_wait3A_467 = arith.constant 0 : i32
      %dma_wait3A_468 = arith.constant 0 : i32
      %dma_wait3A_469 = tpu.memref_slice %arg11[%dma_wait3A_465, %dma_wait3A_467, %dma_wait3A_468] : memref<4x128x128xf32, #tpu.memory_space<vmem>> -> memref<1x128x128xf32, #tpu.memory_space<vmem>>
      %dma_wait3A_470 = tpu.memref_squeeze %dma_wait3A_469 : memref<1x128x128xf32, #tpu.memory_space<vmem>> -> memref<128x128xf32, #tpu.memory_space<vmem>>
      %dma_wait3A_471 = arith.constant 0 : i32
      %dma_wait3A_472 = tpu.memref_slice %arg9[%dma_wait3A_466, %dma_wait3A_471] : memref<8x128xi32, #tpu.memory_space<vmem>> -> memref<1x128xi32, #tpu.memory_space<vmem>>
      %dma_wait3A_473 = tpu.memref_squeeze %dma_wait3A_472 : memref<1x128xi32, #tpu.memory_space<vmem>> -> memref<128xi32, #tpu.memory_space<vmem>>
      %dma_wait3A_474 = arith.constant 0 : i32
      %dma_wait3A_475 = arith.constant 0 : i32
      %dma_wait3A_476 = tpu.memref_slice %arg12[%dma_wait3A_474, %dma_wait3A_475] : memref<768x128xf32, #tpu.memory_space<vmem_shared>> -> memref<768x128xf32, #tpu.memory_space<vmem_shared>>
      tpu.wait_indirect_dma semaphore(%arg22 : memref<!tpu.dma_semaphore, #tpu.memory_space<semaphore_mem>>) src(%dma_wait3A_470 : memref<128x128xf32, #tpu.memory_space<vmem>>) dst(%dma_wait3A_476 : memref<768x128xf32, #tpu.memory_space<vmem_shared>>)
      %add3A_477 = arith.constant 512 : i32
      %add3A_478 = arith.addi %add3A_23, %add3A_477 : i32
      %dma_start3A_479 = arith.constant 0 : i32
      %dma_start3A_480 = arith.constant 0 : i32
      %dma_start3A_481 = arith.constant 0 : i32
      %dma_start3A_482 = tpu.memref_slice %arg11[%dma_start3A_479, %dma_start3A_480, %dma_start3A_481] : memref<4x128x128xf32, #tpu.memory_space<vmem>> -> memref<1x128x128xf32, #tpu.memory_space<vmem>>
      %dma_start3A_483 = tpu.memref_squeeze %dma_start3A_482 : memref<1x128x128xf32, #tpu.memory_space<vmem>> -> memref<128x128xf32, #tpu.memory_space<vmem>>
      %dma_start3A_484 = arith.constant 0 : i32
      %dma_start3A_485 = tpu.memref_slice %arg2[%add3A_478, %dma_start3A_484] : memref<163840x128xf32, #tpu.memory_space<hbm>> -> memref<128x128xf32, #tpu.memory_space<hbm>>
      %dma_start3A_486 = arith.constant 0 : i32
      %dma_start3A_487 = arith.constant 0 : i32
      %dma_start3A_488 = tpu.memref_slice %arg11[%dma_start3A_479, %dma_start3A_486, %dma_start3A_487] : memref<4x128x128xf32, #tpu.memory_space<vmem>> -> memref<1x128x128xf32, #tpu.memory_space<vmem>>
      %dma_start3A_489 = tpu.memref_squeeze %dma_start3A_488 : memref<1x128x128xf32, #tpu.memory_space<vmem>> -> memref<128x128xf32, #tpu.memory_space<vmem>>
      %dma_start3A_490 = arith.constant 0 : i32
      %dma_start3A_491 = tpu.memref_slice %arg2[%add3A_478, %dma_start3A_490] : memref<163840x128xf32, #tpu.memory_space<hbm>> -> memref<128x128xf32, #tpu.memory_space<hbm>>
      tpu.enqueue_dma source(%dma_start3A_491 : memref<128x128xf32, #tpu.memory_space<hbm>>) target(%dma_start3A_489 : memref<128x128xf32, #tpu.memory_space<vmem>>) target_semaphore(%arg18 : memref<!tpu.dma_semaphore, #tpu.memory_space<semaphore_mem>>)
      %dma_wait3A_492 = arith.constant 1 : i32
      %dma_wait3A_493 = arith.constant 0 : i32
      %dma_wait3A_494 = arith.constant 0 : i32
      %dma_wait3A_495 = tpu.memref_slice %arg11[%dma_wait3A_492, %dma_wait3A_493, %dma_wait3A_494] : memref<4x128x128xf32, #tpu.memory_space<vmem>> -> memref<1x128x128xf32, #tpu.memory_space<vmem>>
      %dma_wait3A_496 = tpu.memref_squeeze %dma_wait3A_495 : memref<1x128x128xf32, #tpu.memory_space<vmem>> -> memref<128x128xf32, #tpu.memory_space<vmem>>
      %dma_wait3A_497 = arith.constant 0 : i32
      %dma_wait3A_498 = tpu.memref_slice %arg2[%add3A_397, %dma_wait3A_497] : memref<163840x128xf32, #tpu.memory_space<hbm>> -> memref<128x128xf32, #tpu.memory_space<hbm>>
      %dma_wait3A_499 = arith.constant 0 : i32
      %dma_wait3A_500 = arith.constant 0 : i32
      %dma_wait3A_501 = tpu.memref_slice %arg11[%dma_wait3A_492, %dma_wait3A_499, %dma_wait3A_500] : memref<4x128x128xf32, #tpu.memory_space<vmem>> -> memref<1x128x128xf32, #tpu.memory_space<vmem>>
      %dma_wait3A_502 = tpu.memref_squeeze %dma_wait3A_501 : memref<1x128x128xf32, #tpu.memory_space<vmem>> -> memref<128x128xf32, #tpu.memory_space<vmem>>
      %dma_wait3A_503 = arith.constant 0 : i32
      %dma_wait3A_504 = tpu.memref_slice %arg2[%add3A_397, %dma_wait3A_503] : memref<163840x128xf32, #tpu.memory_space<hbm>> -> memref<128x128xf32, #tpu.memory_space<hbm>>
      tpu.wait_dma2 semaphore(%arg19 : memref<!tpu.dma_semaphore, #tpu.memory_space<semaphore_mem>>) src(%dma_wait3A_504 : memref<128x128xf32, #tpu.memory_space<hbm>>) dst(%dma_wait3A_502 : memref<128x128xf32, #tpu.memory_space<vmem>>)
      %dma_start3A_505 = arith.constant 1 : i32
      %dma_start3A_506 = arith.constant 1 : i32
      %dma_start3A_507 = arith.constant 0 : i32
      %dma_start3A_508 = arith.constant 0 : i32
      %dma_start3A_509 = tpu.memref_slice %arg11[%dma_start3A_505, %dma_start3A_507, %dma_start3A_508] : memref<4x128x128xf32, #tpu.memory_space<vmem>> -> memref<1x128x128xf32, #tpu.memory_space<vmem>>
      %dma_start3A_510 = tpu.memref_squeeze %dma_start3A_509 : memref<1x128x128xf32, #tpu.memory_space<vmem>> -> memref<128x128xf32, #tpu.memory_space<vmem>>
      %dma_start3A_511 = arith.constant 0 : i32
      %dma_start3A_512 = tpu.memref_slice %arg9[%dma_start3A_506, %dma_start3A_511] : memref<8x128xi32, #tpu.memory_space<vmem>> -> memref<1x128xi32, #tpu.memory_space<vmem>>
      %dma_start3A_513 = tpu.memref_squeeze %dma_start3A_512 : memref<1x128xi32, #tpu.memory_space<vmem>> -> memref<128xi32, #tpu.memory_space<vmem>>
      %dma_start3A_514 = arith.constant 0 : i32
      %dma_start3A_515 = arith.constant 0 : i32
      %dma_start3A_516 = tpu.memref_slice %arg12[%dma_start3A_514, %dma_start3A_515] : memref<768x128xf32, #tpu.memory_space<vmem_shared>> -> memref<768x128xf32, #tpu.memory_space<vmem_shared>>
      tpu.enqueue_indirect_dma source(%dma_start3A_510 : memref<128x128xf32, #tpu.memory_space<vmem>>) target(%dma_start3A_516 : memref<768x128xf32, #tpu.memory_space<vmem_shared>>) offsets(%dma_start3A_513 : memref<128xi32, #tpu.memory_space<vmem>>) semaphore(%arg23 : memref<!tpu.dma_semaphore, #tpu.memory_space<semaphore_mem>>) {add = true}
      %dma_wait3A_517 = arith.constant 1 : i32
      %dma_wait3A_518 = arith.constant 1 : i32
      %dma_wait3A_519 = arith.constant 0 : i32
      %dma_wait3A_520 = arith.constant 0 : i32
      %dma_wait3A_521 = tpu.memref_slice %arg11[%dma_wait3A_517, %dma_wait3A_519, %dma_wait3A_520] : memref<4x128x128xf32, #tpu.memory_space<vmem>> -> memref<1x128x128xf32, #tpu.memory_space<vmem>>
      %dma_wait3A_522 = tpu.memref_squeeze %dma_wait3A_521 : memref<1x128x128xf32, #tpu.memory_space<vmem>> -> memref<128x128xf32, #tpu.memory_space<vmem>>
      %dma_wait3A_523 = arith.constant 0 : i32
      %dma_wait3A_524 = tpu.memref_slice %arg9[%dma_wait3A_518, %dma_wait3A_523] : memref<8x128xi32, #tpu.memory_space<vmem>> -> memref<1x128xi32, #tpu.memory_space<vmem>>
      %dma_wait3A_525 = tpu.memref_squeeze %dma_wait3A_524 : memref<1x128xi32, #tpu.memory_space<vmem>> -> memref<128xi32, #tpu.memory_space<vmem>>
      %dma_wait3A_526 = arith.constant 0 : i32
      %dma_wait3A_527 = arith.constant 0 : i32
      %dma_wait3A_528 = tpu.memref_slice %arg12[%dma_wait3A_526, %dma_wait3A_527] : memref<768x128xf32, #tpu.memory_space<vmem_shared>> -> memref<768x128xf32, #tpu.memory_space<vmem_shared>>
      tpu.wait_indirect_dma semaphore(%arg23 : memref<!tpu.dma_semaphore, #tpu.memory_space<semaphore_mem>>) src(%dma_wait3A_522 : memref<128x128xf32, #tpu.memory_space<vmem>>) dst(%dma_wait3A_528 : memref<768x128xf32, #tpu.memory_space<vmem_shared>>)
      %add3A_529 = arith.constant 640 : i32
      %add3A_530 = arith.addi %add3A_23, %add3A_529 : i32
      %dma_start3A_531 = arith.constant 1 : i32
      %dma_start3A_532 = arith.constant 0 : i32
      %dma_start3A_533 = arith.constant 0 : i32
      %dma_start3A_534 = tpu.memref_slice %arg11[%dma_start3A_531, %dma_start3A_532, %dma_start3A_533] : memref<4x128x128xf32, #tpu.memory_space<vmem>> -> memref<1x128x128xf32, #tpu.memory_space<vmem>>
      %dma_start3A_535 = tpu.memref_squeeze %dma_start3A_534 : memref<1x128x128xf32, #tpu.memory_space<vmem>> -> memref<128x128xf32, #tpu.memory_space<vmem>>
      %dma_start3A_536 = arith.constant 0 : i32
      %dma_start3A_537 = tpu.memref_slice %arg2[%add3A_530, %dma_start3A_536] : memref<163840x128xf32, #tpu.memory_space<hbm>> -> memref<128x128xf32, #tpu.memory_space<hbm>>
      %dma_start3A_538 = arith.constant 0 : i32
      %dma_start3A_539 = arith.constant 0 : i32
      %dma_start3A_540 = tpu.memref_slice %arg11[%dma_start3A_531, %dma_start3A_538, %dma_start3A_539] : memref<4x128x128xf32, #tpu.memory_space<vmem>> -> memref<1x128x128xf32, #tpu.memory_space<vmem>>
      %dma_start3A_541 = tpu.memref_squeeze %dma_start3A_540 : memref<1x128x128xf32, #tpu.memory_space<vmem>> -> memref<128x128xf32, #tpu.memory_space<vmem>>
      %dma_start3A_542 = arith.constant 0 : i32
      %dma_start3A_543 = tpu.memref_slice %arg2[%add3A_530, %dma_start3A_542] : memref<163840x128xf32, #tpu.memory_space<hbm>> -> memref<128x128xf32, #tpu.memory_space<hbm>>
      tpu.enqueue_dma source(%dma_start3A_543 : memref<128x128xf32, #tpu.memory_space<hbm>>) target(%dma_start3A_541 : memref<128x128xf32, #tpu.memory_space<vmem>>) target_semaphore(%arg19 : memref<!tpu.dma_semaphore, #tpu.memory_space<semaphore_mem>>)
      %dma_wait3A_544 = arith.constant 2 : i32
      %dma_wait3A_545 = arith.constant 0 : i32
      %dma_wait3A_546 = arith.constant 0 : i32
      %dma_wait3A_547 = tpu.memref_slice %arg11[%dma_wait3A_544, %dma_wait3A_545, %dma_wait3A_546] : memref<4x128x128xf32, #tpu.memory_space<vmem>> -> memref<1x128x128xf32, #tpu.memory_space<vmem>>
      %dma_wait3A_548 = tpu.memref_squeeze %dma_wait3A_547 : memref<1x128x128xf32, #tpu.memory_space<vmem>> -> memref<128x128xf32, #tpu.memory_space<vmem>>
      %dma_wait3A_549 = arith.constant 0 : i32
      %dma_wait3A_550 = tpu.memref_slice %arg2[%add3A_412, %dma_wait3A_549] : memref<163840x128xf32, #tpu.memory_space<hbm>> -> memref<128x128xf32, #tpu.memory_space<hbm>>
      %dma_wait3A_551 = arith.constant 0 : i32
      %dma_wait3A_552 = arith.constant 0 : i32
      %dma_wait3A_553 = tpu.memref_slice %arg11[%dma_wait3A_544, %dma_wait3A_551, %dma_wait3A_552] : memref<4x128x128xf32, #tpu.memory_space<vmem>> -> memref<1x128x128xf32, #tpu.memory_space<vmem>>
      %dma_wait3A_554 = tpu.memref_squeeze %dma_wait3A_553 : memref<1x128x128xf32, #tpu.memory_space<vmem>> -> memref<128x128xf32, #tpu.memory_space<vmem>>
      %dma_wait3A_555 = arith.constant 0 : i32
      %dma_wait3A_556 = tpu.memref_slice %arg2[%add3A_412, %dma_wait3A_555] : memref<163840x128xf32, #tpu.memory_space<hbm>> -> memref<128x128xf32, #tpu.memory_space<hbm>>
      tpu.wait_dma2 semaphore(%arg20 : memref<!tpu.dma_semaphore, #tpu.memory_space<semaphore_mem>>) src(%dma_wait3A_556 : memref<128x128xf32, #tpu.memory_space<hbm>>) dst(%dma_wait3A_554 : memref<128x128xf32, #tpu.memory_space<vmem>>)
      %dma_start3A_557 = arith.constant 2 : i32
      %dma_start3A_558 = arith.constant 2 : i32
      %dma_start3A_559 = arith.constant 0 : i32
      %dma_start3A_560 = arith.constant 0 : i32
      %dma_start3A_561 = tpu.memref_slice %arg11[%dma_start3A_557, %dma_start3A_559, %dma_start3A_560] : memref<4x128x128xf32, #tpu.memory_space<vmem>> -> memref<1x128x128xf32, #tpu.memory_space<vmem>>
      %dma_start3A_562 = tpu.memref_squeeze %dma_start3A_561 : memref<1x128x128xf32, #tpu.memory_space<vmem>> -> memref<128x128xf32, #tpu.memory_space<vmem>>
      %dma_start3A_563 = arith.constant 0 : i32
      %dma_start3A_564 = tpu.memref_slice %arg9[%dma_start3A_558, %dma_start3A_563] : memref<8x128xi32, #tpu.memory_space<vmem>> -> memref<1x128xi32, #tpu.memory_space<vmem>>
      %dma_start3A_565 = tpu.memref_squeeze %dma_start3A_564 : memref<1x128xi32, #tpu.memory_space<vmem>> -> memref<128xi32, #tpu.memory_space<vmem>>
      %dma_start3A_566 = arith.constant 0 : i32
      %dma_start3A_567 = arith.constant 0 : i32
      %dma_start3A_568 = tpu.memref_slice %arg12[%dma_start3A_566, %dma_start3A_567] : memref<768x128xf32, #tpu.memory_space<vmem_shared>> -> memref<768x128xf32, #tpu.memory_space<vmem_shared>>
      tpu.enqueue_indirect_dma source(%dma_start3A_562 : memref<128x128xf32, #tpu.memory_space<vmem>>) target(%dma_start3A_568 : memref<768x128xf32, #tpu.memory_space<vmem_shared>>) offsets(%dma_start3A_565 : memref<128xi32, #tpu.memory_space<vmem>>) semaphore(%arg24 : memref<!tpu.dma_semaphore, #tpu.memory_space<semaphore_mem>>) {add = true}
      %dma_wait3A_569 = arith.constant 2 : i32
      %dma_wait3A_570 = arith.constant 2 : i32
      %dma_wait3A_571 = arith.constant 0 : i32
      %dma_wait3A_572 = arith.constant 0 : i32
      %dma_wait3A_573 = tpu.memref_slice %arg11[%dma_wait3A_569, %dma_wait3A_571, %dma_wait3A_572] : memref<4x128x128xf32, #tpu.memory_space<vmem>> -> memref<1x128x128xf32, #tpu.memory_space<vmem>>
      %dma_wait3A_574 = tpu.memref_squeeze %dma_wait3A_573 : memref<1x128x128xf32, #tpu.memory_space<vmem>> -> memref<128x128xf32, #tpu.memory_space<vmem>>
      %dma_wait3A_575 = arith.constant 0 : i32
      %dma_wait3A_576 = tpu.memref_slice %arg9[%dma_wait3A_570, %dma_wait3A_575] : memref<8x128xi32, #tpu.memory_space<vmem>> -> memref<1x128xi32, #tpu.memory_space<vmem>>
      %dma_wait3A_577 = tpu.memref_squeeze %dma_wait3A_576 : memref<1x128xi32, #tpu.memory_space<vmem>> -> memref<128xi32, #tpu.memory_space<vmem>>
      %dma_wait3A_578 = arith.constant 0 : i32
      %dma_wait3A_579 = arith.constant 0 : i32
      %dma_wait3A_580 = tpu.memref_slice %arg12[%dma_wait3A_578, %dma_wait3A_579] : memref<768x128xf32, #tpu.memory_space<vmem_shared>> -> memref<768x128xf32, #tpu.memory_space<vmem_shared>>
      tpu.wait_indirect_dma semaphore(%arg24 : memref<!tpu.dma_semaphore, #tpu.memory_space<semaphore_mem>>) src(%dma_wait3A_574 : memref<128x128xf32, #tpu.memory_space<vmem>>) dst(%dma_wait3A_580 : memref<768x128xf32, #tpu.memory_space<vmem_shared>>)
      %add3A_581 = arith.constant 768 : i32
      %add3A_582 = arith.addi %add3A_23, %add3A_581 : i32
      %dma_start3A_583 = arith.constant 2 : i32
      %dma_start3A_584 = arith.constant 0 : i32
      %dma_start3A_585 = arith.constant 0 : i32
      %dma_start3A_586 = tpu.memref_slice %arg11[%dma_start3A_583, %dma_start3A_584, %dma_start3A_585] : memref<4x128x128xf32, #tpu.memory_space<vmem>> -> memref<1x128x128xf32, #tpu.memory_space<vmem>>
      %dma_start3A_587 = tpu.memref_squeeze %dma_start3A_586 : memref<1x128x128xf32, #tpu.memory_space<vmem>> -> memref<128x128xf32, #tpu.memory_space<vmem>>
      %dma_start3A_588 = arith.constant 0 : i32
      %dma_start3A_589 = tpu.memref_slice %arg2[%add3A_582, %dma_start3A_588] : memref<163840x128xf32, #tpu.memory_space<hbm>> -> memref<128x128xf32, #tpu.memory_space<hbm>>
      %dma_start3A_590 = arith.constant 0 : i32
      %dma_start3A_591 = arith.constant 0 : i32
      %dma_start3A_592 = tpu.memref_slice %arg11[%dma_start3A_583, %dma_start3A_590, %dma_start3A_591] : memref<4x128x128xf32, #tpu.memory_space<vmem>> -> memref<1x128x128xf32, #tpu.memory_space<vmem>>
      %dma_start3A_593 = tpu.memref_squeeze %dma_start3A_592 : memref<1x128x128xf32, #tpu.memory_space<vmem>> -> memref<128x128xf32, #tpu.memory_space<vmem>>
      %dma_start3A_594 = arith.constant 0 : i32
      %dma_start3A_595 = tpu.memref_slice %arg2[%add3A_582, %dma_start3A_594] : memref<163840x128xf32, #tpu.memory_space<hbm>> -> memref<128x128xf32, #tpu.memory_space<hbm>>
      tpu.enqueue_dma source(%dma_start3A_595 : memref<128x128xf32, #tpu.memory_space<hbm>>) target(%dma_start3A_593 : memref<128x128xf32, #tpu.memory_space<vmem>>) target_semaphore(%arg20 : memref<!tpu.dma_semaphore, #tpu.memory_space<semaphore_mem>>)
      %dma_wait3A_596 = arith.constant 3 : i32
      %dma_wait3A_597 = arith.constant 0 : i32
      %dma_wait3A_598 = arith.constant 0 : i32
      %dma_wait3A_599 = tpu.memref_slice %arg11[%dma_wait3A_596, %dma_wait3A_597, %dma_wait3A_598] : memref<4x128x128xf32, #tpu.memory_space<vmem>> -> memref<1x128x128xf32, #tpu.memory_space<vmem>>
      %dma_wait3A_600 = tpu.memref_squeeze %dma_wait3A_599 : memref<1x128x128xf32, #tpu.memory_space<vmem>> -> memref<128x128xf32, #tpu.memory_space<vmem>>
      %dma_wait3A_601 = arith.constant 0 : i32
      %dma_wait3A_602 = tpu.memref_slice %arg2[%add3A_427, %dma_wait3A_601] : memref<163840x128xf32, #tpu.memory_space<hbm>> -> memref<128x128xf32, #tpu.memory_space<hbm>>
      %dma_wait3A_603 = arith.constant 0 : i32
      %dma_wait3A_604 = arith.constant 0 : i32
      %dma_wait3A_605 = tpu.memref_slice %arg11[%dma_wait3A_596, %dma_wait3A_603, %dma_wait3A_604] : memref<4x128x128xf32, #tpu.memory_space<vmem>> -> memref<1x128x128xf32, #tpu.memory_space<vmem>>
      %dma_wait3A_606 = tpu.memref_squeeze %dma_wait3A_605 : memref<1x128x128xf32, #tpu.memory_space<vmem>> -> memref<128x128xf32, #tpu.memory_space<vmem>>
      %dma_wait3A_607 = arith.constant 0 : i32
      %dma_wait3A_608 = tpu.memref_slice %arg2[%add3A_427, %dma_wait3A_607] : memref<163840x128xf32, #tpu.memory_space<hbm>> -> memref<128x128xf32, #tpu.memory_space<hbm>>
      tpu.wait_dma2 semaphore(%arg21 : memref<!tpu.dma_semaphore, #tpu.memory_space<semaphore_mem>>) src(%dma_wait3A_608 : memref<128x128xf32, #tpu.memory_space<hbm>>) dst(%dma_wait3A_606 : memref<128x128xf32, #tpu.memory_space<vmem>>)
      %dma_start3A_609 = arith.constant 3 : i32
      %dma_start3A_610 = arith.constant 3 : i32
      %dma_start3A_611 = arith.constant 0 : i32
      %dma_start3A_612 = arith.constant 0 : i32
      %dma_start3A_613 = tpu.memref_slice %arg11[%dma_start3A_609, %dma_start3A_611, %dma_start3A_612] : memref<4x128x128xf32, #tpu.memory_space<vmem>> -> memref<1x128x128xf32, #tpu.memory_space<vmem>>
      %dma_start3A_614 = tpu.memref_squeeze %dma_start3A_613 : memref<1x128x128xf32, #tpu.memory_space<vmem>> -> memref<128x128xf32, #tpu.memory_space<vmem>>
      %dma_start3A_615 = arith.constant 0 : i32
      %dma_start3A_616 = tpu.memref_slice %arg9[%dma_start3A_610, %dma_start3A_615] : memref<8x128xi32, #tpu.memory_space<vmem>> -> memref<1x128xi32, #tpu.memory_space<vmem>>
      %dma_start3A_617 = tpu.memref_squeeze %dma_start3A_616 : memref<1x128xi32, #tpu.memory_space<vmem>> -> memref<128xi32, #tpu.memory_space<vmem>>
      %dma_start3A_618 = arith.constant 0 : i32
      %dma_start3A_619 = arith.constant 0 : i32
      %dma_start3A_620 = tpu.memref_slice %arg12[%dma_start3A_618, %dma_start3A_619] : memref<768x128xf32, #tpu.memory_space<vmem_shared>> -> memref<768x128xf32, #tpu.memory_space<vmem_shared>>
      tpu.enqueue_indirect_dma source(%dma_start3A_614 : memref<128x128xf32, #tpu.memory_space<vmem>>) target(%dma_start3A_620 : memref<768x128xf32, #tpu.memory_space<vmem_shared>>) offsets(%dma_start3A_617 : memref<128xi32, #tpu.memory_space<vmem>>) semaphore(%arg25 : memref<!tpu.dma_semaphore, #tpu.memory_space<semaphore_mem>>) {add = true}
      %dma_wait3A_621 = arith.constant 3 : i32
      %dma_wait3A_622 = arith.constant 3 : i32
      %dma_wait3A_623 = arith.constant 0 : i32
      %dma_wait3A_624 = arith.constant 0 : i32
      %dma_wait3A_625 = tpu.memref_slice %arg11[%dma_wait3A_621, %dma_wait3A_623, %dma_wait3A_624] : memref<4x128x128xf32, #tpu.memory_space<vmem>> -> memref<1x128x128xf32, #tpu.memory_space<vmem>>
      %dma_wait3A_626 = tpu.memref_squeeze %dma_wait3A_625 : memref<1x128x128xf32, #tpu.memory_space<vmem>> -> memref<128x128xf32, #tpu.memory_space<vmem>>
      %dma_wait3A_627 = arith.constant 0 : i32
      %dma_wait3A_628 = tpu.memref_slice %arg9[%dma_wait3A_622, %dma_wait3A_627] : memref<8x128xi32, #tpu.memory_space<vmem>> -> memref<1x128xi32, #tpu.memory_space<vmem>>
      %dma_wait3A_629 = tpu.memref_squeeze %dma_wait3A_628 : memref<1x128xi32, #tpu.memory_space<vmem>> -> memref<128xi32, #tpu.memory_space<vmem>>
      %dma_wait3A_630 = arith.constant 0 : i32
      %dma_wait3A_631 = arith.constant 0 : i32
      %dma_wait3A_632 = tpu.memref_slice %arg12[%dma_wait3A_630, %dma_wait3A_631] : memref<768x128xf32, #tpu.memory_space<vmem_shared>> -> memref<768x128xf32, #tpu.memory_space<vmem_shared>>
      tpu.wait_indirect_dma semaphore(%arg25 : memref<!tpu.dma_semaphore, #tpu.memory_space<semaphore_mem>>) src(%dma_wait3A_626 : memref<128x128xf32, #tpu.memory_space<vmem>>) dst(%dma_wait3A_632 : memref<768x128xf32, #tpu.memory_space<vmem_shared>>)
      %add3A_633 = arith.constant 896 : i32
      %add3A_634 = arith.addi %add3A_23, %add3A_633 : i32
      %dma_start3A_635 = arith.constant 3 : i32
      %dma_start3A_636 = arith.constant 0 : i32
      %dma_start3A_637 = arith.constant 0 : i32
      %dma_start3A_638 = tpu.memref_slice %arg11[%dma_start3A_635, %dma_start3A_636, %dma_start3A_637] : memref<4x128x128xf32, #tpu.memory_space<vmem>> -> memref<1x128x128xf32, #tpu.memory_space<vmem>>
      %dma_start3A_639 = tpu.memref_squeeze %dma_start3A_638 : memref<1x128x128xf32, #tpu.memory_space<vmem>> -> memref<128x128xf32, #tpu.memory_space<vmem>>
      %dma_start3A_640 = arith.constant 0 : i32
      %dma_start3A_641 = tpu.memref_slice %arg2[%add3A_634, %dma_start3A_640] : memref<163840x128xf32, #tpu.memory_space<hbm>> -> memref<128x128xf32, #tpu.memory_space<hbm>>
      %dma_start3A_642 = arith.constant 0 : i32
      %dma_start3A_643 = arith.constant 0 : i32
      %dma_start3A_644 = tpu.memref_slice %arg11[%dma_start3A_635, %dma_start3A_642, %dma_start3A_643] : memref<4x128x128xf32, #tpu.memory_space<vmem>> -> memref<1x128x128xf32, #tpu.memory_space<vmem>>
      %dma_start3A_645 = tpu.memref_squeeze %dma_start3A_644 : memref<1x128x128xf32, #tpu.memory_space<vmem>> -> memref<128x128xf32, #tpu.memory_space<vmem>>
      %dma_start3A_646 = arith.constant 0 : i32
      %dma_start3A_647 = tpu.memref_slice %arg2[%add3A_634, %dma_start3A_646] : memref<163840x128xf32, #tpu.memory_space<hbm>> -> memref<128x128xf32, #tpu.memory_space<hbm>>
      tpu.enqueue_dma source(%dma_start3A_647 : memref<128x128xf32, #tpu.memory_space<hbm>>) target(%dma_start3A_645 : memref<128x128xf32, #tpu.memory_space<vmem>>) target_semaphore(%arg21 : memref<!tpu.dma_semaphore, #tpu.memory_space<semaphore_mem>>)
      %dma_wait3A_648 = arith.constant 0 : i32
      %dma_wait3A_649 = arith.constant 0 : i32
      %dma_wait3A_650 = arith.constant 0 : i32
      %dma_wait3A_651 = tpu.memref_slice %arg11[%dma_wait3A_648, %dma_wait3A_649, %dma_wait3A_650] : memref<4x128x128xf32, #tpu.memory_space<vmem>> -> memref<1x128x128xf32, #tpu.memory_space<vmem>>
      %dma_wait3A_652 = tpu.memref_squeeze %dma_wait3A_651 : memref<1x128x128xf32, #tpu.memory_space<vmem>> -> memref<128x128xf32, #tpu.memory_space<vmem>>
      %dma_wait3A_653 = arith.constant 0 : i32
      %dma_wait3A_654 = tpu.memref_slice %arg2[%add3A_478, %dma_wait3A_653] : memref<163840x128xf32, #tpu.memory_space<hbm>> -> memref<128x128xf32, #tpu.memory_space<hbm>>
      %dma_wait3A_655 = arith.constant 0 : i32
      %dma_wait3A_656 = arith.constant 0 : i32
      %dma_wait3A_657 = tpu.memref_slice %arg11[%dma_wait3A_648, %dma_wait3A_655, %dma_wait3A_656] : memref<4x128x128xf32, #tpu.memory_space<vmem>> -> memref<1x128x128xf32, #tpu.memory_space<vmem>>
      %dma_wait3A_658 = tpu.memref_squeeze %dma_wait3A_657 : memref<1x128x128xf32, #tpu.memory_space<vmem>> -> memref<128x128xf32, #tpu.memory_space<vmem>>
      %dma_wait3A_659 = arith.constant 0 : i32
      %dma_wait3A_660 = tpu.memref_slice %arg2[%add3A_478, %dma_wait3A_659] : memref<163840x128xf32, #tpu.memory_space<hbm>> -> memref<128x128xf32, #tpu.memory_space<hbm>>
      tpu.wait_dma2 semaphore(%arg18 : memref<!tpu.dma_semaphore, #tpu.memory_space<semaphore_mem>>) src(%dma_wait3A_660 : memref<128x128xf32, #tpu.memory_space<hbm>>) dst(%dma_wait3A_658 : memref<128x128xf32, #tpu.memory_space<vmem>>)
      %dma_start3A_661 = arith.constant 0 : i32
      %dma_start3A_662 = arith.constant 4 : i32
      %dma_start3A_663 = arith.constant 0 : i32
      %dma_start3A_664 = arith.constant 0 : i32
      %dma_start3A_665 = tpu.memref_slice %arg11[%dma_start3A_661, %dma_start3A_663, %dma_start3A_664] : memref<4x128x128xf32, #tpu.memory_space<vmem>> -> memref<1x128x128xf32, #tpu.memory_space<vmem>>
      %dma_start3A_666 = tpu.memref_squeeze %dma_start3A_665 : memref<1x128x128xf32, #tpu.memory_space<vmem>> -> memref<128x128xf32, #tpu.memory_space<vmem>>
      %dma_start3A_667 = arith.constant 0 : i32
      %dma_start3A_668 = tpu.memref_slice %arg9[%dma_start3A_662, %dma_start3A_667] : memref<8x128xi32, #tpu.memory_space<vmem>> -> memref<1x128xi32, #tpu.memory_space<vmem>>
      %dma_start3A_669 = tpu.memref_squeeze %dma_start3A_668 : memref<1x128xi32, #tpu.memory_space<vmem>> -> memref<128xi32, #tpu.memory_space<vmem>>
      %dma_start3A_670 = arith.constant 0 : i32
      %dma_start3A_671 = arith.constant 0 : i32
      %dma_start3A_672 = tpu.memref_slice %arg12[%dma_start3A_670, %dma_start3A_671] : memref<768x128xf32, #tpu.memory_space<vmem_shared>> -> memref<768x128xf32, #tpu.memory_space<vmem_shared>>
      tpu.enqueue_indirect_dma source(%dma_start3A_666 : memref<128x128xf32, #tpu.memory_space<vmem>>) target(%dma_start3A_672 : memref<768x128xf32, #tpu.memory_space<vmem_shared>>) offsets(%dma_start3A_669 : memref<128xi32, #tpu.memory_space<vmem>>) semaphore(%arg22 : memref<!tpu.dma_semaphore, #tpu.memory_space<semaphore_mem>>) {add = true}
      %dma_wait3A_673 = arith.constant 1 : i32
      %dma_wait3A_674 = arith.constant 0 : i32
      %dma_wait3A_675 = arith.constant 0 : i32
      %dma_wait3A_676 = tpu.memref_slice %arg11[%dma_wait3A_673, %dma_wait3A_674, %dma_wait3A_675] : memref<4x128x128xf32, #tpu.memory_space<vmem>> -> memref<1x128x128xf32, #tpu.memory_space<vmem>>
      %dma_wait3A_677 = tpu.memref_squeeze %dma_wait3A_676 : memref<1x128x128xf32, #tpu.memory_space<vmem>> -> memref<128x128xf32, #tpu.memory_space<vmem>>
      %dma_wait3A_678 = arith.constant 0 : i32
      %dma_wait3A_679 = tpu.memref_slice %arg2[%add3A_530, %dma_wait3A_678] : memref<163840x128xf32, #tpu.memory_space<hbm>> -> memref<128x128xf32, #tpu.memory_space<hbm>>
      %dma_wait3A_680 = arith.constant 0 : i32
      %dma_wait3A_681 = arith.constant 0 : i32
      %dma_wait3A_682 = tpu.memref_slice %arg11[%dma_wait3A_673, %dma_wait3A_680, %dma_wait3A_681] : memref<4x128x128xf32, #tpu.memory_space<vmem>> -> memref<1x128x128xf32, #tpu.memory_space<vmem>>
      %dma_wait3A_683 = tpu.memref_squeeze %dma_wait3A_682 : memref<1x128x128xf32, #tpu.memory_space<vmem>> -> memref<128x128xf32, #tpu.memory_space<vmem>>
      %dma_wait3A_684 = arith.constant 0 : i32
      %dma_wait3A_685 = tpu.memref_slice %arg2[%add3A_530, %dma_wait3A_684] : memref<163840x128xf32, #tpu.memory_space<hbm>> -> memref<128x128xf32, #tpu.memory_space<hbm>>
      tpu.wait_dma2 semaphore(%arg19 : memref<!tpu.dma_semaphore, #tpu.memory_space<semaphore_mem>>) src(%dma_wait3A_685 : memref<128x128xf32, #tpu.memory_space<hbm>>) dst(%dma_wait3A_683 : memref<128x128xf32, #tpu.memory_space<vmem>>)
      %dma_start3A_686 = arith.constant 1 : i32
      %dma_start3A_687 = arith.constant 5 : i32
      %dma_start3A_688 = arith.constant 0 : i32
      %dma_start3A_689 = arith.constant 0 : i32
      %dma_start3A_690 = tpu.memref_slice %arg11[%dma_start3A_686, %dma_start3A_688, %dma_start3A_689] : memref<4x128x128xf32, #tpu.memory_space<vmem>> -> memref<1x128x128xf32, #tpu.memory_space<vmem>>
      %dma_start3A_691 = tpu.memref_squeeze %dma_start3A_690 : memref<1x128x128xf32, #tpu.memory_space<vmem>> -> memref<128x128xf32, #tpu.memory_space<vmem>>
      %dma_start3A_692 = arith.constant 0 : i32
      %dma_start3A_693 = tpu.memref_slice %arg9[%dma_start3A_687, %dma_start3A_692] : memref<8x128xi32, #tpu.memory_space<vmem>> -> memref<1x128xi32, #tpu.memory_space<vmem>>
      %dma_start3A_694 = tpu.memref_squeeze %dma_start3A_693 : memref<1x128xi32, #tpu.memory_space<vmem>> -> memref<128xi32, #tpu.memory_space<vmem>>
      %dma_start3A_695 = arith.constant 0 : i32
      %dma_start3A_696 = arith.constant 0 : i32
      %dma_start3A_697 = tpu.memref_slice %arg12[%dma_start3A_695, %dma_start3A_696] : memref<768x128xf32, #tpu.memory_space<vmem_shared>> -> memref<768x128xf32, #tpu.memory_space<vmem_shared>>
      tpu.enqueue_indirect_dma source(%dma_start3A_691 : memref<128x128xf32, #tpu.memory_space<vmem>>) target(%dma_start3A_697 : memref<768x128xf32, #tpu.memory_space<vmem_shared>>) offsets(%dma_start3A_694 : memref<128xi32, #tpu.memory_space<vmem>>) semaphore(%arg23 : memref<!tpu.dma_semaphore, #tpu.memory_space<semaphore_mem>>) {add = true}
      %dma_wait3A_698 = arith.constant 2 : i32
      %dma_wait3A_699 = arith.constant 0 : i32
      %dma_wait3A_700 = arith.constant 0 : i32
      %dma_wait3A_701 = tpu.memref_slice %arg11[%dma_wait3A_698, %dma_wait3A_699, %dma_wait3A_700] : memref<4x128x128xf32, #tpu.memory_space<vmem>> -> memref<1x128x128xf32, #tpu.memory_space<vmem>>
      %dma_wait3A_702 = tpu.memref_squeeze %dma_wait3A_701 : memref<1x128x128xf32, #tpu.memory_space<vmem>> -> memref<128x128xf32, #tpu.memory_space<vmem>>
      %dma_wait3A_703 = arith.constant 0 : i32
      %dma_wait3A_704 = tpu.memref_slice %arg2[%add3A_582, %dma_wait3A_703] : memref<163840x128xf32, #tpu.memory_space<hbm>> -> memref<128x128xf32, #tpu.memory_space<hbm>>
      %dma_wait3A_705 = arith.constant 0 : i32
      %dma_wait3A_706 = arith.constant 0 : i32
      %dma_wait3A_707 = tpu.memref_slice %arg11[%dma_wait3A_698, %dma_wait3A_705, %dma_wait3A_706] : memref<4x128x128xf32, #tpu.memory_space<vmem>> -> memref<1x128x128xf32, #tpu.memory_space<vmem>>
      %dma_wait3A_708 = tpu.memref_squeeze %dma_wait3A_707 : memref<1x128x128xf32, #tpu.memory_space<vmem>> -> memref<128x128xf32, #tpu.memory_space<vmem>>
      %dma_wait3A_709 = arith.constant 0 : i32
      %dma_wait3A_710 = tpu.memref_slice %arg2[%add3A_582, %dma_wait3A_709] : memref<163840x128xf32, #tpu.memory_space<hbm>> -> memref<128x128xf32, #tpu.memory_space<hbm>>
      tpu.wait_dma2 semaphore(%arg20 : memref<!tpu.dma_semaphore, #tpu.memory_space<semaphore_mem>>) src(%dma_wait3A_710 : memref<128x128xf32, #tpu.memory_space<hbm>>) dst(%dma_wait3A_708 : memref<128x128xf32, #tpu.memory_space<vmem>>)
      %dma_start3A_711 = arith.constant 2 : i32
      %dma_start3A_712 = arith.constant 6 : i32
      %dma_start3A_713 = arith.constant 0 : i32
      %dma_start3A_714 = arith.constant 0 : i32
      %dma_start3A_715 = tpu.memref_slice %arg11[%dma_start3A_711, %dma_start3A_713, %dma_start3A_714] : memref<4x128x128xf32, #tpu.memory_space<vmem>> -> memref<1x128x128xf32, #tpu.memory_space<vmem>>
      %dma_start3A_716 = tpu.memref_squeeze %dma_start3A_715 : memref<1x128x128xf32, #tpu.memory_space<vmem>> -> memref<128x128xf32, #tpu.memory_space<vmem>>
      %dma_start3A_717 = arith.constant 0 : i32
      %dma_start3A_718 = tpu.memref_slice %arg9[%dma_start3A_712, %dma_start3A_717] : memref<8x128xi32, #tpu.memory_space<vmem>> -> memref<1x128xi32, #tpu.memory_space<vmem>>
      %dma_start3A_719 = tpu.memref_squeeze %dma_start3A_718 : memref<1x128xi32, #tpu.memory_space<vmem>> -> memref<128xi32, #tpu.memory_space<vmem>>
      %dma_start3A_720 = arith.constant 0 : i32
      %dma_start3A_721 = arith.constant 0 : i32
      %dma_start3A_722 = tpu.memref_slice %arg12[%dma_start3A_720, %dma_start3A_721] : memref<768x128xf32, #tpu.memory_space<vmem_shared>> -> memref<768x128xf32, #tpu.memory_space<vmem_shared>>
      tpu.enqueue_indirect_dma source(%dma_start3A_716 : memref<128x128xf32, #tpu.memory_space<vmem>>) target(%dma_start3A_722 : memref<768x128xf32, #tpu.memory_space<vmem_shared>>) offsets(%dma_start3A_719 : memref<128xi32, #tpu.memory_space<vmem>>) semaphore(%arg24 : memref<!tpu.dma_semaphore, #tpu.memory_space<semaphore_mem>>) {add = true}
      %dma_wait3A_723 = arith.constant 3 : i32
      %dma_wait3A_724 = arith.constant 0 : i32
      %dma_wait3A_725 = arith.constant 0 : i32
      %dma_wait3A_726 = tpu.memref_slice %arg11[%dma_wait3A_723, %dma_wait3A_724, %dma_wait3A_725] : memref<4x128x128xf32, #tpu.memory_space<vmem>> -> memref<1x128x128xf32, #tpu.memory_space<vmem>>
      %dma_wait3A_727 = tpu.memref_squeeze %dma_wait3A_726 : memref<1x128x128xf32, #tpu.memory_space<vmem>> -> memref<128x128xf32, #tpu.memory_space<vmem>>
      %dma_wait3A_728 = arith.constant 0 : i32
      %dma_wait3A_729 = tpu.memref_slice %arg2[%add3A_634, %dma_wait3A_728] : memref<163840x128xf32, #tpu.memory_space<hbm>> -> memref<128x128xf32, #tpu.memory_space<hbm>>
      %dma_wait3A_730 = arith.constant 0 : i32
      %dma_wait3A_731 = arith.constant 0 : i32
      %dma_wait3A_732 = tpu.memref_slice %arg11[%dma_wait3A_723, %dma_wait3A_730, %dma_wait3A_731] : memref<4x128x128xf32, #tpu.memory_space<vmem>> -> memref<1x128x128xf32, #tpu.memory_space<vmem>>
      %dma_wait3A_733 = tpu.memref_squeeze %dma_wait3A_732 : memref<1x128x128xf32, #tpu.memory_space<vmem>> -> memref<128x128xf32, #tpu.memory_space<vmem>>
      %dma_wait3A_734 = arith.constant 0 : i32
      %dma_wait3A_735 = tpu.memref_slice %arg2[%add3A_634, %dma_wait3A_734] : memref<163840x128xf32, #tpu.memory_space<hbm>> -> memref<128x128xf32, #tpu.memory_space<hbm>>
      tpu.wait_dma2 semaphore(%arg21 : memref<!tpu.dma_semaphore, #tpu.memory_space<semaphore_mem>>) src(%dma_wait3A_735 : memref<128x128xf32, #tpu.memory_space<hbm>>) dst(%dma_wait3A_733 : memref<128x128xf32, #tpu.memory_space<vmem>>)
      %dma_start3A_736 = arith.constant 3 : i32
      %dma_start3A_737 = arith.constant 7 : i32
      %dma_start3A_738 = arith.constant 0 : i32
      %dma_start3A_739 = arith.constant 0 : i32
      %dma_start3A_740 = tpu.memref_slice %arg11[%dma_start3A_736, %dma_start3A_738, %dma_start3A_739] : memref<4x128x128xf32, #tpu.memory_space<vmem>> -> memref<1x128x128xf32, #tpu.memory_space<vmem>>
      %dma_start3A_741 = tpu.memref_squeeze %dma_start3A_740 : memref<1x128x128xf32, #tpu.memory_space<vmem>> -> memref<128x128xf32, #tpu.memory_space<vmem>>
      %dma_start3A_742 = arith.constant 0 : i32
      %dma_start3A_743 = tpu.memref_slice %arg9[%dma_start3A_737, %dma_start3A_742] : memref<8x128xi32, #tpu.memory_space<vmem>> -> memref<1x128xi32, #tpu.memory_space<vmem>>
      %dma_start3A_744 = tpu.memref_squeeze %dma_start3A_743 : memref<1x128xi32, #tpu.memory_space<vmem>> -> memref<128xi32, #tpu.memory_space<vmem>>
      %dma_start3A_745 = arith.constant 0 : i32
      %dma_start3A_746 = arith.constant 0 : i32
      %dma_start3A_747 = tpu.memref_slice %arg12[%dma_start3A_745, %dma_start3A_746] : memref<768x128xf32, #tpu.memory_space<vmem_shared>> -> memref<768x128xf32, #tpu.memory_space<vmem_shared>>
      tpu.enqueue_indirect_dma source(%dma_start3A_741 : memref<128x128xf32, #tpu.memory_space<vmem>>) target(%dma_start3A_747 : memref<768x128xf32, #tpu.memory_space<vmem_shared>>) offsets(%dma_start3A_744 : memref<128xi32, #tpu.memory_space<vmem>>) semaphore(%arg25 : memref<!tpu.dma_semaphore, #tpu.memory_space<semaphore_mem>>) {add = true}
      %dma_wait3A_748 = arith.constant 0 : i32
      %dma_wait3A_749 = arith.constant 4 : i32
      %dma_wait3A_750 = arith.constant 0 : i32
      %dma_wait3A_751 = arith.constant 0 : i32
      %dma_wait3A_752 = tpu.memref_slice %arg11[%dma_wait3A_748, %dma_wait3A_750, %dma_wait3A_751] : memref<4x128x128xf32, #tpu.memory_space<vmem>> -> memref<1x128x128xf32, #tpu.memory_space<vmem>>
      %dma_wait3A_753 = tpu.memref_squeeze %dma_wait3A_752 : memref<1x128x128xf32, #tpu.memory_space<vmem>> -> memref<128x128xf32, #tpu.memory_space<vmem>>
      %dma_wait3A_754 = arith.constant 0 : i32
      %dma_wait3A_755 = tpu.memref_slice %arg9[%dma_wait3A_749, %dma_wait3A_754] : memref<8x128xi32, #tpu.memory_space<vmem>> -> memref<1x128xi32, #tpu.memory_space<vmem>>
      %dma_wait3A_756 = tpu.memref_squeeze %dma_wait3A_755 : memref<1x128xi32, #tpu.memory_space<vmem>> -> memref<128xi32, #tpu.memory_space<vmem>>
      %dma_wait3A_757 = arith.constant 0 : i32
      %dma_wait3A_758 = arith.constant 0 : i32
      %dma_wait3A_759 = tpu.memref_slice %arg12[%dma_wait3A_757, %dma_wait3A_758] : memref<768x128xf32, #tpu.memory_space<vmem_shared>> -> memref<768x128xf32, #tpu.memory_space<vmem_shared>>
      tpu.wait_indirect_dma semaphore(%arg22 : memref<!tpu.dma_semaphore, #tpu.memory_space<semaphore_mem>>) src(%dma_wait3A_753 : memref<128x128xf32, #tpu.memory_space<vmem>>) dst(%dma_wait3A_759 : memref<768x128xf32, #tpu.memory_space<vmem_shared>>)
      %dma_wait3A_760 = arith.constant 1 : i32
      %dma_wait3A_761 = arith.constant 5 : i32
      %dma_wait3A_762 = arith.constant 0 : i32
      %dma_wait3A_763 = arith.constant 0 : i32
      %dma_wait3A_764 = tpu.memref_slice %arg11[%dma_wait3A_760, %dma_wait3A_762, %dma_wait3A_763] : memref<4x128x128xf32, #tpu.memory_space<vmem>> -> memref<1x128x128xf32, #tpu.memory_space<vmem>>
      %dma_wait3A_765 = tpu.memref_squeeze %dma_wait3A_764 : memref<1x128x128xf32, #tpu.memory_space<vmem>> -> memref<128x128xf32, #tpu.memory_space<vmem>>
      %dma_wait3A_766 = arith.constant 0 : i32
      %dma_wait3A_767 = tpu.memref_slice %arg9[%dma_wait3A_761, %dma_wait3A_766] : memref<8x128xi32, #tpu.memory_space<vmem>> -> memref<1x128xi32, #tpu.memory_space<vmem>>
      %dma_wait3A_768 = tpu.memref_squeeze %dma_wait3A_767 : memref<1x128xi32, #tpu.memory_space<vmem>> -> memref<128xi32, #tpu.memory_space<vmem>>
      %dma_wait3A_769 = arith.constant 0 : i32
      %dma_wait3A_770 = arith.constant 0 : i32
      %dma_wait3A_771 = tpu.memref_slice %arg12[%dma_wait3A_769, %dma_wait3A_770] : memref<768x128xf32, #tpu.memory_space<vmem_shared>> -> memref<768x128xf32, #tpu.memory_space<vmem_shared>>
      tpu.wait_indirect_dma semaphore(%arg23 : memref<!tpu.dma_semaphore, #tpu.memory_space<semaphore_mem>>) src(%dma_wait3A_765 : memref<128x128xf32, #tpu.memory_space<vmem>>) dst(%dma_wait3A_771 : memref<768x128xf32, #tpu.memory_space<vmem_shared>>)
      %dma_wait3A_772 = arith.constant 2 : i32
      %dma_wait3A_773 = arith.constant 6 : i32
      %dma_wait3A_774 = arith.constant 0 : i32
      %dma_wait3A_775 = arith.constant 0 : i32
      %dma_wait3A_776 = tpu.memref_slice %arg11[%dma_wait3A_772, %dma_wait3A_774, %dma_wait3A_775] : memref<4x128x128xf32, #tpu.memory_space<vmem>> -> memref<1x128x128xf32, #tpu.memory_space<vmem>>
      %dma_wait3A_777 = tpu.memref_squeeze %dma_wait3A_776 : memref<1x128x128xf32, #tpu.memory_space<vmem>> -> memref<128x128xf32, #tpu.memory_space<vmem>>
      %dma_wait3A_778 = arith.constant 0 : i32
      %dma_wait3A_779 = tpu.memref_slice %arg9[%dma_wait3A_773, %dma_wait3A_778] : memref<8x128xi32, #tpu.memory_space<vmem>> -> memref<1x128xi32, #tpu.memory_space<vmem>>
      %dma_wait3A_780 = tpu.memref_squeeze %dma_wait3A_779 : memref<1x128xi32, #tpu.memory_space<vmem>> -> memref<128xi32, #tpu.memory_space<vmem>>
      %dma_wait3A_781 = arith.constant 0 : i32
      %dma_wait3A_782 = arith.constant 0 : i32
      %dma_wait3A_783 = tpu.memref_slice %arg12[%dma_wait3A_781, %dma_wait3A_782] : memref<768x128xf32, #tpu.memory_space<vmem_shared>> -> memref<768x128xf32, #tpu.memory_space<vmem_shared>>
      tpu.wait_indirect_dma semaphore(%arg24 : memref<!tpu.dma_semaphore, #tpu.memory_space<semaphore_mem>>) src(%dma_wait3A_777 : memref<128x128xf32, #tpu.memory_space<vmem>>) dst(%dma_wait3A_783 : memref<768x128xf32, #tpu.memory_space<vmem_shared>>)
      %dma_wait3A_784 = arith.constant 3 : i32
      %dma_wait3A_785 = arith.constant 7 : i32
      %dma_wait3A_786 = arith.constant 0 : i32
      %dma_wait3A_787 = arith.constant 0 : i32
      %dma_wait3A_788 = tpu.memref_slice %arg11[%dma_wait3A_784, %dma_wait3A_786, %dma_wait3A_787] : memref<4x128x128xf32, #tpu.memory_space<vmem>> -> memref<1x128x128xf32, #tpu.memory_space<vmem>>
      %dma_wait3A_789 = tpu.memref_squeeze %dma_wait3A_788 : memref<1x128x128xf32, #tpu.memory_space<vmem>> -> memref<128x128xf32, #tpu.memory_space<vmem>>
      %dma_wait3A_790 = arith.constant 0 : i32
      %dma_wait3A_791 = tpu.memref_slice %arg9[%dma_wait3A_785, %dma_wait3A_790] : memref<8x128xi32, #tpu.memory_space<vmem>> -> memref<1x128xi32, #tpu.memory_space<vmem>>
      %dma_wait3A_792 = tpu.memref_squeeze %dma_wait3A_791 : memref<1x128xi32, #tpu.memory_space<vmem>> -> memref<128xi32, #tpu.memory_space<vmem>>
      %dma_wait3A_793 = arith.constant 0 : i32
      %dma_wait3A_794 = arith.constant 0 : i32
      %dma_wait3A_795 = tpu.memref_slice %arg12[%dma_wait3A_793, %dma_wait3A_794] : memref<768x128xf32, #tpu.memory_space<vmem_shared>> -> memref<768x128xf32, #tpu.memory_space<vmem_shared>>
      tpu.wait_indirect_dma semaphore(%arg25 : memref<!tpu.dma_semaphore, #tpu.memory_space<semaphore_mem>>) src(%dma_wait3A_789 : memref<128x128xf32, #tpu.memory_space<vmem>>) dst(%dma_wait3A_795 : memref<768x128xf32, #tpu.memory_space<vmem_shared>>)
      %dma_wait3A_796 = arith.constant 0 : i32
      %dma_wait3A_797 = arith.constant 0 : i32
      %dma_wait3A_798 = arith.constant 0 : i32
      %dma_wait3A_799 = tpu.memref_slice %arg4[%dma_wait3A_796, %dma_wait3A_797, %dma_wait3A_798] : memref<4x1280x128xf32, #tpu.memory_space<hbm>> -> memref<4x8x128xf32, #tpu.memory_space<hbm>>
      %dma_wait3A_800 = arith.constant 0 : i32
      %dma_wait3A_801 = arith.constant 0 : i32
      %dma_wait3A_802 = arith.constant 0 : i32
      %dma_wait3A_803 = tpu.memref_slice %arg4[%dma_wait3A_800, %dma_wait3A_801, %dma_wait3A_802] : memref<4x1280x128xf32, #tpu.memory_space<hbm>> -> memref<4x8x128xf32, #tpu.memory_space<hbm>>
      tpu.wait_dma2 semaphore(%arg17 : memref<!tpu.dma_semaphore, #tpu.memory_space<semaphore_mem>>) src(%dma_wait3A_803 : memref<4x8x128xf32, #tpu.memory_space<hbm>>) dst(%arg10 : memref<4x8x128xf32, #tpu.memory_space<vmem>>)
    }
    %scan3A_11 = arith.constant 5 : i32
    %barrier3A_12 = arith.constant 0 : index
    tpu.barrier barrier_id(%barrier3A_12)
    %mul3A_13 = arith.constant 48 : i32
    %mul3A_14 = arith.muli %arg1, %mul3A_13 : i32
    %multiple_of3A = tpu.assume_multiple %mul3A_14, 8 : i32
    "tpu.region"() ({
      %run_scoped3A = tpu.sem_alloc : memref<!tpu.dma_semaphore, #tpu.memory_space<semaphore_mem>>
      %dma_start3A = arith.constant 0 : i32
      %dma_start3A_20 = tpu.memref_slice %arg7[%arg0, %multiple_of3A, %dma_start3A] : memref<2x768x128xf32, #tpu.memory_space<hbm>> -> memref<1x48x128xf32, #tpu.memory_space<hbm>>
      %dma_start3A_21 = tpu.memref_squeeze %dma_start3A_20 : memref<1x48x128xf32, #tpu.memory_space<hbm>> -> memref<48x128xf32, #tpu.memory_space<hbm>>
      %dma_start3A_22 = arith.constant 0 : i32
      %dma_start3A_23 = tpu.memref_slice %arg12[%multiple_of3A, %dma_start3A_22] : memref<768x128xf32, #tpu.memory_space<vmem_shared>> -> memref<48x128xf32, #tpu.memory_space<vmem_shared>>
      tpu.enqueue_dma source(%dma_start3A_23 : memref<48x128xf32, #tpu.memory_space<vmem_shared>>) target(%dma_start3A_21 : memref<48x128xf32, #tpu.memory_space<hbm>>) target_semaphore(%run_scoped3A : memref<!tpu.dma_semaphore, #tpu.memory_space<semaphore_mem>>)
      %dma_wait3A = arith.constant 0 : i32
      %dma_wait3A_24 = tpu.memref_slice %arg7[%arg0, %multiple_of3A, %dma_wait3A] : memref<2x768x128xf32, #tpu.memory_space<hbm>> -> memref<1x48x128xf32, #tpu.memory_space<hbm>>
      %dma_wait3A_25 = tpu.memref_squeeze %dma_wait3A_24 : memref<1x48x128xf32, #tpu.memory_space<hbm>> -> memref<48x128xf32, #tpu.memory_space<hbm>>
      %dma_wait3A_26 = arith.constant 0 : i32
      %dma_wait3A_27 = tpu.memref_slice %arg12[%multiple_of3A, %dma_wait3A_26] : memref<768x128xf32, #tpu.memory_space<vmem_shared>> -> memref<48x128xf32, #tpu.memory_space<vmem_shared>>
      tpu.wait_dma2 semaphore(%run_scoped3A : memref<!tpu.dma_semaphore, #tpu.memory_space<semaphore_mem>>) src(%dma_wait3A_27 : memref<48x128xf32, #tpu.memory_space<vmem_shared>>) dst(%dma_wait3A_25 : memref<48x128xf32, #tpu.memory_space<hbm>>)
      tpu.yield
    }) : () -> ()
    %eq3A_15 = arith.constant 0 : i32
    %eq3A_16 = arith.cmpi eq, %arg1, %eq3A_15 : i32
    %convert_element_type3A_17 = arith.extui %eq3A_16 : i1 to i32
    %cond3A_18 = arith.constant 0 : i32
    %cond3A_19 = arith.cmpi ne, %convert_element_type3A_17, %cond3A_18 : i32
    scf.if %cond3A_19 {
      %run_scoped3A = arith.constant 0 : i32
      "tpu.region"() ({
        %run_scoped3A_23 = tpu.sem_alloc : memref<!tpu.dma_semaphore, #tpu.memory_space<semaphore_mem>>
        %dma_start3A = arith.constant 0 : i32
        %dma_start3A_24 = tpu.memref_slice %arg8[%arg0, %run_scoped3A, %dma_start3A] : memref<2x4x768xf32, #tpu.memory_space<hbm>> -> memref<1x1x768xf32, #tpu.memory_space<hbm>>
        %dma_start3A_25 = tpu.memref_squeeze %dma_start3A_24 : memref<1x1x768xf32, #tpu.memory_space<hbm>> -> memref<768xf32, #tpu.memory_space<hbm>>
        tpu.enqueue_dma source(%arg13 : memref<768xf32, #tpu.memory_space<vmem_shared>>) target(%dma_start3A_25 : memref<768xf32, #tpu.memory_space<hbm>>) target_semaphore(%run_scoped3A_23 : memref<!tpu.dma_semaphore, #tpu.memory_space<semaphore_mem>>)
        %dma_wait3A = arith.constant 0 : i32
        %dma_wait3A_26 = tpu.memref_slice %arg8[%arg0, %run_scoped3A, %dma_wait3A] : memref<2x4x768xf32, #tpu.memory_space<hbm>> -> memref<1x1x768xf32, #tpu.memory_space<hbm>>
        %dma_wait3A_27 = tpu.memref_squeeze %dma_wait3A_26 : memref<1x1x768xf32, #tpu.memory_space<hbm>> -> memref<768xf32, #tpu.memory_space<hbm>>
        tpu.wait_dma2 semaphore(%run_scoped3A_23 : memref<!tpu.dma_semaphore, #tpu.memory_space<semaphore_mem>>) src(%arg13 : memref<768xf32, #tpu.memory_space<vmem_shared>>) dst(%dma_wait3A_27 : memref<768xf32, #tpu.memory_space<hbm>>)
        tpu.yield
      }) : () -> ()
      %run_scoped3A_20 = arith.constant 1 : i32
      "tpu.region"() ({
        %run_scoped3A_23 = tpu.sem_alloc : memref<!tpu.dma_semaphore, #tpu.memory_space<semaphore_mem>>
        %dma_start3A = arith.constant 0 : i32
        %dma_start3A_24 = tpu.memref_slice %arg8[%arg0, %run_scoped3A_20, %dma_start3A] : memref<2x4x768xf32, #tpu.memory_space<hbm>> -> memref<1x1x768xf32, #tpu.memory_space<hbm>>
        %dma_start3A_25 = tpu.memref_squeeze %dma_start3A_24 : memref<1x1x768xf32, #tpu.memory_space<hbm>> -> memref<768xf32, #tpu.memory_space<hbm>>
        tpu.enqueue_dma source(%arg14 : memref<768xf32, #tpu.memory_space<vmem_shared>>) target(%dma_start3A_25 : memref<768xf32, #tpu.memory_space<hbm>>) target_semaphore(%run_scoped3A_23 : memref<!tpu.dma_semaphore, #tpu.memory_space<semaphore_mem>>)
        %dma_wait3A = arith.constant 0 : i32
        %dma_wait3A_26 = tpu.memref_slice %arg8[%arg0, %run_scoped3A_20, %dma_wait3A] : memref<2x4x768xf32, #tpu.memory_space<hbm>> -> memref<1x1x768xf32, #tpu.memory_space<hbm>>
        %dma_wait3A_27 = tpu.memref_squeeze %dma_wait3A_26 : memref<1x1x768xf32, #tpu.memory_space<hbm>> -> memref<768xf32, #tpu.memory_space<hbm>>
        tpu.wait_dma2 semaphore(%run_scoped3A_23 : memref<!tpu.dma_semaphore, #tpu.memory_space<semaphore_mem>>) src(%arg14 : memref<768xf32, #tpu.memory_space<vmem_shared>>) dst(%dma_wait3A_27 : memref<768xf32, #tpu.memory_space<hbm>>)
        tpu.yield
      }) : () -> ()
      %run_scoped3A_21 = arith.constant 2 : i32
      "tpu.region"() ({
        %run_scoped3A_23 = tpu.sem_alloc : memref<!tpu.dma_semaphore, #tpu.memory_space<semaphore_mem>>
        %dma_start3A = arith.constant 0 : i32
        %dma_start3A_24 = tpu.memref_slice %arg8[%arg0, %run_scoped3A_21, %dma_start3A] : memref<2x4x768xf32, #tpu.memory_space<hbm>> -> memref<1x1x768xf32, #tpu.memory_space<hbm>>
        %dma_start3A_25 = tpu.memref_squeeze %dma_start3A_24 : memref<1x1x768xf32, #tpu.memory_space<hbm>> -> memref<768xf32, #tpu.memory_space<hbm>>
        tpu.enqueue_dma source(%arg15 : memref<768xf32, #tpu.memory_space<vmem_shared>>) target(%dma_start3A_25 : memref<768xf32, #tpu.memory_space<hbm>>) target_semaphore(%run_scoped3A_23 : memref<!tpu.dma_semaphore, #tpu.memory_space<semaphore_mem>>)
        %dma_wait3A = arith.constant 0 : i32
        %dma_wait3A_26 = tpu.memref_slice %arg8[%arg0, %run_scoped3A_21, %dma_wait3A] : memref<2x4x768xf32, #tpu.memory_space<hbm>> -> memref<1x1x768xf32, #tpu.memory_space<hbm>>
        %dma_wait3A_27 = tpu.memref_squeeze %dma_wait3A_26 : memref<1x1x768xf32, #tpu.memory_space<hbm>> -> memref<768xf32, #tpu.memory_space<hbm>>
        tpu.wait_dma2 semaphore(%run_scoped3A_23 : memref<!tpu.dma_semaphore, #tpu.memory_space<semaphore_mem>>) src(%arg15 : memref<768xf32, #tpu.memory_space<vmem_shared>>) dst(%dma_wait3A_27 : memref<768xf32, #tpu.memory_space<hbm>>)
        tpu.yield
      }) : () -> ()
      %run_scoped3A_22 = arith.constant 3 : i32
      "tpu.region"() ({
        %run_scoped3A_23 = tpu.sem_alloc : memref<!tpu.dma_semaphore, #tpu.memory_space<semaphore_mem>>
        %dma_start3A = arith.constant 0 : i32
        %dma_start3A_24 = tpu.memref_slice %arg8[%arg0, %run_scoped3A_22, %dma_start3A] : memref<2x4x768xf32, #tpu.memory_space<hbm>> -> memref<1x1x768xf32, #tpu.memory_space<hbm>>
        %dma_start3A_25 = tpu.memref_squeeze %dma_start3A_24 : memref<1x1x768xf32, #tpu.memory_space<hbm>> -> memref<768xf32, #tpu.memory_space<hbm>>
        tpu.enqueue_dma source(%arg16 : memref<768xf32, #tpu.memory_space<vmem_shared>>) target(%dma_start3A_25 : memref<768xf32, #tpu.memory_space<hbm>>) target_semaphore(%run_scoped3A_23 : memref<!tpu.dma_semaphore, #tpu.memory_space<semaphore_mem>>)
        %dma_wait3A = arith.constant 0 : i32
        %dma_wait3A_26 = tpu.memref_slice %arg8[%arg0, %run_scoped3A_22, %dma_wait3A] : memref<2x4x768xf32, #tpu.memory_space<hbm>> -> memref<1x1x768xf32, #tpu.memory_space<hbm>>
        %dma_wait3A_27 = tpu.memref_squeeze %dma_wait3A_26 : memref<1x1x768xf32, #tpu.memory_space<hbm>> -> memref<768xf32, #tpu.memory_space<hbm>>
        tpu.wait_dma2 semaphore(%run_scoped3A_23 : memref<!tpu.dma_semaphore, #tpu.memory_space<semaphore_mem>>) src(%arg16 : memref<768xf32, #tpu.memory_space<vmem_shared>>) dst(%dma_wait3A_27 : memref<768xf32, #tpu.memory_space<hbm>>)
        tpu.yield
      }) : () -> ()
    } else {
    }
    return
  }
}

module attributes {stable_mosaic.version = 14 : i64} {
  func.func @_k1_body(%arg0: i32, %arg1: memref<1x1xf32, #tpu.memory_space<smem>>, %arg2: memref<25x1xf32, #tpu.memory_space<smem>>, %arg3: memref<4096x128xf32, #tpu.memory_space<vmem>>, %arg4: memref<32x128xf32, #tpu.memory_space<vmem>>, %arg5: memref<32x128xf32, #tpu.memory_space<vmem>>, %arg6: memref<32x128xi32, #tpu.memory_space<vmem>>, %arg7: memref<4096x128xf32, #tpu.memory_space<vmem>>, %arg8: memref<32x128xi32, #tpu.memory_space<vmem>>, %arg9: memref<4x32x128xf32, #tpu.memory_space<vmem>>) attributes {dimension_semantics = [#tpu.dimension_semantics<arbitrary>], iteration_bounds = array<i64: 40>, scalar_prefetch = 0 : i64, scratch_operands = 0 : i64, tpu.core_type = #tpu.core_type<tc>, window_params = [{transform_indices = @transform_0, window_bounds = array<i64: 1, 1>}, {transform_indices = @transform_1, window_bounds = array<i64: 25, 1>}, {transform_indices = @transform_2, window_bounds = array<i64: 4096, 128>}, {transform_indices = @transform_3, window_bounds = array<i64: 32, 128>}, {transform_indices = @transform_4, window_bounds = array<i64: 32, 128>}, {transform_indices = @transform_5, window_bounds = array<i64: 32, 128>}, {transform_indices = @transform_6, window_bounds = array<i64: 4096, 128>}, {transform_indices = @transform_7, window_bounds = array<i64: 32, 128>}, {transform_indices = @transform_8, window_bounds = array<i64: 4, 32, 128>}]} {
    %add3A = arith.constant 0 : i32
    %add3A_0 = arith.addi %arg0, %add3A : i32
    %get3A = arith.constant 0 : index
    %get3A_1 = arith.constant 0 : index
    %get3A_2 = memref.load %arg1[%get3A, %get3A_1] : memref<1x1xf32, #tpu.memory_space<smem>>
    %get3A_3 = arith.constant 0 : index
    %get3A_4 = arith.constant 0 : index
    %get3A_5 = vector.load %arg3[%get3A_3, %get3A_4] : memref<4096x128xf32, #tpu.memory_space<vmem>>, vector<4096x128xf32>
    %mul3A = arith.constant 4096 : i32
    %mul3A_6 = arith.muli %add3A_0, %mul3A : i32
    %iota3A = tpu.iota {dimensions = array<i32: 0>} : vector<4096x1xi32>
    %add3A_7 = vector.broadcast %mul3A_6 : i32 to vector<4096x1xi32>
    %add3A_8 = arith.addi %add3A_7, %iota3A : vector<4096x1xi32>
    %abs3A = math.absf %get3A_5 : vector<4096x128xf32>
    %add3A_9 = arith.constant 9.99999997E-7 : f32
    %add3A_10 = vector.broadcast %add3A_9 : f32 to vector<4096x128xf32>
    %add3A_11 = arith.addf %abs3A, %add3A_10 : vector<4096x128xf32>
    %log3A = math.log %add3A_11 : vector<4096x128xf32>
    %mul3A_12 = vector.broadcast %get3A_2 : f32 to vector<4096x128xf32>
    %mul3A_13 = arith.mulf %log3A, %mul3A_12 : vector<4096x128xf32>
    %exp3A = math.exp %mul3A_13 : vector<4096x128xf32>
    %lt3A = arith.constant 320000 : i32
    %lt3A_14 = vector.broadcast %lt3A : i32 to vector<4096x1xi32>
    %lt3A_15 = arith.cmpi slt, %add3A_8, %lt3A_14 : vector<4096x1xi32>
    %jit3A = arith.constant 0.000000e+00 : f32
    %broadcast_in_dim3A = vector.shape_cast %lt3A_15 : vector<4096x1xi1> to vector<4096x1xi1>
    %broadcast_in_dim3A_16 = vector.broadcast %broadcast_in_dim3A : vector<4096x1xi1> to vector<4096x128xi1>
    %broadcast_in_dim3A_17 = vector.broadcast %jit3A : f32 to vector<4096x128xf32>
    %select_n3A = arith.select %broadcast_in_dim3A_16, %exp3A, %broadcast_in_dim3A_17 : vector<4096x128xi1>, vector<4096x128xf32>
    %swap3A = arith.constant 0 : index
    %swap3A_18 = arith.constant 0 : index
    %swap3A_19 = vector.load %arg7[%swap3A, %swap3A_18] : memref<4096x128xf32, #tpu.memory_space<vmem>>, vector<4096x128xf32>
    tpu.vector_store %arg7[%swap3A, %swap3A_18], %select_n3A {strides = array<i32>} : memref<4096x128xf32, #tpu.memory_space<vmem>>, vector<4096x128xf32>,
    %get3A_20 = arith.constant 0 : index
    %get3A_21 = arith.constant 0 : index
    %get3A_22 = vector.load %arg4[%get3A_20, %get3A_21] : memref<32x128xf32, #tpu.memory_space<vmem>>, vector<32x128xf32>
    %get3A_23 = arith.constant 0 : index
    %get3A_24 = arith.constant 0 : index
    %get3A_25 = vector.load %arg5[%get3A_23, %get3A_24] : memref<32x128xf32, #tpu.memory_space<vmem>>, vector<32x128xf32>
    %atan23A = math.atan2 %get3A_25, %get3A_22 : vector<32x128xf32>
    %jit3A_26 = arith.constant -1.57079637 : f32
    %jit3A_27 = arith.constant 1.57079637 : f32
    %max3A = vector.broadcast %jit3A_26 : f32 to vector<32x128xf32>
    %max3A_28 = arith.maximumf %max3A, %atan23A : vector<32x128xf32>
    %min3A = vector.broadcast %jit3A_27 : f32 to vector<32x128xf32>
    %min3A_29 = arith.minimumf %min3A, %max3A_28 : vector<32x128xf32>
    %broadcast_in_dim3A_30 = arith.constant 0 : i32
    %broadcast_in_dim3A_31 = vector.broadcast %broadcast_in_dim3A_30 : i32 to vector<32x128xi32>
    %get3A_32 = arith.constant 0 : index
    %get3A_33 = arith.constant 0 : index
    %get3A_34 = memref.load %arg2[%get3A_32, %get3A_33] : memref<25x1xf32, #tpu.memory_space<smem>>
    %lt3A_35 = vector.broadcast %get3A_34 : f32 to vector<32x128xf32>
    %lt3A_36 = arith.cmpf olt, %lt3A_35, %min3A_29 : vector<32x128xf32>
    %convert_element_type3A = arith.extui %lt3A_36 : vector<32x128xi1> to vector<32x128xi32>
    %add3A_37 = arith.addi %broadcast_in_dim3A_31, %convert_element_type3A : vector<32x128xi32>
    %get3A_38 = arith.constant 1 : index
    %get3A_39 = arith.constant 0 : index
    %get3A_40 = memref.load %arg2[%get3A_38, %get3A_39] : memref<25x1xf32, #tpu.memory_space<smem>>
    %lt3A_41 = vector.broadcast %get3A_40 : f32 to vector<32x128xf32>
    %lt3A_42 = arith.cmpf olt, %lt3A_41, %min3A_29 : vector<32x128xf32>
    %convert_element_type3A_43 = arith.extui %lt3A_42 : vector<32x128xi1> to vector<32x128xi32>
    %add3A_44 = arith.addi %add3A_37, %convert_element_type3A_43 : vector<32x128xi32>
    %get3A_45 = arith.constant 2 : index
    %get3A_46 = arith.constant 0 : index
    %get3A_47 = memref.load %arg2[%get3A_45, %get3A_46] : memref<25x1xf32, #tpu.memory_space<smem>>
    %lt3A_48 = vector.broadcast %get3A_47 : f32 to vector<32x128xf32>
    %lt3A_49 = arith.cmpf olt, %lt3A_48, %min3A_29 : vector<32x128xf32>
    %convert_element_type3A_50 = arith.extui %lt3A_49 : vector<32x128xi1> to vector<32x128xi32>
    %add3A_51 = arith.addi %add3A_44, %convert_element_type3A_50 : vector<32x128xi32>
    %get3A_52 = arith.constant 3 : index
    %get3A_53 = arith.constant 0 : index
    %get3A_54 = memref.load %arg2[%get3A_52, %get3A_53] : memref<25x1xf32, #tpu.memory_space<smem>>
    %lt3A_55 = vector.broadcast %get3A_54 : f32 to vector<32x128xf32>
    %lt3A_56 = arith.cmpf olt, %lt3A_55, %min3A_29 : vector<32x128xf32>
    %convert_element_type3A_57 = arith.extui %lt3A_56 : vector<32x128xi1> to vector<32x128xi32>
    %add3A_58 = arith.addi %add3A_51, %convert_element_type3A_57 : vector<32x128xi32>
    %get3A_59 = arith.constant 4 : index
    %get3A_60 = arith.constant 0 : index
    %get3A_61 = memref.load %arg2[%get3A_59, %get3A_60] : memref<25x1xf32, #tpu.memory_space<smem>>
    %lt3A_62 = vector.broadcast %get3A_61 : f32 to vector<32x128xf32>
    %lt3A_63 = arith.cmpf olt, %lt3A_62, %min3A_29 : vector<32x128xf32>
    %convert_element_type3A_64 = arith.extui %lt3A_63 : vector<32x128xi1> to vector<32x128xi32>
    %add3A_65 = arith.addi %add3A_58, %convert_element_type3A_64 : vector<32x128xi32>
    %get3A_66 = arith.constant 5 : index
    %get3A_67 = arith.constant 0 : index
    %get3A_68 = memref.load %arg2[%get3A_66, %get3A_67] : memref<25x1xf32, #tpu.memory_space<smem>>
    %lt3A_69 = vector.broadcast %get3A_68 : f32 to vector<32x128xf32>
    %lt3A_70 = arith.cmpf olt, %lt3A_69, %min3A_29 : vector<32x128xf32>
    %convert_element_type3A_71 = arith.extui %lt3A_70 : vector<32x128xi1> to vector<32x128xi32>
    %add3A_72 = arith.addi %add3A_65, %convert_element_type3A_71 : vector<32x128xi32>
    %get3A_73 = arith.constant 6 : index
    %get3A_74 = arith.constant 0 : index
    %get3A_75 = memref.load %arg2[%get3A_73, %get3A_74] : memref<25x1xf32, #tpu.memory_space<smem>>
    %lt3A_76 = vector.broadcast %get3A_75 : f32 to vector<32x128xf32>
    %lt3A_77 = arith.cmpf olt, %lt3A_76, %min3A_29 : vector<32x128xf32>
    %convert_element_type3A_78 = arith.extui %lt3A_77 : vector<32x128xi1> to vector<32x128xi32>
    %add3A_79 = arith.addi %add3A_72, %convert_element_type3A_78 : vector<32x128xi32>
    %get3A_80 = arith.constant 7 : index
    %get3A_81 = arith.constant 0 : index
    %get3A_82 = memref.load %arg2[%get3A_80, %get3A_81] : memref<25x1xf32, #tpu.memory_space<smem>>
    %lt3A_83 = vector.broadcast %get3A_82 : f32 to vector<32x128xf32>
    %lt3A_84 = arith.cmpf olt, %lt3A_83, %min3A_29 : vector<32x128xf32>
    %convert_element_type3A_85 = arith.extui %lt3A_84 : vector<32x128xi1> to vector<32x128xi32>
    %add3A_86 = arith.addi %add3A_79, %convert_element_type3A_85 : vector<32x128xi32>
    %get3A_87 = arith.constant 8 : index
    %get3A_88 = arith.constant 0 : index
    %get3A_89 = memref.load %arg2[%get3A_87, %get3A_88] : memref<25x1xf32, #tpu.memory_space<smem>>
    %lt3A_90 = vector.broadcast %get3A_89 : f32 to vector<32x128xf32>
    %lt3A_91 = arith.cmpf olt, %lt3A_90, %min3A_29 : vector<32x128xf32>
    %convert_element_type3A_92 = arith.extui %lt3A_91 : vector<32x128xi1> to vector<32x128xi32>
    %add3A_93 = arith.addi %add3A_86, %convert_element_type3A_92 : vector<32x128xi32>
    %get3A_94 = arith.constant 9 : index
    %get3A_95 = arith.constant 0 : index
    %get3A_96 = memref.load %arg2[%get3A_94, %get3A_95] : memref<25x1xf32, #tpu.memory_space<smem>>
    %lt3A_97 = vector.broadcast %get3A_96 : f32 to vector<32x128xf32>
    %lt3A_98 = arith.cmpf olt, %lt3A_97, %min3A_29 : vector<32x128xf32>
    %convert_element_type3A_99 = arith.extui %lt3A_98 : vector<32x128xi1> to vector<32x128xi32>
    %add3A_100 = arith.addi %add3A_93, %convert_element_type3A_99 : vector<32x128xi32>
    %get3A_101 = arith.constant 10 : index
    %get3A_102 = arith.constant 0 : index
    %get3A_103 = memref.load %arg2[%get3A_101, %get3A_102] : memref<25x1xf32, #tpu.memory_space<smem>>
    %lt3A_104 = vector.broadcast %get3A_103 : f32 to vector<32x128xf32>
    %lt3A_105 = arith.cmpf olt, %lt3A_104, %min3A_29 : vector<32x128xf32>
    %convert_element_type3A_106 = arith.extui %lt3A_105 : vector<32x128xi1> to vector<32x128xi32>
    %add3A_107 = arith.addi %add3A_100, %convert_element_type3A_106 : vector<32x128xi32>
    %get3A_108 = arith.constant 11 : index
    %get3A_109 = arith.constant 0 : index
    %get3A_110 = memref.load %arg2[%get3A_108, %get3A_109] : memref<25x1xf32, #tpu.memory_space<smem>>
    %lt3A_111 = vector.broadcast %get3A_110 : f32 to vector<32x128xf32>
    %lt3A_112 = arith.cmpf olt, %lt3A_111, %min3A_29 : vector<32x128xf32>
    %convert_element_type3A_113 = arith.extui %lt3A_112 : vector<32x128xi1> to vector<32x128xi32>
    %add3A_114 = arith.addi %add3A_107, %convert_element_type3A_113 : vector<32x128xi32>
    %get3A_115 = arith.constant 12 : index
    %get3A_116 = arith.constant 0 : index
    %get3A_117 = memref.load %arg2[%get3A_115, %get3A_116] : memref<25x1xf32, #tpu.memory_space<smem>>
    %lt3A_118 = vector.broadcast %get3A_117 : f32 to vector<32x128xf32>
    %lt3A_119 = arith.cmpf olt, %lt3A_118, %min3A_29 : vector<32x128xf32>
    %convert_element_type3A_120 = arith.extui %lt3A_119 : vector<32x128xi1> to vector<32x128xi32>
    %add3A_121 = arith.addi %add3A_114, %convert_element_type3A_120 : vector<32x128xi32>
    %get3A_122 = arith.constant 13 : index
    %get3A_123 = arith.constant 0 : index
    %get3A_124 = memref.load %arg2[%get3A_122, %get3A_123] : memref<25x1xf32, #tpu.memory_space<smem>>
    %lt3A_125 = vector.broadcast %get3A_124 : f32 to vector<32x128xf32>
    %lt3A_126 = arith.cmpf olt, %lt3A_125, %min3A_29 : vector<32x128xf32>
    %convert_element_type3A_127 = arith.extui %lt3A_126 : vector<32x128xi1> to vector<32x128xi32>
    %add3A_128 = arith.addi %add3A_121, %convert_element_type3A_127 : vector<32x128xi32>
    %get3A_129 = arith.constant 14 : index
    %get3A_130 = arith.constant 0 : index
    %get3A_131 = memref.load %arg2[%get3A_129, %get3A_130] : memref<25x1xf32, #tpu.memory_space<smem>>
    %lt3A_132 = vector.broadcast %get3A_131 : f32 to vector<32x128xf32>
    %lt3A_133 = arith.cmpf olt, %lt3A_132, %min3A_29 : vector<32x128xf32>
    %convert_element_type3A_134 = arith.extui %lt3A_133 : vector<32x128xi1> to vector<32x128xi32>
    %add3A_135 = arith.addi %add3A_128, %convert_element_type3A_134 : vector<32x128xi32>
    %get3A_136 = arith.constant 15 : index
    %get3A_137 = arith.constant 0 : index
    %get3A_138 = memref.load %arg2[%get3A_136, %get3A_137] : memref<25x1xf32, #tpu.memory_space<smem>>
    %lt3A_139 = vector.broadcast %get3A_138 : f32 to vector<32x128xf32>
    %lt3A_140 = arith.cmpf olt, %lt3A_139, %min3A_29 : vector<32x128xf32>
    %convert_element_type3A_141 = arith.extui %lt3A_140 : vector<32x128xi1> to vector<32x128xi32>
    %add3A_142 = arith.addi %add3A_135, %convert_element_type3A_141 : vector<32x128xi32>
    %get3A_143 = arith.constant 16 : index
    %get3A_144 = arith.constant 0 : index
    %get3A_145 = memref.load %arg2[%get3A_143, %get3A_144] : memref<25x1xf32, #tpu.memory_space<smem>>
    %lt3A_146 = vector.broadcast %get3A_145 : f32 to vector<32x128xf32>
    %lt3A_147 = arith.cmpf olt, %lt3A_146, %min3A_29 : vector<32x128xf32>
    %convert_element_type3A_148 = arith.extui %lt3A_147 : vector<32x128xi1> to vector<32x128xi32>
    %add3A_149 = arith.addi %add3A_142, %convert_element_type3A_148 : vector<32x128xi32>
    %get3A_150 = arith.constant 17 : index
    %get3A_151 = arith.constant 0 : index
    %get3A_152 = memref.load %arg2[%get3A_150, %get3A_151] : memref<25x1xf32, #tpu.memory_space<smem>>
    %lt3A_153 = vector.broadcast %get3A_152 : f32 to vector<32x128xf32>
    %lt3A_154 = arith.cmpf olt, %lt3A_153, %min3A_29 : vector<32x128xf32>
    %convert_element_type3A_155 = arith.extui %lt3A_154 : vector<32x128xi1> to vector<32x128xi32>
    %add3A_156 = arith.addi %add3A_149, %convert_element_type3A_155 : vector<32x128xi32>
    %get3A_157 = arith.constant 18 : index
    %get3A_158 = arith.constant 0 : index
    %get3A_159 = memref.load %arg2[%get3A_157, %get3A_158] : memref<25x1xf32, #tpu.memory_space<smem>>
    %lt3A_160 = vector.broadcast %get3A_159 : f32 to vector<32x128xf32>
    %lt3A_161 = arith.cmpf olt, %lt3A_160, %min3A_29 : vector<32x128xf32>
    %convert_element_type3A_162 = arith.extui %lt3A_161 : vector<32x128xi1> to vector<32x128xi32>
    %add3A_163 = arith.addi %add3A_156, %convert_element_type3A_162 : vector<32x128xi32>
    %get3A_164 = arith.constant 19 : index
    %get3A_165 = arith.constant 0 : index
    %get3A_166 = memref.load %arg2[%get3A_164, %get3A_165] : memref<25x1xf32, #tpu.memory_space<smem>>
    %lt3A_167 = vector.broadcast %get3A_166 : f32 to vector<32x128xf32>
    %lt3A_168 = arith.cmpf olt, %lt3A_167, %min3A_29 : vector<32x128xf32>
    %convert_element_type3A_169 = arith.extui %lt3A_168 : vector<32x128xi1> to vector<32x128xi32>
    %add3A_170 = arith.addi %add3A_163, %convert_element_type3A_169 : vector<32x128xi32>
    %get3A_171 = arith.constant 20 : index
    %get3A_172 = arith.constant 0 : index
    %get3A_173 = memref.load %arg2[%get3A_171, %get3A_172] : memref<25x1xf32, #tpu.memory_space<smem>>
    %lt3A_174 = vector.broadcast %get3A_173 : f32 to vector<32x128xf32>
    %lt3A_175 = arith.cmpf olt, %lt3A_174, %min3A_29 : vector<32x128xf32>
    %convert_element_type3A_176 = arith.extui %lt3A_175 : vector<32x128xi1> to vector<32x128xi32>
    %add3A_177 = arith.addi %add3A_170, %convert_element_type3A_176 : vector<32x128xi32>
    %get3A_178 = arith.constant 21 : index
    %get3A_179 = arith.constant 0 : index
    %get3A_180 = memref.load %arg2[%get3A_178, %get3A_179] : memref<25x1xf32, #tpu.memory_space<smem>>
    %lt3A_181 = vector.broadcast %get3A_180 : f32 to vector<32x128xf32>
    %lt3A_182 = arith.cmpf olt, %lt3A_181, %min3A_29 : vector<32x128xf32>
    %convert_element_type3A_183 = arith.extui %lt3A_182 : vector<32x128xi1> to vector<32x128xi32>
    %add3A_184 = arith.addi %add3A_177, %convert_element_type3A_183 : vector<32x128xi32>
    %get3A_185 = arith.constant 22 : index
    %get3A_186 = arith.constant 0 : index
    %get3A_187 = memref.load %arg2[%get3A_185, %get3A_186] : memref<25x1xf32, #tpu.memory_space<smem>>
    %lt3A_188 = vector.broadcast %get3A_187 : f32 to vector<32x128xf32>
    %lt3A_189 = arith.cmpf olt, %lt3A_188, %min3A_29 : vector<32x128xf32>
    %convert_element_type3A_190 = arith.extui %lt3A_189 : vector<32x128xi1> to vector<32x128xi32>
    %add3A_191 = arith.addi %add3A_184, %convert_element_type3A_190 : vector<32x128xi32>
    %get3A_192 = arith.constant 23 : index
    %get3A_193 = arith.constant 0 : index
    %get3A_194 = memref.load %arg2[%get3A_192, %get3A_193] : memref<25x1xf32, #tpu.memory_space<smem>>
    %lt3A_195 = vector.broadcast %get3A_194 : f32 to vector<32x128xf32>
    %lt3A_196 = arith.cmpf olt, %lt3A_195, %min3A_29 : vector<32x128xf32>
    %convert_element_type3A_197 = arith.extui %lt3A_196 : vector<32x128xi1> to vector<32x128xi32>
    %add3A_198 = arith.addi %add3A_191, %convert_element_type3A_197 : vector<32x128xi32>
    %get3A_199 = arith.constant 24 : index
    %get3A_200 = arith.constant 0 : index
    %get3A_201 = memref.load %arg2[%get3A_199, %get3A_200] : memref<25x1xf32, #tpu.memory_space<smem>>
    %lt3A_202 = vector.broadcast %get3A_201 : f32 to vector<32x128xf32>
    %lt3A_203 = arith.cmpf olt, %lt3A_202, %min3A_29 : vector<32x128xf32>
    %convert_element_type3A_204 = arith.extui %lt3A_203 : vector<32x128xi1> to vector<32x128xi32>
    %add3A_205 = arith.addi %add3A_198, %convert_element_type3A_204 : vector<32x128xi32>
    %sub3A = arith.constant 1 : i32
    %sub3A_206 = vector.broadcast %sub3A : i32 to vector<32x128xi32>
    %sub3A_207 = arith.subi %add3A_205, %sub3A_206 : vector<32x128xi32>
    %jit3A_208 = arith.constant 0 : i32
    %jit3A_209 = arith.constant 23 : i32
    %max3A_210 = vector.broadcast %jit3A_208 : i32 to vector<32x128xi32>
    %max3A_211 = arith.maxsi %max3A_210, %sub3A_207 : vector<32x128xi32>
    %min3A_212 = vector.broadcast %jit3A_209 : i32 to vector<32x128xi32>
    %min3A_213 = arith.minsi %min3A_212, %max3A_211 : vector<32x128xi32>
    %mul3A_214 = arith.mulf %get3A_22, %get3A_22 : vector<32x128xf32>
    %mul3A_215 = arith.mulf %get3A_25, %get3A_25 : vector<32x128xf32>
    %add3A_216 = arith.addf %mul3A_214, %mul3A_215 : vector<32x128xf32>
    %sqrt3A = math.sqrt %add3A_216 : vector<32x128xf32>
    %max3A_217 = arith.constant 9.99999997E-7 : f32
    %max3A_218 = vector.broadcast %max3A_217 : f32 to vector<32x128xf32>
    %max3A_219 = arith.maximumf %sqrt3A, %max3A_218 : vector<32x128xf32>
    %gt3A = arith.constant 2.500000e+00 : f32
    %gt3A_220 = vector.broadcast %gt3A : f32 to vector<32x128xf32>
    %gt3A_221 = arith.cmpf ogt, %max3A_219, %gt3A_220 : vector<32x128xf32>
    %convert_element_type3A_222 = arith.extui %gt3A_221 : vector<32x128xi1> to vector<32x128xi32>
    %gt3A_223 = arith.constant 5.000000e+00 : f32
    %gt3A_224 = vector.broadcast %gt3A_223 : f32 to vector<32x128xf32>
    %gt3A_225 = arith.cmpf ogt, %max3A_219, %gt3A_224 : vector<32x128xf32>
    %convert_element_type3A_226 = arith.extui %gt3A_225 : vector<32x128xi1> to vector<32x128xi32>
    %add3A_227 = arith.addi %convert_element_type3A_222, %convert_element_type3A_226 : vector<32x128xi32>
    %gt3A_228 = arith.constant 7.500000e+00 : f32
    %gt3A_229 = vector.broadcast %gt3A_228 : f32 to vector<32x128xf32>
    %gt3A_230 = arith.cmpf ogt, %max3A_219, %gt3A_229 : vector<32x128xf32>
    %convert_element_type3A_231 = arith.extui %gt3A_230 : vector<32x128xi1> to vector<32x128xi32>
    %add3A_232 = arith.addi %add3A_227, %convert_element_type3A_231 : vector<32x128xi32>
    %gt3A_233 = arith.constant 1.000000e+01 : f32
    %gt3A_234 = vector.broadcast %gt3A_233 : f32 to vector<32x128xf32>
    %gt3A_235 = arith.cmpf ogt, %max3A_219, %gt3A_234 : vector<32x128xf32>
    %convert_element_type3A_236 = arith.extui %gt3A_235 : vector<32x128xi1> to vector<32x128xi32>
    %add3A_237 = arith.addi %add3A_232, %convert_element_type3A_236 : vector<32x128xi32>
    %min3A_238 = arith.constant 3 : i32
    %min3A_239 = vector.broadcast %min3A_238 : i32 to vector<32x128xi32>
    %min3A_240 = arith.minsi %add3A_237, %min3A_239 : vector<32x128xi32>
    %mul3A_241 = arith.constant 32 : i32
    %mul3A_242 = arith.muli %add3A_0, %mul3A_241 : i32
    %iota3A_243 = tpu.iota {dimensions = array<i32: 0>} : vector<32x128xi32>
    %add3A_244 = vector.broadcast %mul3A_242 : i32 to vector<32x128xi32>
    %add3A_245 = arith.addi %add3A_244, %iota3A_243 : vector<32x128xi32>
    %lt3A_246 = arith.constant 2500 : i32
    %lt3A_247 = vector.broadcast %lt3A_246 : i32 to vector<32x128xi32>
    %lt3A_248 = arith.cmpi slt, %add3A_245, %lt3A_247 : vector<32x128xi32>
    %get3A_249 = arith.constant 0 : index
    %get3A_250 = arith.constant 0 : index
    %get3A_251 = vector.load %arg6[%get3A_249, %get3A_250] : memref<32x128xi32, #tpu.memory_space<vmem>>, vector<32x128xi32>
    %mul3A_252 = arith.constant 96 : i32
    %mul3A_253 = vector.broadcast %mul3A_252 : i32 to vector<32x128xi32>
    %mul3A_254 = arith.muli %get3A_251, %mul3A_253 : vector<32x128xi32>
    %mul3A_255 = arith.constant 24 : i32
    %mul3A_256 = vector.broadcast %mul3A_255 : i32 to vector<32x128xi32>
    %mul3A_257 = arith.muli %min3A_240, %mul3A_256 : vector<32x128xi32>
    %add3A_258 = arith.addi %mul3A_254, %mul3A_257 : vector<32x128xi32>
    %add3A_259 = arith.addi %add3A_258, %min3A_213 : vector<32x128xi32>
    %jit3A_260 = arith.constant 0 : i32
    %broadcast_in_dim3A_261 = vector.broadcast %jit3A_260 : i32 to vector<32x128xi32>
    %select_n3A_262 = arith.select %lt3A_248, %add3A_259, %broadcast_in_dim3A_261 : vector<32x128xi1>, vector<32x128xi32>
    %swap3A_263 = arith.constant 0 : index
    %swap3A_264 = arith.constant 0 : index
    %swap3A_265 = vector.load %arg8[%swap3A_263, %swap3A_264] : memref<32x128xi32, #tpu.memory_space<vmem>>, vector<32x128xi32>
    tpu.vector_store %arg8[%swap3A_263, %swap3A_264], %select_n3A_262 {strides = array<i32>} : memref<32x128xi32, #tpu.memory_space<vmem>>, vector<32x128xi32>,
    %jit3A_266 = arith.constant 0.000000e+00 : f32
    %broadcast_in_dim3A_267 = vector.broadcast %jit3A_266 : f32 to vector<32x128xf32>
    %select_n3A_268 = arith.select %lt3A_248, %get3A_22, %broadcast_in_dim3A_267 : vector<32x128xi1>, vector<32x128xf32>
    %swap3A_269 = arith.constant 0 : index
    %swap3A_270 = arith.constant 0 : index
    %swap3A_271 = arith.constant 0 : index
    %swap3A_272 = vector.load %arg9[%swap3A_269, %swap3A_270, %swap3A_271] : memref<4x32x128xf32, #tpu.memory_space<vmem>>, vector<1x32x128xf32>
    %swap3A_273 = vector.shape_cast %swap3A_272 : vector<1x32x128xf32> to vector<32x128xf32>
    %swap3A_274 = vector.shape_cast %select_n3A_268 : vector<32x128xf32> to vector<1x32x128xf32>
    tpu.vector_store %arg9[%swap3A_269, %swap3A_270, %swap3A_271], %swap3A_274 {strides = array<i32>} : memref<4x32x128xf32, #tpu.memory_space<vmem>>, vector<1x32x128xf32>,
    %jit3A_275 = arith.constant 0.000000e+00 : f32
    %broadcast_in_dim3A_276 = vector.broadcast %jit3A_275 : f32 to vector<32x128xf32>
    %select_n3A_277 = arith.select %lt3A_248, %get3A_25, %broadcast_in_dim3A_276 : vector<32x128xi1>, vector<32x128xf32>
    %swap3A_278 = arith.constant 1 : index
    %swap3A_279 = arith.constant 0 : index
    %swap3A_280 = arith.constant 0 : index
    %swap3A_281 = vector.load %arg9[%swap3A_278, %swap3A_279, %swap3A_280] : memref<4x32x128xf32, #tpu.memory_space<vmem>>, vector<1x32x128xf32>
    %swap3A_282 = vector.shape_cast %swap3A_281 : vector<1x32x128xf32> to vector<32x128xf32>
    %swap3A_283 = vector.shape_cast %select_n3A_277 : vector<32x128xf32> to vector<1x32x128xf32>
    tpu.vector_store %arg9[%swap3A_278, %swap3A_279, %swap3A_280], %swap3A_283 {strides = array<i32>} : memref<4x32x128xf32, #tpu.memory_space<vmem>>, vector<1x32x128xf32>,
    %jit3A_284 = arith.constant 0.000000e+00 : f32
    %broadcast_in_dim3A_285 = vector.broadcast %jit3A_284 : f32 to vector<32x128xf32>
    %select_n3A_286 = arith.select %lt3A_248, %max3A_219, %broadcast_in_dim3A_285 : vector<32x128xi1>, vector<32x128xf32>
    %swap3A_287 = arith.constant 2 : index
    %swap3A_288 = arith.constant 0 : index
    %swap3A_289 = arith.constant 0 : index
    %swap3A_290 = vector.load %arg9[%swap3A_287, %swap3A_288, %swap3A_289] : memref<4x32x128xf32, #tpu.memory_space<vmem>>, vector<1x32x128xf32>
    %swap3A_291 = vector.shape_cast %swap3A_290 : vector<1x32x128xf32> to vector<32x128xf32>
    %swap3A_292 = vector.shape_cast %select_n3A_286 : vector<32x128xf32> to vector<1x32x128xf32>
    tpu.vector_store %arg9[%swap3A_287, %swap3A_288, %swap3A_289], %swap3A_292 {strides = array<i32>} : memref<4x32x128xf32, #tpu.memory_space<vmem>>, vector<1x32x128xf32>,
    %jit3A_293 = arith.constant 1.000000e+00 : f32
    %jit3A_294 = arith.constant 0.000000e+00 : f32
    %broadcast_in_dim3A_295 = vector.broadcast %jit3A_293 : f32 to vector<32x128xf32>
    %broadcast_in_dim3A_296 = vector.broadcast %jit3A_294 : f32 to vector<32x128xf32>
    %select_n3A_297 = arith.select %lt3A_248, %broadcast_in_dim3A_295, %broadcast_in_dim3A_296 : vector<32x128xi1>, vector<32x128xf32>
    %swap3A_298 = arith.constant 3 : index
    %swap3A_299 = arith.constant 0 : index
    %swap3A_300 = arith.constant 0 : index
    %swap3A_301 = vector.load %arg9[%swap3A_298, %swap3A_299, %swap3A_300] : memref<4x32x128xf32, #tpu.memory_space<vmem>>, vector<1x32x128xf32>
    %swap3A_302 = vector.shape_cast %swap3A_301 : vector<1x32x128xf32> to vector<32x128xf32>
    %swap3A_303 = vector.shape_cast %select_n3A_297 : vector<32x128xf32> to vector<1x32x128xf32>
    tpu.vector_store %arg9[%swap3A_298, %swap3A_299, %swap3A_300], %swap3A_303 {strides = array<i32>} : memref<4x32x128xf32, #tpu.memory_space<vmem>>, vector<1x32x128xf32>,
    return
  }
  func.func @transform_0(%arg0: i32) -> (i32, i32) {
    %c0_i32 = arith.constant 0 : i32
    %c0_i32_0 = arith.constant 0 : i32
    %c0_i32_1 = arith.constant 0 : i32
    return %c0_i32, %c0_i32_0 : i32, i32
  }
  func.func @transform_1(%arg0: i32) -> (i32, i32) {
    %c0_i32 = arith.constant 0 : i32
    %c0_i32_0 = arith.constant 0 : i32
    %c0_i32_1 = arith.constant 0 : i32
    return %c0_i32, %c0_i32_0 : i32, i32
  }
  func.func @transform_2(%arg0: i32) -> (i32, i32) {
    %add3A = arith.constant 0 : i32
    %add3A_0 = arith.addi %arg0, %add3A : i32
    %min3A = arith.constant 78 : i32
    %min3A_1 = arith.minsi %add3A_0, %min3A : i32
    %c0_i32 = arith.constant 0 : i32
    %c0_i32_2 = arith.constant 0 : i32
    return %min3A_1, %c0_i32 : i32, i32
  }
  func.func @transform_3(%arg0: i32) -> (i32, i32) {
    %add3A = arith.constant 0 : i32
    %add3A_0 = arith.addi %arg0, %add3A : i32
    %min3A = arith.constant 78 : i32
    %min3A_1 = arith.minsi %add3A_0, %min3A : i32
    %c0_i32 = arith.constant 0 : i32
    %c0_i32_2 = arith.constant 0 : i32
    return %min3A_1, %c0_i32 : i32, i32
  }
  func.func @transform_4(%arg0: i32) -> (i32, i32) {
    %add3A = arith.constant 0 : i32
    %add3A_0 = arith.addi %arg0, %add3A : i32
    %min3A = arith.constant 78 : i32
    %min3A_1 = arith.minsi %add3A_0, %min3A : i32
    %c0_i32 = arith.constant 0 : i32
    %c0_i32_2 = arith.constant 0 : i32
    return %min3A_1, %c0_i32 : i32, i32
  }
  func.func @transform_5(%arg0: i32) -> (i32, i32) {
    %add3A = arith.constant 0 : i32
    %add3A_0 = arith.addi %arg0, %add3A : i32
    %min3A = arith.constant 78 : i32
    %min3A_1 = arith.minsi %add3A_0, %min3A : i32
    %c0_i32 = arith.constant 0 : i32
    %c0_i32_2 = arith.constant 0 : i32
    return %min3A_1, %c0_i32 : i32, i32
  }
  func.func @transform_6(%arg0: i32) -> (i32, i32) {
    %c0_i32 = arith.constant 0 : i32
    %c0_i32_0 = arith.constant 0 : i32
    return %arg0, %c0_i32 : i32, i32
  }
  func.func @transform_7(%arg0: i32) -> (i32, i32) {
    %c0_i32 = arith.constant 0 : i32
    %c0_i32_0 = arith.constant 0 : i32
    return %arg0, %c0_i32 : i32, i32
  }
  func.func @transform_8(%arg0: i32) -> (i32, i32, i32) {
    %c0_i32 = arith.constant 0 : i32
    %c0_i32_0 = arith.constant 0 : i32
    %c0_i32_1 = arith.constant 0 : i32
    return %c0_i32, %arg0, %c0_i32_0 : i32, i32, i32
  }
}

module attributes {stable_mosaic.version = 14 : i64} {
  func.func @_k1_body(%arg0: i32, %arg1: memref<1x1xf32, #tpu.memory_space<smem>>, %arg2: memref<25x1xf32, #tpu.memory_space<smem>>, %arg3: memref<4096x128xf32, #tpu.memory_space<vmem>>, %arg4: memref<32x128xf32, #tpu.memory_space<vmem>>, %arg5: memref<32x128xf32, #tpu.memory_space<vmem>>, %arg6: memref<32x128xi32, #tpu.memory_space<vmem>>, %arg7: memref<4096x128xf32, #tpu.memory_space<vmem>>, %arg8: memref<32x128xi32, #tpu.memory_space<vmem>>, %arg9: memref<4x32x128xf32, #tpu.memory_space<vmem>>) attributes {dimension_semantics = [#tpu.dimension_semantics<arbitrary>], iteration_bounds = array<i64: 40>, scalar_prefetch = 0 : i64, scratch_operands = 0 : i64, tpu.core_type = #tpu.core_type<tc>, window_params = [{transform_indices = @transform_0, window_bounds = array<i64: 1, 1>}, {transform_indices = @transform_1, window_bounds = array<i64: 25, 1>}, {transform_indices = @transform_2, window_bounds = array<i64: 4096, 128>}, {transform_indices = @transform_3, window_bounds = array<i64: 32, 128>}, {transform_indices = @transform_4, window_bounds = array<i64: 32, 128>}, {transform_indices = @transform_5, window_bounds = array<i64: 32, 128>}, {transform_indices = @transform_6, window_bounds = array<i64: 4096, 128>}, {transform_indices = @transform_7, window_bounds = array<i64: 32, 128>}, {transform_indices = @transform_8, window_bounds = array<i64: 4, 32, 128>}]} {
    %add3A = arith.constant 40 : i32
    %add3A_0 = arith.addi %arg0, %add3A : i32
    %get3A = arith.constant 0 : index
    %get3A_1 = arith.constant 0 : index
    %get3A_2 = memref.load %arg1[%get3A, %get3A_1] : memref<1x1xf32, #tpu.memory_space<smem>>
    %get3A_3 = arith.constant 0 : index
    %get3A_4 = arith.constant 0 : index
    %get3A_5 = vector.load %arg3[%get3A_3, %get3A_4] : memref<4096x128xf32, #tpu.memory_space<vmem>>, vector<4096x128xf32>
    %mul3A = arith.constant 4096 : i32
    %mul3A_6 = arith.muli %add3A_0, %mul3A : i32
    %iota3A = tpu.iota {dimensions = array<i32: 0>} : vector<4096x1xi32>
    %add3A_7 = vector.broadcast %mul3A_6 : i32 to vector<4096x1xi32>
    %add3A_8 = arith.addi %add3A_7, %iota3A : vector<4096x1xi32>
    %abs3A = math.absf %get3A_5 : vector<4096x128xf32>
    %add3A_9 = arith.constant 9.99999997E-7 : f32
    %add3A_10 = vector.broadcast %add3A_9 : f32 to vector<4096x128xf32>
    %add3A_11 = arith.addf %abs3A, %add3A_10 : vector<4096x128xf32>
    %log3A = math.log %add3A_11 : vector<4096x128xf32>
    %mul3A_12 = vector.broadcast %get3A_2 : f32 to vector<4096x128xf32>
    %mul3A_13 = arith.mulf %log3A, %mul3A_12 : vector<4096x128xf32>
    %exp3A = math.exp %mul3A_13 : vector<4096x128xf32>
    %lt3A = arith.constant 320000 : i32
    %lt3A_14 = vector.broadcast %lt3A : i32 to vector<4096x1xi32>
    %lt3A_15 = arith.cmpi slt, %add3A_8, %lt3A_14 : vector<4096x1xi32>
    %jit3A = arith.constant 0.000000e+00 : f32
    %broadcast_in_dim3A = vector.shape_cast %lt3A_15 : vector<4096x1xi1> to vector<4096x1xi1>
    %broadcast_in_dim3A_16 = vector.broadcast %broadcast_in_dim3A : vector<4096x1xi1> to vector<4096x128xi1>
    %broadcast_in_dim3A_17 = vector.broadcast %jit3A : f32 to vector<4096x128xf32>
    %select_n3A = arith.select %broadcast_in_dim3A_16, %exp3A, %broadcast_in_dim3A_17 : vector<4096x128xi1>, vector<4096x128xf32>
    %swap3A = arith.constant 0 : index
    %swap3A_18 = arith.constant 0 : index
    %swap3A_19 = vector.load %arg7[%swap3A, %swap3A_18] : memref<4096x128xf32, #tpu.memory_space<vmem>>, vector<4096x128xf32>
    tpu.vector_store %arg7[%swap3A, %swap3A_18], %select_n3A {strides = array<i32>} : memref<4096x128xf32, #tpu.memory_space<vmem>>, vector<4096x128xf32>,
    %get3A_20 = arith.constant 0 : index
    %get3A_21 = arith.constant 0 : index
    %get3A_22 = vector.load %arg4[%get3A_20, %get3A_21] : memref<32x128xf32, #tpu.memory_space<vmem>>, vector<32x128xf32>
    %get3A_23 = arith.constant 0 : index
    %get3A_24 = arith.constant 0 : index
    %get3A_25 = vector.load %arg5[%get3A_23, %get3A_24] : memref<32x128xf32, #tpu.memory_space<vmem>>, vector<32x128xf32>
    %atan23A = math.atan2 %get3A_25, %get3A_22 : vector<32x128xf32>
    %jit3A_26 = arith.constant -1.57079637 : f32
    %jit3A_27 = arith.constant 1.57079637 : f32
    %max3A = vector.broadcast %jit3A_26 : f32 to vector<32x128xf32>
    %max3A_28 = arith.maximumf %max3A, %atan23A : vector<32x128xf32>
    %min3A = vector.broadcast %jit3A_27 : f32 to vector<32x128xf32>
    %min3A_29 = arith.minimumf %min3A, %max3A_28 : vector<32x128xf32>
    %broadcast_in_dim3A_30 = arith.constant 0 : i32
    %broadcast_in_dim3A_31 = vector.broadcast %broadcast_in_dim3A_30 : i32 to vector<32x128xi32>
    %get3A_32 = arith.constant 0 : index
    %get3A_33 = arith.constant 0 : index
    %get3A_34 = memref.load %arg2[%get3A_32, %get3A_33] : memref<25x1xf32, #tpu.memory_space<smem>>
    %lt3A_35 = vector.broadcast %get3A_34 : f32 to vector<32x128xf32>
    %lt3A_36 = arith.cmpf olt, %lt3A_35, %min3A_29 : vector<32x128xf32>
    %convert_element_type3A = arith.extui %lt3A_36 : vector<32x128xi1> to vector<32x128xi32>
    %add3A_37 = arith.addi %broadcast_in_dim3A_31, %convert_element_type3A : vector<32x128xi32>
    %get3A_38 = arith.constant 1 : index
    %get3A_39 = arith.constant 0 : index
    %get3A_40 = memref.load %arg2[%get3A_38, %get3A_39] : memref<25x1xf32, #tpu.memory_space<smem>>
    %lt3A_41 = vector.broadcast %get3A_40 : f32 to vector<32x128xf32>
    %lt3A_42 = arith.cmpf olt, %lt3A_41, %min3A_29 : vector<32x128xf32>
    %convert_element_type3A_43 = arith.extui %lt3A_42 : vector<32x128xi1> to vector<32x128xi32>
    %add3A_44 = arith.addi %add3A_37, %convert_element_type3A_43 : vector<32x128xi32>
    %get3A_45 = arith.constant 2 : index
    %get3A_46 = arith.constant 0 : index
    %get3A_47 = memref.load %arg2[%get3A_45, %get3A_46] : memref<25x1xf32, #tpu.memory_space<smem>>
    %lt3A_48 = vector.broadcast %get3A_47 : f32 to vector<32x128xf32>
    %lt3A_49 = arith.cmpf olt, %lt3A_48, %min3A_29 : vector<32x128xf32>
    %convert_element_type3A_50 = arith.extui %lt3A_49 : vector<32x128xi1> to vector<32x128xi32>
    %add3A_51 = arith.addi %add3A_44, %convert_element_type3A_50 : vector<32x128xi32>
    %get3A_52 = arith.constant 3 : index
    %get3A_53 = arith.constant 0 : index
    %get3A_54 = memref.load %arg2[%get3A_52, %get3A_53] : memref<25x1xf32, #tpu.memory_space<smem>>
    %lt3A_55 = vector.broadcast %get3A_54 : f32 to vector<32x128xf32>
    %lt3A_56 = arith.cmpf olt, %lt3A_55, %min3A_29 : vector<32x128xf32>
    %convert_element_type3A_57 = arith.extui %lt3A_56 : vector<32x128xi1> to vector<32x128xi32>
    %add3A_58 = arith.addi %add3A_51, %convert_element_type3A_57 : vector<32x128xi32>
    %get3A_59 = arith.constant 4 : index
    %get3A_60 = arith.constant 0 : index
    %get3A_61 = memref.load %arg2[%get3A_59, %get3A_60] : memref<25x1xf32, #tpu.memory_space<smem>>
    %lt3A_62 = vector.broadcast %get3A_61 : f32 to vector<32x128xf32>
    %lt3A_63 = arith.cmpf olt, %lt3A_62, %min3A_29 : vector<32x128xf32>
    %convert_element_type3A_64 = arith.extui %lt3A_63 : vector<32x128xi1> to vector<32x128xi32>
    %add3A_65 = arith.addi %add3A_58, %convert_element_type3A_64 : vector<32x128xi32>
    %get3A_66 = arith.constant 5 : index
    %get3A_67 = arith.constant 0 : index
    %get3A_68 = memref.load %arg2[%get3A_66, %get3A_67] : memref<25x1xf32, #tpu.memory_space<smem>>
    %lt3A_69 = vector.broadcast %get3A_68 : f32 to vector<32x128xf32>
    %lt3A_70 = arith.cmpf olt, %lt3A_69, %min3A_29 : vector<32x128xf32>
    %convert_element_type3A_71 = arith.extui %lt3A_70 : vector<32x128xi1> to vector<32x128xi32>
    %add3A_72 = arith.addi %add3A_65, %convert_element_type3A_71 : vector<32x128xi32>
    %get3A_73 = arith.constant 6 : index
    %get3A_74 = arith.constant 0 : index
    %get3A_75 = memref.load %arg2[%get3A_73, %get3A_74] : memref<25x1xf32, #tpu.memory_space<smem>>
    %lt3A_76 = vector.broadcast %get3A_75 : f32 to vector<32x128xf32>
    %lt3A_77 = arith.cmpf olt, %lt3A_76, %min3A_29 : vector<32x128xf32>
    %convert_element_type3A_78 = arith.extui %lt3A_77 : vector<32x128xi1> to vector<32x128xi32>
    %add3A_79 = arith.addi %add3A_72, %convert_element_type3A_78 : vector<32x128xi32>
    %get3A_80 = arith.constant 7 : index
    %get3A_81 = arith.constant 0 : index
    %get3A_82 = memref.load %arg2[%get3A_80, %get3A_81] : memref<25x1xf32, #tpu.memory_space<smem>>
    %lt3A_83 = vector.broadcast %get3A_82 : f32 to vector<32x128xf32>
    %lt3A_84 = arith.cmpf olt, %lt3A_83, %min3A_29 : vector<32x128xf32>
    %convert_element_type3A_85 = arith.extui %lt3A_84 : vector<32x128xi1> to vector<32x128xi32>
    %add3A_86 = arith.addi %add3A_79, %convert_element_type3A_85 : vector<32x128xi32>
    %get3A_87 = arith.constant 8 : index
    %get3A_88 = arith.constant 0 : index
    %get3A_89 = memref.load %arg2[%get3A_87, %get3A_88] : memref<25x1xf32, #tpu.memory_space<smem>>
    %lt3A_90 = vector.broadcast %get3A_89 : f32 to vector<32x128xf32>
    %lt3A_91 = arith.cmpf olt, %lt3A_90, %min3A_29 : vector<32x128xf32>
    %convert_element_type3A_92 = arith.extui %lt3A_91 : vector<32x128xi1> to vector<32x128xi32>
    %add3A_93 = arith.addi %add3A_86, %convert_element_type3A_92 : vector<32x128xi32>
    %get3A_94 = arith.constant 9 : index
    %get3A_95 = arith.constant 0 : index
    %get3A_96 = memref.load %arg2[%get3A_94, %get3A_95] : memref<25x1xf32, #tpu.memory_space<smem>>
    %lt3A_97 = vector.broadcast %get3A_96 : f32 to vector<32x128xf32>
    %lt3A_98 = arith.cmpf olt, %lt3A_97, %min3A_29 : vector<32x128xf32>
    %convert_element_type3A_99 = arith.extui %lt3A_98 : vector<32x128xi1> to vector<32x128xi32>
    %add3A_100 = arith.addi %add3A_93, %convert_element_type3A_99 : vector<32x128xi32>
    %get3A_101 = arith.constant 10 : index
    %get3A_102 = arith.constant 0 : index
    %get3A_103 = memref.load %arg2[%get3A_101, %get3A_102] : memref<25x1xf32, #tpu.memory_space<smem>>
    %lt3A_104 = vector.broadcast %get3A_103 : f32 to vector<32x128xf32>
    %lt3A_105 = arith.cmpf olt, %lt3A_104, %min3A_29 : vector<32x128xf32>
    %convert_element_type3A_106 = arith.extui %lt3A_105 : vector<32x128xi1> to vector<32x128xi32>
    %add3A_107 = arith.addi %add3A_100, %convert_element_type3A_106 : vector<32x128xi32>
    %get3A_108 = arith.constant 11 : index
    %get3A_109 = arith.constant 0 : index
    %get3A_110 = memref.load %arg2[%get3A_108, %get3A_109] : memref<25x1xf32, #tpu.memory_space<smem>>
    %lt3A_111 = vector.broadcast %get3A_110 : f32 to vector<32x128xf32>
    %lt3A_112 = arith.cmpf olt, %lt3A_111, %min3A_29 : vector<32x128xf32>
    %convert_element_type3A_113 = arith.extui %lt3A_112 : vector<32x128xi1> to vector<32x128xi32>
    %add3A_114 = arith.addi %add3A_107, %convert_element_type3A_113 : vector<32x128xi32>
    %get3A_115 = arith.constant 12 : index
    %get3A_116 = arith.constant 0 : index
    %get3A_117 = memref.load %arg2[%get3A_115, %get3A_116] : memref<25x1xf32, #tpu.memory_space<smem>>
    %lt3A_118 = vector.broadcast %get3A_117 : f32 to vector<32x128xf32>
    %lt3A_119 = arith.cmpf olt, %lt3A_118, %min3A_29 : vector<32x128xf32>
    %convert_element_type3A_120 = arith.extui %lt3A_119 : vector<32x128xi1> to vector<32x128xi32>
    %add3A_121 = arith.addi %add3A_114, %convert_element_type3A_120 : vector<32x128xi32>
    %get3A_122 = arith.constant 13 : index
    %get3A_123 = arith.constant 0 : index
    %get3A_124 = memref.load %arg2[%get3A_122, %get3A_123] : memref<25x1xf32, #tpu.memory_space<smem>>
    %lt3A_125 = vector.broadcast %get3A_124 : f32 to vector<32x128xf32>
    %lt3A_126 = arith.cmpf olt, %lt3A_125, %min3A_29 : vector<32x128xf32>
    %convert_element_type3A_127 = arith.extui %lt3A_126 : vector<32x128xi1> to vector<32x128xi32>
    %add3A_128 = arith.addi %add3A_121, %convert_element_type3A_127 : vector<32x128xi32>
    %get3A_129 = arith.constant 14 : index
    %get3A_130 = arith.constant 0 : index
    %get3A_131 = memref.load %arg2[%get3A_129, %get3A_130] : memref<25x1xf32, #tpu.memory_space<smem>>
    %lt3A_132 = vector.broadcast %get3A_131 : f32 to vector<32x128xf32>
    %lt3A_133 = arith.cmpf olt, %lt3A_132, %min3A_29 : vector<32x128xf32>
    %convert_element_type3A_134 = arith.extui %lt3A_133 : vector<32x128xi1> to vector<32x128xi32>
    %add3A_135 = arith.addi %add3A_128, %convert_element_type3A_134 : vector<32x128xi32>
    %get3A_136 = arith.constant 15 : index
    %get3A_137 = arith.constant 0 : index
    %get3A_138 = memref.load %arg2[%get3A_136, %get3A_137] : memref<25x1xf32, #tpu.memory_space<smem>>
    %lt3A_139 = vector.broadcast %get3A_138 : f32 to vector<32x128xf32>
    %lt3A_140 = arith.cmpf olt, %lt3A_139, %min3A_29 : vector<32x128xf32>
    %convert_element_type3A_141 = arith.extui %lt3A_140 : vector<32x128xi1> to vector<32x128xi32>
    %add3A_142 = arith.addi %add3A_135, %convert_element_type3A_141 : vector<32x128xi32>
    %get3A_143 = arith.constant 16 : index
    %get3A_144 = arith.constant 0 : index
    %get3A_145 = memref.load %arg2[%get3A_143, %get3A_144] : memref<25x1xf32, #tpu.memory_space<smem>>
    %lt3A_146 = vector.broadcast %get3A_145 : f32 to vector<32x128xf32>
    %lt3A_147 = arith.cmpf olt, %lt3A_146, %min3A_29 : vector<32x128xf32>
    %convert_element_type3A_148 = arith.extui %lt3A_147 : vector<32x128xi1> to vector<32x128xi32>
    %add3A_149 = arith.addi %add3A_142, %convert_element_type3A_148 : vector<32x128xi32>
    %get3A_150 = arith.constant 17 : index
    %get3A_151 = arith.constant 0 : index
    %get3A_152 = memref.load %arg2[%get3A_150, %get3A_151] : memref<25x1xf32, #tpu.memory_space<smem>>
    %lt3A_153 = vector.broadcast %get3A_152 : f32 to vector<32x128xf32>
    %lt3A_154 = arith.cmpf olt, %lt3A_153, %min3A_29 : vector<32x128xf32>
    %convert_element_type3A_155 = arith.extui %lt3A_154 : vector<32x128xi1> to vector<32x128xi32>
    %add3A_156 = arith.addi %add3A_149, %convert_element_type3A_155 : vector<32x128xi32>
    %get3A_157 = arith.constant 18 : index
    %get3A_158 = arith.constant 0 : index
    %get3A_159 = memref.load %arg2[%get3A_157, %get3A_158] : memref<25x1xf32, #tpu.memory_space<smem>>
    %lt3A_160 = vector.broadcast %get3A_159 : f32 to vector<32x128xf32>
    %lt3A_161 = arith.cmpf olt, %lt3A_160, %min3A_29 : vector<32x128xf32>
    %convert_element_type3A_162 = arith.extui %lt3A_161 : vector<32x128xi1> to vector<32x128xi32>
    %add3A_163 = arith.addi %add3A_156, %convert_element_type3A_162 : vector<32x128xi32>
    %get3A_164 = arith.constant 19 : index
    %get3A_165 = arith.constant 0 : index
    %get3A_166 = memref.load %arg2[%get3A_164, %get3A_165] : memref<25x1xf32, #tpu.memory_space<smem>>
    %lt3A_167 = vector.broadcast %get3A_166 : f32 to vector<32x128xf32>
    %lt3A_168 = arith.cmpf olt, %lt3A_167, %min3A_29 : vector<32x128xf32>
    %convert_element_type3A_169 = arith.extui %lt3A_168 : vector<32x128xi1> to vector<32x128xi32>
    %add3A_170 = arith.addi %add3A_163, %convert_element_type3A_169 : vector<32x128xi32>
    %get3A_171 = arith.constant 20 : index
    %get3A_172 = arith.constant 0 : index
    %get3A_173 = memref.load %arg2[%get3A_171, %get3A_172] : memref<25x1xf32, #tpu.memory_space<smem>>
    %lt3A_174 = vector.broadcast %get3A_173 : f32 to vector<32x128xf32>
    %lt3A_175 = arith.cmpf olt, %lt3A_174, %min3A_29 : vector<32x128xf32>
    %convert_element_type3A_176 = arith.extui %lt3A_175 : vector<32x128xi1> to vector<32x128xi32>
    %add3A_177 = arith.addi %add3A_170, %convert_element_type3A_176 : vector<32x128xi32>
    %get3A_178 = arith.constant 21 : index
    %get3A_179 = arith.constant 0 : index
    %get3A_180 = memref.load %arg2[%get3A_178, %get3A_179] : memref<25x1xf32, #tpu.memory_space<smem>>
    %lt3A_181 = vector.broadcast %get3A_180 : f32 to vector<32x128xf32>
    %lt3A_182 = arith.cmpf olt, %lt3A_181, %min3A_29 : vector<32x128xf32>
    %convert_element_type3A_183 = arith.extui %lt3A_182 : vector<32x128xi1> to vector<32x128xi32>
    %add3A_184 = arith.addi %add3A_177, %convert_element_type3A_183 : vector<32x128xi32>
    %get3A_185 = arith.constant 22 : index
    %get3A_186 = arith.constant 0 : index
    %get3A_187 = memref.load %arg2[%get3A_185, %get3A_186] : memref<25x1xf32, #tpu.memory_space<smem>>
    %lt3A_188 = vector.broadcast %get3A_187 : f32 to vector<32x128xf32>
    %lt3A_189 = arith.cmpf olt, %lt3A_188, %min3A_29 : vector<32x128xf32>
    %convert_element_type3A_190 = arith.extui %lt3A_189 : vector<32x128xi1> to vector<32x128xi32>
    %add3A_191 = arith.addi %add3A_184, %convert_element_type3A_190 : vector<32x128xi32>
    %get3A_192 = arith.constant 23 : index
    %get3A_193 = arith.constant 0 : index
    %get3A_194 = memref.load %arg2[%get3A_192, %get3A_193] : memref<25x1xf32, #tpu.memory_space<smem>>
    %lt3A_195 = vector.broadcast %get3A_194 : f32 to vector<32x128xf32>
    %lt3A_196 = arith.cmpf olt, %lt3A_195, %min3A_29 : vector<32x128xf32>
    %convert_element_type3A_197 = arith.extui %lt3A_196 : vector<32x128xi1> to vector<32x128xi32>
    %add3A_198 = arith.addi %add3A_191, %convert_element_type3A_197 : vector<32x128xi32>
    %get3A_199 = arith.constant 24 : index
    %get3A_200 = arith.constant 0 : index
    %get3A_201 = memref.load %arg2[%get3A_199, %get3A_200] : memref<25x1xf32, #tpu.memory_space<smem>>
    %lt3A_202 = vector.broadcast %get3A_201 : f32 to vector<32x128xf32>
    %lt3A_203 = arith.cmpf olt, %lt3A_202, %min3A_29 : vector<32x128xf32>
    %convert_element_type3A_204 = arith.extui %lt3A_203 : vector<32x128xi1> to vector<32x128xi32>
    %add3A_205 = arith.addi %add3A_198, %convert_element_type3A_204 : vector<32x128xi32>
    %sub3A = arith.constant 1 : i32
    %sub3A_206 = vector.broadcast %sub3A : i32 to vector<32x128xi32>
    %sub3A_207 = arith.subi %add3A_205, %sub3A_206 : vector<32x128xi32>
    %jit3A_208 = arith.constant 0 : i32
    %jit3A_209 = arith.constant 23 : i32
    %max3A_210 = vector.broadcast %jit3A_208 : i32 to vector<32x128xi32>
    %max3A_211 = arith.maxsi %max3A_210, %sub3A_207 : vector<32x128xi32>
    %min3A_212 = vector.broadcast %jit3A_209 : i32 to vector<32x128xi32>
    %min3A_213 = arith.minsi %min3A_212, %max3A_211 : vector<32x128xi32>
    %mul3A_214 = arith.mulf %get3A_22, %get3A_22 : vector<32x128xf32>
    %mul3A_215 = arith.mulf %get3A_25, %get3A_25 : vector<32x128xf32>
    %add3A_216 = arith.addf %mul3A_214, %mul3A_215 : vector<32x128xf32>
    %sqrt3A = math.sqrt %add3A_216 : vector<32x128xf32>
    %max3A_217 = arith.constant 9.99999997E-7 : f32
    %max3A_218 = vector.broadcast %max3A_217 : f32 to vector<32x128xf32>
    %max3A_219 = arith.maximumf %sqrt3A, %max3A_218 : vector<32x128xf32>
    %gt3A = arith.constant 2.500000e+00 : f32
    %gt3A_220 = vector.broadcast %gt3A : f32 to vector<32x128xf32>
    %gt3A_221 = arith.cmpf ogt, %max3A_219, %gt3A_220 : vector<32x128xf32>
    %convert_element_type3A_222 = arith.extui %gt3A_221 : vector<32x128xi1> to vector<32x128xi32>
    %gt3A_223 = arith.constant 5.000000e+00 : f32
    %gt3A_224 = vector.broadcast %gt3A_223 : f32 to vector<32x128xf32>
    %gt3A_225 = arith.cmpf ogt, %max3A_219, %gt3A_224 : vector<32x128xf32>
    %convert_element_type3A_226 = arith.extui %gt3A_225 : vector<32x128xi1> to vector<32x128xi32>
    %add3A_227 = arith.addi %convert_element_type3A_222, %convert_element_type3A_226 : vector<32x128xi32>
    %gt3A_228 = arith.constant 7.500000e+00 : f32
    %gt3A_229 = vector.broadcast %gt3A_228 : f32 to vector<32x128xf32>
    %gt3A_230 = arith.cmpf ogt, %max3A_219, %gt3A_229 : vector<32x128xf32>
    %convert_element_type3A_231 = arith.extui %gt3A_230 : vector<32x128xi1> to vector<32x128xi32>
    %add3A_232 = arith.addi %add3A_227, %convert_element_type3A_231 : vector<32x128xi32>
    %gt3A_233 = arith.constant 1.000000e+01 : f32
    %gt3A_234 = vector.broadcast %gt3A_233 : f32 to vector<32x128xf32>
    %gt3A_235 = arith.cmpf ogt, %max3A_219, %gt3A_234 : vector<32x128xf32>
    %convert_element_type3A_236 = arith.extui %gt3A_235 : vector<32x128xi1> to vector<32x128xi32>
    %add3A_237 = arith.addi %add3A_232, %convert_element_type3A_236 : vector<32x128xi32>
    %min3A_238 = arith.constant 3 : i32
    %min3A_239 = vector.broadcast %min3A_238 : i32 to vector<32x128xi32>
    %min3A_240 = arith.minsi %add3A_237, %min3A_239 : vector<32x128xi32>
    %mul3A_241 = arith.constant 32 : i32
    %mul3A_242 = arith.muli %add3A_0, %mul3A_241 : i32
    %iota3A_243 = tpu.iota {dimensions = array<i32: 0>} : vector<32x128xi32>
    %add3A_244 = vector.broadcast %mul3A_242 : i32 to vector<32x128xi32>
    %add3A_245 = arith.addi %add3A_244, %iota3A_243 : vector<32x128xi32>
    %lt3A_246 = arith.constant 2500 : i32
    %lt3A_247 = vector.broadcast %lt3A_246 : i32 to vector<32x128xi32>
    %lt3A_248 = arith.cmpi slt, %add3A_245, %lt3A_247 : vector<32x128xi32>
    %get3A_249 = arith.constant 0 : index
    %get3A_250 = arith.constant 0 : index
    %get3A_251 = vector.load %arg6[%get3A_249, %get3A_250] : memref<32x128xi32, #tpu.memory_space<vmem>>, vector<32x128xi32>
    %mul3A_252 = arith.constant 96 : i32
    %mul3A_253 = vector.broadcast %mul3A_252 : i32 to vector<32x128xi32>
    %mul3A_254 = arith.muli %get3A_251, %mul3A_253 : vector<32x128xi32>
    %mul3A_255 = arith.constant 24 : i32
    %mul3A_256 = vector.broadcast %mul3A_255 : i32 to vector<32x128xi32>
    %mul3A_257 = arith.muli %min3A_240, %mul3A_256 : vector<32x128xi32>
    %add3A_258 = arith.addi %mul3A_254, %mul3A_257 : vector<32x128xi32>
    %add3A_259 = arith.addi %add3A_258, %min3A_213 : vector<32x128xi32>
    %jit3A_260 = arith.constant 0 : i32
    %broadcast_in_dim3A_261 = vector.broadcast %jit3A_260 : i32 to vector<32x128xi32>
    %select_n3A_262 = arith.select %lt3A_248, %add3A_259, %broadcast_in_dim3A_261 : vector<32x128xi1>, vector<32x128xi32>
    %swap3A_263 = arith.constant 0 : index
    %swap3A_264 = arith.constant 0 : index
    %swap3A_265 = vector.load %arg8[%swap3A_263, %swap3A_264] : memref<32x128xi32, #tpu.memory_space<vmem>>, vector<32x128xi32>
    tpu.vector_store %arg8[%swap3A_263, %swap3A_264], %select_n3A_262 {strides = array<i32>} : memref<32x128xi32, #tpu.memory_space<vmem>>, vector<32x128xi32>,
    %jit3A_266 = arith.constant 0.000000e+00 : f32
    %broadcast_in_dim3A_267 = vector.broadcast %jit3A_266 : f32 to vector<32x128xf32>
    %select_n3A_268 = arith.select %lt3A_248, %get3A_22, %broadcast_in_dim3A_267 : vector<32x128xi1>, vector<32x128xf32>
    %swap3A_269 = arith.constant 0 : index
    %swap3A_270 = arith.constant 0 : index
    %swap3A_271 = arith.constant 0 : index
    %swap3A_272 = vector.load %arg9[%swap3A_269, %swap3A_270, %swap3A_271] : memref<4x32x128xf32, #tpu.memory_space<vmem>>, vector<1x32x128xf32>
    %swap3A_273 = vector.shape_cast %swap3A_272 : vector<1x32x128xf32> to vector<32x128xf32>
    %swap3A_274 = vector.shape_cast %select_n3A_268 : vector<32x128xf32> to vector<1x32x128xf32>
    tpu.vector_store %arg9[%swap3A_269, %swap3A_270, %swap3A_271], %swap3A_274 {strides = array<i32>} : memref<4x32x128xf32, #tpu.memory_space<vmem>>, vector<1x32x128xf32>,
    %jit3A_275 = arith.constant 0.000000e+00 : f32
    %broadcast_in_dim3A_276 = vector.broadcast %jit3A_275 : f32 to vector<32x128xf32>
    %select_n3A_277 = arith.select %lt3A_248, %get3A_25, %broadcast_in_dim3A_276 : vector<32x128xi1>, vector<32x128xf32>
    %swap3A_278 = arith.constant 1 : index
    %swap3A_279 = arith.constant 0 : index
    %swap3A_280 = arith.constant 0 : index
    %swap3A_281 = vector.load %arg9[%swap3A_278, %swap3A_279, %swap3A_280] : memref<4x32x128xf32, #tpu.memory_space<vmem>>, vector<1x32x128xf32>
    %swap3A_282 = vector.shape_cast %swap3A_281 : vector<1x32x128xf32> to vector<32x128xf32>
    %swap3A_283 = vector.shape_cast %select_n3A_277 : vector<32x128xf32> to vector<1x32x128xf32>
    tpu.vector_store %arg9[%swap3A_278, %swap3A_279, %swap3A_280], %swap3A_283 {strides = array<i32>} : memref<4x32x128xf32, #tpu.memory_space<vmem>>, vector<1x32x128xf32>,
    %jit3A_284 = arith.constant 0.000000e+00 : f32
    %broadcast_in_dim3A_285 = vector.broadcast %jit3A_284 : f32 to vector<32x128xf32>
    %select_n3A_286 = arith.select %lt3A_248, %max3A_219, %broadcast_in_dim3A_285 : vector<32x128xi1>, vector<32x128xf32>
    %swap3A_287 = arith.constant 2 : index
    %swap3A_288 = arith.constant 0 : index
    %swap3A_289 = arith.constant 0 : index
    %swap3A_290 = vector.load %arg9[%swap3A_287, %swap3A_288, %swap3A_289] : memref<4x32x128xf32, #tpu.memory_space<vmem>>, vector<1x32x128xf32>
    %swap3A_291 = vector.shape_cast %swap3A_290 : vector<1x32x128xf32> to vector<32x128xf32>
    %swap3A_292 = vector.shape_cast %select_n3A_286 : vector<32x128xf32> to vector<1x32x128xf32>
    tpu.vector_store %arg9[%swap3A_287, %swap3A_288, %swap3A_289], %swap3A_292 {strides = array<i32>} : memref<4x32x128xf32, #tpu.memory_space<vmem>>, vector<1x32x128xf32>,
    %jit3A_293 = arith.constant 1.000000e+00 : f32
    %jit3A_294 = arith.constant 0.000000e+00 : f32
    %broadcast_in_dim3A_295 = vector.broadcast %jit3A_293 : f32 to vector<32x128xf32>
    %broadcast_in_dim3A_296 = vector.broadcast %jit3A_294 : f32 to vector<32x128xf32>
    %select_n3A_297 = arith.select %lt3A_248, %broadcast_in_dim3A_295, %broadcast_in_dim3A_296 : vector<32x128xi1>, vector<32x128xf32>
    %swap3A_298 = arith.constant 3 : index
    %swap3A_299 = arith.constant 0 : index
    %swap3A_300 = arith.constant 0 : index
    %swap3A_301 = vector.load %arg9[%swap3A_298, %swap3A_299, %swap3A_300] : memref<4x32x128xf32, #tpu.memory_space<vmem>>, vector<1x32x128xf32>
    %swap3A_302 = vector.shape_cast %swap3A_301 : vector<1x32x128xf32> to vector<32x128xf32>
    %swap3A_303 = vector.shape_cast %select_n3A_297 : vector<32x128xf32> to vector<1x32x128xf32>
    tpu.vector_store %arg9[%swap3A_298, %swap3A_299, %swap3A_300], %swap3A_303 {strides = array<i32>} : memref<4x32x128xf32, #tpu.memory_space<vmem>>, vector<1x32x128xf32>,
    return
  }
  func.func @transform_0(%arg0: i32) -> (i32, i32) {
    %c0_i32 = arith.constant 0 : i32
    %c0_i32_0 = arith.constant 0 : i32
    %c0_i32_1 = arith.constant 0 : i32
    return %c0_i32, %c0_i32_0 : i32, i32
  }
  func.func @transform_1(%arg0: i32) -> (i32, i32) {
    %c0_i32 = arith.constant 0 : i32
    %c0_i32_0 = arith.constant 0 : i32
    %c0_i32_1 = arith.constant 0 : i32
    return %c0_i32, %c0_i32_0 : i32, i32
  }
  func.func @transform_2(%arg0: i32) -> (i32, i32) {
    %add3A = arith.constant 40 : i32
    %add3A_0 = arith.addi %arg0, %add3A : i32
    %min3A = arith.constant 78 : i32
    %min3A_1 = arith.minsi %add3A_0, %min3A : i32
    %c0_i32 = arith.constant 0 : i32
    %c0_i32_2 = arith.constant 0 : i32
    return %min3A_1, %c0_i32 : i32, i32
  }
  func.func @transform_3(%arg0: i32) -> (i32, i32) {
    %add3A = arith.constant 40 : i32
    %add3A_0 = arith.addi %arg0, %add3A : i32
    %min3A = arith.constant 78 : i32
    %min3A_1 = arith.minsi %add3A_0, %min3A : i32
    %c0_i32 = arith.constant 0 : i32
    %c0_i32_2 = arith.constant 0 : i32
    return %min3A_1, %c0_i32 : i32, i32
  }
  func.func @transform_4(%arg0: i32) -> (i32, i32) {
    %add3A = arith.constant 40 : i32
    %add3A_0 = arith.addi %arg0, %add3A : i32
    %min3A = arith.constant 78 : i32
    %min3A_1 = arith.minsi %add3A_0, %min3A : i32
    %c0_i32 = arith.constant 0 : i32
    %c0_i32_2 = arith.constant 0 : i32
    return %min3A_1, %c0_i32 : i32, i32
  }
  func.func @transform_5(%arg0: i32) -> (i32, i32) {
    %add3A = arith.constant 40 : i32
    %add3A_0 = arith.addi %arg0, %add3A : i32
    %min3A = arith.constant 78 : i32
    %min3A_1 = arith.minsi %add3A_0, %min3A : i32
    %c0_i32 = arith.constant 0 : i32
    %c0_i32_2 = arith.constant 0 : i32
    return %min3A_1, %c0_i32 : i32, i32
  }
  func.func @transform_6(%arg0: i32) -> (i32, i32) {
    %c0_i32 = arith.constant 0 : i32
    %c0_i32_0 = arith.constant 0 : i32
    return %arg0, %c0_i32 : i32, i32
  }
  func.func @transform_7(%arg0: i32) -> (i32, i32) {
    %c0_i32 = arith.constant 0 : i32
    %c0_i32_0 = arith.constant 0 : i32
    return %arg0, %c0_i32 : i32, i32
  }
  func.func @transform_8(%arg0: i32) -> (i32, i32, i32) {
    %c0_i32 = arith.constant 0 : i32
    %c0_i32_0 = arith.constant 0 : i32
    %c0_i32_1 = arith.constant 0 : i32
    return %c0_i32, %arg0, %c0_i32_0 : i32, i32, i32
  }
}

module attributes {stable_mosaic.version = 14 : i64} {
  func.func @_k3_body(%arg0: memref<1x1xf32, #tpu.memory_space<smem>>, %arg1: memref<2x768x128xf32, #tpu.memory_space<vmem>>, %arg2: memref<2x768x128xf32, #tpu.memory_space<vmem>>, %arg3: memref<2x768x4xf32, #tpu.memory_space<vmem>>, %arg4: memref<2x768x4xf32, #tpu.memory_space<vmem>>, %arg5: memref<128x512xf32, #tpu.memory_space<vmem>>, %arg6: memref<1x512xf32, #tpu.memory_space<vmem>>, %arg7: memref<1x512xf32, #tpu.memory_space<vmem>>, %arg8: memref<1x512xf32, #tpu.memory_space<vmem>>, %arg9: memref<24x2xf32, #tpu.memory_space<vmem>>, %arg10: memref<2x512xf32, #tpu.memory_space<vmem>>, %arg11: memref<1x512xf32, #tpu.memory_space<vmem>>, %arg12: memref<4x1xf32, #tpu.memory_space<vmem>>, %arg13: memref<1x512xf32, #tpu.memory_space<vmem>>, %arg14: memref<1x512xf32, #tpu.memory_space<vmem>>, %arg15: memref<4x512xf32, #tpu.memory_space<vmem>>, %arg16: memref<1x512xf32, #tpu.memory_space<vmem>>, %arg17: memref<1x512xf32, #tpu.memory_space<vmem>>, %arg18: memref<1x512xf32, #tpu.memory_space<vmem>>, %arg19: memref<768x512xf32, #tpu.memory_space<vmem>>) attributes {dimension_semantics = [], scalar_prefetch = 0 : i64, scratch_operands = 0 : i64, tpu.core_type = #tpu.core_type<tc>} {
    %get3A = arith.constant 0 : index
    %get3A_0 = arith.constant 0 : index
    %get3A_1 = arith.constant 0 : index
    %get3A_2 = vector.load %arg1[%get3A, %get3A_0, %get3A_1] : memref<2x768x128xf32, #tpu.memory_space<vmem>>, vector<1x768x128xf32>
    %get3A_3 = vector.shape_cast %get3A_2 : vector<1x768x128xf32> to vector<768x128xf32>
    %get3A_4 = arith.constant 1 : index
    %get3A_5 = arith.constant 0 : index
    %get3A_6 = arith.constant 0 : index
    %get3A_7 = vector.load %arg1[%get3A_4, %get3A_5, %get3A_6] : memref<2x768x128xf32, #tpu.memory_space<vmem>>, vector<1x768x128xf32>
    %get3A_8 = vector.shape_cast %get3A_7 : vector<1x768x128xf32> to vector<768x128xf32>
    %add3A = arith.addf %get3A_3, %get3A_8 : vector<768x128xf32>
    %get3A_9 = arith.constant 0 : index
    %get3A_10 = arith.constant 0 : index
    %get3A_11 = arith.constant 0 : index
    %get3A_12 = vector.load %arg2[%get3A_9, %get3A_10, %get3A_11] : memref<2x768x128xf32, #tpu.memory_space<vmem>>, vector<1x768x128xf32>
    %get3A_13 = vector.shape_cast %get3A_12 : vector<1x768x128xf32> to vector<768x128xf32>
    %add3A_14 = arith.addf %add3A, %get3A_13 : vector<768x128xf32>
    %get3A_15 = arith.constant 1 : index
    %get3A_16 = arith.constant 0 : index
    %get3A_17 = arith.constant 0 : index
    %get3A_18 = vector.load %arg2[%get3A_15, %get3A_16, %get3A_17] : memref<2x768x128xf32, #tpu.memory_space<vmem>>, vector<1x768x128xf32>
    %get3A_19 = vector.shape_cast %get3A_18 : vector<1x768x128xf32> to vector<768x128xf32>
    %add3A_20 = arith.addf %add3A_14, %get3A_19 : vector<768x128xf32>
    %get3A_21 = arith.constant 0 : index
    %get3A_22 = arith.constant 0 : index
    %get3A_23 = arith.constant 0 : index
    %get3A_24 = vector.load %arg3[%get3A_21, %get3A_22, %get3A_23] : memref<2x768x4xf32, #tpu.memory_space<vmem>>, vector<1x768x4xf32>
    %get3A_25 = vector.shape_cast %get3A_24 : vector<1x768x4xf32> to vector<768x4xf32>
    %get3A_26 = arith.constant 1 : index
    %get3A_27 = arith.constant 0 : index
    %get3A_28 = arith.constant 0 : index
    %get3A_29 = vector.load %arg3[%get3A_26, %get3A_27, %get3A_28] : memref<2x768x4xf32, #tpu.memory_space<vmem>>, vector<1x768x4xf32>
    %get3A_30 = vector.shape_cast %get3A_29 : vector<1x768x4xf32> to vector<768x4xf32>
    %add3A_31 = arith.addf %get3A_25, %get3A_30 : vector<768x4xf32>
    %get3A_32 = arith.constant 0 : index
    %get3A_33 = arith.constant 0 : index
    %get3A_34 = arith.constant 0 : index
    %get3A_35 = vector.load %arg4[%get3A_32, %get3A_33, %get3A_34] : memref<2x768x4xf32, #tpu.memory_space<vmem>>, vector<1x768x4xf32>
    %get3A_36 = vector.shape_cast %get3A_35 : vector<1x768x4xf32> to vector<768x4xf32>
    %add3A_37 = arith.addf %add3A_31, %get3A_36 : vector<768x4xf32>
    %get3A_38 = arith.constant 1 : index
    %get3A_39 = arith.constant 0 : index
    %get3A_40 = arith.constant 0 : index
    %get3A_41 = vector.load %arg4[%get3A_38, %get3A_39, %get3A_40] : memref<2x768x4xf32, #tpu.memory_space<vmem>>, vector<1x768x4xf32>
    %get3A_42 = vector.shape_cast %get3A_41 : vector<1x768x4xf32> to vector<768x4xf32>
    %add3A_43 = arith.addf %add3A_37, %get3A_42 : vector<768x4xf32>
    %slice3A = vector.extract_strided_slice %add3A_43 {offsets = [0, 3], sizes = [768, 1], strides = [1, 1]} : vector<768x4xf32> to vector<768x1xf32>
    %max3A = arith.constant 1.000000e+00 : f32
    %max3A_44 = vector.broadcast %max3A : f32 to vector<768x1xf32>
    %max3A_45 = arith.maximumf %slice3A, %max3A_44 : vector<768x1xf32>
    %div3A = vector.broadcast %max3A_45 : vector<768x1xf32> to vector<768x128xf32>
    %div3A_46 = arith.divf %add3A_20, %div3A : vector<768x128xf32>
    %max3A_47 = arith.constant 0.000000e+00 : f32
    %max3A_48 = vector.broadcast %max3A_47 : f32 to vector<768x128xf32>
    %max3A_49 = arith.maximumf %div3A_46, %max3A_48 : vector<768x128xf32>
    %get3A_50 = arith.constant 0 : index
    %get3A_51 = arith.constant 0 : index
    %get3A_52 = memref.load %arg0[%get3A_50, %get3A_51] : memref<1x1xf32, #tpu.memory_space<smem>>
    %gt3A = arith.constant 0.000000e+00 : f32
    %gt3A_53 = vector.broadcast %gt3A : f32 to vector<768x128xf32>
    %gt3A_54 = arith.cmpf ogt, %max3A_49, %gt3A_53 : vector<768x128xf32>
    %log3A = math.log %max3A_49 : vector<768x128xf32>
    %mul3A = vector.broadcast %get3A_52 : f32 to vector<768x128xf32>
    %mul3A_55 = arith.mulf %log3A, %mul3A : vector<768x128xf32>
    %exp3A = math.exp %mul3A_55 : vector<768x128xf32>
    %jit3A = arith.constant 0.000000e+00 : f32
    %broadcast_in_dim3A = vector.broadcast %jit3A : f32 to vector<768x128xf32>
    %select_n3A = arith.select %gt3A_54, %exp3A, %broadcast_in_dim3A : vector<768x128xi1>, vector<768x128xf32>
    %get3A_56 = arith.constant 0 : index
    %get3A_57 = arith.constant 0 : index
    %get3A_58 = vector.load %arg5[%get3A_56, %get3A_57] : memref<128x512xf32, #tpu.memory_space<vmem>>, vector<128x512xf32>
    %dot_general3A = arith.constant dense<0.000000e+00> : vector<768x512xf32>
    %dot_general3A_59 = tpu.matmul %select_n3A, %get3A_58, %dot_general3A {dimension_numbers = #tpu.dot_dimension_numbers<[1], [0], [0], [1], [0, 0, 1, 1], [], []>, transpose_lhs_hint = false} : vector<768x128xf32>, vector<128x512xf32>, vector<768x512xf32> -> vector<768x512xf32>
    %get3A_60 = arith.constant 0 : index
    %get3A_61 = arith.constant 0 : index
    %get3A_62 = vector.load %arg6[%get3A_60, %get3A_61] : memref<1x512xf32, #tpu.memory_space<vmem>>, vector<1x512xf32>
    %add3A_63 = vector.broadcast %get3A_62 : vector<1x512xf32> to vector<768x512xf32>
    %add3A_64 = arith.addf %dot_general3A_59, %add3A_63 : vector<768x512xf32>
    %get3A_65 = arith.constant 0 : index
    %get3A_66 = arith.constant 0 : index
    %get3A_67 = vector.load %arg7[%get3A_65, %get3A_66] : memref<1x512xf32, #tpu.memory_space<vmem>>, vector<1x512xf32>
    %get3A_68 = arith.constant 0 : index
    %get3A_69 = arith.constant 0 : index
    %get3A_70 = vector.load %arg8[%get3A_68, %get3A_69] : memref<1x512xf32, #tpu.memory_space<vmem>>, vector<1x512xf32>
    %reduce_sum3A = arith.constant dense<0.000000e+00> : vector<768xf32>
    %reduce_sum3A_71 = vector.multi_reduction <add>, %add3A_64, %reduce_sum3A [1] : vector<768x512xf32> to vector<768xf32>
    %broadcast_in_dim3A_72 = vector.shape_cast %reduce_sum3A_71 : vector<768xf32> to vector<768x1xf32>
    %div3A_73 = arith.constant 5.120000e+02 : f32
    %div3A_74 = vector.broadcast %div3A_73 : f32 to vector<768x1xf32>
    %div3A_75 = arith.divf %broadcast_in_dim3A_72, %div3A_74 : vector<768x1xf32>
    %sub3A = vector.broadcast %div3A_75 : vector<768x1xf32> to vector<768x512xf32>
    %sub3A_76 = arith.subf %add3A_64, %sub3A : vector<768x512xf32>
    %integer_pow3A = arith.mulf %sub3A_76, %sub3A_76 : vector<768x512xf32>
    %reduce_sum3A_77 = arith.constant dense<0.000000e+00> : vector<768xf32>
    %reduce_sum3A_78 = vector.multi_reduction <add>, %integer_pow3A, %reduce_sum3A_77 [1] : vector<768x512xf32> to vector<768xf32>
    %broadcast_in_dim3A_79 = vector.shape_cast %reduce_sum3A_78 : vector<768xf32> to vector<768x1xf32>
    %div3A_80 = arith.constant 5.120000e+02 : f32
    %div3A_81 = vector.broadcast %div3A_80 : f32 to vector<768x1xf32>
    %div3A_82 = arith.divf %broadcast_in_dim3A_79, %div3A_81 : vector<768x1xf32>
    %sub3A_83 = vector.broadcast %div3A_75 : vector<768x1xf32> to vector<768x512xf32>
    %sub3A_84 = arith.subf %add3A_64, %sub3A_83 : vector<768x512xf32>
    %add3A_85 = arith.constant 9.99999974E-6 : f32
    %add3A_86 = vector.broadcast %add3A_85 : f32 to vector<768x1xf32>
    %add3A_87 = arith.addf %div3A_82, %add3A_86 : vector<768x1xf32>
    %sqrt3A = math.sqrt %add3A_87 : vector<768x1xf32>
    %div3A_88 = vector.broadcast %sqrt3A : vector<768x1xf32> to vector<768x512xf32>
    %div3A_89 = arith.divf %sub3A_84, %div3A_88 : vector<768x512xf32>
    %mul3A_90 = vector.broadcast %get3A_67 : vector<1x512xf32> to vector<768x512xf32>
    %mul3A_91 = arith.mulf %div3A_89, %mul3A_90 : vector<768x512xf32>
    %add3A_92 = vector.broadcast %get3A_70 : vector<1x512xf32> to vector<768x512xf32>
    %add3A_93 = arith.addf %mul3A_91, %add3A_92 : vector<768x512xf32>
    %mul3A_94 = arith.constant 5.000000e-01 : f32
    %mul3A_95 = vector.broadcast %mul3A_94 : f32 to vector<768x512xf32>
    %mul3A_96 = arith.mulf %add3A_93, %mul3A_95 : vector<768x512xf32>
    %mul3A_97 = arith.constant 0.707106769 : f32
    %mul3A_98 = vector.broadcast %mul3A_97 : f32 to vector<768x512xf32>
    %mul3A_99 = arith.mulf %add3A_93, %mul3A_98 : vector<768x512xf32>
    %erf3A = math.erf %mul3A_99 : vector<768x512xf32>
    %add3A_100 = arith.constant 1.000000e+00 : f32
    %add3A_101 = vector.broadcast %add3A_100 : f32 to vector<768x512xf32>
    %add3A_102 = arith.addf %add3A_101, %erf3A : vector<768x512xf32>
    %mul3A_103 = arith.mulf %mul3A_96, %add3A_102 : vector<768x512xf32>
    %get3A_104 = arith.constant 0 : index
    %get3A_105 = arith.constant 0 : index
    %get3A_106 = vector.load %arg9[%get3A_104, %get3A_105] : memref<24x2xf32, #tpu.memory_space<vmem>>, vector<24x2xf32>
    %get3A_107 = arith.constant 0 : index
    %get3A_108 = arith.constant 0 : index
    %get3A_109 = vector.load %arg10[%get3A_107, %get3A_108] : memref<2x512xf32, #tpu.memory_space<vmem>>, vector<2x512xf32>
    %dot_general3A_110 = arith.constant dense<0.000000e+00> : vector<24x512xf32>
    %dot_general3A_111 = tpu.matmul %get3A_106, %get3A_109, %dot_general3A_110 {dimension_numbers = #tpu.dot_dimension_numbers<[1], [0], [0], [1], [0, 0, 1, 1], [], []>, transpose_lhs_hint = false} : vector<24x2xf32>, vector<2x512xf32>, vector<24x512xf32> -> vector<24x512xf32>
    %get3A_112 = arith.constant 0 : index
    %get3A_113 = arith.constant 0 : index
    %get3A_114 = vector.load %arg11[%get3A_112, %get3A_113] : memref<1x512xf32, #tpu.memory_space<vmem>>, vector<1x512xf32>
    %add3A_115 = vector.broadcast %get3A_114 : vector<1x512xf32> to vector<24x512xf32>
    %add3A_116 = arith.addf %dot_general3A_111, %add3A_115 : vector<24x512xf32>
    %broadcast_in_dim3A_117 = vector.shape_cast %add3A_116 : vector<24x512xf32> to vector<1x24x512xf32>
    %broadcast_in_dim3A_118 = vector.shape_cast %broadcast_in_dim3A_117 : vector<1x24x512xf32> to vector<1x24x512xf32>
    %broadcast_in_dim3A_119 = vector.broadcast %broadcast_in_dim3A_118 : vector<1x24x512xf32> to vector<32x24x512xf32>
    %reshape3A = vector.shape_cast %broadcast_in_dim3A_119 : vector<32x24x512xf32> to vector<768x512xf32>
    %add3A_120 = arith.addf %mul3A_103, %reshape3A : vector<768x512xf32>
    %get3A_121 = arith.constant 0 : index
    %get3A_122 = arith.constant 0 : index
    %get3A_123 = vector.load %arg12[%get3A_121, %get3A_122] : memref<4x1xf32, #tpu.memory_space<vmem>>, vector<4x1xf32>
    %get3A_124 = arith.constant 0 : index
    %get3A_125 = arith.constant 0 : index
    %get3A_126 = vector.load %arg13[%get3A_124, %get3A_125] : memref<1x512xf32, #tpu.memory_space<vmem>>, vector<1x512xf32>
    %dot_general3A_127 = arith.constant dense<0.000000e+00> : vector<4x512xf32>
    %dot_general3A_128 = tpu.matmul %get3A_123, %get3A_126, %dot_general3A_127 {dimension_numbers = #tpu.dot_dimension_numbers<[1], [0], [0], [1], [0, 0, 1, 1], [], []>, transpose_lhs_hint = false} : vector<4x1xf32>, vector<1x512xf32>, vector<4x512xf32> -> vector<4x512xf32>
    %get3A_129 = arith.constant 0 : index
    %get3A_130 = arith.constant 0 : index
    %get3A_131 = vector.load %arg14[%get3A_129, %get3A_130] : memref<1x512xf32, #tpu.memory_space<vmem>>, vector<1x512xf32>
    %add3A_132 = vector.broadcast %get3A_131 : vector<1x512xf32> to vector<4x512xf32>
    %add3A_133 = arith.addf %dot_general3A_128, %add3A_132 : vector<4x512xf32>
    %broadcast_in_dim3A_134 = vector.shape_cast %add3A_133 : vector<4x512xf32> to vector<1x4x1x512xf32>
    %broadcast_in_dim3A_135 = vector.shape_cast %broadcast_in_dim3A_134 : vector<1x4x1x512xf32> to vector<1x4x1x512xf32>
    %broadcast_in_dim3A_136 = vector.broadcast %broadcast_in_dim3A_135 : vector<1x4x1x512xf32> to vector<8x4x24x512xf32>
    %reshape3A_137 = vector.shape_cast %broadcast_in_dim3A_136 : vector<8x4x24x512xf32> to vector<768x512xf32>
    %add3A_138 = arith.addf %add3A_120, %reshape3A_137 : vector<768x512xf32>
    %slice3A_139 = vector.extract_strided_slice %add3A_43 {offsets = [0, 0], sizes = [768, 1], strides = [1, 1]} : vector<768x4xf32> to vector<768x1xf32>
    %div3A_140 = arith.divf %slice3A_139, %max3A_45 : vector<768x1xf32>
    %slice3A_141 = vector.extract_strided_slice %add3A_43 {offsets = [0, 1], sizes = [768, 1], strides = [1, 1]} : vector<768x4xf32> to vector<768x1xf32>
    %div3A_142 = arith.divf %slice3A_141, %max3A_45 : vector<768x1xf32>
    %slice3A_143 = vector.extract_strided_slice %add3A_43 {offsets = [0, 2], sizes = [768, 1], strides = [1, 1]} : vector<768x4xf32> to vector<768x1xf32>
    %div3A_144 = arith.divf %slice3A_143, %max3A_45 : vector<768x1xf32>
    %add3A_145 = arith.constant 1.000000e+00 : f32
    %add3A_146 = vector.broadcast %add3A_145 : f32 to vector<768x1xf32>
    %add3A_147 = arith.addf %add3A_146, %max3A_45 : vector<768x1xf32>
    %log3A_148 = math.log %add3A_147 : vector<768x1xf32>
    %mul3A_149 = arith.constant 1.000000e-01 : f32
    %mul3A_150 = vector.broadcast %mul3A_149 : f32 to vector<768x1xf32>
    %mul3A_151 = arith.mulf %log3A_148, %mul3A_150 : vector<768x1xf32>
    %mul3A_152 = arith.constant 1.000000e-01 : f32
    %mul3A_153 = vector.broadcast %mul3A_152 : f32 to vector<768x1xf32>
    %mul3A_154 = arith.mulf %div3A_140, %mul3A_153 : vector<768x1xf32>
    %get3A_155 = arith.constant 0 : index
    %get3A_156 = arith.constant 0 : index
    %get3A_157 = vector.load %arg15[%get3A_155, %get3A_156] : memref<4x512xf32, #tpu.memory_space<vmem>>, vector<1x512xf32>
    %mul3A_158 = vector.broadcast %mul3A_154 : vector<768x1xf32> to vector<768x512xf32>
    %mul3A_159 = vector.broadcast %get3A_157 : vector<1x512xf32> to vector<768x512xf32>
    %mul3A_160 = arith.mulf %mul3A_158, %mul3A_159 : vector<768x512xf32>
    %add3A_161 = arith.addf %add3A_138, %mul3A_160 : vector<768x512xf32>
    %mul3A_162 = arith.constant 1.000000e-01 : f32
    %mul3A_163 = vector.broadcast %mul3A_162 : f32 to vector<768x1xf32>
    %mul3A_164 = arith.mulf %div3A_142, %mul3A_163 : vector<768x1xf32>
    %get3A_165 = arith.constant 1 : index
    %get3A_166 = arith.constant 0 : index
    %get3A_167 = vector.load %arg15[%get3A_165, %get3A_166] : memref<4x512xf32, #tpu.memory_space<vmem>>, vector<1x512xf32>
    %mul3A_168 = vector.broadcast %mul3A_164 : vector<768x1xf32> to vector<768x512xf32>
    %mul3A_169 = vector.broadcast %get3A_167 : vector<1x512xf32> to vector<768x512xf32>
    %mul3A_170 = arith.mulf %mul3A_168, %mul3A_169 : vector<768x512xf32>
    %add3A_171 = arith.addf %add3A_161, %mul3A_170 : vector<768x512xf32>
    %mul3A_172 = arith.constant 1.000000e-01 : f32
    %mul3A_173 = vector.broadcast %mul3A_172 : f32 to vector<768x1xf32>
    %mul3A_174 = arith.mulf %div3A_144, %mul3A_173 : vector<768x1xf32>
    %get3A_175 = arith.constant 2 : index
    %get3A_176 = arith.constant 0 : index
    %get3A_177 = vector.load %arg15[%get3A_175, %get3A_176] : memref<4x512xf32, #tpu.memory_space<vmem>>, vector<1x512xf32>
    %mul3A_178 = vector.broadcast %mul3A_174 : vector<768x1xf32> to vector<768x512xf32>
    %mul3A_179 = vector.broadcast %get3A_177 : vector<1x512xf32> to vector<768x512xf32>
    %mul3A_180 = arith.mulf %mul3A_178, %mul3A_179 : vector<768x512xf32>
    %add3A_181 = arith.addf %add3A_171, %mul3A_180 : vector<768x512xf32>
    %get3A_182 = arith.constant 3 : index
    %get3A_183 = arith.constant 0 : index
    %get3A_184 = vector.load %arg15[%get3A_182, %get3A_183] : memref<4x512xf32, #tpu.memory_space<vmem>>, vector<1x512xf32>
    %mul3A_185 = vector.broadcast %mul3A_151 : vector<768x1xf32> to vector<768x512xf32>
    %mul3A_186 = vector.broadcast %get3A_184 : vector<1x512xf32> to vector<768x512xf32>
    %mul3A_187 = arith.mulf %mul3A_185, %mul3A_186 : vector<768x512xf32>
    %add3A_188 = arith.addf %add3A_181, %mul3A_187 : vector<768x512xf32>
    %get3A_189 = arith.constant 0 : index
    %get3A_190 = arith.constant 0 : index
    %get3A_191 = vector.load %arg16[%get3A_189, %get3A_190] : memref<1x512xf32, #tpu.memory_space<vmem>>, vector<1x512xf32>
    %add3A_192 = vector.broadcast %get3A_191 : vector<1x512xf32> to vector<768x512xf32>
    %add3A_193 = arith.addf %add3A_188, %add3A_192 : vector<768x512xf32>
    %get3A_194 = arith.constant 0 : index
    %get3A_195 = arith.constant 0 : index
    %get3A_196 = vector.load %arg17[%get3A_194, %get3A_195] : memref<1x512xf32, #tpu.memory_space<vmem>>, vector<1x512xf32>
    %get3A_197 = arith.constant 0 : index
    %get3A_198 = arith.constant 0 : index
    %get3A_199 = vector.load %arg18[%get3A_197, %get3A_198] : memref<1x512xf32, #tpu.memory_space<vmem>>, vector<1x512xf32>
    %reduce_sum3A_200 = arith.constant dense<0.000000e+00> : vector<768xf32>
    %reduce_sum3A_201 = vector.multi_reduction <add>, %add3A_193, %reduce_sum3A_200 [1] : vector<768x512xf32> to vector<768xf32>
    %broadcast_in_dim3A_202 = vector.shape_cast %reduce_sum3A_201 : vector<768xf32> to vector<768x1xf32>
    %div3A_203 = arith.constant 5.120000e+02 : f32
    %div3A_204 = vector.broadcast %div3A_203 : f32 to vector<768x1xf32>
    %div3A_205 = arith.divf %broadcast_in_dim3A_202, %div3A_204 : vector<768x1xf32>
    %sub3A_206 = vector.broadcast %div3A_205 : vector<768x1xf32> to vector<768x512xf32>
    %sub3A_207 = arith.subf %add3A_193, %sub3A_206 : vector<768x512xf32>
    %integer_pow3A_208 = arith.mulf %sub3A_207, %sub3A_207 : vector<768x512xf32>
    %reduce_sum3A_209 = arith.constant dense<0.000000e+00> : vector<768xf32>
    %reduce_sum3A_210 = vector.multi_reduction <add>, %integer_pow3A_208, %reduce_sum3A_209 [1] : vector<768x512xf32> to vector<768xf32>
    %broadcast_in_dim3A_211 = vector.shape_cast %reduce_sum3A_210 : vector<768xf32> to vector<768x1xf32>
    %div3A_212 = arith.constant 5.120000e+02 : f32
    %div3A_213 = vector.broadcast %div3A_212 : f32 to vector<768x1xf32>
    %div3A_214 = arith.divf %broadcast_in_dim3A_211, %div3A_213 : vector<768x1xf32>
    %sub3A_215 = vector.broadcast %div3A_205 : vector<768x1xf32> to vector<768x512xf32>
    %sub3A_216 = arith.subf %add3A_193, %sub3A_215 : vector<768x512xf32>
    %add3A_217 = arith.constant 9.99999974E-6 : f32
    %add3A_218 = vector.broadcast %add3A_217 : f32 to vector<768x1xf32>
    %add3A_219 = arith.addf %div3A_214, %add3A_218 : vector<768x1xf32>
    %sqrt3A_220 = math.sqrt %add3A_219 : vector<768x1xf32>
    %div3A_221 = vector.broadcast %sqrt3A_220 : vector<768x1xf32> to vector<768x512xf32>
    %div3A_222 = arith.divf %sub3A_216, %div3A_221 : vector<768x512xf32>
    %mul3A_223 = vector.broadcast %get3A_196 : vector<1x512xf32> to vector<768x512xf32>
    %mul3A_224 = arith.mulf %div3A_222, %mul3A_223 : vector<768x512xf32>
    %add3A_225 = vector.broadcast %get3A_199 : vector<1x512xf32> to vector<768x512xf32>
    %add3A_226 = arith.addf %mul3A_224, %add3A_225 : vector<768x512xf32>
    %swap3A = arith.constant 0 : index
    %swap3A_227 = arith.constant 0 : index
    %swap3A_228 = vector.load %arg19[%swap3A, %swap3A_227] : memref<768x512xf32, #tpu.memory_space<vmem>>, vector<768x512xf32>
    tpu.vector_store %arg19[%swap3A, %swap3A_227], %add3A_226 {strides = array<i32>} : memref<768x512xf32, #tpu.memory_space<vmem>>, vector<768x512xf32>,
    return
  }
}

</mosaic_0001>

<sc_bundles>
// kernel: kernel.10.cloned.1.call-start
scs
__scs_entry_jumppad:
0x0: {  	(pc) =	sbr.rel $0x88, $3  }
0x1: {  	(tag) =	ssettag $0x0;
	lr =	simm.s32 $0x1  }
0x2: {  	[smem:$0x3F91] =	sst lr;
	_ =	strace $0xD0000000  }
0x3: {  	_ = 	snop  }
0x4: {  	_ = 	snop  }
0x5: {  	_ = 	snop  }
0x6: {  	_ = 	snop  }
0x7: {  	_ = 	snop  }
__scs_overlays_trampoline_lowered:
0x8: {  	[smem:$0x3FA0] =	sst s0  }
0x9: {  	[smem:$0x3FA1] =	sst s1  }
0xa: {  	[smem:$0x3FA2] =	sst s2  }
0xb: {  	[smem:$0x3FA3] =	sst s3  }
0xc: {  	[smem:$0x3FA4] =	sst s4  }
0xd: {  	[smem:$0x3FA5] =	sst s5  }
0xe: {  	[smem:$0x3FA6] =	sst s6  }
0xf: {  	[smem:$0x3FA7] =	sst s7  }
0x10: {  	[smem:$0x3FA8] =	sst s8  }
0x11: {  	[smem:$0x3FA9] =	sst s9;
	s0 =	simm.s32 @!p0 $0x0  }
0x12: {  	s1 =	sld [smem:$0x3F8F];
	s0 =	simm.s32 @p0 $0x1  }
0x13: {  	[smem:$0x3FAA] =	sst s0;
	s0 =	simm.s32 @!p1 $0x0  }
0x14: {  	s2 =	sld [smem:$0x3F8E];
	s0 =	simm.s32 @p1 $0x1  }
0x15: {  	[smem:$0x3FAB] =	sst s0;
	s0 =	simm.s32 @!p2 $0x0  }
0x16: {  	s3 =	sld [smem:$0x3FDB];
	s0 =	simm.s32 @p2 $0x1  }
0x17: {  	s4 =	simm.s32 $0x1BF5;
	[smem:$0x3FAD] =	sst s0  }
0x18: {  	s0 =	sld [smem:$0x3F90];
	_ =	swait.ge [sflag:s4], $0x0  }
0x19: {  	s7 =	sld [smem:$0x3F91]  }
0x1a: {  	s8 =	sadd.s32 $0xFFFFE003, lr  }
0x1b: {  	s9 =	sadd.s32 $0xFFFFFEF7, lr;
	s5 =	simm.s32 $0xFFFFFFFF;
	p2 =	slt.u32 s8, $0xFFFFF086  }
0x1c: {  	p1 =	slt.u32 s9, $0xF7A;
	s5 =	simm.s32 @!p2 $0x0  }
0x1d: {  	s5 =	simm.s32 @p1 $0x1;
	p0 =	seq.s32 s7, s2  }
0x1e: {  	s7 =	smul.u32 @!p0 $0xF7A, s2;
	p2 =	seq.s32 @!p0 s5, $0x0  }
0x1f: {  	s9 =	smul.u32 $0xF7A, s1;
	s8 =	simm.s32 @!p0 $0x1BF5;
	p2 =	por !p2, p0  }
0x20: {  	[sflag:s8] =	ssyncset.s32 @!p0 $0xFFFFF086;
	s6 =	sadd.s32 @!p0 s3, s7;
	s7 =	simm.s32 @!p0 $0x108  }
0x21: {  	s3 =	sadd.s32 s3, s9;
	s6 =	sadd.s32 @!p0 $0x88, s6;
	s7 =	simm.s32 @p2 $0x1082  }
0x22: {  	[simem:s7], [sflag:s8] =	dma.local @!p0 [hbm:s6], $0xF7A  }
0x23: {  	s9 =	sor.u32 $0xD0000000, s2;
	s6 =	simm.s32 $0x108;
	_ =	swait.ge @!p0 [sflag:s8], $0x0  }
0x24: {  	s3 =	sadd.s32 $0x88, s3;
	s6 =	simm.s32 @!p1 $0x1082;
	[sflag:s4] =	ssyncset.s32 $0xFFFFF086  }
0x25: {  	[simem:s6], [sflag:s4] =	dma.local [hbm:s3], $0xF7A  }
0x26: {  	[smem:$0x3F91] =	sst s1;
	(tag) =	ssettag s2;
	_ =	strace s9  }
0x27: {  	s1 =	sld [smem:$0x3FA1]  }
0x28: {  	s2 =	sld [smem:$0x3FA2]  }
0x29: {  	s4 =	sld [smem:$0x3FA4]  }
0x2a: {  	p0 =	seq.s32 s5, $0x0;
	s5 =	sld [smem:$0x3FA5]  }
0x2b: {  	s6 =	sld [smem:$0x3FA6]  }
0x2c: {  	s7 =	sld [smem:$0x3FA7]  }
0x2d: {  	s3 =	simm.s32 $0x108;
	s8 =	sld [smem:$0x3FA8]  }
0x2e: {  	s3 =	simm.s32 @!p0 $0x1082;
	s9 =	sld [smem:$0x3FA9]  }
0x2f: {  	lr =	sadd.s32 s0, s3;
	s0 =	sld [smem:$0x3FA0]  }
0x30: {  	s3 =	sld [smem:$0x3FA3]  }
0x31: {  	[smem:$0x3FAC] =	sst s10  }
0x32: {  	s10 =	sld [smem:$0x3FAA];
	_ =	sdelay $0x3  }
0x33: {  	p0 =	seq.s32 s10, $0x1;
	s10 =	sld [smem:$0x3FAC];
	_ =	sdelay $0x3  }
0x34: {  	[smem:$0x3FAC] =	sst s10  }
0x35: {  	s10 =	sld [smem:$0x3FAB];
	_ =	sdelay $0x3  }
0x36: {  	p1 =	seq.s32 s10, $0x1;
	s10 =	sld [smem:$0x3FAC];
	_ =	sdelay $0x3  }
0x37: {  	[smem:$0x3FAC] =	sst s10  }
0x38: {  	s10 =	sld [smem:$0x3FAD]  }
0x39: {  	_ = 	snop;
	(pc) =	sbr.ind lr, $3  }
0x3a: {  	_ = 	snop  }
0x3b: {  	_ = 	snop  }
0x3c: {  	p2 =	seq.s32 s10, $0x1;
	s10 =	sld [smem:$0x3FAC]  }
0x3d: {  	_ =	shalt  }
0x3e: {  	_ =	shalt  }
0x3f: {  	_ =	shalt  }
0x40: {  	_ =	shalt  }
0x41: {  	_ =	shalt  }
0x42: {  	_ =	shalt  }
0x43: {  	_ =	shalt  }
0x44: {  	_ =	shalt  }
0x45: {  	_ =	shalt  }
0x46: {  	_ =	shalt  }
0x47: {  	_ =	shalt  }
0x48: {  	_ =	shalt  }
0x49: {  	_ =	shalt  }
0x4a: {  	_ =	shalt  }
0x4b: {  	_ =	shalt  }
0x4c: {  	_ =	shalt  }
0x4d: {  	_ =	shalt  }
0x4e: {  	_ =	shalt  }
0x4f: {  	_ =	shalt  }
0x50: {  	_ =	shalt  }
0x51: {  	_ =	shalt  }
0x52: {  	_ =	shalt  }
0x53: {  	_ =	shalt  }
0x54: {  	_ =	shalt  }
0x55: {  	_ =	shalt  }
0x56: {  	_ =	shalt  }
0x57: {  	_ =	shalt  }
0x58: {  	_ =	shalt  }
0x59: {  	_ =	shalt  }
0x5a: {  	_ =	shalt  }
0x5b: {  	_ =	shalt  }
0x5c: {  	_ =	shalt  }
0x5d: {  	_ =	shalt  }
0x5e: {  	_ =	shalt  }
0x5f: {  	_ =	shalt  }
0x60: {  	_ =	shalt  }
0x61: {  	_ =	shalt  }
0x62: {  	_ =	shalt  }
0x63: {  	_ =	shalt  }
0x64: {  	_ =	shalt  }
0x65: {  	_ =	shalt  }
0x66: {  	_ =	shalt  }
0x67: {  	_ =	shalt  }
0x68: {  	_ =	shalt  }
0x69: {  	_ =	shalt  }
0x6a: {  	_ =	shalt  }
0x6b: {  	_ =	shalt  }
0x6c: {  	_ =	shalt  }
0x6d: {  	_ =	shalt  }
0x6e: {  	_ =	shalt  }
0x6f: {  	_ =	shalt  }
0x70: {  	_ =	shalt  }
0x71: {  	_ =	shalt  }
0x72: {  	_ =	shalt  }
0x73: {  	_ =	shalt  }
0x74: {  	_ =	shalt  }
0x75: {  	_ =	shalt  }
0x76: {  	_ =	shalt  }
0x77: {  	_ =	shalt  }
0x78: {  	_ =	shalt  }
0x79: {  	_ =	shalt  }
0x7a: {  	_ =	shalt  }
0x7b: {  	_ =	shalt  }
0x7c: {  	_ =	shalt  }
0x7d: {  	_ =	shalt  }
0x7e: {  	_ =	shalt  }
0x7f: {  	_ =	shalt  }
0x80: {  	_ =	shalt  }
0x81: {  	_ =	shalt  }
0x82: {  	_ =	shalt  }
0x83: {  	_ =	shalt  }
0x84: {  	_ =	shalt  }
0x85: {  	_ =	shalt  }
0x86: {  	_ =	shalt  }
0x87: {  	_ =	shalt  }
.Lfunc_end0:
.L_simem_size_0:
called_computation.1_lowered:
.L_overlay_start_0:
0x88: {  	s2 =	sld [smem:$0x3FD9]  }
0x89: {  	s3 =	sld [smem:$0x3FFE];
	_ =	sdelay $0x1  }
0x8a: {  	s1 =	srdreg.scid  }
0x8b: {  	s0 =	sand.u32 $0x1, s1  }
0x8c: {  	s17 =	sshll.u32 s0, $0xA;
	s2 =	sadd.s32 s3, s2  }
0x8d: {  	s2 =	sadd.s32 s2, s17  }
0x8e: {  	[smem:$0x3FB8] =	sst s2  }
0x8f: {  	_ = 	snop  }
0x90: {  	s18 =	sld [smem:$0x3FD0];
	(tm) =	ssettm $0x1  }
0x91: {  	s19 =	sld [smem:$0x3FFB];
	_ =	sdelay $0x3  }
0x92: {  	_ =	strace s19  }
0x93: {  	s2 =	sld [smem:$0x3FFC];
	_ =	sdelay $0x3  }
0x94: {  	_ =	strace s2  }
0x95: {  	s2 =	sld [smem:$0x3FFD];
	_ =	sdelay $0x3  }
0x96: {  	_ =	strace s2  }
0x97: {  	_ =	strace $0x8FFFFFFF  }
0x98: {  	s20 =	sld [smem:$0x3FDB];
	_ =	sdelay $0x1  }
0x99: {  	s4 =	simm.s32 $_scs_section_size  }
0x9a: {  	s5 =	simm.s32 $_size__tile_overlayer_lowered;
	s6 =	simm.s32 $_tile_overlayer_lowered  }
0x9b: {  	s7 =	simm.s32 $0x1BFF;
	s21 =	sshll.u32 s6, $0x1;
	s4 =	sadd.s32 s4, s20  }
0x9c: {  	s22 =	simm.s32 $0x0;
	s5 =	sshll.u32 s5, $0x1;
	s6 =	sadd.s32 s21, s4  }
0x9d: {  	[timem:s22], [sflag:s7] =	dma.local [hbm:s6], s5  }
0x9e: {  	_ =	swait.ge [sflag:s7], s5  }
0x9f: {  	s5 =	ssub.s32 $0x0, s5;
	[sflag:s7] =	ssyncset.done $0x0  }
0xa0: {  	[sflag:s7] =	ssyncadd.s32 s5;
	_ =	sdelay $0x1  }
0xa1: {  	s23 =	simm.s32 $0x1B8B  }
0xa2: {  	_ =	swait.ge [sflag:s23], $0x1  }
0xa3: {  	[sflag:s23] =	ssyncset.done $0x0  }
0xa4: {  	[sflag:s23] =	ssyncadd.s32 $0xFFFFFFFF  }
0xa5: {  	s5 =	sld [smem:$0x0]  }
0xa6: {  	s6 =	sand.u32 $0xFFFFFFFE, s1  }
0xa7: {  	p0 =	sne.s32 s1, s6  }
0xa8: {  	s6 =	sshll.u32 @p0 s6, $0xE  }
0xa9: {  	s6 =	sadd.s32 @p0 $0x11B8D, s6;
	s7 =	sshll.u32 @p0 s5, $0x11  }
0xaa: {  	s6 =	sor.u32 @p0 s7, s6  }
0xab: {  	[sflag:s6] =	ssyncadd.remote.s32 @p0 $0x1;
	_ =	sdelay $0x1  }
0xac: {  	s6 =	simm.s32 @p0 $0x1B8D  }
0xad: {  	_ =	swait.eq @p0 [sflag:s6], $0x1  }
0xae: {  	[sflag:s6] =	ssyncadd.s32 @p0 $0xFFFFFFFF  }
0xaf: {  	s7 =	sshll.u32 @!p0 s1, $0xE  }
0xb0: {  	s7 =	sor.u32 @!p0 $0x4000, s7;
	s6 =	simm.s32 @!p0 $0x1B8D  }
0xb1: {  	s5 =	sshll.u32 @!p0 s5, $0x11;
	s7 =	sadd.s32 @!p0 $0x11B8D, s7;
	_ =	swait.eq @!p0 [sflag:s6], $0x1  }
0xb2: {  	s5 =	sor.u32 @!p0 s5, s7;
	[sflag:s6] =	ssyncadd.s32 @!p0 $0xFFFFFFFF  }
0xb3: {  	s25 =	simm.s32 $0x1B8E;
	s24 =	sld [smem:$0x3FFE];
	[sflag:s5] =	ssyncadd.remote.s32 @!p0 $0x1  }
0xb4: {  	s26 =	simm.s32 $execute0_lowered;
	[smem:$0x3FD2] =	sst s25  }
0xb5: {  	s6 =	sshll.u32 s26, $0x1;
	_ =	strace $0x80000049;
	[dreg:$0x1] =	wrdreg $0xFFFFFFFF  }
0xb6: {  	s28 =	simm.s32 $_size_execute0_lowered;
	s4 =	sadd.s32 s4, s6;
	[dreg:$0x0] =	wrdreg $0x0  }
0xb7: {  	s6 =	sshll.u32 s28, $0x1;
	[dreg:$0x2] =	wrdreg s4  }
0xb8: {  	[dreg:$0x3] =	wrdreg s6  }
0xb9: {  	[dreg:$0x4] =	wrdreg $0xC0  }
0xba: {  	_ =	task [dreg:s22], $0x5FFFF  }
0xbb: {  	[dreg:$0x1] =	wrdreg $0xFFFFFFFF  }
0xbc: {  	[dreg:$0x0] =	wrdreg $0x60  }
0xbd: {  	[dreg:$0x2] =	wrdreg s24  }
0xbe: {  	[dreg:$0x3] =	wrdreg s18  }
0xbf: {  	[dreg:$0x4] =	wrdreg $0x114000  }
0xc0: {  	[dreg:$0x5] =	wrdreg $0x12C000  }
0xc1: {  	[dreg:$0x6] =	wrdreg $0x12C300  }
0xc2: {  	[dreg:$0x7] =	wrdreg $0x12C600  }
0xc3: {  	[dreg:$0x8] =	wrdreg $0x12C900  }
0xc4: {  	[dreg:$0x9] =	wrdreg $0xA  }
0xc5: {  	_ =	task.clear_ibuf [dreg:s22], $0xAFFFF;
	_ =	strace $0x90000049  }
0xc6: {  	s29 =	simm.s32 $0xA;
	_ =	strace $0x8000004B  }
0xc7: {  	_ =	swait.ge [sflag:s29], $0x1  }
0xc8: {  	[sflag:s29] =	ssyncadd.s32 $0xFFFFFFFF  }
0xc9: {  	_ =	strace $0x9000004B  }
0xca: {  	_ =	sfence  }
0xcb: {  	s30 =	sld [smem:$0x0];
	_ =	sdelay $0x2  }
0xcc: {  	s31 =	sshll.u32 s1, $0xD;
	s1 =	sshrl.u32 s1, $0x2  }
0xcd: {  	s4 =	sand.u32 $0x4000, s31;
	s1 =	sadd.s32 s1, s30  }
0xce: {  	s0 =	sor.u32 s4, s0;
	s1 =	sshll.u32 s1, $0x11  }
0xcf: {  	s0 =	sor.u32 s1, s0  }
0xd0: {  	s0 =	sadd.s32 $0x8F2B, s0  }
0xd1: {  	[sflag:s0] =	ssyncadd.remote.s32 $0x1  }
0xd2: {  	_ =	sfence.sel $0xFFFF  }
0xd3: {  	[dreg:$0x0] =	wrdreg $0xFFFFFFFF;
	(pc) =	sbr.abs _section_cstart, $3  }
0xd4: {  	[dreg:$0x1] =	wrdreg $0xFFFFFFFF  }
0xd5: {  	_ =	task.clear_ibuf [dreg:s22], $0x2FFFF;
	_ =	strace $0x9FFFFFFF  }
0xd6: {  	(tm) =	ssettm $0x7FFFFFFF  }
0xd7: {  	_ =	shalt  }
tec
execute0_lowered:
.L_overlay_start_1:
0x0: {  	(tag) =	ssettag $0x1  }
0x1: {  	s8 =	rddreg [dreg:$0x0]  }
0x2: {  	s9 =	rddreg [dreg:$0x1]  }
0x3: {  	s0 =	rddreg [dreg:$0x2]  }
0x4: {  	s1 =	rddreg [dreg:$0x3]  }
0x5: {  	s2 =	rddreg [dreg:$0x4]  }
0x6: {  	s5 =	rddreg [dreg:$0x5]  }
0x7: {  	s6 =	rddreg [dreg:$0x6];
	s7 =	simm.s32 $0x0  }
0x8: {  	[smem:$0x7FF] =	sst s7;
	s22 =	sadd.s32 $0x29CC00, s8  }
0x9: {  	s21 =	simm.s32 $0x28000;
	_ =	strace $0x8000004A;
	[smem:$0x7E5] =	sst s22  }
0xa: {  	s23 =	simm.s32 $0x800;
	[dreg:$0x9] =	wrdreg s21  }
0xb: {  	s12 =	sadd.s32 $0x29FC00, s8;
	[dreg:$0xa] =	wrdreg s23  }
0xc: {  	s25 =	simm.s32 $0xC00;
	[smem:$0x7E6] =	sst s12  }
0xd: {  	s26 =	simm.s32 $0x1000;
	[dreg:$0xb] =	wrdreg s25  }
0xe: {  	s16 =	simm.s32 $0x880;
	[dreg:$0xc] =	wrdreg s26  }
0xf: {  	s18 =	simm.s32 $0xC80;
	[dreg:$0xe] =	wrdreg s16  }
0x10: {  	s19 =	simm.s32 $0x1080;
	[dreg:$0xf] =	wrdreg s18  }
0x11: {  	s15 =	stileid.u32;
	s20 =	simm.s32 $0x500;
	[dreg:$0x10] =	wrdreg s19  }
0x12: {  	s3 =	srdreg.scid;
	[dreg:$0x11] =	wrdreg s20;
	s21 =	simm.s32 $0x900  }
0x13: {  	s4 =	smul.u32 $0x28000, s15;
	s23 =	simm.s32 $0xD00;
	[dreg:$0x12] =	wrdreg s21  }
0x14: {  	s11 =	smul.u32 $0x500, s15;
	s26 =	simm.s32 $0x580;
	[dreg:$0x13] =	wrdreg s23  }
0x15: {  	s14 =	smul.u32 $0x1800, s15;
	s16 =	simm.s32 $0xD80;
	[dreg:$0x15] =	wrdreg s26  }
0x16: {  	p0 =	sne.s32 s15, $0x0;
	s19 =	simm.s32 $0x600;
	[dreg:$0x17] =	wrdreg s16  }
0x17: {  	s25 =	smul.u32 $0x6000, s15;
	s15 =	simm.s32 $0xB00;
	[dreg:$0x19] =	wrdreg s19  }
0x18: {  	s3 =	sand.u32 $0x1, s3;
	s21 =	simm.s32 $0xA00;
	[smem:$0x7F2] =	sst s15  }
0x19: {  	s13 =	smul.u32 $0x18000, s3;
	s23 =	simm.s32 $0xE00;
	[dreg:$0x1a] =	wrdreg s21  }
0x1a: {  	s16 =	simm.s32 $0xF00;
	[dreg:$0x1b] =	wrdreg s23  }
0x1b: {  	s19 =	simm.s32 $0xB80;
	s22 =	sadd.s32 s14, s13;
	[smem:$0x7F3] =	sst s16  }
0x1c: {  	s14 =	sshrl.u32 s25, $0x2;
	s25 =	simm.s32 $0x680;
	[smem:$0x7F6] =	sst s19  }
0x1d: {  	s10 =	smul.u32 $0x14000, s3;
	s13 =	simm.s32 $0x1280;
	[dreg:$0x1d] =	wrdreg s25  }
0x1e: {  	s4 =	sadd.s32 s4, s8;
	s23 =	sshrl.u32 @!p0 s1, $0x3;
	[smem:$0x7EF] =	sst s13  }
0x1f: {  	s4 =	sadd.s32 s10, s4;
	s21 =	sshrl.u32 @!p0 s2, $0x3;
	[smem:$0x7FA] =	sst s23  }
0x20: {  	s24 =	smul.u32 $0x180, s3;
	s10 =	sadd.s32 $0x2A6200, s4;
	[smem:$0x7FB] =	sst s21  }
0x21: {  	s4 =	sadd.s32 s11, s8;
	s11 =	simm.s32 $0x480;
	[dreg:$0x8] =	wrdreg s10  }
0x22: {  	s8 =	sadd.s32 s24, s8;
	s24 =	simm.s32 $0x1100;
	[dreg:$0xd] =	wrdreg s11  }
0x23: {  	s12 =	ssub.s32 $0x2, s3;
	s25 =	simm.s32 $0x1380;
	[dreg:$0x14] =	wrdreg s24  }
0x24: {  	s17 =	sshrl.u32 s12, $0x1;
	s18 =	sadd.s32 $0x53F200, s8;
	[smem:$0x7F8] =	sst s25  }
0x25: {  	s11 =	ssub.s32 s12, s17;
	s17 =	simm.s32 $0x1180;
	[smem:$0x7E8] =	sst s18  }
0x26: {  	s20 =	sadd.s32 $0x53F210, s8;
	[dreg:$0x18] =	wrdreg s17  }
0x27: {  	s12 =	sshrl.u32 s22, $0x3;
	s22 =	sadd.s32 $0x53F220, s8;
	[smem:$0x7E9] =	sst s20  }
0x28: {  	s28 =	simm.s32 $0x200;
	s8 =	sadd.s32 $0x53F230, s8;
	[smem:$0x7EA] =	sst s22  }
0x29: {  	s3 =	smul.u32 $0x280, s3;
	s24 =	simm.s32 $0x1200;
	[smem:$0x7EB] =	sst s8  }
0x2a: {  	s10 =	sadd.s32 s14, s0;
	s14 =	simm.s32 $0x700;
	[dreg:$0x1c] =	wrdreg s24  }
0x2b: {  	s3 =	sadd.s32 s3, s4;
	s4 =	sshrl.u32 @!p0 s0, $0x3;
	[smem:$0x7F0] =	sst s14  }
0x2c: {  	s29 =	simm.s32 $0x380;
	s9 =	sadd.s32 s9, s12;
	[smem:$0x7F1] =	sst s4  }
0x2d: {  	s30 =	simm.s32 $0x180;
	s12 =	simm.s32 $0x980;
	[smem:$0x7E7] =	sst s9  }
0x2e: {  	s31 =	simm.s32 $0x200;
	s26 =	smax.u32 s11, $0x1;
	[dreg:$0x16] =	wrdreg s12  }
0x2f: {  	s15 =	simm.s32 $0x3;
	s11 =	simm.s32 $0xE80;
	[smem:$0x7EC] =	sst s26  }
0x30: {  	s16 =	simm.s32 $0x8;
	s17 =	simm.s32 $0x1300;
	[dreg:$0x1f] =	wrdreg s11  }
0x31: {  	s19 =	simm.s32 $0x9;
	s18 =	simm.s32 $0x780;
	[smem:$0x7F4] =	sst s17  }
0x32: {  	s13 =	simm.s32 $0x2;
	s24 =	simm.s32 $0xF80;
	[smem:$0x7F5] =	sst s18  }
0x33: {  	s25 =	simm.s32 $0x4;
	s22 =	sshrl.u32 @!p0 s5, $0x3;
	[smem:$0x7F7] =	sst s24  }
0x34: {  	s20 =	sshrl.u32 @!p0 s6, $0x3;
	s4 =	simm.s32 $0x280;
	[smem:$0x7FC] =	sst s22  }
0x35: {  	s14 =	simm.s32 $0x6;
	s9 =	simm.s32 $0xA80;
	[smem:$0x7FD] =	sst s20  }
0x36: {  	s12 =	sadd.s32 $0x526200, s3;
	s3 =	sadd.s32 $0x53A200, s3;
	[dreg:$0x1e] =	wrdreg s9  }
0x37: {  	s24 =	simm.s32 $0x400;
	s26 =	sshrl.u32 s10, $0x3;
	[smem:$0x7ED] =	sst s12  }
0x38: {  	s11 =	simm.s32 $0x100;
	s18 =	simm.s32 $0x7;
	[smem:$0x7EE] =	sst s3  }
0x39: {  	s17 =	simm.s32 $0x5;
	s10 =	simm.s32 $0x0;
	[smem:$0x7F9] =	sst s26  }
0x3a: {  	s26 =	simm.s32 $0x80;
	s12 =	simm.s32 $0x180;
	s3 =	simm.s32 $0x300  }
.LBB2_1:
0x3b: {  	[smem:$0x7E4] =	sst s10  }
0x3c: {  	s8 =	sld [smem:$0x7E5]  }
0x3d: {  	s10 =	sld [smem:$0x7F1];
	_ =	sdelay $0x1  }
0x3e: {  	s9 =	simm.s32 @!p0 $0x1C0A  }
0x3f: {  	[spmem:s10], [sflag:s9] =	dma.local @!p0 [hbm:s8], $0x3000  }
0x40: {  	s10 =	smov.u32 s20;
	s20 =	simm.s32 @!p0 $0xA  }
0x41: {  	_ =	swait.ge @!p0 [sflag:s20], $0x3000  }
0x42: {  	s8 =	sld [smem:$0x7E6]  }
0x43: {  	[sflag:s20] =	ssyncset.done @!p0 $0x0  }
0x44: {  	[sflag:s20] =	ssyncadd.s32 @!p0 $0xFFFFD000  }
0x45: {  	[spmem:s23], [sflag:s9] =	dma.local @!p0 [hbm:s8], $0x60  }
0x46: {  	_ =	swait.ge @!p0 [sflag:s20], $0x60  }
0x47: {  	[sflag:s20] =	ssyncset.done @!p0 $0x0  }
0x48: {  	[sflag:s20] =	ssyncadd.s32 @!p0 $0xFFFFFFA0  }
0x49: {  	[spmem:s21], [sflag:s9] =	dma.local @!p0 [hbm:s8], $0x60  }
0x4a: {  	_ =	swait.ge @!p0 [sflag:s20], $0x60  }
0x4b: {  	[sflag:s20] =	ssyncset.done @!p0 $0x0  }
0x4c: {  	[sflag:s20] =	ssyncadd.s32 @!p0 $0xFFFFFFA0  }
0x4d: {  	[spmem:s22], [sflag:s9] =	dma.local @!p0 [hbm:s8], $0x60  }
0x4e: {  	_ =	swait.ge @!p0 [sflag:s20], $0x60  }
0x4f: {  	[sflag:s20] =	ssyncset.done @!p0 $0x0  }
0x50: {  	[sflag:s20] =	ssyncadd.s32 @!p0 $0xFFFFFFA0  }
0x51: {  	[spmem:s10], [sflag:s9] =	dma.local @!p0 [hbm:s8], $0x60  }
0x52: {  	_ =	swait.ge @!p0 [sflag:s20], $0x60  }
0x53: {  	[sflag:s20] =	ssyncset.done @!p0 $0x0  }
0x54: {  	[sflag:s20] =	ssyncadd.s32 @!p0 $0xFFFFFFA0  }
0x55: {  	[bflag:$0x0] =	sbarrier.arrive $0xFFFF  }
0x56: {  	s10 =	sld [smem:$0x7EE];
	_ =	sdelay $0x1  }
0x57: {  	s23 =	simm.s32 $0xA  }
0x58: {  	[tilespmem:s7], [sflag:$0xA] =	stream.linear.gather [hbm4b:s10+s7], $0x400, $0x38;
	[tilespmem:$0x12CC0] =	vst v63  }
0x59: {  	_ =	swait.ge [sflag:s23], $0x400  }
0x5a: {  	s8 =	sld [smem:$0x7ED]  }
0x5b: {  	[sflag:s23] =	ssyncset.done $0x0  }
0x5c: {  	s21 =	rddreg [dreg:$0x9];
	[sflag:s23] =	ssyncadd.s32 $0xFFFFFC00  }
0x5d: {  	[tilespmem:s24], [sflag:$0xA] =	stream.strided.gather [hbm4b:s8+s24], $0x1000, s21, s24, $0x38;
	[tilespmem:$0x12CC0] =	vst v63  }
0x5e: {  	_ =	swait.ge [sflag:s23], $0x1000  }
0x5f: {  	[sflag:s23] =	ssyncset.done $0x0  }
0x60: {  	s22 =	rddreg [dreg:$0xa];
	[sflag:s23] =	ssyncadd.s32 $0xFFFFF000  }
0x61: {  	[spmem:s1] =	stream.indirect.scatter.add.f32 [tilespmem:s24], [sflag:$0x1], $0x1, s7, s26, $0xb8;
	[tilespmem:$0x12CC0] =	vst v63  }
0x62: {  	s23 =	rddreg [dreg:$0xb]  }
0x63: {  	[spmem:s2] =	stream.indirect.scatter.add.f32 [tilespmem:s22], [sflag:$0x1], $0x1, s7, s26, $0xb8;
	[tilespmem:$0x12CC0] =	vst v63  }
0x64: {  	s24 =	rddreg [dreg:$0xc]  }
0x65: {  	[spmem:s5] =	stream.indirect.scatter.add.f32 [tilespmem:s23], [sflag:$0x1], $0x1, s7, s26, $0xb8;
	[tilespmem:$0x12CC0] =	vst v63  }
0x66: {  	s22 =	rddreg [dreg:$0xd]  }
0x67: {  	[spmem:s6] =	stream.indirect.scatter.add.f32 [tilespmem:s24], [sflag:$0x1], $0x1, s7, s26, $0xb8;
	[tilespmem:$0x12CC0] =	vst v63  }
0x68: {  	s23 =	rddreg [dreg:$0xe]  }
0x69: {  	[spmem:s1] =	stream.indirect.scatter.add.f32 [tilespmem:s22], [sflag:$0x1], $0x1, s26, s26, $0xb8;
	[tilespmem:$0x12CC0] =	vst v63  }
0x6a: {  	s24 =	rddreg [dreg:$0xf]  }
0x6b: {  	[spmem:s2] =	stream.indirect.scatter.add.f32 [tilespmem:s23], [sflag:$0x1], $0x1, s26, s26, $0xb8;
	[tilespmem:$0x12CC0] =	vst v63  }
0x6c: {  	s22 =	rddreg [dreg:$0x10]  }
0x6d: {  	[spmem:s5] =	stream.indirect.scatter.add.f32 [tilespmem:s24], [sflag:$0x1], $0x1, s26, s26, $0xb8;
	[tilespmem:$0x12CC0] =	vst v63  }
0x6e: {  	s23 =	rddreg [dreg:$0x11]  }
0x6f: {  	[spmem:s6] =	stream.indirect.scatter.add.f32 [tilespmem:s22], [sflag:$0x1], $0x1, s26, s26, $0xb8;
	[tilespmem:$0x12CC0] =	vst v63  }
0x70: {  	s24 =	rddreg [dreg:$0x12]  }
0x71: {  	[spmem:s1] =	stream.indirect.scatter.add.f32 [tilespmem:s23], [sflag:$0x1], $0x1, s11, s26, $0xb8;
	[tilespmem:$0x12CC0] =	vst v63  }
0x72: {  	s22 =	rddreg [dreg:$0x13]  }
0x73: {  	[spmem:s2] =	stream.indirect.scatter.add.f32 [tilespmem:s24], [sflag:$0x1], $0x1, s11, s26, $0xb8;
	[tilespmem:$0x12CC0] =	vst v63  }
0x74: {  	s23 =	rddreg [dreg:$0x14]  }
0x75: {  	[spmem:s5] =	stream.indirect.scatter.add.f32 [tilespmem:s22], [sflag:$0x1], $0x1, s11, s26, $0xb8;
	[tilespmem:$0x12CC0] =	vst v63  }
0x76: {  	s24 =	rddreg [dreg:$0x15]  }
0x77: {  	[spmem:s6] =	stream.indirect.scatter.add.f32 [tilespmem:s23], [sflag:$0x1], $0x1, s11, s26, $0xb8;
	[tilespmem:$0x12CC0] =	vst v63  }
0x78: {  	s22 =	rddreg [dreg:$0x16]  }
0x79: {  	[spmem:s1] =	stream.indirect.scatter.add.f32 [tilespmem:s24], [sflag:$0x1], $0x1, s12, s26, $0xb8;
	[tilespmem:$0x12CC0] =	vst v63  }
0x7a: {  	s23 =	rddreg [dreg:$0x17]  }
0x7b: {  	[spmem:s2] =	stream.indirect.scatter.add.f32 [tilespmem:s22], [sflag:$0x1], $0x1, s12, s26, $0xb8;
	[tilespmem:$0x12CC0] =	vst v63  }
0x7c: {  	s11 =	rddreg [dreg:$0x19]  }
0x7d: {  	[spmem:s5] =	stream.indirect.scatter.add.f32 [tilespmem:s23], [sflag:$0x1], $0x1, s12, s26, $0xb8;
	[tilespmem:$0x12CC0] =	vst v63  }
0x7e: {  	s24 =	rddreg [dreg:$0x18]  }
0x7f: {  	[spmem:s6] =	stream.indirect.scatter.add.f32 [tilespmem:s24], [sflag:$0x1], $0x1, s12, s26, $0xb8;
	[tilespmem:$0x12CC0] =	vst v63  }
0x80: {  	s22 =	rddreg [dreg:$0x1b]  }
0x81: {  	[spmem:s1] =	stream.indirect.scatter.add.f32 [tilespmem:s11], [sflag:$0x1], $0x1, s28, s26, $0xb8;
	[tilespmem:$0x12CC0] =	vst v63  }
0x82: {  	s12 =	rddreg [dreg:$0x1a]  }
0x83: {  	[spmem:s2] =	stream.indirect.scatter.add.f32 [tilespmem:s12], [sflag:$0x1], $0x1, s28, s26, $0xb8;
	[tilespmem:$0x12CC0] =	vst v63  }
0x84: {  	s23 =	rddreg [dreg:$0x1c]  }
0x85: {  	[spmem:s5] =	stream.indirect.scatter.add.f32 [tilespmem:s22], [sflag:$0x1], $0x1, s28, s26, $0xb8;
	[tilespmem:$0x12CC0] =	vst v63  }
0x86: {  	s24 =	rddreg [dreg:$0x1d]  }
0x87: {  	[spmem:s6] =	stream.indirect.scatter.add.f32 [tilespmem:s23], [sflag:$0x1], $0x1, s28, s26, $0xb8;
	[tilespmem:$0x12CC0] =	vst v63  }
0x88: {  	s11 =	rddreg [dreg:$0x1f]  }
0x89: {  	[spmem:s1] =	stream.indirect.scatter.add.f32 [tilespmem:s24], [sflag:$0x1], $0x1, s4, s26, $0xb8;
	[tilespmem:$0x12CC0] =	vst v63  }
0x8a: {  	s28 =	rddreg [dreg:$0x1e]  }
0x8b: {  	[spmem:s2] =	stream.indirect.scatter.add.f32 [tilespmem:s28], [sflag:$0x1], $0x1, s4, s26, $0xb8;
	[tilespmem:$0x12CC0] =	vst v63  }
0x8c: {  	s12 =	sld [smem:$0x7EF]  }
0x8d: {  	[spmem:s5] =	stream.indirect.scatter.add.f32 [tilespmem:s11], [sflag:$0x1], $0x1, s4, s26, $0xb8;
	[tilespmem:$0x12CC0] =	vst v63  }
0x8e: {  	s22 =	sld [smem:$0x7F0]  }
0x8f: {  	[spmem:s6] =	stream.indirect.scatter.add.f32 [tilespmem:s12], [sflag:$0x1], $0x1, s4, s26, $0xb8;
	[tilespmem:$0x12CC0] =	vst v63  }
0x90: {  	s23 =	sld [smem:$0x7F2]  }
0x91: {  	[spmem:s1] =	stream.indirect.scatter.add.f32 [tilespmem:s22], [sflag:$0x1], $0x1, s3, s26, $0xb8;
	[tilespmem:$0x12CC0] =	vst v63  }
0x92: {  	s24 =	sld [smem:$0x7F3]  }
0x93: {  	[spmem:s2] =	stream.indirect.scatter.add.f32 [tilespmem:s23], [sflag:$0x1], $0x1, s3, s26, $0xb8;
	[tilespmem:$0x12CC0] =	vst v63  }
0x94: {  	s28 =	sld [smem:$0x7F4]  }
0x95: {  	[spmem:s5] =	stream.indirect.scatter.add.f32 [tilespmem:s24], [sflag:$0x1], $0x1, s3, s26, $0xb8;
	[tilespmem:$0x12CC0] =	vst v63  }
0x96: {  	s4 =	sld [smem:$0x7F5]  }
0x97: {  	[spmem:s6] =	stream.indirect.scatter.add.f32 [tilespmem:s28], [sflag:$0x1], $0x1, s3, s26, $0xb8;
	[tilespmem:$0x12CC0] =	vst v63  }
0x98: {  	s11 =	sld [smem:$0x7F6]  }
0x99: {  	[spmem:s1] =	stream.indirect.scatter.add.f32 [tilespmem:s4], [sflag:$0x1], $0x1, s29, s26, $0xb8;
	[tilespmem:$0x12CC0] =	vst v63  }
0x9a: {  	s12 =	sld [smem:$0x7F7]  }
0x9b: {  	[spmem:s2] =	stream.indirect.scatter.add.f32 [tilespmem:s11], [sflag:$0x1], $0x1, s29, s26, $0xb8;
	[tilespmem:$0x12CC0] =	vst v63  }
0x9c: {  	s22 =	sld [smem:$0x7F8]  }
0x9d: {  	[spmem:s5] =	stream.indirect.scatter.add.f32 [tilespmem:s12], [sflag:$0x1], $0x1, s29, s26, $0xb8;
	[tilespmem:$0x12CC0] =	vst v63  }
0x9e: {  	s9 =	rddreg [dreg:$0x8]  }
0x9f: {  	[spmem:s6] =	stream.indirect.scatter.add.f32 [tilespmem:s22], [sflag:$0x1], $0x1, s29, s26, $0xb8;
	[tilespmem:$0x12CC0] =	vst v63  }
0xa0: {  	s21 =	simm.s32 $0x1400;
	s9 =	sadd.s32 $0x0, s9  }
0xa1: {  	[tilespmem:s21], [sflag:$0x2] =	stream.linear.gather [hbm4b:s9+s7], $0x4000, $0x38;
	[tilespmem:$0x12CC0] =	vst v63  }
0xa2: {  	s23 =	sadd.s32 $0x800, s9;
	s22 =	simm.s32 $0x5400  }
0xa3: {  	[tilespmem:s22], [sflag:$0x3] =	stream.linear.gather [hbm4b:s23+s7], $0x4000, $0x38;
	[tilespmem:$0x12CC0] =	vst v63  }
0xa4: {  	s24 =	sadd.s32 $0x1000, s9;
	s12 =	simm.s32 $0x9400  }
0xa5: {  	[tilespmem:s12], [sflag:$0x4] =	stream.linear.gather [hbm4b:s24+s7], $0x4000, $0x38;
	[tilespmem:$0x12CC0] =	vst v63  }
0xa6: {  	s28 =	sadd.s32 $0x1800, s9;
	s23 =	simm.s32 $0xD400  }
0xa7: {  	[tilespmem:s23], [sflag:$0x5] =	stream.linear.gather [hbm4b:s28+s7], $0x4000, $0x38;
	[tilespmem:$0x12CC0] =	vst v63  }
0xa8: {  	_ =	swait.ge [sflag:s13], $0x4000  }
0xa9: {  	[sflag:s13] =	ssyncset.done $0x0  }
0xaa: {  	[sflag:s13] =	ssyncadd.s32 $0xFFFFC000  }
0xab: {  	[spmem:s0] =	stream.indirect.scatter.add.f32 [tilespmem:s21], [sflag:$0x6], $0x80, s7, s26, $0xb8;
	[tilespmem:$0x12CC0] =	vst v63  }
0xac: {  	_ =	swait.ge [sflag:s14], $0x4000  }
0xad: {  	[sflag:s14] =	ssyncset.done $0x0  }
0xae: {  	s24 =	sadd.s32 $0x2000, s9;
	[sflag:s14] =	ssyncadd.s32 $0xFFFFC000  }
0xaf: {  	[tilespmem:s21], [sflag:$0x2] =	stream.linear.gather [hbm4b:s24+s7], $0x4000, $0x38;
	[tilespmem:$0x12CC0] =	vst v63  }
0xb0: {  	_ =	swait.ge [sflag:s15], $0x4000  }
0xb1: {  	[sflag:s15] =	ssyncset.done $0x0  }
0xb2: {  	[sflag:s15] =	ssyncadd.s32 $0xFFFFC000  }
0xb3: {  	[spmem:s0] =	stream.indirect.scatter.add.f32 [tilespmem:s22], [sflag:$0x7], $0x80, s26, s26, $0xb8;
	[tilespmem:$0x12CC0] =	vst v63  }
0xb4: {  	_ =	swait.ge [sflag:s18], $0x4000  }
0xb5: {  	[sflag:s18] =	ssyncset.done $0x0  }
0xb6: {  	s28 =	sadd.s32 $0x2800, s9;
	[sflag:s18] =	ssyncadd.s32 $0xFFFFC000  }
0xb7: {  	[tilespmem:s22], [sflag:$0x3] =	stream.linear.gather [hbm4b:s28+s7], $0x4000, $0x38;
	[tilespmem:$0x12CC0] =	vst v63  }
0xb8: {  	_ =	swait.ge [sflag:s25], $0x4000  }
0xb9: {  	[sflag:s25] =	ssyncset.done $0x0  }
0xba: {  	s29 =	simm.s32 $0x100;
	[sflag:s25] =	ssyncadd.s32 $0xFFFFC000  }
0xbb: {  	[spmem:s0] =	stream.indirect.scatter.add.f32 [tilespmem:s12], [sflag:$0x8], $0x80, s29, s26, $0xb8;
	[tilespmem:$0x12CC0] =	vst v63  }
0xbc: {  	_ =	swait.ge [sflag:s16], $0x4000  }
0xbd: {  	[sflag:s16] =	ssyncset.done $0x0  }
0xbe: {  	s24 =	sadd.s32 $0x3000, s9;
	[sflag:s16] =	ssyncadd.s32 $0xFFFFC000  }
0xbf: {  	[tilespmem:s12], [sflag:$0x4] =	stream.linear.gather [hbm4b:s24+s7], $0x4000, $0x38;
	[tilespmem:$0x12CC0] =	vst v63  }
0xc0: {  	_ =	swait.ge [sflag:s17], $0x4000  }
0xc1: {  	[sflag:s17] =	ssyncset.done $0x0  }
0xc2: {  	[sflag:s17] =	ssyncadd.s32 $0xFFFFC000  }
0xc3: {  	[spmem:s0] =	stream.indirect.scatter.add.f32 [tilespmem:s23], [sflag:$0x9], $0x80, s30, s26, $0xb8;
	[tilespmem:$0x12CC0] =	vst v63  }
0xc4: {  	_ =	swait.ge [sflag:s19], $0x4000  }
0xc5: {  	[sflag:s19] =	ssyncset.done $0x0  }
0xc6: {  	s9 =	sadd.s32 $0x3800, s9;
	[sflag:s19] =	ssyncadd.s32 $0xFFFFC000  }
0xc7: {  	[tilespmem:s23], [sflag:$0x5] =	stream.linear.gather [hbm4b:s9+s7], $0x4000, $0x38;
	[tilespmem:$0x12CC0] =	vst v63  }
0xc8: {  	_ =	swait.ge [sflag:s13], $0x4000  }
0xc9: {  	[sflag:s13] =	ssyncset.done $0x0  }
0xca: {  	[sflag:s13] =	ssyncadd.s32 $0xFFFFC000  }
0xcb: {  	[spmem:s0] =	stream.indirect.scatter.add.f32 [tilespmem:s21], [sflag:$0x6], $0x80, s31, s26, $0xb8;
	[tilespmem:$0x12CC0] =	vst v63  }
0xcc: {  	_ =	swait.ge [sflag:s15], $0x4000  }
0xcd: {  	[sflag:s15] =	ssyncset.done $0x0  }
0xce: {  	s4 =	simm.s32 $0x280;
	[sflag:s15] =	ssyncadd.s32 $0xFFFFC000  }
0xcf: {  	[spmem:s0] =	stream.indirect.scatter.add.f32 [tilespmem:s22], [sflag:$0x7], $0x80, s4, s26, $0xb8;
	[tilespmem:$0x12CC0] =	vst v63  }
0xd0: {  	_ =	swait.ge [sflag:s25], $0x4000  }
0xd1: {  	[sflag:s25] =	ssyncset.done $0x0  }
0xd2: {  	s3 =	simm.s32 $0x300;
	[sflag:s25] =	ssyncadd.s32 $0xFFFFC000  }
0xd3: {  	[spmem:s0] =	stream.indirect.scatter.add.f32 [tilespmem:s12], [sflag:$0x8], $0x80, s3, s26, $0xb8;
	[tilespmem:$0x12CC0] =	vst v63  }
0xd4: {  	_ =	swait.ge [sflag:s17], $0x4000  }
0xd5: {  	[sflag:s17] =	ssyncset.done $0x0  }
0xd6: {  	s11 =	simm.s32 $0x380;
	[sflag:s17] =	ssyncadd.s32 $0xFFFFC000  }
0xd7: {  	[spmem:s0] =	stream.indirect.scatter.add.f32 [tilespmem:s23], [sflag:$0x9], $0x80, s11, s26, $0xb8;
	[tilespmem:$0x12CC0] =	vst v63  }
0xd8: {  	_ =	swait.ge [sflag:s14], $0x4000  }
0xd9: {  	[sflag:s14] =	ssyncset.done $0x0  }
0xda: {  	[sflag:s14] =	ssyncadd.s32 $0xFFFFC000  }
0xdb: {  	_ =	swait.ge [sflag:s18], $0x4000  }
0xdc: {  	[sflag:s18] =	ssyncset.done $0x0  }
0xdd: {  	[sflag:s18] =	ssyncadd.s32 $0xFFFFC000  }
0xde: {  	_ =	swait.ge [sflag:s16], $0x4000  }
0xdf: {  	[sflag:s16] =	ssyncset.done $0x0  }
0xe0: {  	[sflag:s16] =	ssyncadd.s32 $0xFFFFC000  }
0xe1: {  	_ =	swait.ge [sflag:s19], $0x4000  }
0xe2: {  	[sflag:s19] =	ssyncset.done $0x0  }
0xe3: {  	s28 =	simm.s32 $0x1;
	[sflag:s19] =	ssyncadd.s32 $0xFFFFC000  }
0xe4: {  	s9 =	smov.u32 s8;
	_ =	swait.ge [sflag:s28], $0x1000  }
0xe5: {  	s21 =	smov.u32 s10;
	s22 =	simm.s32 $0x4000;
	[sflag:s28] =	ssyncset.done $0x0  }
.LBB2_2:
0xe6: {  	s28 =	simm.s32 $0x1  }
0xe7: {  	s21 =	sadd.s32 $0x80, s21;
	s8 =	simm.s32 $0xA;
	[sflag:s28] =	ssyncadd.s32 $0xFFFFF000  }
0xe8: {  	[tilespmem:s7], [sflag:$0xA] =	stream.linear.gather [hbm4b:s21+s7], $0x400, $0x38;
	[tilespmem:$0x12CC0] =	vst v63  }
0xe9: {  	_ =	swait.ge [sflag:s8], $0x400  }
0xea: {  	s9 =	sadd.s32 $0x80, s9;
	[sflag:s8] =	ssyncset.done $0x0  }
0xeb: {  	s10 =	simm.s32 $0x400;
	s20 =	rddreg [dreg:$0x9];
	[sflag:s8] =	ssyncadd.s32 $0xFFFFFC00  }
0xec: {  	[tilespmem:s10], [sflag:$0xA] =	stream.strided.gather [hbm4b:s9+s10], $0x1000, s20, s10, $0x38;
	[tilespmem:$0x12CC0] =	vst v63  }
0xed: {  	_ =	swait.ge [sflag:s8], $0x1000  }
0xee: {  	[sflag:s8] =	ssyncset.done $0x0  }
0xef: {  	s23 =	rddreg [dreg:$0xa];
	[sflag:s8] =	ssyncadd.s32 $0xFFFFF000  }
0xf0: {  	[spmem:s1] =	stream.indirect.scatter.add.f32 [tilespmem:s10], [sflag:$0x1], $0x1, s7, s26, $0xb8;
	[tilespmem:$0x12CC0] =	vst v63  }
0xf1: {  	s12 =	rddreg [dreg:$0xb]  }
0xf2: {  	[spmem:s2] =	stream.indirect.scatter.add.f32 [tilespmem:s23], [sflag:$0x1], $0x1, s7, s26, $0xb8;
	[tilespmem:$0x12CC0] =	vst v63  }
0xf3: {  	s23 =	rddreg [dreg:$0xc]  }
0xf4: {  	[spmem:s5] =	stream.indirect.scatter.add.f32 [tilespmem:s12], [sflag:$0x1], $0x1, s7, s26, $0xb8;
	[tilespmem:$0x12CC0] =	vst v63  }
0xf5: {  	s12 =	rddreg [dreg:$0xd]  }
0xf6: {  	[spmem:s6] =	stream.indirect.scatter.add.f32 [tilespmem:s23], [sflag:$0x1], $0x1, s7, s26, $0xb8;
	[tilespmem:$0x12CC0] =	vst v63  }
0xf7: {  	s23 =	rddreg [dreg:$0xe]  }
0xf8: {  	[spmem:s1] =	stream.indirect.scatter.add.f32 [tilespmem:s12], [sflag:$0x1], $0x1, s26, s26, $0xb8;
	[tilespmem:$0x12CC0] =	vst v63  }
0xf9: {  	s12 =	rddreg [dreg:$0xf]  }
0xfa: {  	[spmem:s2] =	stream.indirect.scatter.add.f32 [tilespmem:s23], [sflag:$0x1], $0x1, s26, s26, $0xb8;
	[tilespmem:$0x12CC0] =	vst v63  }
0xfb: {  	s23 =	rddreg [dreg:$0x10]  }
0xfc: {  	[spmem:s5] =	stream.indirect.scatter.add.f32 [tilespmem:s12], [sflag:$0x1], $0x1, s26, s26, $0xb8;
	[tilespmem:$0x12CC0] =	vst v63  }
0xfd: {  	s12 =	rddreg [dreg:$0x11]  }
0xfe: {  	[spmem:s6] =	stream.indirect.scatter.add.f32 [tilespmem:s23], [sflag:$0x1], $0x1, s26, s26, $0xb8;
	[tilespmem:$0x12CC0] =	vst v63  }
0xff: {  	s23 =	rddreg [dreg:$0x12]  }
0x100: {  	[spmem:s1] =	stream.indirect.scatter.add.f32 [tilespmem:s12], [sflag:$0x1], $0x1, s29, s26, $0xb8;
	[tilespmem:$0x12CC0] =	vst v63  }
0x101: {  	s12 =	rddreg [dreg:$0x13]  }
0x102: {  	[spmem:s2] =	stream.indirect.scatter.add.f32 [tilespmem:s23], [sflag:$0x1], $0x1, s29, s26, $0xb8;
	[tilespmem:$0x12CC0] =	vst v63  }
0x103: {  	s23 =	rddreg [dreg:$0x14]  }
0x104: {  	[spmem:s5] =	stream.indirect.scatter.add.f32 [tilespmem:s12], [sflag:$0x1], $0x1, s29, s26, $0xb8;
	[tilespmem:$0x12CC0] =	vst v63  }
0x105: {  	s12 =	rddreg [dreg:$0x15]  }
0x106: {  	[spmem:s6] =	stream.indirect.scatter.add.f32 [tilespmem:s23], [sflag:$0x1], $0x1, s29, s26, $0xb8;
	[tilespmem:$0x12CC0] =	vst v63  }
0x107: {  	s23 =	rddreg [dreg:$0x16]  }
0x108: {  	[spmem:s1] =	stream.indirect.scatter.add.f32 [tilespmem:s12], [sflag:$0x1], $0x1, s30, s26, $0xb8;
	[tilespmem:$0x12CC0] =	vst v63  }
0x109: {  	s12 =	rddreg [dreg:$0x17]  }
0x10a: {  	[spmem:s2] =	stream.indirect.scatter.add.f32 [tilespmem:s23], [sflag:$0x1], $0x1, s30, s26, $0xb8;
	[tilespmem:$0x12CC0] =	vst v63  }
0x10b: {  	s23 =	rddreg [dreg:$0x18]  }
0x10c: {  	[spmem:s5] =	stream.indirect.scatter.add.f32 [tilespmem:s12], [sflag:$0x1], $0x1, s30, s26, $0xb8;
	[tilespmem:$0x12CC0] =	vst v63  }
0x10d: {  	s12 =	rddreg [dreg:$0x19]  }
0x10e: {  	[spmem:s6] =	stream.indirect.scatter.add.f32 [tilespmem:s23], [sflag:$0x1], $0x1, s30, s26, $0xb8;
	[tilespmem:$0x12CC0] =	vst v63  }
0x10f: {  	s23 =	rddreg [dreg:$0x1a]  }
0x110: {  	[spmem:s1] =	stream.indirect.scatter.add.f32 [tilespmem:s12], [sflag:$0x1], $0x1, s31, s26, $0xb8;
	[tilespmem:$0x12CC0] =	vst v63  }
0x111: {  	s12 =	rddreg [dreg:$0x1b]  }
0x112: {  	[spmem:s2] =	stream.indirect.scatter.add.f32 [tilespmem:s23], [sflag:$0x1], $0x1, s31, s26, $0xb8;
	[tilespmem:$0x12CC0] =	vst v63  }
0x113: {  	s23 =	rddreg [dreg:$0x1c]  }
0x114: {  	[spmem:s5] =	stream.indirect.scatter.add.f32 [tilespmem:s12], [sflag:$0x1], $0x1, s31, s26, $0xb8;
	[tilespmem:$0x12CC0] =	vst v63  }
0x115: {  	s12 =	rddreg [dreg:$0x1d]  }
0x116: {  	[spmem:s6] =	stream.indirect.scatter.add.f32 [tilespmem:s23], [sflag:$0x1], $0x1, s31, s26, $0xb8;
	[tilespmem:$0x12CC0] =	vst v63  }
0x117: {  	s23 =	rddreg [dreg:$0x1e]  }
0x118: {  	[spmem:s1] =	stream.indirect.scatter.add.f32 [tilespmem:s12], [sflag:$0x1], $0x1, s4, s26, $0xb8;
	[tilespmem:$0x12CC0] =	vst v63  }
0x119: {  	s12 =	rddreg [dreg:$0x1f]  }
0x11a: {  	[spmem:s2] =	stream.indirect.scatter.add.f32 [tilespmem:s23], [sflag:$0x1], $0x1, s4, s26, $0xb8;
	[tilespmem:$0x12CC0] =	vst v63  }
0x11b: {  	s23 =	sld [smem:$0x7EF]  }
0x11c: {  	[spmem:s5] =	stream.indirect.scatter.add.f32 [tilespmem:s12], [sflag:$0x1], $0x1, s4, s26, $0xb8;
	[tilespmem:$0x12CC0] =	vst v63  }
0x11d: {  	s12 =	sld [smem:$0x7F0]  }
0x11e: {  	[spmem:s6] =	stream.indirect.scatter.add.f32 [tilespmem:s23], [sflag:$0x1], $0x1, s4, s26, $0xb8;
	[tilespmem:$0x12CC0] =	vst v63  }
0x11f: {  	s23 =	sld [smem:$0x7F2]  }
0x120: {  	[spmem:s1] =	stream.indirect.scatter.add.f32 [tilespmem:s12], [sflag:$0x1], $0x1, s3, s26, $0xb8;
	[tilespmem:$0x12CC0] =	vst v63  }
0x121: {  	s12 =	sld [smem:$0x7F3]  }
0x122: {  	[spmem:s2] =	stream.indirect.scatter.add.f32 [tilespmem:s23], [sflag:$0x1], $0x1, s3, s26, $0xb8;
	[tilespmem:$0x12CC0] =	vst v63  }
0x123: {  	s23 =	sld [smem:$0x7F4]  }
0x124: {  	[spmem:s5] =	stream.indirect.scatter.add.f32 [tilespmem:s12], [sflag:$0x1], $0x1, s3, s26, $0xb8;
	[tilespmem:$0x12CC0] =	vst v63  }
0x125: {  	s12 =	sld [smem:$0x7F5]  }
0x126: {  	[spmem:s6] =	stream.indirect.scatter.add.f32 [tilespmem:s23], [sflag:$0x1], $0x1, s3, s26, $0xb8;
	[tilespmem:$0x12CC0] =	vst v63  }
0x127: {  	s23 =	sld [smem:$0x7F6]  }
0x128: {  	[spmem:s1] =	stream.indirect.scatter.add.f32 [tilespmem:s12], [sflag:$0x1], $0x1, s11, s26, $0xb8;
	[tilespmem:$0x12CC0] =	vst v63  }
0x129: {  	s12 =	sld [smem:$0x7F7]  }
0x12a: {  	[spmem:s2] =	stream.indirect.scatter.add.f32 [tilespmem:s23], [sflag:$0x1], $0x1, s11, s26, $0xb8;
	[tilespmem:$0x12CC0] =	vst v63  }
0x12b: {  	s23 =	sld [smem:$0x7F8]  }
0x12c: {  	[spmem:s5] =	stream.indirect.scatter.add.f32 [tilespmem:s12], [sflag:$0x1], $0x1, s11, s26, $0xb8;
	[tilespmem:$0x12CC0] =	vst v63  }
0x12d: {  	s24 =	smov.u32 s22;
	s20 =	rddreg [dreg:$0x8]  }
0x12e: {  	[spmem:s6] =	stream.indirect.scatter.add.f32 [tilespmem:s23], [sflag:$0x1], $0x1, s11, s26, $0xb8;
	[tilespmem:$0x12CC0] =	vst v63  }
0x12f: {  	s20 =	sadd.s32 s24, s20;
	s10 =	simm.s32 $0x1400  }
0x130: {  	[tilespmem:s10], [sflag:$0x2] =	stream.linear.gather [hbm4b:s20+s7], $0x4000, $0x38;
	[tilespmem:$0x12CC0] =	vst v63  }
0x131: {  	s24 =	simm.s32 $0x5400;
	s12 =	sadd.s32 $0x800, s20  }
0x132: {  	[tilespmem:s24], [sflag:$0x3] =	stream.linear.gather [hbm4b:s12+s7], $0x4000, $0x38;
	[tilespmem:$0x12CC0] =	vst v63  }
0x133: {  	s23 =	sadd.s32 $0x1000, s20;
	s12 =	simm.s32 $0x9400  }
0x134: {  	[tilespmem:s12], [sflag:$0x4] =	stream.linear.gather [hbm4b:s23+s7], $0x4000, $0x38;
	[tilespmem:$0x12CC0] =	vst v63  }
0x135: {  	s8 =	sadd.s32 $0x1800, s20;
	s23 =	simm.s32 $0xD400  }
0x136: {  	[tilespmem:s23], [sflag:$0x5] =	stream.linear.gather [hbm4b:s8+s7], $0x4000, $0x38;
	[tilespmem:$0x12CC0] =	vst v63  }
0x137: {  	_ =	swait.ge [sflag:s13], $0x4000  }
0x138: {  	[sflag:s13] =	ssyncset.done $0x0  }
0x139: {  	[sflag:s13] =	ssyncadd.s32 $0xFFFFC000  }
0x13a: {  	[spmem:s0] =	stream.indirect.scatter.add.f32 [tilespmem:s10], [sflag:$0x6], $0x80, s7, s26, $0xb8;
	[tilespmem:$0x12CC0] =	vst v63  }
0x13b: {  	_ =	swait.ge [sflag:s14], $0x4000  }
0x13c: {  	[sflag:s14] =	ssyncset.done $0x0  }
0x13d: {  	s8 =	sadd.s32 $0x2000, s20;
	[sflag:s14] =	ssyncadd.s32 $0xFFFFC000  }
0x13e: {  	[tilespmem:s10], [sflag:$0x2] =	stream.linear.gather [hbm4b:s8+s7], $0x4000, $0x38;
	[tilespmem:$0x12CC0] =	vst v63  }
0x13f: {  	_ =	swait.ge [sflag:s15], $0x4000  }
0x140: {  	[sflag:s15] =	ssyncset.done $0x0  }
0x141: {  	[sflag:s15] =	ssyncadd.s32 $0xFFFFC000  }
0x142: {  	[spmem:s0] =	stream.indirect.scatter.add.f32 [tilespmem:s24], [sflag:$0x7], $0x80, s26, s26, $0xb8;
	[tilespmem:$0x12CC0] =	vst v63  }
0x143: {  	_ =	swait.ge [sflag:s18], $0x4000  }
0x144: {  	[sflag:s18] =	ssyncset.done $0x0  }
0x145: {  	s8 =	sadd.s32 $0x2800, s20;
	[sflag:s18] =	ssyncadd.s32 $0xFFFFC000  }
0x146: {  	[tilespmem:s24], [sflag:$0x3] =	stream.linear.gather [hbm4b:s8+s7], $0x4000, $0x38;
	[tilespmem:$0x12CC0] =	vst v63  }
0x147: {  	_ =	swait.ge [sflag:s25], $0x4000  }
0x148: {  	[sflag:s25] =	ssyncset.done $0x0  }
0x149: {  	[sflag:s25] =	ssyncadd.s32 $0xFFFFC000  }
0x14a: {  	[spmem:s0] =	stream.indirect.scatter.add.f32 [tilespmem:s12], [sflag:$0x8], $0x80, s29, s26, $0xb8;
	[tilespmem:$0x12CC0] =	vst v63  }
0x14b: {  	_ =	swait.ge [sflag:s16], $0x4000  }
0x14c: {  	[sflag:s16] =	ssyncset.done $0x0  }
0x14d: {  	s8 =	sadd.s32 $0x3000, s20;
	[sflag:s16] =	ssyncadd.s32 $0xFFFFC000  }
0x14e: {  	[tilespmem:s12], [sflag:$0x4] =	stream.linear.gather [hbm4b:s8+s7], $0x4000, $0x38;
	[tilespmem:$0x12CC0] =	vst v63  }
0x14f: {  	_ =	swait.ge [sflag:s17], $0x4000  }
0x150: {  	[sflag:s17] =	ssyncset.done $0x0  }
0x151: {  	[sflag:s17] =	ssyncadd.s32 $0xFFFFC000  }
0x152: {  	[spmem:s0] =	stream.indirect.scatter.add.f32 [tilespmem:s23], [sflag:$0x9], $0x80, s30, s26, $0xb8;
	[tilespmem:$0x12CC0] =	vst v63  }
0x153: {  	_ =	swait.ge [sflag:s19], $0x4000  }
0x154: {  	[sflag:s19] =	ssyncset.done $0x0  }
0x155: {  	s20 =	sadd.s32 $0x3800, s20;
	[sflag:s19] =	ssyncadd.s32 $0xFFFFC000  }
0x156: {  	[tilespmem:s23], [sflag:$0x5] =	stream.linear.gather [hbm4b:s20+s7], $0x4000, $0x38;
	[tilespmem:$0x12CC0] =	vst v63  }
0x157: {  	_ =	swait.ge [sflag:s13], $0x4000  }
0x158: {  	[sflag:s13] =	ssyncset.done $0x0  }
0x159: {  	[sflag:s13] =	ssyncadd.s32 $0xFFFFC000  }
0x15a: {  	[spmem:s0] =	stream.indirect.scatter.add.f32 [tilespmem:s10], [sflag:$0x6], $0x80, s31, s26, $0xb8;
	[tilespmem:$0x12CC0] =	vst v63  }
0x15b: {  	_ =	swait.ge [sflag:s15], $0x4000  }
0x15c: {  	[sflag:s15] =	ssyncset.done $0x0  }
0x15d: {  	[sflag:s15] =	ssyncadd.s32 $0xFFFFC000  }
0x15e: {  	[spmem:s0] =	stream.indirect.scatter.add.f32 [tilespmem:s24], [sflag:$0x7], $0x80, s4, s26, $0xb8;
	[tilespmem:$0x12CC0] =	vst v63  }
0x15f: {  	_ =	swait.ge [sflag:s25], $0x4000  }
0x160: {  	[sflag:s25] =	ssyncset.done $0x0  }
0x161: {  	[sflag:s25] =	ssyncadd.s32 $0xFFFFC000  }
0x162: {  	[spmem:s0] =	stream.indirect.scatter.add.f32 [tilespmem:s12], [sflag:$0x8], $0x80, s3, s26, $0xb8;
	[tilespmem:$0x12CC0] =	vst v63  }
0x163: {  	_ =	swait.ge [sflag:s17], $0x4000  }
0x164: {  	[sflag:s17] =	ssyncset.done $0x0  }
0x165: {  	[sflag:s17] =	ssyncadd.s32 $0xFFFFC000  }
0x166: {  	[spmem:s0] =	stream.indirect.scatter.add.f32 [tilespmem:s23], [sflag:$0x9], $0x80, s11, s26, $0xb8;
	[tilespmem:$0x12CC0] =	vst v63  }
0x167: {  	_ =	swait.ge [sflag:s14], $0x4000  }
0x168: {  	[sflag:s14] =	ssyncset.done $0x0  }
0x169: {  	[sflag:s14] =	ssyncadd.s32 $0xFFFFC000  }
0x16a: {  	_ =	swait.ge [sflag:s18], $0x4000  }
0x16b: {  	[sflag:s18] =	ssyncset.done $0x0  }
0x16c: {  	[sflag:s18] =	ssyncadd.s32 $0xFFFFC000  }
0x16d: {  	_ =	swait.ge [sflag:s16], $0x4000  }
0x16e: {  	[sflag:s16] =	ssyncset.done $0x0  }
0x16f: {  	p1 =	sne.s32 s22, $0x10000;
	[sflag:s16] =	ssyncadd.s32 $0xFFFFC000  }
.Ltmp0:
0x170: {  	_ =	swait.ge [sflag:s19], $0x4000;
	(pc) =	sbr.rel @p1 .LBB2_2-.Ltmp0, $4  }
0x171: {  	[sflag:s19] =	ssyncset.done $0x0  }
0x172: {  	[sflag:s19] =	ssyncadd.s32 $0xFFFFC000  }
0x173: {  	_ =	swait.ge [sflag:s28], $0x1000  }
0x174: {  	s22 =	sadd.s32 $0x4000, s22;
	s8 =	simm.s32 $0x1;
	[sflag:s28] =	ssyncset.done $0x0  }
0x175: {  	[sflag:s8] =	ssyncadd.s32 $0xFFFFF000  }
0x176: {  	[bflag:$0x0] =	sbarrier.arrive $0xFFFF  }
0x177: {  	s9 =	sld [smem:$0x7E7]  }
0x178: {  	s11 =	stileid.u32;
	s10 =	sld [smem:$0x7F9]  }
0x179: {  	s8 =	sshll.u32 s11, $0x6  }
0x17a: {  	s3 =	simm.s32 $0xA;
	s8 =	sor.u32 $0x1C0A, s8  }
0x17b: {  	[hbm:s9], [sflag:s8] =	dma.local [spmem:s10], $0x300  }
0x17c: {  	_ =	swait.ge [sflag:s3], $0x300  }
0x17d: {  	s21 =	sld [smem:$0x7E8]  }
0x17e: {  	s23 =	sld [smem:$0x7FA]  }
0x17f: {  	s4 =	simm.s32 @!p0 $0x40;
	[sflag:s3] =	ssyncset.done $0x0  }
0x180: {  	s10 =	simm.s32 @!p0 $0x10;
	[sflag:s3] =	ssyncadd.s32 $0xFFFFFD00;
	s3 =	simm.s32 @!p0 $0x1  }
0x181: {  	[hbm:s21@s4], [sflag:s8] =	dma.strided @!p0 [spmem:s23@s10], $0x60, s3, $0x10   }
0x182: {  	s21 =	simm.s32 @!p0 $0xA  }
0x183: {  	_ =	swait.ge @!p0 [sflag:s21], $0x60  }
0x184: {  	s22 =	sld [smem:$0x7E9]  }
0x185: {  	s9 =	sld [smem:$0x7FB]  }
0x186: {  	[sflag:s21] =	ssyncset.done @!p0 $0x0  }
0x187: {  	[sflag:s21] =	ssyncadd.s32 @!p0 $0xFFFFFFA0  }
0x188: {  	[hbm:s22@s4], [sflag:s8] =	dma.strided @!p0 [spmem:s9@s10], $0x60, s3, $0x10   }
0x189: {  	_ =	swait.ge @!p0 [sflag:s21], $0x60  }
0x18a: {  	s22 =	sld [smem:$0x7EA]  }
0x18b: {  	s24 =	sld [smem:$0x7FC]  }
0x18c: {  	[sflag:s21] =	ssyncset.done @!p0 $0x0  }
0x18d: {  	[sflag:s21] =	ssyncadd.s32 @!p0 $0xFFFFFFA0  }
0x18e: {  	[hbm:s22@s4], [sflag:s8] =	dma.strided @!p0 [spmem:s24@s10], $0x60, s3, $0x10   }
0x18f: {  	_ =	swait.ge @!p0 [sflag:s21], $0x60  }
0x190: {  	s22 =	sld [smem:$0x7EB]  }
0x191: {  	s20 =	sld [smem:$0x7FD]  }
0x192: {  	[sflag:s21] =	ssyncset.done @!p0 $0x0  }
0x193: {  	[sflag:s21] =	ssyncadd.s32 @!p0 $0xFFFFFFA0  }
0x194: {  	[hbm:s22@s4], [sflag:s8] =	dma.strided @!p0 [spmem:s20@s10], $0x60, s3, $0x10   }
0x195: {  	_ =	swait.ge @!p0 [sflag:s21], $0x60  }
0x196: {  	s12 =	sld [smem:$0x7E4]  }
0x197: {  	s22 =	smov.u32 s24;
	s24 =	sld [smem:$0x7EC];
	_ =	sdelay $0x1  }
0x198: {  	s10 =	sadd.s32 $0x1, s12  }
0x199: {  	p1 =	sne.s32 s10, s24  }
.Ltmp1:
0x19a: {  	_ = 	snop;
	(pc) =	sbr.rel @p1 .LBB2_1-.Ltmp1, $4  }
0x19b: {  	s28 =	simm.s32 $0x200  }
0x19c: {  	s29 =	simm.s32 $0x380;
	s11 =	simm.s32 $0x100;
	[sflag:s21] =	ssyncset.done @!p0 $0x0  }
0x19d: {  	s4 =	simm.s32 $0x280;
	s3 =	simm.s32 $0x300;
	[sflag:s21] =	ssyncadd.s32 @!p0 $0xFFFFFFA0  }
0x19e: {  	s21 =	smov.u32 s9;
	s12 =	simm.s32 $0x180;
	s24 =	simm.s32 $0x400  }
0x19f: {  	_ =	sfence.sel $0x180000  }
0x1a0: {  	[bflag:$0x0] =	sbarrier.arrive $0xFFFF  }
0x1a1: {  	_ =	strace $0x9000004A  }
0x1a2: {  	[bflag:$0x2] =	sbarrier.arrive $0xFFFF  }
0x1a3: {  	s0 =	rddreg [dreg:$0x7]  }
0x1a4: {  	s0 =	sadd.s32 @!p0 $0x100000, s0  }
0x1a5: {  	[sflag:s0] =	ssyncadd.tile.s32 @!p0 $0x1;
	_ =	shalt  }
.Lfunc_end2:
_tile_overlayer_lowered:
.L_overlay_start_2:
0x1a6: {  	(tag) =	ssettag $0x2  }
0x1a7: {  	s0 =	rddreg [dreg:$0x0];
	s2 =	stileid.u32  }
0x1a8: {  	s1 =	rddreg [dreg:$0x1];
	p0 =	sne.s32 s2, $0x0  }
0x1a9: {  	s3 =	rddreg [dreg:$0x2];
	[bflag:$0x3] =	sbarrier.arrive $0xFFFF;
	s2 =	simm.s32 @!p0 $0x1C0A  }
0x1aa: {  	[timem:s3], [sflag:s2] =	dma.local @!p0 [hbm:s0], s1  }
0x1ab: {  	s0 =	simm.s32 @!p0 $0xA  }
0x1ac: {  	_ =	swait.ge @!p0 [sflag:s0], s1  }
0x1ad: {  	s1 =	ssub.s32 @!p0 $0x0, s1;
	[sflag:s0] =	ssyncset.done @!p0 $0x0  }
0x1ae: {  	[sflag:s0] =	ssyncadd.s32 @!p0 s1  }
0x1af: {  	[bflag:$0x3] =	sbarrier.arrive $0xFFFF  }
0x1b0: {  	_ =	shalt  }

// kernel: kernel.7.cloned.1.call-start
scs
__scs_entry_jumppad:
0x0: {  	(pc) =	sbr.rel $0x88, $3  }
0x1: {  	(tag) =	ssettag $0x0;
	lr =	simm.s32 $0x1  }
0x2: {  	[smem:$0x3F91] =	sst lr;
	_ =	strace $0xD0000000  }
0x3: {  	_ = 	snop  }
0x4: {  	_ = 	snop  }
0x5: {  	_ = 	snop  }
0x6: {  	_ = 	snop  }
0x7: {  	_ = 	snop  }
__scs_overlays_trampoline_lowered:
0x8: {  	[smem:$0x3FA0] =	sst s0  }
0x9: {  	[smem:$0x3FA1] =	sst s1  }
0xa: {  	[smem:$0x3FA2] =	sst s2  }
0xb: {  	[smem:$0x3FA3] =	sst s3  }
0xc: {  	[smem:$0x3FA4] =	sst s4  }
0xd: {  	[smem:$0x3FA5] =	sst s5  }
0xe: {  	[smem:$0x3FA6] =	sst s6  }
0xf: {  	[smem:$0x3FA7] =	sst s7  }
0x10: {  	[smem:$0x3FA8] =	sst s8  }
0x11: {  	[smem:$0x3FA9] =	sst s9;
	s0 =	simm.s32 @!p0 $0x0  }
0x12: {  	s1 =	sld [smem:$0x3F8F];
	s0 =	simm.s32 @p0 $0x1  }
0x13: {  	[smem:$0x3FAA] =	sst s0;
	s0 =	simm.s32 @!p1 $0x0  }
0x14: {  	s2 =	sld [smem:$0x3F8E];
	s0 =	simm.s32 @p1 $0x1  }
0x15: {  	[smem:$0x3FAB] =	sst s0;
	s0 =	simm.s32 @!p2 $0x0  }
0x16: {  	s3 =	sld [smem:$0x3FDB];
	s0 =	simm.s32 @p2 $0x1  }
0x17: {  	s4 =	simm.s32 $0x1BF5;
	[smem:$0x3FAD] =	sst s0  }
0x18: {  	s0 =	sld [smem:$0x3F90];
	_ =	swait.ge [sflag:s4], $0x0  }
0x19: {  	s7 =	sld [smem:$0x3F91]  }
0x1a: {  	s8 =	sadd.s32 $0xFFFFE003, lr  }
0x1b: {  	s9 =	sadd.s32 $0xFFFFFEF7, lr;
	s5 =	simm.s32 $0xFFFFFFFF;
	p2 =	slt.u32 s8, $0xFFFFF086  }
0x1c: {  	p1 =	slt.u32 s9, $0xF7A;
	s5 =	simm.s32 @!p2 $0x0  }
0x1d: {  	s5 =	simm.s32 @p1 $0x1;
	p0 =	seq.s32 s7, s2  }
0x1e: {  	s7 =	smul.u32 @!p0 $0xF7A, s2;
	p2 =	seq.s32 @!p0 s5, $0x0  }
0x1f: {  	s9 =	smul.u32 $0xF7A, s1;
	s8 =	simm.s32 @!p0 $0x1BF5;
	p2 =	por !p2, p0  }
0x20: {  	[sflag:s8] =	ssyncset.s32 @!p0 $0xFFFFF086;
	s6 =	sadd.s32 @!p0 s3, s7;
	s7 =	simm.s32 @!p0 $0x108  }
0x21: {  	s3 =	sadd.s32 s3, s9;
	s6 =	sadd.s32 @!p0 $0x88, s6;
	s7 =	simm.s32 @p2 $0x1082  }
0x22: {  	[simem:s7], [sflag:s8] =	dma.local @!p0 [hbm:s6], $0xF7A  }
0x23: {  	s9 =	sor.u32 $0xD0000000, s2;
	s6 =	simm.s32 $0x108;
	_ =	swait.ge @!p0 [sflag:s8], $0x0  }
0x24: {  	s3 =	sadd.s32 $0x88, s3;
	s6 =	simm.s32 @!p1 $0x1082;
	[sflag:s4] =	ssyncset.s32 $0xFFFFF086  }
0x25: {  	[simem:s6], [sflag:s4] =	dma.local [hbm:s3], $0xF7A  }
0x26: {  	[smem:$0x3F91] =	sst s1;
	(tag) =	ssettag s2;
	_ =	strace s9  }
0x27: {  	s1 =	sld [smem:$0x3FA1]  }
0x28: {  	s2 =	sld [smem:$0x3FA2]  }
0x29: {  	s4 =	sld [smem:$0x3FA4]  }
0x2a: {  	p0 =	seq.s32 s5, $0x0;
	s5 =	sld [smem:$0x3FA5]  }
0x2b: {  	s6 =	sld [smem:$0x3FA6]  }
0x2c: {  	s7 =	sld [smem:$0x3FA7]  }
0x2d: {  	s3 =	simm.s32 $0x108;
	s8 =	sld [smem:$0x3FA8]  }
0x2e: {  	s3 =	simm.s32 @!p0 $0x1082;
	s9 =	sld [smem:$0x3FA9]  }
0x2f: {  	lr =	sadd.s32 s0, s3;
	s0 =	sld [smem:$0x3FA0]  }
0x30: {  	s3 =	sld [smem:$0x3FA3]  }
0x31: {  	[smem:$0x3FAC] =	sst s10  }
0x32: {  	s10 =	sld [smem:$0x3FAA];
	_ =	sdelay $0x3  }
0x33: {  	p0 =	seq.s32 s10, $0x1;
	s10 =	sld [smem:$0x3FAC];
	_ =	sdelay $0x3  }
0x34: {  	[smem:$0x3FAC] =	sst s10  }
0x35: {  	s10 =	sld [smem:$0x3FAB];
	_ =	sdelay $0x3  }
0x36: {  	p1 =	seq.s32 s10, $0x1;
	s10 =	sld [smem:$0x3FAC];
	_ =	sdelay $0x3  }
0x37: {  	[smem:$0x3FAC] =	sst s10  }
0x38: {  	s10 =	sld [smem:$0x3FAD]  }
0x39: {  	_ = 	snop;
	(pc) =	sbr.ind lr, $3  }
0x3a: {  	_ = 	snop  }
0x3b: {  	_ = 	snop  }
0x3c: {  	p2 =	seq.s32 s10, $0x1;
	s10 =	sld [smem:$0x3FAC]  }
0x3d: {  	_ =	shalt  }
0x3e: {  	_ =	shalt  }
0x3f: {  	_ =	shalt  }
0x40: {  	_ =	shalt  }
0x41: {  	_ =	shalt  }
0x42: {  	_ =	shalt  }
0x43: {  	_ =	shalt  }
0x44: {  	_ =	shalt  }
0x45: {  	_ =	shalt  }
0x46: {  	_ =	shalt  }
0x47: {  	_ =	shalt  }
0x48: {  	_ =	shalt  }
0x49: {  	_ =	shalt  }
0x4a: {  	_ =	shalt  }
0x4b: {  	_ =	shalt  }
0x4c: {  	_ =	shalt  }
0x4d: {  	_ =	shalt  }
0x4e: {  	_ =	shalt  }
0x4f: {  	_ =	shalt  }
0x50: {  	_ =	shalt  }
0x51: {  	_ =	shalt  }
0x52: {  	_ =	shalt  }
0x53: {  	_ =	shalt  }
0x54: {  	_ =	shalt  }
0x55: {  	_ =	shalt  }
0x56: {  	_ =	shalt  }
0x57: {  	_ =	shalt  }
0x58: {  	_ =	shalt  }
0x59: {  	_ =	shalt  }
0x5a: {  	_ =	shalt  }
0x5b: {  	_ =	shalt  }
0x5c: {  	_ =	shalt  }
0x5d: {  	_ =	shalt  }
0x5e: {  	_ =	shalt  }
0x5f: {  	_ =	shalt  }
0x60: {  	_ =	shalt  }
0x61: {  	_ =	shalt  }
0x62: {  	_ =	shalt  }
0x63: {  	_ =	shalt  }
0x64: {  	_ =	shalt  }
0x65: {  	_ =	shalt  }
0x66: {  	_ =	shalt  }
0x67: {  	_ =	shalt  }
0x68: {  	_ =	shalt  }
0x69: {  	_ =	shalt  }
0x6a: {  	_ =	shalt  }
0x6b: {  	_ =	shalt  }
0x6c: {  	_ =	shalt  }
0x6d: {  	_ =	shalt  }
0x6e: {  	_ =	shalt  }
0x6f: {  	_ =	shalt  }
0x70: {  	_ =	shalt  }
0x71: {  	_ =	shalt  }
0x72: {  	_ =	shalt  }
0x73: {  	_ =	shalt  }
0x74: {  	_ =	shalt  }
0x75: {  	_ =	shalt  }
0x76: {  	_ =	shalt  }
0x77: {  	_ =	shalt  }
0x78: {  	_ =	shalt  }
0x79: {  	_ =	shalt  }
0x7a: {  	_ =	shalt  }
0x7b: {  	_ =	shalt  }
0x7c: {  	_ =	shalt  }
0x7d: {  	_ =	shalt  }
0x7e: {  	_ =	shalt  }
0x7f: {  	_ =	shalt  }
0x80: {  	_ =	shalt  }
0x81: {  	_ =	shalt  }
0x82: {  	_ =	shalt  }
0x83: {  	_ =	shalt  }
0x84: {  	_ =	shalt  }
0x85: {  	_ =	shalt  }
0x86: {  	_ =	shalt  }
0x87: {  	_ =	shalt  }
.Lfunc_end0:
.L_simem_size_0:
called_computation_lowered:
.L_overlay_start_0:
0x88: {  	s2 =	sld [smem:$0x3FD9]  }
0x89: {  	s3 =	sld [smem:$0x3FFE];
	_ =	sdelay $0x1  }
0x8a: {  	s1 =	srdreg.scid  }
0x8b: {  	s0 =	sand.u32 $0x1, s1  }
0x8c: {  	s16 =	sshll.u32 s0, $0xA;
	s2 =	sadd.s32 s3, s2  }
0x8d: {  	s2 =	sadd.s32 s2, s16  }
0x8e: {  	[smem:$0x3FB8] =	sst s2  }
0x8f: {  	_ = 	snop  }
0x90: {  	(tm) =	ssettm $0x1  }
0x91: {  	s17 =	sld [smem:$0x3FFB];
	_ =	sdelay $0x3  }
0x92: {  	_ =	strace s17  }
0x93: {  	s2 =	sld [smem:$0x3FFC];
	_ =	sdelay $0x3  }
0x94: {  	_ =	strace s2  }
0x95: {  	s2 =	sld [smem:$0x3FFD];
	_ =	sdelay $0x3  }
0x96: {  	_ =	strace s2  }
0x97: {  	_ =	strace $0x8FFFFFFF  }
0x98: {  	s18 =	sld [smem:$0x3FDB];
	_ =	sdelay $0x1  }
0x99: {  	s19 =	simm.s32 $_scs_section_size  }
0x9a: {  	s4 =	simm.s32 $_size__tile_overlayer_lowered;
	s5 =	simm.s32 $_tile_overlayer_lowered  }
0x9b: {  	s22 =	simm.s32 $0x1BFF;
	s21 =	sshll.u32 s5, $0x1;
	s2 =	sadd.s32 s19, s18  }
0x9c: {  	s6 =	simm.s32 $0x0;
	s20 =	sshll.u32 s4, $0x1;
	s4 =	sadd.s32 s21, s2  }
0x9d: {  	[timem:s6], [sflag:s22] =	dma.local [hbm:s4], s20  }
0x9e: {  	_ =	swait.ge [sflag:s22], s20  }
0x9f: {  	s3 =	ssub.s32 $0x0, s20;
	[sflag:s22] =	ssyncset.done $0x0  }
0xa0: {  	[sflag:s22] =	ssyncadd.s32 s3;
	_ =	sdelay $0x1  }
0xa1: {  	s23 =	simm.s32 $0x1B8B  }
0xa2: {  	_ =	swait.ge [sflag:s23], $0x1  }
0xa3: {  	[sflag:s23] =	ssyncset.done $0x0  }
0xa4: {  	s25 =	simm.s32 $0x1B8E;
	s24 =	sld [smem:$0x3FFE];
	[sflag:s23] =	ssyncadd.s32 $0xFFFFFFFF  }
0xa5: {  	s26 =	simm.s32 $execute0_lowered;
	[smem:$0x3FD2] =	sst s25  }
0xa6: {  	s4 =	sshll.u32 s26, $0x1;
	_ =	strace $0x80000046;
	[dreg:$0x1] =	wrdreg $0xFFFFFFFF  }
0xa7: {  	s28 =	simm.s32 $_size_execute0_lowered;
	s2 =	sadd.s32 s2, s4;
	[dreg:$0x0] =	wrdreg $0x0  }
0xa8: {  	s4 =	sshll.u32 s28, $0x1;
	[dreg:$0x2] =	wrdreg s2  }
0xa9: {  	[dreg:$0x3] =	wrdreg s4  }
0xaa: {  	[dreg:$0x4] =	wrdreg $0xC0  }
0xab: {  	_ =	task [dreg:s6], $0x5FFFF  }
0xac: {  	[dreg:$0x1] =	wrdreg $0xFFFFFFFF  }
0xad: {  	[dreg:$0x0] =	wrdreg $0x60  }
0xae: {  	[dreg:$0x2] =	wrdreg s24  }
0xaf: {  	[dreg:$0x3] =	wrdreg $0x114000  }
0xb0: {  	[dreg:$0x4] =	wrdreg $0x12C000  }
0xb1: {  	[dreg:$0x5] =	wrdreg $0x12C300  }
0xb2: {  	[dreg:$0x6] =	wrdreg $0x12C600  }
0xb3: {  	[dreg:$0x7] =	wrdreg $0x12C900  }
0xb4: {  	[dreg:$0x8] =	wrdreg $0x9  }
0xb5: {  	_ =	task.clear_ibuf [dreg:s6], $0x9FFFF;
	_ =	strace $0x90000046  }
0xb6: {  	s29 =	simm.s32 $0x9;
	_ =	strace $0x80000048  }
0xb7: {  	_ =	swait.ge [sflag:s29], $0x1  }
0xb8: {  	[sflag:s29] =	ssyncadd.s32 $0xFFFFFFFF  }
0xb9: {  	_ =	strace $0x90000048  }
0xba: {  	_ =	sfence  }
0xbb: {  	s30 =	sld [smem:$0x0];
	_ =	sdelay $0x2  }
0xbc: {  	s31 =	sshll.u32 s1, $0xD;
	s1 =	sshrl.u32 s1, $0x2  }
0xbd: {  	s3 =	sand.u32 $0x4000, s31;
	s1 =	sadd.s32 s1, s30  }
0xbe: {  	s0 =	sor.u32 s3, s0;
	s1 =	sshll.u32 s1, $0x11  }
0xbf: {  	s0 =	sor.u32 s1, s0  }
0xc0: {  	s0 =	sadd.s32 $0x8F2B, s0  }
0xc1: {  	[sflag:s0] =	ssyncadd.remote.s32 $0x1  }
0xc2: {  	_ =	sfence.sel $0xFFFF  }
0xc3: {  	[dreg:$0x0] =	wrdreg $0xFFFFFFFF;
	(pc) =	sbr.abs _section_cstart, $3  }
0xc4: {  	[dreg:$0x1] =	wrdreg $0xFFFFFFFF  }
0xc5: {  	_ =	task.clear_ibuf [dreg:s6], $0x2FFFF;
	_ =	strace $0x9FFFFFFF  }
0xc6: {  	(tm) =	ssettm $0x7FFFFFFF  }
0xc7: {  	_ =	shalt  }
tec
execute0_lowered:
.L_overlay_start_1:
0x0: {  	(tag) =	ssettag $0x1  }
0x1: {  	s8 =	rddreg [dreg:$0x0]  }
0x2: {  	s0 =	rddreg [dreg:$0x1]  }
0x3: {  	s1 =	rddreg [dreg:$0x2]  }
0x4: {  	s2 =	rddreg [dreg:$0x3]  }
0x5: {  	s3 =	rddreg [dreg:$0x4]  }
0x6: {  	s6 =	rddreg [dreg:$0x5];
	s7 =	simm.s32 $0x0  }
0x7: {  	[smem:$0x7FF] =	sst s7;
	s22 =	sadd.s32 $0x29CC00, s8  }
0x8: {  	s23 =	simm.s32 $0x28000;
	_ =	strace $0x80000047;
	[smem:$0x7E6] =	sst s22  }
0x9: {  	s25 =	simm.s32 $0x800;
	[dreg:$0x8] =	wrdreg s23  }
0xa: {  	s12 =	sadd.s32 $0x29FC00, s8;
	[dreg:$0x9] =	wrdreg s25  }
0xb: {  	s26 =	simm.s32 $0xC00;
	[smem:$0x7E7] =	sst s12  }
0xc: {  	s14 =	simm.s32 $0x480;
	[dreg:$0xa] =	wrdreg s26  }
0xd: {  	s15 =	simm.s32 $0x880;
	[dreg:$0xc] =	wrdreg s14  }
0xe: {  	s13 =	stileid.u32;
	s17 =	simm.s32 $0xC80;
	[dreg:$0xd] =	wrdreg s15  }
0xf: {  	s4 =	srdreg.scid;
	s18 =	simm.s32 $0x1080;
	[dreg:$0xe] =	wrdreg s17  }
0x10: {  	s19 =	simm.s32 $0x500;
	s21 =	simm.s32 $0x900;
	[dreg:$0xf] =	wrdreg s18  }
0x11: {  	s5 =	smul.u32 $0x28000, s13;
	s4 =	sand.u32 $0x1, s4;
	[dreg:$0x10] =	wrdreg s19  }
0x12: {  	s10 =	smul.u32 $0x500, s13;
	s12 =	simm.s32 $0x1000;
	[dreg:$0x11] =	wrdreg s21  }
0x13: {  	s11 =	smul.u32 $0x1800, s13;
	s23 =	simm.s32 $0xD00;
	[dreg:$0xb] =	wrdreg s12  }
0x14: {  	p0 =	sne.s32 s13, $0x0;
	s26 =	simm.s32 $0x580;
	[dreg:$0x12] =	wrdreg s23  }
0x15: {  	s9 =	smul.u32 $0x14000, s4;
	s15 =	simm.s32 $0xD80;
	[dreg:$0x14] =	wrdreg s26  }
0x16: {  	s24 =	smul.u32 $0x18000, s4;
	s18 =	simm.s32 $0x600;
	[dreg:$0x16] =	wrdreg s15  }
0x17: {  	s20 =	ssub.s32 $0x2, s4;
	[dreg:$0x18] =	wrdreg s18;
	s23 =	simm.s32 $0x1200  }
0x18: {  	s5 =	sadd.s32 s5, s8;
	s26 =	simm.s32 $0xA80;
	[dreg:$0x1b] =	wrdreg s23  }
0x19: {  	s22 =	sshrl.u32 s20, $0x1;
	s12 =	simm.s32 $0x1280;
	[dreg:$0x1d] =	wrdreg s26  }
0x1a: {  	s15 =	simm.s32 $0xB00;
	s18 =	simm.s32 $0x780;
	[dreg:$0x1f] =	wrdreg s12  }
0x1b: {  	s9 =	sadd.s32 s9, s5;
	s5 =	sadd.s32 s10, s8;
	[smem:$0x7F2] =	sst s15  }
0x1c: {  	s10 =	sadd.s32 s11, s24;
	s24 =	simm.s32 $0x1100;
	[smem:$0x7F5] =	sst s18  }
0x1d: {  	s11 =	ssub.s32 s20, s22;
	s20 =	simm.s32 $0xA00;
	[dreg:$0x13] =	wrdreg s24  }
0x1e: {  	s16 =	smul.u32 $0x180, s4;
	s22 =	simm.s32 $0xE00;
	[dreg:$0x19] =	wrdreg s20  }
0x1f: {  	s25 =	smul.u32 $0x6000, s13;
	s23 =	sshrl.u32 @!p0 s1, $0x3;
	[dreg:$0x1a] =	wrdreg s22  }
0x20: {  	s4 =	smul.u32 $0x280, s4;
	s9 =	sadd.s32 $0x3C00, s9;
	[smem:$0x7FA] =	sst s23  }
0x21: {  	s14 =	sshrl.u32 s25, $0x2;
	s25 =	smax.u32 s11, $0x1;
	[dreg:$0x7] =	wrdreg s9  }
0x22: {  	s28 =	simm.s32 $0x200;
	s24 =	simm.s32 $0x680;
	[smem:$0x7ED] =	sst s25  }
0x23: {  	s4 =	sadd.s32 s4, s5;
	s5 =	sshrl.u32 @!p0 s0, $0x3;
	[dreg:$0x1c] =	wrdreg s24  }
0x24: {  	s10 =	sshrl.u32 s10, $0x3;
	s22 =	sshrl.u32 @!p0 s3, $0x3;
	[smem:$0x7F1] =	sst s5  }
0x25: {  	s20 =	sshrl.u32 @!p0 s6, $0x3;
	s10 =	sadd.s32 s10, s8;
	[smem:$0x7FC] =	sst s22  }
0x26: {  	s8 =	sadd.s32 s16, s8;
	s16 =	simm.s32 $0x1180;
	[smem:$0x7FD] =	sst s20  }
0x27: {  	s29 =	simm.s32 $0x380;
	s11 =	sadd.s32 $0x283C00, s4;
	[dreg:$0x17] =	wrdreg s16  }
0x28: {  	s30 =	simm.s32 $0x180;
	s9 =	simm.s32 $0xE80;
	[smem:$0x7EE] =	sst s11  }
0x29: {  	s31 =	simm.s32 $0x200;
	s4 =	sadd.s32 $0x297C00, s4;
	[dreg:$0x1e] =	wrdreg s9  }
0x2a: {  	s13 =	simm.s32 $0x2;
	s24 =	simm.s32 $0xF80;
	[smem:$0x7EF] =	sst s4  }
0x2b: {  	s25 =	simm.s32 $0x1380;
	s10 =	sadd.s32 $0x2A0200, s10;
	[smem:$0x7F7] =	sst s24  }
0x2c: {  	s12 =	simm.s32 $0x180;
	s17 =	sadd.s32 $0x29FE00, s8;
	[smem:$0x7F8] =	sst s25  }
0x2d: {  	s15 =	simm.s32 $0x3;
	s19 =	sadd.s32 $0x29FE10, s8;
	[smem:$0x7E8] =	sst s10  }
0x2e: {  	s18 =	simm.s32 $0x7;
	s21 =	sadd.s32 $0x29FE20, s8;
	[smem:$0x7E9] =	sst s17  }
0x2f: {  	s5 =	simm.s32 $0x300;
	s8 =	sadd.s32 $0x29FE30, s8;
	[smem:$0x7EA] =	sst s19  }
0x30: {  	s16 =	simm.s32 $0xF00;
	s24 =	simm.s32 $0x400;
	[smem:$0x7EB] =	sst s21  }
0x31: {  	s11 =	simm.s32 $0x100;
	s4 =	simm.s32 $0x280;
	[smem:$0x7EC] =	sst s8  }
0x32: {  	s25 =	simm.s32 $0x4;
	s10 =	simm.s32 $0x980;
	[smem:$0x7F3] =	sst s16  }
0x33: {  	s17 =	simm.s32 $0x1300;
	s21 =	sshrl.u32 @!p0 s2, $0x3;
	[dreg:$0x15] =	wrdreg s10  }
0x34: {  	s19 =	simm.s32 $0xB80;
	s16 =	simm.s32 $0x8;
	[smem:$0x7F4] =	sst s17  }
0x35: {  	s10 =	sadd.s32 s14, s0;
	s14 =	simm.s32 $0x700;
	[smem:$0x7F6] =	sst s19  }
0x36: {  	s17 =	simm.s32 $0x5;
	s19 =	simm.s32 $0x9;
	[smem:$0x7FB] =	sst s21  }
0x37: {  	[smem:$0x7F0] =	sst s14;
	s26 =	sshrl.u32 s10, $0x3;
	s14 =	simm.s32 $0x6  }
0x38: {  	s10 =	simm.s32 $0x0;
	[smem:$0x7F9] =	sst s26;
	s26 =	simm.s32 $0x80  }
.LBB2_1:
0x39: {  	[smem:$0x7E5] =	sst s10  }
0x3a: {  	s8 =	sld [smem:$0x7E6]  }
0x3b: {  	s10 =	sld [smem:$0x7F1];
	_ =	sdelay $0x1  }
0x3c: {  	s9 =	simm.s32 @!p0 $0x1C0A  }
0x3d: {  	[spmem:s10], [sflag:s9] =	dma.local @!p0 [hbm:s8], $0x3000  }
0x3e: {  	s10 =	smov.u32 s20;
	s20 =	simm.s32 @!p0 $0xA  }
0x3f: {  	_ =	swait.ge @!p0 [sflag:s20], $0x3000  }
0x40: {  	s8 =	sld [smem:$0x7E7]  }
0x41: {  	[sflag:s20] =	ssyncset.done @!p0 $0x0  }
0x42: {  	[sflag:s20] =	ssyncadd.s32 @!p0 $0xFFFFD000  }
0x43: {  	[spmem:s23], [sflag:s9] =	dma.local @!p0 [hbm:s8], $0x60  }
0x44: {  	_ =	swait.ge @!p0 [sflag:s20], $0x60  }
0x45: {  	[sflag:s20] =	ssyncset.done @!p0 $0x0  }
0x46: {  	[sflag:s20] =	ssyncadd.s32 @!p0 $0xFFFFFFA0  }
0x47: {  	[spmem:s21], [sflag:s9] =	dma.local @!p0 [hbm:s8], $0x60  }
0x48: {  	_ =	swait.ge @!p0 [sflag:s20], $0x60  }
0x49: {  	[sflag:s20] =	ssyncset.done @!p0 $0x0  }
0x4a: {  	[sflag:s20] =	ssyncadd.s32 @!p0 $0xFFFFFFA0  }
0x4b: {  	[spmem:s22], [sflag:s9] =	dma.local @!p0 [hbm:s8], $0x60  }
0x4c: {  	_ =	swait.ge @!p0 [sflag:s20], $0x60  }
0x4d: {  	[sflag:s20] =	ssyncset.done @!p0 $0x0  }
0x4e: {  	[sflag:s20] =	ssyncadd.s32 @!p0 $0xFFFFFFA0  }
0x4f: {  	[spmem:s10], [sflag:s9] =	dma.local @!p0 [hbm:s8], $0x60  }
0x50: {  	_ =	swait.ge @!p0 [sflag:s20], $0x60  }
0x51: {  	[sflag:s20] =	ssyncset.done @!p0 $0x0  }
0x52: {  	[sflag:s20] =	ssyncadd.s32 @!p0 $0xFFFFFFA0  }
0x53: {  	[bflag:$0x0] =	sbarrier.arrive $0xFFFF  }
0x54: {  	s10 =	sld [smem:$0x7EF];
	_ =	sdelay $0x1  }
0x55: {  	s23 =	simm.s32 $0xA  }
0x56: {  	[tilespmem:s7], [sflag:$0xA] =	stream.linear.gather [hbm4b:s10+s7], $0x400, $0x38;
	[tilespmem:$0x12CC0] =	vst v63  }
0x57: {  	_ =	swait.ge [sflag:s23], $0x400  }
0x58: {  	s8 =	sld [smem:$0x7EE]  }
0x59: {  	[sflag:s23] =	ssyncset.done $0x0  }
0x5a: {  	s21 =	rddreg [dreg:$0x8];
	[sflag:s23] =	ssyncadd.s32 $0xFFFFFC00  }
0x5b: {  	[tilespmem:s24], [sflag:$0xA] =	stream.strided.gather [hbm4b:s8+s24], $0x1000, s21, s24, $0x38;
	[tilespmem:$0x12CC0] =	vst v63  }
0x5c: {  	_ =	swait.ge [sflag:s23], $0x1000  }
0x5d: {  	[sflag:s23] =	ssyncset.done $0x0  }
0x5e: {  	s22 =	rddreg [dreg:$0x9];
	[sflag:s23] =	ssyncadd.s32 $0xFFFFF000  }
0x5f: {  	[spmem:s1] =	stream.indirect.scatter.add.f32 [tilespmem:s24], [sflag:$0x1], $0x1, s7, s26, $0xb8;
	[tilespmem:$0x12CC0] =	vst v63  }
0x60: {  	s23 =	rddreg [dreg:$0xa]  }
0x61: {  	[spmem:s2] =	stream.indirect.scatter.add.f32 [tilespmem:s22], [sflag:$0x1], $0x1, s7, s26, $0xb8;
	[tilespmem:$0x12CC0] =	vst v63  }
0x62: {  	s24 =	rddreg [dreg:$0xb]  }
0x63: {  	[spmem:s3] =	stream.indirect.scatter.add.f32 [tilespmem:s23], [sflag:$0x1], $0x1, s7, s26, $0xb8;
	[tilespmem:$0x12CC0] =	vst v63  }
0x64: {  	s22 =	rddreg [dreg:$0xc]  }
0x65: {  	[spmem:s6] =	stream.indirect.scatter.add.f32 [tilespmem:s24], [sflag:$0x1], $0x1, s7, s26, $0xb8;
	[tilespmem:$0x12CC0] =	vst v63  }
0x66: {  	s23 =	rddreg [dreg:$0xd]  }
0x67: {  	[spmem:s1] =	stream.indirect.scatter.add.f32 [tilespmem:s22], [sflag:$0x1], $0x1, s26, s26, $0xb8;
	[tilespmem:$0x12CC0] =	vst v63  }
0x68: {  	s24 =	rddreg [dreg:$0xe]  }
0x69: {  	[spmem:s2] =	stream.indirect.scatter.add.f32 [tilespmem:s23], [sflag:$0x1], $0x1, s26, s26, $0xb8;
	[tilespmem:$0x12CC0] =	vst v63  }
0x6a: {  	s22 =	rddreg [dreg:$0xf]  }
0x6b: {  	[spmem:s3] =	stream.indirect.scatter.add.f32 [tilespmem:s24], [sflag:$0x1], $0x1, s26, s26, $0xb8;
	[tilespmem:$0x12CC0] =	vst v63  }
0x6c: {  	s23 =	rddreg [dreg:$0x10]  }
0x6d: {  	[spmem:s6] =	stream.indirect.scatter.add.f32 [tilespmem:s22], [sflag:$0x1], $0x1, s26, s26, $0xb8;
	[tilespmem:$0x12CC0] =	vst v63  }
0x6e: {  	s24 =	rddreg [dreg:$0x11]  }
0x6f: {  	[spmem:s1] =	stream.indirect.scatter.add.f32 [tilespmem:s23], [sflag:$0x1], $0x1, s11, s26, $0xb8;
	[tilespmem:$0x12CC0] =	vst v63  }
0x70: {  	s22 =	rddreg [dreg:$0x12]  }
0x71: {  	[spmem:s2] =	stream.indirect.scatter.add.f32 [tilespmem:s24], [sflag:$0x1], $0x1, s11, s26, $0xb8;
	[tilespmem:$0x12CC0] =	vst v63  }
0x72: {  	s23 =	rddreg [dreg:$0x13]  }
0x73: {  	[spmem:s3] =	stream.indirect.scatter.add.f32 [tilespmem:s22], [sflag:$0x1], $0x1, s11, s26, $0xb8;
	[tilespmem:$0x12CC0] =	vst v63  }
0x74: {  	s24 =	rddreg [dreg:$0x14]  }
0x75: {  	[spmem:s6] =	stream.indirect.scatter.add.f32 [tilespmem:s23], [sflag:$0x1], $0x1, s11, s26, $0xb8;
	[tilespmem:$0x12CC0] =	vst v63  }
0x76: {  	s22 =	rddreg [dreg:$0x15]  }
0x77: {  	[spmem:s1] =	stream.indirect.scatter.add.f32 [tilespmem:s24], [sflag:$0x1], $0x1, s12, s26, $0xb8;
	[tilespmem:$0x12CC0] =	vst v63  }
0x78: {  	s23 =	rddreg [dreg:$0x16]  }
0x79: {  	[spmem:s2] =	stream.indirect.scatter.add.f32 [tilespmem:s22], [sflag:$0x1], $0x1, s12, s26, $0xb8;
	[tilespmem:$0x12CC0] =	vst v63  }
0x7a: {  	s11 =	rddreg [dreg:$0x18]  }
0x7b: {  	[spmem:s3] =	stream.indirect.scatter.add.f32 [tilespmem:s23], [sflag:$0x1], $0x1, s12, s26, $0xb8;
	[tilespmem:$0x12CC0] =	vst v63  }
0x7c: {  	s24 =	rddreg [dreg:$0x17]  }
0x7d: {  	[spmem:s6] =	stream.indirect.scatter.add.f32 [tilespmem:s24], [sflag:$0x1], $0x1, s12, s26, $0xb8;
	[tilespmem:$0x12CC0] =	vst v63  }
0x7e: {  	s22 =	rddreg [dreg:$0x1a]  }
0x7f: {  	[spmem:s1] =	stream.indirect.scatter.add.f32 [tilespmem:s11], [sflag:$0x1], $0x1, s28, s26, $0xb8;
	[tilespmem:$0x12CC0] =	vst v63  }
0x80: {  	s12 =	rddreg [dreg:$0x19]  }
0x81: {  	[spmem:s2] =	stream.indirect.scatter.add.f32 [tilespmem:s12], [sflag:$0x1], $0x1, s28, s26, $0xb8;
	[tilespmem:$0x12CC0] =	vst v63  }
0x82: {  	s23 =	rddreg [dreg:$0x1b]  }
0x83: {  	[spmem:s3] =	stream.indirect.scatter.add.f32 [tilespmem:s22], [sflag:$0x1], $0x1, s28, s26, $0xb8;
	[tilespmem:$0x12CC0] =	vst v63  }
0x84: {  	s24 =	rddreg [dreg:$0x1c]  }
0x85: {  	[spmem:s6] =	stream.indirect.scatter.add.f32 [tilespmem:s23], [sflag:$0x1], $0x1, s28, s26, $0xb8;
	[tilespmem:$0x12CC0] =	vst v63  }
0x86: {  	s11 =	rddreg [dreg:$0x1e]  }
0x87: {  	[spmem:s1] =	stream.indirect.scatter.add.f32 [tilespmem:s24], [sflag:$0x1], $0x1, s4, s26, $0xb8;
	[tilespmem:$0x12CC0] =	vst v63  }
0x88: {  	s28 =	rddreg [dreg:$0x1d]  }
0x89: {  	[spmem:s2] =	stream.indirect.scatter.add.f32 [tilespmem:s28], [sflag:$0x1], $0x1, s4, s26, $0xb8;
	[tilespmem:$0x12CC0] =	vst v63  }
0x8a: {  	s12 =	rddreg [dreg:$0x1f]  }
0x8b: {  	[spmem:s3] =	stream.indirect.scatter.add.f32 [tilespmem:s11], [sflag:$0x1], $0x1, s4, s26, $0xb8;
	[tilespmem:$0x12CC0] =	vst v63  }
0x8c: {  	s22 =	sld [smem:$0x7F0]  }
0x8d: {  	[spmem:s6] =	stream.indirect.scatter.add.f32 [tilespmem:s12], [sflag:$0x1], $0x1, s4, s26, $0xb8;
	[tilespmem:$0x12CC0] =	vst v63  }
0x8e: {  	s23 =	sld [smem:$0x7F2]  }
0x8f: {  	[spmem:s1] =	stream.indirect.scatter.add.f32 [tilespmem:s22], [sflag:$0x1], $0x1, s5, s26, $0xb8;
	[tilespmem:$0x12CC0] =	vst v63  }
0x90: {  	s24 =	sld [smem:$0x7F3]  }
0x91: {  	[spmem:s2] =	stream.indirect.scatter.add.f32 [tilespmem:s23], [sflag:$0x1], $0x1, s5, s26, $0xb8;
	[tilespmem:$0x12CC0] =	vst v63  }
0x92: {  	s28 =	sld [smem:$0x7F4]  }
0x93: {  	[spmem:s3] =	stream.indirect.scatter.add.f32 [tilespmem:s24], [sflag:$0x1], $0x1, s5, s26, $0xb8;
	[tilespmem:$0x12CC0] =	vst v63  }
0x94: {  	s4 =	sld [smem:$0x7F5]  }
0x95: {  	[spmem:s6] =	stream.indirect.scatter.add.f32 [tilespmem:s28], [sflag:$0x1], $0x1, s5, s26, $0xb8;
	[tilespmem:$0x12CC0] =	vst v63  }
0x96: {  	s11 =	sld [smem:$0x7F6]  }
0x97: {  	[spmem:s1] =	stream.indirect.scatter.add.f32 [tilespmem:s4], [sflag:$0x1], $0x1, s29, s26, $0xb8;
	[tilespmem:$0x12CC0] =	vst v63  }
0x98: {  	s12 =	sld [smem:$0x7F7]  }
0x99: {  	[spmem:s2] =	stream.indirect.scatter.add.f32 [tilespmem:s11], [sflag:$0x1], $0x1, s29, s26, $0xb8;
	[tilespmem:$0x12CC0] =	vst v63  }
0x9a: {  	s22 =	sld [smem:$0x7F8]  }
0x9b: {  	[spmem:s3] =	stream.indirect.scatter.add.f32 [tilespmem:s12], [sflag:$0x1], $0x1, s29, s26, $0xb8;
	[tilespmem:$0x12CC0] =	vst v63  }
0x9c: {  	s9 =	rddreg [dreg:$0x7]  }
0x9d: {  	[spmem:s6] =	stream.indirect.scatter.add.f32 [tilespmem:s22], [sflag:$0x1], $0x1, s29, s26, $0xb8;
	[tilespmem:$0x12CC0] =	vst v63  }
0x9e: {  	s21 =	simm.s32 $0x1400;
	s9 =	sadd.s32 $0x0, s9  }
0x9f: {  	[tilespmem:s21], [sflag:$0x2] =	stream.linear.gather [hbm4b:s9+s7], $0x4000, $0x38;
	[tilespmem:$0x12CC0] =	vst v63  }
0xa0: {  	s23 =	sadd.s32 $0x800, s9;
	s22 =	simm.s32 $0x5400  }
0xa1: {  	[tilespmem:s22], [sflag:$0x3] =	stream.linear.gather [hbm4b:s23+s7], $0x4000, $0x38;
	[tilespmem:$0x12CC0] =	vst v63  }
0xa2: {  	s24 =	sadd.s32 $0x1000, s9;
	s12 =	simm.s32 $0x9400  }
0xa3: {  	[tilespmem:s12], [sflag:$0x4] =	stream.linear.gather [hbm4b:s24+s7], $0x4000, $0x38;
	[tilespmem:$0x12CC0] =	vst v63  }
0xa4: {  	s28 =	sadd.s32 $0x1800, s9;
	s23 =	simm.s32 $0xD400  }
0xa5: {  	[tilespmem:s23], [sflag:$0x5] =	stream.linear.gather [hbm4b:s28+s7], $0x4000, $0x38;
	[tilespmem:$0x12CC0] =	vst v63  }
0xa6: {  	_ =	swait.ge [sflag:s13], $0x4000  }
0xa7: {  	[sflag:s13] =	ssyncset.done $0x0  }
0xa8: {  	[sflag:s13] =	ssyncadd.s32 $0xFFFFC000  }
0xa9: {  	[spmem:s0] =	stream.indirect.scatter.add.f32 [tilespmem:s21], [sflag:$0x6], $0x80, s7, s26, $0xb8;
	[tilespmem:$0x12CC0] =	vst v63  }
0xaa: {  	_ =	swait.ge [sflag:s14], $0x4000  }
0xab: {  	[sflag:s14] =	ssyncset.done $0x0  }
0xac: {  	s24 =	sadd.s32 $0x2000, s9;
	[sflag:s14] =	ssyncadd.s32 $0xFFFFC000  }
0xad: {  	[tilespmem:s21], [sflag:$0x2] =	stream.linear.gather [hbm4b:s24+s7], $0x4000, $0x38;
	[tilespmem:$0x12CC0] =	vst v63  }
0xae: {  	_ =	swait.ge [sflag:s15], $0x4000  }
0xaf: {  	[sflag:s15] =	ssyncset.done $0x0  }
0xb0: {  	[sflag:s15] =	ssyncadd.s32 $0xFFFFC000  }
0xb1: {  	[spmem:s0] =	stream.indirect.scatter.add.f32 [tilespmem:s22], [sflag:$0x7], $0x80, s26, s26, $0xb8;
	[tilespmem:$0x12CC0] =	vst v63  }
0xb2: {  	_ =	swait.ge [sflag:s18], $0x4000  }
0xb3: {  	[sflag:s18] =	ssyncset.done $0x0  }
0xb4: {  	s28 =	sadd.s32 $0x2800, s9;
	[sflag:s18] =	ssyncadd.s32 $0xFFFFC000  }
0xb5: {  	[tilespmem:s22], [sflag:$0x3] =	stream.linear.gather [hbm4b:s28+s7], $0x4000, $0x38;
	[tilespmem:$0x12CC0] =	vst v63  }
0xb6: {  	_ =	swait.ge [sflag:s25], $0x4000  }
0xb7: {  	[sflag:s25] =	ssyncset.done $0x0  }
0xb8: {  	s29 =	simm.s32 $0x100;
	[sflag:s25] =	ssyncadd.s32 $0xFFFFC000  }
0xb9: {  	[spmem:s0] =	stream.indirect.scatter.add.f32 [tilespmem:s12], [sflag:$0x8], $0x80, s29, s26, $0xb8;
	[tilespmem:$0x12CC0] =	vst v63  }
0xba: {  	_ =	swait.ge [sflag:s16], $0x4000  }
0xbb: {  	[sflag:s16] =	ssyncset.done $0x0  }
0xbc: {  	s24 =	sadd.s32 $0x3000, s9;
	[sflag:s16] =	ssyncadd.s32 $0xFFFFC000  }
0xbd: {  	[tilespmem:s12], [sflag:$0x4] =	stream.linear.gather [hbm4b:s24+s7], $0x4000, $0x38;
	[tilespmem:$0x12CC0] =	vst v63  }
0xbe: {  	_ =	swait.ge [sflag:s17], $0x4000  }
0xbf: {  	[sflag:s17] =	ssyncset.done $0x0  }
0xc0: {  	[sflag:s17] =	ssyncadd.s32 $0xFFFFC000  }
0xc1: {  	[spmem:s0] =	stream.indirect.scatter.add.f32 [tilespmem:s23], [sflag:$0x9], $0x80, s30, s26, $0xb8;
	[tilespmem:$0x12CC0] =	vst v63  }
0xc2: {  	_ =	swait.ge [sflag:s19], $0x4000  }
0xc3: {  	[sflag:s19] =	ssyncset.done $0x0  }
0xc4: {  	s9 =	sadd.s32 $0x3800, s9;
	[sflag:s19] =	ssyncadd.s32 $0xFFFFC000  }
0xc5: {  	[tilespmem:s23], [sflag:$0x5] =	stream.linear.gather [hbm4b:s9+s7], $0x4000, $0x38;
	[tilespmem:$0x12CC0] =	vst v63  }
0xc6: {  	_ =	swait.ge [sflag:s13], $0x4000  }
0xc7: {  	[sflag:s13] =	ssyncset.done $0x0  }
0xc8: {  	[sflag:s13] =	ssyncadd.s32 $0xFFFFC000  }
0xc9: {  	[spmem:s0] =	stream.indirect.scatter.add.f32 [tilespmem:s21], [sflag:$0x6], $0x80, s31, s26, $0xb8;
	[tilespmem:$0x12CC0] =	vst v63  }
0xca: {  	_ =	swait.ge [sflag:s15], $0x4000  }
0xcb: {  	[sflag:s15] =	ssyncset.done $0x0  }
0xcc: {  	s4 =	simm.s32 $0x280;
	[sflag:s15] =	ssyncadd.s32 $0xFFFFC000  }
0xcd: {  	[spmem:s0] =	stream.indirect.scatter.add.f32 [tilespmem:s22], [sflag:$0x7], $0x80, s4, s26, $0xb8;
	[tilespmem:$0x12CC0] =	vst v63  }
0xce: {  	_ =	swait.ge [sflag:s25], $0x4000  }
0xcf: {  	[sflag:s25] =	ssyncset.done $0x0  }
0xd0: {  	s5 =	simm.s32 $0x300;
	[sflag:s25] =	ssyncadd.s32 $0xFFFFC000  }
0xd1: {  	[spmem:s0] =	stream.indirect.scatter.add.f32 [tilespmem:s12], [sflag:$0x8], $0x80, s5, s26, $0xb8;
	[tilespmem:$0x12CC0] =	vst v63  }
0xd2: {  	_ =	swait.ge [sflag:s17], $0x4000  }
0xd3: {  	[sflag:s17] =	ssyncset.done $0x0  }
0xd4: {  	s11 =	simm.s32 $0x380;
	[sflag:s17] =	ssyncadd.s32 $0xFFFFC000  }
0xd5: {  	[spmem:s0] =	stream.indirect.scatter.add.f32 [tilespmem:s23], [sflag:$0x9], $0x80, s11, s26, $0xb8;
	[tilespmem:$0x12CC0] =	vst v63  }
0xd6: {  	_ =	swait.ge [sflag:s14], $0x4000  }
0xd7: {  	[sflag:s14] =	ssyncset.done $0x0  }
0xd8: {  	[sflag:s14] =	ssyncadd.s32 $0xFFFFC000  }
0xd9: {  	_ =	swait.ge [sflag:s18], $0x4000  }
0xda: {  	[sflag:s18] =	ssyncset.done $0x0  }
0xdb: {  	[sflag:s18] =	ssyncadd.s32 $0xFFFFC000  }
0xdc: {  	_ =	swait.ge [sflag:s16], $0x4000  }
0xdd: {  	[sflag:s16] =	ssyncset.done $0x0  }
0xde: {  	[sflag:s16] =	ssyncadd.s32 $0xFFFFC000  }
0xdf: {  	_ =	swait.ge [sflag:s19], $0x4000  }
0xe0: {  	[sflag:s19] =	ssyncset.done $0x0  }
0xe1: {  	s28 =	simm.s32 $0x1;
	[sflag:s19] =	ssyncadd.s32 $0xFFFFC000  }
0xe2: {  	s9 =	smov.u32 s8;
	_ =	swait.ge [sflag:s28], $0x1000  }
0xe3: {  	s21 =	smov.u32 s10;
	s22 =	simm.s32 $0x4000;
	[sflag:s28] =	ssyncset.done $0x0  }
.LBB2_2:
0xe4: {  	s28 =	simm.s32 $0x1  }
0xe5: {  	s21 =	sadd.s32 $0x80, s21;
	s8 =	simm.s32 $0xA;
	[sflag:s28] =	ssyncadd.s32 $0xFFFFF000  }
0xe6: {  	[tilespmem:s7], [sflag:$0xA] =	stream.linear.gather [hbm4b:s21+s7], $0x400, $0x38;
	[tilespmem:$0x12CC0] =	vst v63  }
0xe7: {  	_ =	swait.ge [sflag:s8], $0x400  }
0xe8: {  	s9 =	sadd.s32 $0x80, s9;
	[sflag:s8] =	ssyncset.done $0x0  }
0xe9: {  	s10 =	simm.s32 $0x400;
	s20 =	rddreg [dreg:$0x8];
	[sflag:s8] =	ssyncadd.s32 $0xFFFFFC00  }
0xea: {  	[tilespmem:s10], [sflag:$0xA] =	stream.strided.gather [hbm4b:s9+s10], $0x1000, s20, s10, $0x38;
	[tilespmem:$0x12CC0] =	vst v63  }
0xeb: {  	_ =	swait.ge [sflag:s8], $0x1000  }
0xec: {  	[sflag:s8] =	ssyncset.done $0x0  }
0xed: {  	s23 =	rddreg [dreg:$0x9];
	[sflag:s8] =	ssyncadd.s32 $0xFFFFF000  }
0xee: {  	[spmem:s1] =	stream.indirect.scatter.add.f32 [tilespmem:s10], [sflag:$0x1], $0x1, s7, s26, $0xb8;
	[tilespmem:$0x12CC0] =	vst v63  }
0xef: {  	s12 =	rddreg [dreg:$0xa]  }
0xf0: {  	[spmem:s2] =	stream.indirect.scatter.add.f32 [tilespmem:s23], [sflag:$0x1], $0x1, s7, s26, $0xb8;
	[tilespmem:$0x12CC0] =	vst v63  }
0xf1: {  	s23 =	rddreg [dreg:$0xb]  }
0xf2: {  	[spmem:s3] =	stream.indirect.scatter.add.f32 [tilespmem:s12], [sflag:$0x1], $0x1, s7, s26, $0xb8;
	[tilespmem:$0x12CC0] =	vst v63  }
0xf3: {  	s12 =	rddreg [dreg:$0xc]  }
0xf4: {  	[spmem:s6] =	stream.indirect.scatter.add.f32 [tilespmem:s23], [sflag:$0x1], $0x1, s7, s26, $0xb8;
	[tilespmem:$0x12CC0] =	vst v63  }
0xf5: {  	s23 =	rddreg [dreg:$0xd]  }
0xf6: {  	[spmem:s1] =	stream.indirect.scatter.add.f32 [tilespmem:s12], [sflag:$0x1], $0x1, s26, s26, $0xb8;
	[tilespmem:$0x12CC0] =	vst v63  }
0xf7: {  	s12 =	rddreg [dreg:$0xe]  }
0xf8: {  	[spmem:s2] =	stream.indirect.scatter.add.f32 [tilespmem:s23], [sflag:$0x1], $0x1, s26, s26, $0xb8;
	[tilespmem:$0x12CC0] =	vst v63  }
0xf9: {  	s23 =	rddreg [dreg:$0xf]  }
0xfa: {  	[spmem:s3] =	stream.indirect.scatter.add.f32 [tilespmem:s12], [sflag:$0x1], $0x1, s26, s26, $0xb8;
	[tilespmem:$0x12CC0] =	vst v63  }
0xfb: {  	s12 =	rddreg [dreg:$0x10]  }
0xfc: {  	[spmem:s6] =	stream.indirect.scatter.add.f32 [tilespmem:s23], [sflag:$0x1], $0x1, s26, s26, $0xb8;
	[tilespmem:$0x12CC0] =	vst v63  }
0xfd: {  	s23 =	rddreg [dreg:$0x11]  }
0xfe: {  	[spmem:s1] =	stream.indirect.scatter.add.f32 [tilespmem:s12], [sflag:$0x1], $0x1, s29, s26, $0xb8;
	[tilespmem:$0x12CC0] =	vst v63  }
0xff: {  	s12 =	rddreg [dreg:$0x12]  }
0x100: {  	[spmem:s2] =	stream.indirect.scatter.add.f32 [tilespmem:s23], [sflag:$0x1], $0x1, s29, s26, $0xb8;
	[tilespmem:$0x12CC0] =	vst v63  }
0x101: {  	s23 =	rddreg [dreg:$0x13]  }
0x102: {  	[spmem:s3] =	stream.indirect.scatter.add.f32 [tilespmem:s12], [sflag:$0x1], $0x1, s29, s26, $0xb8;
	[tilespmem:$0x12CC0] =	vst v63  }
0x103: {  	s12 =	rddreg [dreg:$0x14]  }
0x104: {  	[spmem:s6] =	stream.indirect.scatter.add.f32 [tilespmem:s23], [sflag:$0x1], $0x1, s29, s26, $0xb8;
	[tilespmem:$0x12CC0] =	vst v63  }
0x105: {  	s23 =	rddreg [dreg:$0x15]  }
0x106: {  	[spmem:s1] =	stream.indirect.scatter.add.f32 [tilespmem:s12], [sflag:$0x1], $0x1, s30, s26, $0xb8;
	[tilespmem:$0x12CC0] =	vst v63  }
0x107: {  	s12 =	rddreg [dreg:$0x16]  }
0x108: {  	[spmem:s2] =	stream.indirect.scatter.add.f32 [tilespmem:s23], [sflag:$0x1], $0x1, s30, s26, $0xb8;
	[tilespmem:$0x12CC0] =	vst v63  }
0x109: {  	s23 =	rddreg [dreg:$0x17]  }
0x10a: {  	[spmem:s3] =	stream.indirect.scatter.add.f32 [tilespmem:s12], [sflag:$0x1], $0x1, s30, s26, $0xb8;
	[tilespmem:$0x12CC0] =	vst v63  }
0x10b: {  	s12 =	rddreg [dreg:$0x18]  }
0x10c: {  	[spmem:s6] =	stream.indirect.scatter.add.f32 [tilespmem:s23], [sflag:$0x1], $0x1, s30, s26, $0xb8;
	[tilespmem:$0x12CC0] =	vst v63  }
0x10d: {  	s23 =	rddreg [dreg:$0x19]  }
0x10e: {  	[spmem:s1] =	stream.indirect.scatter.add.f32 [tilespmem:s12], [sflag:$0x1], $0x1, s31, s26, $0xb8;
	[tilespmem:$0x12CC0] =	vst v63  }
0x10f: {  	s12 =	rddreg [dreg:$0x1a]  }
0x110: {  	[spmem:s2] =	stream.indirect.scatter.add.f32 [tilespmem:s23], [sflag:$0x1], $0x1, s31, s26, $0xb8;
	[tilespmem:$0x12CC0] =	vst v63  }
0x111: {  	s23 =	rddreg [dreg:$0x1b]  }
0x112: {  	[spmem:s3] =	stream.indirect.scatter.add.f32 [tilespmem:s12], [sflag:$0x1], $0x1, s31, s26, $0xb8;
	[tilespmem:$0x12CC0] =	vst v63  }
0x113: {  	s12 =	rddreg [dreg:$0x1c]  }
0x114: {  	[spmem:s6] =	stream.indirect.scatter.add.f32 [tilespmem:s23], [sflag:$0x1], $0x1, s31, s26, $0xb8;
	[tilespmem:$0x12CC0] =	vst v63  }
0x115: {  	s23 =	rddreg [dreg:$0x1d]  }
0x116: {  	[spmem:s1] =	stream.indirect.scatter.add.f32 [tilespmem:s12], [sflag:$0x1], $0x1, s4, s26, $0xb8;
	[tilespmem:$0x12CC0] =	vst v63  }
0x117: {  	s12 =	rddreg [dreg:$0x1e]  }
0x118: {  	[spmem:s2] =	stream.indirect.scatter.add.f32 [tilespmem:s23], [sflag:$0x1], $0x1, s4, s26, $0xb8;
	[tilespmem:$0x12CC0] =	vst v63  }
0x119: {  	s23 =	rddreg [dreg:$0x1f]  }
0x11a: {  	[spmem:s3] =	stream.indirect.scatter.add.f32 [tilespmem:s12], [sflag:$0x1], $0x1, s4, s26, $0xb8;
	[tilespmem:$0x12CC0] =	vst v63  }
0x11b: {  	s12 =	sld [smem:$0x7F0]  }
0x11c: {  	[spmem:s6] =	stream.indirect.scatter.add.f32 [tilespmem:s23], [sflag:$0x1], $0x1, s4, s26, $0xb8;
	[tilespmem:$0x12CC0] =	vst v63  }
0x11d: {  	s23 =	sld [smem:$0x7F2]  }
0x11e: {  	[spmem:s1] =	stream.indirect.scatter.add.f32 [tilespmem:s12], [sflag:$0x1], $0x1, s5, s26, $0xb8;
	[tilespmem:$0x12CC0] =	vst v63  }
0x11f: {  	s12 =	sld [smem:$0x7F3]  }
0x120: {  	[spmem:s2] =	stream.indirect.scatter.add.f32 [tilespmem:s23], [sflag:$0x1], $0x1, s5, s26, $0xb8;
	[tilespmem:$0x12CC0] =	vst v63  }
0x121: {  	s23 =	sld [smem:$0x7F4]  }
0x122: {  	[spmem:s3] =	stream.indirect.scatter.add.f32 [tilespmem:s12], [sflag:$0x1], $0x1, s5, s26, $0xb8;
	[tilespmem:$0x12CC0] =	vst v63  }
0x123: {  	s12 =	sld [smem:$0x7F5]  }
0x124: {  	[spmem:s6] =	stream.indirect.scatter.add.f32 [tilespmem:s23], [sflag:$0x1], $0x1, s5, s26, $0xb8;
	[tilespmem:$0x12CC0] =	vst v63  }
0x125: {  	s23 =	sld [smem:$0x7F6]  }
0x126: {  	[spmem:s1] =	stream.indirect.scatter.add.f32 [tilespmem:s12], [sflag:$0x1], $0x1, s11, s26, $0xb8;
	[tilespmem:$0x12CC0] =	vst v63  }
0x127: {  	s12 =	sld [smem:$0x7F7]  }
0x128: {  	[spmem:s2] =	stream.indirect.scatter.add.f32 [tilespmem:s23], [sflag:$0x1], $0x1, s11, s26, $0xb8;
	[tilespmem:$0x12CC0] =	vst v63  }
0x129: {  	s23 =	sld [smem:$0x7F8]  }
0x12a: {  	[spmem:s3] =	stream.indirect.scatter.add.f32 [tilespmem:s12], [sflag:$0x1], $0x1, s11, s26, $0xb8;
	[tilespmem:$0x12CC0] =	vst v63  }
0x12b: {  	s24 =	smov.u32 s22;
	s20 =	rddreg [dreg:$0x7]  }
0x12c: {  	[spmem:s6] =	stream.indirect.scatter.add.f32 [tilespmem:s23], [sflag:$0x1], $0x1, s11, s26, $0xb8;
	[tilespmem:$0x12CC0] =	vst v63  }
0x12d: {  	s20 =	sadd.s32 s24, s20;
	s10 =	simm.s32 $0x1400  }
0x12e: {  	[tilespmem:s10], [sflag:$0x2] =	stream.linear.gather [hbm4b:s20+s7], $0x4000, $0x38;
	[tilespmem:$0x12CC0] =	vst v63  }
0x12f: {  	s24 =	simm.s32 $0x5400;
	s12 =	sadd.s32 $0x800, s20  }
0x130: {  	[tilespmem:s24], [sflag:$0x3] =	stream.linear.gather [hbm4b:s12+s7], $0x4000, $0x38;
	[tilespmem:$0x12CC0] =	vst v63  }
0x131: {  	s23 =	sadd.s32 $0x1000, s20;
	s12 =	simm.s32 $0x9400  }
0x132: {  	[tilespmem:s12], [sflag:$0x4] =	stream.linear.gather [hbm4b:s23+s7], $0x4000, $0x38;
	[tilespmem:$0x12CC0] =	vst v63  }
0x133: {  	s8 =	sadd.s32 $0x1800, s20;
	s23 =	simm.s32 $0xD400  }
0x134: {  	[tilespmem:s23], [sflag:$0x5] =	stream.linear.gather [hbm4b:s8+s7], $0x4000, $0x38;
	[tilespmem:$0x12CC0] =	vst v63  }
0x135: {  	_ =	swait.ge [sflag:s13], $0x4000  }
0x136: {  	[sflag:s13] =	ssyncset.done $0x0  }
0x137: {  	[sflag:s13] =	ssyncadd.s32 $0xFFFFC000  }
0x138: {  	[spmem:s0] =	stream.indirect.scatter.add.f32 [tilespmem:s10], [sflag:$0x6], $0x80, s7, s26, $0xb8;
	[tilespmem:$0x12CC0] =	vst v63  }
0x139: {  	_ =	swait.ge [sflag:s14], $0x4000  }
0x13a: {  	[sflag:s14] =	ssyncset.done $0x0  }
0x13b: {  	s8 =	sadd.s32 $0x2000, s20;
	[sflag:s14] =	ssyncadd.s32 $0xFFFFC000  }
0x13c: {  	[tilespmem:s10], [sflag:$0x2] =	stream.linear.gather [hbm4b:s8+s7], $0x4000, $0x38;
	[tilespmem:$0x12CC0] =	vst v63  }
0x13d: {  	_ =	swait.ge [sflag:s15], $0x4000  }
0x13e: {  	[sflag:s15] =	ssyncset.done $0x0  }
0x13f: {  	[sflag:s15] =	ssyncadd.s32 $0xFFFFC000  }
0x140: {  	[spmem:s0] =	stream.indirect.scatter.add.f32 [tilespmem:s24], [sflag:$0x7], $0x80, s26, s26, $0xb8;
	[tilespmem:$0x12CC0] =	vst v63  }
0x141: {  	_ =	swait.ge [sflag:s18], $0x4000  }
0x142: {  	[sflag:s18] =	ssyncset.done $0x0  }
0x143: {  	s8 =	sadd.s32 $0x2800, s20;
	[sflag:s18] =	ssyncadd.s32 $0xFFFFC000  }
0x144: {  	[tilespmem:s24], [sflag:$0x3] =	stream.linear.gather [hbm4b:s8+s7], $0x4000, $0x38;
	[tilespmem:$0x12CC0] =	vst v63  }
0x145: {  	_ =	swait.ge [sflag:s25], $0x4000  }
0x146: {  	[sflag:s25] =	ssyncset.done $0x0  }
0x147: {  	[sflag:s25] =	ssyncadd.s32 $0xFFFFC000  }
0x148: {  	[spmem:s0] =	stream.indirect.scatter.add.f32 [tilespmem:s12], [sflag:$0x8], $0x80, s29, s26, $0xb8;
	[tilespmem:$0x12CC0] =	vst v63  }
0x149: {  	_ =	swait.ge [sflag:s16], $0x4000  }
0x14a: {  	[sflag:s16] =	ssyncset.done $0x0  }
0x14b: {  	s8 =	sadd.s32 $0x3000, s20;
	[sflag:s16] =	ssyncadd.s32 $0xFFFFC000  }
0x14c: {  	[tilespmem:s12], [sflag:$0x4] =	stream.linear.gather [hbm4b:s8+s7], $0x4000, $0x38;
	[tilespmem:$0x12CC0] =	vst v63  }
0x14d: {  	_ =	swait.ge [sflag:s17], $0x4000  }
0x14e: {  	[sflag:s17] =	ssyncset.done $0x0  }
0x14f: {  	[sflag:s17] =	ssyncadd.s32 $0xFFFFC000  }
0x150: {  	[spmem:s0] =	stream.indirect.scatter.add.f32 [tilespmem:s23], [sflag:$0x9], $0x80, s30, s26, $0xb8;
	[tilespmem:$0x12CC0] =	vst v63  }
0x151: {  	_ =	swait.ge [sflag:s19], $0x4000  }
0x152: {  	[sflag:s19] =	ssyncset.done $0x0  }
0x153: {  	s20 =	sadd.s32 $0x3800, s20;
	[sflag:s19] =	ssyncadd.s32 $0xFFFFC000  }
0x154: {  	[tilespmem:s23], [sflag:$0x5] =	stream.linear.gather [hbm4b:s20+s7], $0x4000, $0x38;
	[tilespmem:$0x12CC0] =	vst v63  }
0x155: {  	_ =	swait.ge [sflag:s13], $0x4000  }
0x156: {  	[sflag:s13] =	ssyncset.done $0x0  }
0x157: {  	[sflag:s13] =	ssyncadd.s32 $0xFFFFC000  }
0x158: {  	[spmem:s0] =	stream.indirect.scatter.add.f32 [tilespmem:s10], [sflag:$0x6], $0x80, s31, s26, $0xb8;
	[tilespmem:$0x12CC0] =	vst v63  }
0x159: {  	_ =	swait.ge [sflag:s15], $0x4000  }
0x15a: {  	[sflag:s15] =	ssyncset.done $0x0  }
0x15b: {  	[sflag:s15] =	ssyncadd.s32 $0xFFFFC000  }
0x15c: {  	[spmem:s0] =	stream.indirect.scatter.add.f32 [tilespmem:s24], [sflag:$0x7], $0x80, s4, s26, $0xb8;
	[tilespmem:$0x12CC0] =	vst v63  }
0x15d: {  	_ =	swait.ge [sflag:s25], $0x4000  }
0x15e: {  	[sflag:s25] =	ssyncset.done $0x0  }
0x15f: {  	[sflag:s25] =	ssyncadd.s32 $0xFFFFC000  }
0x160: {  	[spmem:s0] =	stream.indirect.scatter.add.f32 [tilespmem:s12], [sflag:$0x8], $0x80, s5, s26, $0xb8;
	[tilespmem:$0x12CC0] =	vst v63  }
0x161: {  	_ =	swait.ge [sflag:s17], $0x4000  }
0x162: {  	[sflag:s17] =	ssyncset.done $0x0  }
0x163: {  	[sflag:s17] =	ssyncadd.s32 $0xFFFFC000  }
0x164: {  	[spmem:s0] =	stream.indirect.scatter.add.f32 [tilespmem:s23], [sflag:$0x9], $0x80, s11, s26, $0xb8;
	[tilespmem:$0x12CC0] =	vst v63  }
0x165: {  	_ =	swait.ge [sflag:s14], $0x4000  }
0x166: {  	[sflag:s14] =	ssyncset.done $0x0  }
0x167: {  	[sflag:s14] =	ssyncadd.s32 $0xFFFFC000  }
0x168: {  	_ =	swait.ge [sflag:s18], $0x4000  }
0x169: {  	[sflag:s18] =	ssyncset.done $0x0  }
0x16a: {  	[sflag:s18] =	ssyncadd.s32 $0xFFFFC000  }
0x16b: {  	_ =	swait.ge [sflag:s16], $0x4000  }
0x16c: {  	[sflag:s16] =	ssyncset.done $0x0  }
0x16d: {  	p1 =	sne.s32 s22, $0x10000;
	[sflag:s16] =	ssyncadd.s32 $0xFFFFC000  }
.Ltmp0:
0x16e: {  	_ =	swait.ge [sflag:s19], $0x4000;
	(pc) =	sbr.rel @p1 .LBB2_2-.Ltmp0, $4  }
0x16f: {  	[sflag:s19] =	ssyncset.done $0x0  }
0x170: {  	[sflag:s19] =	ssyncadd.s32 $0xFFFFC000  }
0x171: {  	_ =	swait.ge [sflag:s28], $0x1000  }
0x172: {  	s22 =	sadd.s32 $0x4000, s22;
	s8 =	simm.s32 $0x1;
	[sflag:s28] =	ssyncset.done $0x0  }
0x173: {  	[sflag:s8] =	ssyncadd.s32 $0xFFFFF000  }
0x174: {  	[bflag:$0x0] =	sbarrier.arrive $0xFFFF  }
0x175: {  	s9 =	sld [smem:$0x7E8]  }
0x176: {  	s11 =	stileid.u32;
	s10 =	sld [smem:$0x7F9]  }
0x177: {  	s8 =	sshll.u32 s11, $0x6  }
0x178: {  	s4 =	simm.s32 $0xA;
	s8 =	sor.u32 $0x1C0A, s8  }
0x179: {  	[hbm:s9], [sflag:s8] =	dma.local [spmem:s10], $0x300  }
0x17a: {  	_ =	swait.ge [sflag:s4], $0x300  }
0x17b: {  	s21 =	sld [smem:$0x7E9]  }
0x17c: {  	s23 =	sld [smem:$0x7FA]  }
0x17d: {  	s5 =	simm.s32 @!p0 $0x40;
	[sflag:s4] =	ssyncset.done $0x0  }
0x17e: {  	s10 =	simm.s32 @!p0 $0x10;
	[sflag:s4] =	ssyncadd.s32 $0xFFFFFD00;
	s4 =	simm.s32 @!p0 $0x1  }
0x17f: {  	[hbm:s21@s5], [sflag:s8] =	dma.strided @!p0 [spmem:s23@s10], $0x60, s4, $0x10   }
0x180: {  	s21 =	simm.s32 @!p0 $0xA  }
0x181: {  	_ =	swait.ge @!p0 [sflag:s21], $0x60  }
0x182: {  	s22 =	sld [smem:$0x7EA]  }
0x183: {  	s9 =	sld [smem:$0x7FB]  }
0x184: {  	[sflag:s21] =	ssyncset.done @!p0 $0x0  }
0x185: {  	[sflag:s21] =	ssyncadd.s32 @!p0 $0xFFFFFFA0  }
0x186: {  	[hbm:s22@s5], [sflag:s8] =	dma.strided @!p0 [spmem:s9@s10], $0x60, s4, $0x10   }
0x187: {  	_ =	swait.ge @!p0 [sflag:s21], $0x60  }
0x188: {  	s22 =	sld [smem:$0x7EB]  }
0x189: {  	s24 =	sld [smem:$0x7FC]  }
0x18a: {  	[sflag:s21] =	ssyncset.done @!p0 $0x0  }
0x18b: {  	[sflag:s21] =	ssyncadd.s32 @!p0 $0xFFFFFFA0  }
0x18c: {  	[hbm:s22@s5], [sflag:s8] =	dma.strided @!p0 [spmem:s24@s10], $0x60, s4, $0x10   }
0x18d: {  	_ =	swait.ge @!p0 [sflag:s21], $0x60  }
0x18e: {  	s22 =	sld [smem:$0x7EC]  }
0x18f: {  	s20 =	sld [smem:$0x7FD]  }
0x190: {  	[sflag:s21] =	ssyncset.done @!p0 $0x0  }
0x191: {  	[sflag:s21] =	ssyncadd.s32 @!p0 $0xFFFFFFA0  }
0x192: {  	[hbm:s22@s5], [sflag:s8] =	dma.strided @!p0 [spmem:s20@s10], $0x60, s4, $0x10   }
0x193: {  	_ =	swait.ge @!p0 [sflag:s21], $0x60  }
0x194: {  	s12 =	sld [smem:$0x7E5]  }
0x195: {  	s22 =	smov.u32 s24;
	s24 =	sld [smem:$0x7ED];
	_ =	sdelay $0x1  }
0x196: {  	s10 =	sadd.s32 $0x1, s12  }
0x197: {  	p1 =	sne.s32 s10, s24  }
.Ltmp1:
0x198: {  	_ = 	snop;
	(pc) =	sbr.rel @p1 .LBB2_1-.Ltmp1, $4  }
0x199: {  	s28 =	simm.s32 $0x200  }
0x19a: {  	s29 =	simm.s32 $0x380;
	s11 =	simm.s32 $0x100;
	[sflag:s21] =	ssyncset.done @!p0 $0x0  }
0x19b: {  	s4 =	simm.s32 $0x280;
	s5 =	simm.s32 $0x300;
	[sflag:s21] =	ssyncadd.s32 @!p0 $0xFFFFFFA0  }
0x19c: {  	s21 =	smov.u32 s9;
	s12 =	simm.s32 $0x180;
	s24 =	simm.s32 $0x400  }
0x19d: {  	_ =	sfence.sel $0x180000  }
0x19e: {  	[bflag:$0x0] =	sbarrier.arrive $0xFFFF  }
0x19f: {  	_ =	strace $0x90000047  }
0x1a0: {  	[bflag:$0x2] =	sbarrier.arrive $0xFFFF  }
0x1a1: {  	s0 =	rddreg [dreg:$0x6]  }
0x1a2: {  	s0 =	sadd.s32 @!p0 $0x100000, s0  }
0x1a3: {  	[sflag:s0] =	ssyncadd.tile.s32 @!p0 $0x1;
	_ =	shalt  }
.Lfunc_end2:
_tile_overlayer_lowered:
.L_overlay_start_2:
0x1a4: {  	(tag) =	ssettag $0x2  }
0x1a5: {  	s0 =	rddreg [dreg:$0x0];
	s2 =	stileid.u32  }
0x1a6: {  	s1 =	rddreg [dreg:$0x1];
	p0 =	sne.s32 s2, $0x0  }
0x1a7: {  	s3 =	rddreg [dreg:$0x2];
	[bflag:$0x3] =	sbarrier.arrive $0xFFFF;
	s2 =	simm.s32 @!p0 $0x1C0A  }
0x1a8: {  	[timem:s3], [sflag:s2] =	dma.local @!p0 [hbm:s0], s1  }
0x1a9: {  	s0 =	simm.s32 @!p0 $0xA  }
0x1aa: {  	_ =	swait.ge @!p0 [sflag:s0], s1  }
0x1ab: {  	s1 =	ssub.s32 @!p0 $0x0, s1;
	[sflag:s0] =	ssyncset.done @!p0 $0x0  }
0x1ac: {  	[sflag:s0] =	ssyncadd.s32 @!p0 s1  }
0x1ad: {  	[bflag:$0x3] =	sbarrier.arrive $0xFFFF  }
0x1ae: {  	_ =	shalt  }

</sc_bundles>
